<compile_context>
chip_gen: v7x
topology: tpu7x:2x2x1
jax: 0.10.2.dev20260603
libtpu: 0.0.44.dev20260713+nightly
codegen_flags: <defaults>
</compile_context>

<pallas_src>
import jax
import jax.numpy as jnp
from jax import lax
from jax.experimental import pallas as pl
from jax.experimental.pallas import tpu as pltpu
from jax.experimental.pallas import tpu_sc as plsc

N, E, DIN, H, L, BGRAPH, M, DEDGE = 10000, 160000, 128, 16, 4, 64, 3, 4

NW = 32
CHUNK = 128
NCH = 40
EPW = CHUNK * NCH
NG = 4
GE = EPW // NG
EPAD = NW * EPW
NPAD = 10016
RPW = NPAD // 16
EB = 4096
TS = 32
TD = 16


def _h0_body(x_ref, w_ref, b_ref, p_ref, ts_ref, td_ref):
    h = x_ref[...] @ w_ref[...] + b_ref[...]
    p4 = p_ref[...]
    z12 = jnp.zeros((N, 12), jnp.float32)
    ts_ref[...] = jnp.concatenate([h, p4, z12], axis=1)
    td_ref[...] = jnp.concatenate([p4, z12], axis=1)


def _h0(x, W1, b1, pos4):
    return pl.pallas_call(
        _h0_body,
        out_shape=[
            jax.ShapeDtypeStruct((N, TS), jnp.float32),
            jax.ShapeDtypeStruct((N, TD), jnp.float32),
        ],
    )(x, W1, b1[None, :], pos4)


def _gather_body(ts_hbm, td_hbm, srcI, dstI, hp_out, pd_out,
                 idx_s, idx_d, srows0, drows0, sem0, sem1):
    c = lax.axis_index("c")
    s = lax.axis_index("s")
    wid = s * 2 + c
    pltpu.sync_copy(srcI.at[wid], idx_s)
    pltpu.sync_copy(dstI.at[wid], idx_d)

    def issue(g, sbuf, dbuf, sem):
        pltpu.async_copy(ts_hbm.at[idx_s.at[g]], sbuf, sem)
        pltpu.async_copy(td_hbm.at[idx_d.at[g]], dbuf, sem)

    def drain_write(g, sbuf, dbuf, sem):
        base = wid * EPW + g * GE
        pltpu.make_async_copy(ts_hbm.at[idx_s.at[g]], sbuf, sem).wait()
        pltpu.make_async_copy(td_hbm.at[idx_d.at[g]], dbuf, sem).wait()
        pltpu.sync_copy(sbuf, hp_out.at[pl.ds(base, GE)])
        pltpu.sync_copy(dbuf, pd_out.at[pl.ds(base, GE)])

    def body(g, _):
        issue(g, srows0, drows0, sem0)
        drain_write(g, srows0, drows0, sem0)
        return 0

    lax.fori_loop(0, NG, body, 0)


def _gather(tableS, tableD, srcI, dstI):
    mesh = plsc.VectorSubcoreMesh(core_axis_name="c", subcore_axis_name="s")
    f = pl.kernel(
        _gather_body,
        mesh=mesh,
        compiler_params=pltpu.CompilerParams(use_tc_tiling_on_sc=False),
        out_type=[
            jax.ShapeDtypeStruct((EPAD, TS), jnp.float32),
            jax.ShapeDtypeStruct((EPAD, TD), jnp.float32),
        ],
        scratch_types=[
            pltpu.VMEM((NG, GE), jnp.int32),
            pltpu.VMEM((NG, GE), jnp.int32),
            pltpu.VMEM((GE, TS), jnp.float32),
            pltpu.VMEM((GE, TD), jnp.float32),
            pltpu.SemaphoreType.DMA,
            pltpu.SemaphoreType.DMA,
        ],
    )
    return f(tableS, tableD, srcI, dstI)


def _scatter_body(scat_hbm, dstI, z32, agg_out, acc, idx_d, sbuf0, sem0):
    c = lax.axis_index("c")
    s = lax.axis_index("s")
    wid = s * 2 + c
    pltpu.sync_copy(z32.at[pl.ds(s * RPW, RPW)], acc.at[pl.ds(s * RPW, RPW)])
    pltpu.sync_copy(dstI.at[wid], idx_d)
    plsc.subcore_barrier()

    def issue(g, buf, sem):
        base = wid * EPW + g * GE
        pltpu.async_copy(scat_hbm.at[pl.ds(base, GE)], buf, sem)

    def drain_add(g, buf, sem):
        base = wid * EPW + g * GE
        pltpu.make_async_copy(scat_hbm.at[pl.ds(base, GE)], buf, sem).wait()
        pltpu.sync_copy(buf, acc.at[idx_d.at[g]], add=True)

    def body(g, _):
        issue(g, sbuf0, sem0)
        drain_add(g, sbuf0, sem0)
        return 0

    lax.fori_loop(0, NG, body, 0)
    plsc.subcore_barrier()
    pltpu.sync_copy(acc.at[pl.ds(s * RPW, RPW)],
                    agg_out.at[c, pl.ds(s * RPW, RPW)])


def _scatter(scat, dstI, z32):
    mesh = plsc.VectorSubcoreMesh(core_axis_name="c", subcore_axis_name="s")
    f = pl.kernel(
        _scatter_body,
        mesh=mesh,
        compiler_params=pltpu.CompilerParams(use_tc_tiling_on_sc=False),
        out_type=[
            jax.ShapeDtypeStruct((2, NPAD, TS), jnp.float32),
        ],
        scratch_types=[
            pltpu.VMEM_SHARED((NPAD, TS), jnp.float32),
            pltpu.VMEM((NG, GE), jnp.int32),
            pltpu.VMEM((GE, TS), jnp.float32),
            pltpu.SemaphoreType.DMA,
        ],
    )
    return f(scat, dstI, z32)[0]


def _edge_body(ea_ref, hp_ref, pd_ref, nw1_ref, nb1_ref, bmat_ref,
               rmat_ref, nb2t_ref, wc_ref, scat_ref):
    gid = pl.program_id(0)
    eidx = gid * EB + lax.broadcasted_iota(jnp.int32, (EB, 1), 0)
    valid = (eidx < E).astype(jnp.float32)

    hp = hp_ref[...]
    hs = hp[:, 0:16]
    rel = hp[:, 16:20] - pd_ref[:, 0:4]
    dist = jnp.sqrt(jnp.sum(rel * rel, axis=1, keepdims=True) + 1e-12)
    pre = ea_ref[...] @ nw1_ref[0:4, :] + dist * nw1_ref[4:5, :] + nb1_ref[...]
    t = pre * (1.0 / (1.0 + jnp.exp(-pre)))
    me = (t @ rmat_ref[...]) * (hs @ bmat_ref[...])
    m = me[:, :256] + me[:, 256:]
    m = m[:, :128] + m[:, 128:]
    m = m[:, :64] + m[:, 64:]
    m = m[:, :32] + m[:, 32:]
    m = m[:, :16] + m[:, 16:]
    msg = (m + hs @ nb2t_ref[...]) * valid
    cw = jnp.sum(msg * wc_ref[...], axis=1, keepdims=True)
    col = lax.broadcasted_iota(jnp.int32, (1, 4), 1)
    rc = rel * cw + jnp.where(col == 3, 1.0, 0.0) * valid
    z12 = jnp.zeros((EB, 12), jnp.float32)
    scat_ref[...] = jnp.concatenate([msg, rc, z12], axis=1)


def _edge_net(ea, hp_src, p_dst, nW1, nb1, Bmat, Rmat, nb2T, wc):
    grid = EPAD // EB
    return pl.pallas_call(
        _edge_body,
        grid=(grid,),
        in_specs=[
            pl.BlockSpec((EB, 4), lambda i: (i, 0)),
            pl.BlockSpec((EB, TS), lambda i: (i, 0)),
            pl.BlockSpec((EB, TD), lambda i: (i, 0)),
            pl.BlockSpec((5, 32), lambda i: (0, 0)),
            pl.BlockSpec((1, 32), lambda i: (0, 0)),
            pl.BlockSpec((H, 512), lambda i: (0, 0)),
            pl.BlockSpec((32, 512), lambda i: (0, 0)),
            pl.BlockSpec((H, H), lambda i: (0, 0)),
            pl.BlockSpec((1, H), lambda i: (0, 0)),
        ],
        out_specs=[
            pl.BlockSpec((EB, TS), lambda i: (i, 0)),
        ],
        out_shape=[
            jax.ShapeDtypeStruct((EPAD, TS), jnp.float32),
        ],
    )(ea, hp_src, p_dst, nW1, nb1, Bmat, Rmat, nb2T, wc)[0]


def _update_body(ts_ref, agg_ref, wr_ref, br_ref, tso_ref, tdo_ref):
    acc = agg_ref[0, :N, :] + agg_ref[1, :N, :]
    agg = acc[:, 0:16]
    ps = acc[:, 16:20]
    deg = jnp.maximum(ps[:, 3:4], 1.0)
    h = ts_ref[:, 0:16]
    pos4 = ts_ref[:, 16:20]
    h_new = h + h @ wr_ref[...] + agg / deg + br_ref[...]
    col = lax.broadcasted_iota(jnp.int32, (1, 4), 1)
    mask = jnp.where(col < 3, 1.0, 0.0)
    p_new = pos4 + (ps * mask) / deg
    z12 = jnp.zeros((N, 12), jnp.float32)
    tso_ref[...] = jnp.concatenate([h_new, p_new, z12], axis=1)
    tdo_ref[...] = jnp.concatenate([p_new, z12], axis=1)


def _update(tableS, agg2, Wr_l, br_l):
    return pl.pallas_call(
        _update_body,
        out_shape=[
            jax.ShapeDtypeStruct((N, TS), jnp.float32),
            jax.ShapeDtypeStruct((N, TD), jnp.float32),
        ],
    )(tableS, agg2, Wr_l, br_l[None, :])


def _s2s_body(ts_ref, b_ref, wih_ref, whh_ref, bl_ref, wo1_ref, bo1_ref,
              wo2_ref, bo2_ref, out_ref):
    h = ts_ref[:, 0:16]
    bidx = b_ref[...]
    gcol = lax.broadcasted_iota(jnp.int32, (N, BGRAPH), 1)
    onehot = (bidx == gcol).astype(jnp.float32)

    def sig(v):
        return 1.0 / (1.0 + jnp.exp(-v))

    q_star = jnp.zeros((BGRAPH, 2 * H), jnp.float32)
    hs = jnp.zeros((BGRAPH, H), jnp.float32)
    cs = jnp.zeros((BGRAPH, H), jnp.float32)
    dn0 = (((0,), (0,)), ((), ()))
    for _ in range(M):
        gates = q_star @ wih_ref[...] + hs @ whh_ref[...] + bl_ref[...]
        i = gates[:, 0 * H:1 * H]
        f = gates[:, 1 * H:2 * H]
        g = gates[:, 2 * H:3 * H]
        o = gates[:, 3 * H:4 * H]
        cs = sig(f) * cs + sig(i) * jnp.tanh(g)
        hs = sig(o) * jnp.tanh(cs)
        qb = onehot @ hs
        escore = jnp.sum(h * qb, axis=1, keepdims=True)
        masked = jnp.where(onehot > 0.0, escore, -3.4e38)
        emax = jnp.max(masked, axis=0, keepdims=True)
        emax = jnp.where(emax < -1e37, 0.0, emax)
        a = jnp.exp(escore - onehot @ emax.T)
        asum = lax.dot_general(onehot, a, dn0)
        asum = jnp.where(asum > 0.0, asum, 1.0)
        anorm = a / (onehot @ asum)
        r = lax.dot_general(onehot, anorm * h, dn0)
        q_star = jnp.concatenate([hs, r], axis=1)
    u = q_star @ wo1_ref[...] + bo1_ref[...]
    u = u * sig(u)
    out_ref[...] = u @ wo2_ref[...] + bo2_ref[...]


def _set2set(tableS, batch, W_ih, W_hh, b_lstm, Wo1, bo1, Wo2, bo2):
    return pl.pallas_call(
        _s2s_body,
        out_shape=jax.ShapeDtypeStruct((BGRAPH, 1), jnp.float32),
    )(tableS, batch[:, None], W_ih, W_hh, b_lstm[None, :], Wo1, bo1[None, :],
      Wo2, bo2[None, :])


def kernel(x, edge_index, edge_attr, pos, batch, W1, b1, nW1, nb1, nW2, nb2,
           Wr, br, Wc, W_ih, W_hh, b_lstm, Wo1, bo1, Wo2, bo2):
    src = edge_index[0].astype(jnp.int32)
    dst = edge_index[1].astype(jnp.int32)
    srcI = jnp.pad(src, (0, EPAD - E)).reshape(NW, NG, GE)
    dstI = jnp.pad(dst, (0, EPAD - E)).reshape(NW, NG, GE)
    ea = jnp.pad(edge_attr, ((0, EPAD - E), (0, 0)))
    pos4 = jnp.pad(pos, ((0, 0), (0, 1)))
    z32 = jnp.zeros((NPAD, TS), jnp.float32)
    Bmat = jnp.transpose(nW2.reshape(32, H, H), (2, 0, 1)).reshape(H, 32 * H)
    Rmat = jnp.repeat(jnp.eye(32, dtype=jnp.float32), H, axis=1)
    nb2T = nb2.reshape(H, H).T

    tableS, tableD = _h0(x, W1, b1, pos4)
    for l in range(L):
        hp_src, p_dst = _gather(tableS, tableD, srcI, dstI)
        scat = _edge_net(ea, hp_src, p_dst, nW1, nb1[None, :],
                         Bmat, Rmat, nb2T, Wc[l].reshape(1, H))
        agg2 = _scatter(scat, dstI, z32)
        tableS, tableD = _update(tableS, agg2, Wr[l], br[l])
    out = _set2set(tableS, batch.astype(jnp.int32), W_ih, W_hh, b_lstm,
                   Wo1, bo1, Wo2, bo2)
    return out.reshape(-1)

# --- scband reference (transcript-rebuilt; emitter-appended) ---
"""Pipeline reference for scband-spatial-gnn-9552007266806 (READ-ONLY COPY).

The authoritative reference and input builder live on the scoring server;
editing this copy changes nothing except your own understanding.
"""

import jax, jax.numpy as jnp
import numpy as np

N, E, DIN, H, L, BGRAPH, M, DEDGE = 10000, 160000, 128, 16, 4, 64, 3, 4

def silu(v):
    return v * jax.nn.sigmoid(v)

def setup_inputs(seed: int = 0):
    key = jax.random.key(seed)
    ks = jax.random.split(key, 24)
    s = 0.1
    x = jax.random.normal(ks[0], (N, DIN), dtype=jnp.float32)
    edge_index = jax.random.randint(ks[1], (2, E), 0, N)
    edge_attr = jax.random.uniform(ks[2], (E, DEDGE), dtype=jnp.float32)
    pos = jax.random.normal(ks[3], (N, 3), dtype=jnp.float32)
    batch = jnp.sort(jax.random.randint(ks[4], (N,), 0, BGRAPH))
    W1 = jax.random.normal(ks[5], (DIN, H), dtype=jnp.float32) * s
    b1 = jnp.zeros((H,), jnp.float32)
    nW1 = jax.random.normal(ks[6], (DEDGE + 1, H * 2), dtype=jnp.float32) * s
    nb1 = jnp.zeros((H * 2,), jnp.float32)
    nW2 = jax.random.normal(ks[7], (H * 2, H * H), dtype=jnp.float32) * s
    nb2 = jnp.zeros((H * H,), jnp.float32)
    Wr = jax.random.normal(ks[8], (L, H, H), dtype=jnp.float32) * s
    br = jnp.zeros((L, H), jnp.float32)
    Wc = jax.random.normal(ks[9], (L, H, 1), dtype=jnp.float32) * s
    W_ih = jax.random.normal(ks[10], (2 * H, 4 * H), dtype=jnp.float32) * s
    W_hh = jax.random.normal(ks[11], (H, 4 * H), dtype=jnp.float32) * s
    b_lstm = jnp.zeros((4 * H,), jnp.float32)
    Wo1 = jax.random.normal(ks[12], (2 * H, H), dtype=jnp.float32) * s
    bo1 = jnp.zeros((H,), jnp.float32)
    Wo2 = jax.random.normal(ks[13], (H, 1), dtype=jnp.float32) * s
    bo2 = jnp.zeros((1,), jnp.float32)
    return {"x": x, "edge_index": edge_index, "edge_attr": edge_attr, "pos": pos, "batch": batch,
            "W1": W1, "b1": b1, "nW1": nW1, "nb1": nb1, "nW2": nW2, "nb2": nb2,
            "Wr": Wr, "br": br, "Wc": Wc, "W_ih": W_ih, "W_hh": W_hh, "b_lstm": b_lstm,
            "Wo1": Wo1, "bo1": bo1, "Wo2": Wo2, "bo2": bo2}

def reference(x, edge_index, edge_attr, pos, batch, W1, b1, nW1, nb1, nW2, nb2,
              Wr, br, Wc, W_ih, W_hh, b_lstm, Wo1, bo1, Wo2, bo2):
    src, dst = edge_index[0], edge_index[1]
    h = x @ W1 + b1
    deg = jax.ops.segment_sum(jnp.ones((E,), jnp.float32), dst, num_segments=N)
    deg = jnp.clip(deg, 1.0, None)[:, None]
    for l in range(L):
        rel = pos[src] - pos[dst]
        dist = jnp.sqrt(jnp.sum(rel * rel, axis=-1, keepdims=True) + 1e-12)
        e = jnp.concatenate([edge_attr, dist], axis=-1)
        We = (silu(e @ nW1 + nb1) @ nW2 + nb2).reshape(E, H, H)
        msg = jnp.einsum('eij,ej->ei', We, h[src])
        agg = jax.ops.segment_sum(msg, dst, num_segments=N) / deg
        h_update = h @ Wr[l] + agg + br[l]
        cw = msg @ Wc[l]
        pos_agg = jax.ops.segment_sum(rel * cw, dst, num_segments=N) / deg
        h = h + h_update
        pos = pos + pos_agg
    q_star = jnp.zeros((BGRAPH, 2 * H), jnp.float32)
    hs = jnp.zeros((BGRAPH, H), jnp.float32)
    cs = jnp.zeros((BGRAPH, H), jnp.float32)
    for _ in range(M):
        gates = q_star @ W_ih + hs @ W_hh + b_lstm
        i, f, g, o = jnp.split(gates, 4, axis=-1)
        cs = jax.nn.sigmoid(f) * cs + jax.nn.sigmoid(i) * jnp.tanh(g)
        hs = jax.nn.sigmoid(o) * jnp.tanh(cs)
        q = hs
        escore = jnp.sum(h * q[batch], axis=-1)
        emax = jax.ops.segment_max(escore, batch, num_segments=BGRAPH)
        emax = jnp.where(jnp.isfinite(emax), emax, 0.0)
        a = jnp.exp(escore - emax[batch])
        asum = jax.ops.segment_sum(a, batch, num_segments=BGRAPH)
        asum = jnp.where(asum > 0, asum, 1.0)
        a = a / asum[batch]
        r = jax.ops.segment_sum(a[:, None] * h, batch, num_segments=BGRAPH)
        q_star = jnp.concatenate([q, r], axis=-1)
    out = silu(q_star @ Wo1 + bo1) @ Wo2 + bo2
    return out.reshape(-1)

if __name__ == "__main__":
    import jax
    _d = setup_inputs()
    print(jax.jit(kernel)(*tuple(_d.values())))

</pallas_src>

<mosaic_0001>
#map = affine_map<(d0, d1) -> (0, 0)>
#map1 = affine_map<(d0, d1) -> (0, 0, 0)>
module attributes {stable_mosaic.version = 14 : i64} {
  func.func @_scatter_body(%arg0: i32, %arg1: i32, %arg2: memref<163840x32xf32, #tpu.memory_space<hbm>>, %arg3: memref<32x4x1280xi32, #tpu.memory_space<hbm>>, %arg4: memref<10016x32xf32, #tpu.memory_space<hbm>>, %arg5: memref<2x10016x32xf32, #tpu.memory_space<hbm>>, %arg6: memref<10016x32xf32, #tpu.memory_space<vmem_shared>>, %arg7: memref<4x1280xi32, #tpu.memory_space<vmem>>, %arg8: memref<1280x32xf32, #tpu.memory_space<vmem>>, %arg9: memref<!tpu.dma_semaphore, #tpu.memory_space<semaphore_mem>>) attributes {dimension_semantics = [#tpu.dimension_semantics<core_parallel>, #tpu.dimension_semantics<subcore_parallel>], iteration_bounds = array<i64: 2, 16>, scalar_prefetch = 0 : i64, scratch_operands = 4 : i64, tpu.core_type = #tpu.core_type<sc_vector_subcore>, window_params = [{transform_indices = #map}, {transform_indices = #map1}, {transform_indices = #map}, {transform_indices = #map1}]} {
    %mul3A = arith.constant 2 : i32
    %mul3A_0 = arith.muli %arg1, %mul3A : i32
    %add3A = arith.addi %mul3A_0, %arg0 : i32
    %mul3A_1 = arith.constant 626 : i32
    %mul3A_2 = arith.muli %arg1, %mul3A_1 : i32
    %mul3A_3 = arith.constant 626 : i32
    %mul3A_4 = arith.muli %arg1, %mul3A_3 : i32
    "tpu.region"() ({
      %run_scoped3A = tpu.sem_alloc : memref<!tpu.dma_semaphore, #tpu.memory_space<semaphore_mem>>
      %dma_start3A = arith.constant 0 : i32
      %dma_start3A_16 = tpu.memref_slice %arg6[%mul3A_4, %dma_start3A] : memref<10016x32xf32, #tpu.memory_space<vmem_shared>> -> memref<626x32xf32, #tpu.memory_space<vmem_shared>>
      %dma_start3A_17 = arith.constant 0 : i32
      %dma_start3A_18 = tpu.memref_slice %arg4[%mul3A_2, %dma_start3A_17] : memref<10016x32xf32, #tpu.memory_space<hbm>> -> memref<626x32xf32, #tpu.memory_space<hbm>>
      tpu.enqueue_dma source(%dma_start3A_18 : memref<626x32xf32, #tpu.memory_space<hbm>>) target(%dma_start3A_16 : memref<626x32xf32, #tpu.memory_space<vmem_shared>>) target_semaphore(%run_scoped3A : memref<!tpu.dma_semaphore, #tpu.memory_space<semaphore_mem>>)
      %dma_wait3A = arith.constant 0 : i32
      %dma_wait3A_19 = tpu.memref_slice %arg6[%mul3A_4, %dma_wait3A] : memref<10016x32xf32, #tpu.memory_space<vmem_shared>> -> memref<626x32xf32, #tpu.memory_space<vmem_shared>>
      %dma_wait3A_20 = arith.constant 0 : i32
      %dma_wait3A_21 = tpu.memref_slice %arg4[%mul3A_2, %dma_wait3A_20] : memref<10016x32xf32, #tpu.memory_space<hbm>> -> memref<626x32xf32, #tpu.memory_space<hbm>>
      tpu.wait_dma2 semaphore(%run_scoped3A : memref<!tpu.dma_semaphore, #tpu.memory_space<semaphore_mem>>) src(%dma_wait3A_21 : memref<626x32xf32, #tpu.memory_space<hbm>>) dst(%dma_wait3A_19 : memref<626x32xf32, #tpu.memory_space<vmem_shared>>)
      tpu.yield
    }) : () -> ()
    "tpu.region"() ({
      %run_scoped3A = tpu.sem_alloc : memref<!tpu.dma_semaphore, #tpu.memory_space<semaphore_mem>>
      %dma_start3A = arith.constant 0 : i32
      %dma_start3A_16 = arith.constant 0 : i32
      %dma_start3A_17 = tpu.memref_slice %arg3[%add3A, %dma_start3A, %dma_start3A_16] : memref<32x4x1280xi32, #tpu.memory_space<hbm>> -> memref<1x4x1280xi32, #tpu.memory_space<hbm>>
      %dma_start3A_18 = tpu.memref_squeeze %dma_start3A_17 : memref<1x4x1280xi32, #tpu.memory_space<hbm>> -> memref<4x1280xi32, #tpu.memory_space<hbm>>
      %dma_start3A_19 = arith.constant 0 : i32
      %dma_start3A_20 = arith.constant 0 : i32
      %dma_start3A_21 = tpu.memref_slice %arg3[%add3A, %dma_start3A_19, %dma_start3A_20] : memref<32x4x1280xi32, #tpu.memory_space<hbm>> -> memref<1x4x1280xi32, #tpu.memory_space<hbm>>
      %dma_start3A_22 = tpu.memref_squeeze %dma_start3A_21 : memref<1x4x1280xi32, #tpu.memory_space<hbm>> -> memref<4x1280xi32, #tpu.memory_space<hbm>>
      tpu.enqueue_dma source(%dma_start3A_22 : memref<4x1280xi32, #tpu.memory_space<hbm>>) target(%arg7 : memref<4x1280xi32, #tpu.memory_space<vmem>>) target_semaphore(%run_scoped3A : memref<!tpu.dma_semaphore, #tpu.memory_space<semaphore_mem>>)
      %dma_wait3A = arith.constant 0 : i32
      %dma_wait3A_23 = arith.constant 0 : i32
      %dma_wait3A_24 = tpu.memref_slice %arg3[%add3A, %dma_wait3A, %dma_wait3A_23] : memref<32x4x1280xi32, #tpu.memory_space<hbm>> -> memref<1x4x1280xi32, #tpu.memory_space<hbm>>
      %dma_wait3A_25 = tpu.memref_squeeze %dma_wait3A_24 : memref<1x4x1280xi32, #tpu.memory_space<hbm>> -> memref<4x1280xi32, #tpu.memory_space<hbm>>
      %dma_wait3A_26 = arith.constant 0 : i32
      %dma_wait3A_27 = arith.constant 0 : i32
      %dma_wait3A_28 = tpu.memref_slice %arg3[%add3A, %dma_wait3A_26, %dma_wait3A_27] : memref<32x4x1280xi32, #tpu.memory_space<hbm>> -> memref<1x4x1280xi32, #tpu.memory_space<hbm>>
      %dma_wait3A_29 = tpu.memref_squeeze %dma_wait3A_28 : memref<1x4x1280xi32, #tpu.memory_space<hbm>> -> memref<4x1280xi32, #tpu.memory_space<hbm>>
      tpu.wait_dma2 semaphore(%run_scoped3A : memref<!tpu.dma_semaphore, #tpu.memory_space<semaphore_mem>>) src(%dma_wait3A_29 : memref<4x1280xi32, #tpu.memory_space<hbm>>) dst(%arg7 : memref<4x1280xi32, #tpu.memory_space<vmem>>)
      tpu.yield
    }) : () -> ()
    %barrier3A = arith.constant 0 : index
    tpu.barrier barrier_id(%barrier3A)
    %scan3A = arith.constant 0 : i32
    %scan3A_5 = arith.constant 0 : i32
    %scan3A_6 = arith.constant 4 : i32
    %scan3A_7 = arith.addi %scan3A_5, %scan3A_6 : i32
    %scan3A_8 = arith.constant 1 : i32
    %scan3A_9 = scf.for %scan3A_16 = %scan3A_5 to %scan3A_7 step %scan3A_8 iter_args(%scan3A_17 = %scan3A) -> (i32)  : i32 {
      %mul3A_18 = arith.constant 5120 : i32
      %mul3A_19 = arith.muli %add3A, %mul3A_18 : i32
      %mul3A_20 = arith.constant 1280 : i32
      %mul3A_21 = arith.muli %scan3A_16, %mul3A_20 : i32
      %add3A_22 = arith.addi %mul3A_19, %mul3A_21 : i32
      %dma_start3A = arith.constant 0 : i32
      %dma_start3A_23 = tpu.memref_slice %arg2[%add3A_22, %dma_start3A] : memref<163840x32xf32, #tpu.memory_space<hbm>> -> memref<1280x32xf32, #tpu.memory_space<hbm>>
      %dma_start3A_24 = arith.constant 0 : i32
      %dma_start3A_25 = tpu.memref_slice %arg2[%add3A_22, %dma_start3A_24] : memref<163840x32xf32, #tpu.memory_space<hbm>> -> memref<1280x32xf32, #tpu.memory_space<hbm>>
      tpu.enqueue_dma source(%dma_start3A_25 : memref<1280x32xf32, #tpu.memory_space<hbm>>) target(%arg8 : memref<1280x32xf32, #tpu.memory_space<vmem>>) target_semaphore(%arg9 : memref<!tpu.dma_semaphore, #tpu.memory_space<semaphore_mem>>)
      %mul3A_26 = arith.constant 5120 : i32
      %mul3A_27 = arith.muli %add3A, %mul3A_26 : i32
      %mul3A_28 = arith.constant 1280 : i32
      %mul3A_29 = arith.muli %scan3A_16, %mul3A_28 : i32
      %add3A_30 = arith.addi %mul3A_27, %mul3A_29 : i32
      %dma_wait3A = arith.constant 0 : i32
      %dma_wait3A_31 = tpu.memref_slice %arg2[%add3A_30, %dma_wait3A] : memref<163840x32xf32, #tpu.memory_space<hbm>> -> memref<1280x32xf32, #tpu.memory_space<hbm>>
      %dma_wait3A_32 = arith.constant 0 : i32
      %dma_wait3A_33 = tpu.memref_slice %arg2[%add3A_30, %dma_wait3A_32] : memref<163840x32xf32, #tpu.memory_space<hbm>> -> memref<1280x32xf32, #tpu.memory_space<hbm>>
      tpu.wait_dma2 semaphore(%arg9 : memref<!tpu.dma_semaphore, #tpu.memory_space<semaphore_mem>>) src(%dma_wait3A_33 : memref<1280x32xf32, #tpu.memory_space<hbm>>) dst(%arg8 : memref<1280x32xf32, #tpu.memory_space<vmem>>)
      "tpu.region"() ({
        %run_scoped3A = tpu.sem_alloc : memref<!tpu.dma_semaphore, #tpu.memory_space<semaphore_mem>>
        %dma_start3A_35 = arith.constant 0 : i32
        %dma_start3A_36 = tpu.memref_slice %arg7[%scan3A_16, %dma_start3A_35] : memref<4x1280xi32, #tpu.memory_space<vmem>> -> memref<1x1280xi32, #tpu.memory_space<vmem>>
        %dma_start3A_37 = tpu.memref_squeeze %dma_start3A_36 : memref<1x1280xi32, #tpu.memory_space<vmem>> -> memref<1280xi32, #tpu.memory_space<vmem>>
        %dma_start3A_38 = arith.constant 0 : i32
        %dma_start3A_39 = arith.constant 0 : i32
        %dma_start3A_40 = tpu.memref_slice %arg6[%dma_start3A_38, %dma_start3A_39] : memref<10016x32xf32, #tpu.memory_space<vmem_shared>> -> memref<10016x32xf32, #tpu.memory_space<vmem_shared>>
        tpu.enqueue_indirect_dma source(%arg8 : memref<1280x32xf32, #tpu.memory_space<vmem>>) target(%dma_start3A_40 : memref<10016x32xf32, #tpu.memory_space<vmem_shared>>) offsets(%dma_start3A_37 : memref<1280xi32, #tpu.memory_space<vmem>>) semaphore(%run_scoped3A : memref<!tpu.dma_semaphore, #tpu.memory_space<semaphore_mem>>) {add = true}
        %dma_wait3A_41 = arith.constant 0 : i32
        %dma_wait3A_42 = tpu.memref_slice %arg7[%scan3A_16, %dma_wait3A_41] : memref<4x1280xi32, #tpu.memory_space<vmem>> -> memref<1x1280xi32, #tpu.memory_space<vmem>>
        %dma_wait3A_43 = tpu.memref_squeeze %dma_wait3A_42 : memref<1x1280xi32, #tpu.memory_space<vmem>> -> memref<1280xi32, #tpu.memory_space<vmem>>
        %dma_wait3A_44 = arith.constant 0 : i32
        %dma_wait3A_45 = arith.constant 0 : i32
        %dma_wait3A_46 = tpu.memref_slice %arg6[%dma_wait3A_44, %dma_wait3A_45] : memref<10016x32xf32, #tpu.memory_space<vmem_shared>> -> memref<10016x32xf32, #tpu.memory_space<vmem_shared>>
        tpu.wait_indirect_dma semaphore(%run_scoped3A : memref<!tpu.dma_semaphore, #tpu.memory_space<semaphore_mem>>) src(%arg8 : memref<1280x32xf32, #tpu.memory_space<vmem>>) dst(%dma_wait3A_46 : memref<10016x32xf32, #tpu.memory_space<vmem_shared>>)
        tpu.yield
      }) : () -> ()
      %scan3A_34 = arith.constant 0 : i32
      scf.yield %scan3A_34 : i32
    }
    %scan3A_10 = arith.constant 4 : i32
    %barrier3A_11 = arith.constant 0 : index
    tpu.barrier barrier_id(%barrier3A_11)
    %mul3A_12 = arith.constant 626 : i32
    %mul3A_13 = arith.muli %arg1, %mul3A_12 : i32
    %mul3A_14 = arith.constant 626 : i32
    %mul3A_15 = arith.muli %arg1, %mul3A_14 : i32
    "tpu.region"() ({
      %run_scoped3A = tpu.sem_alloc : memref<!tpu.dma_semaphore, #tpu.memory_space<semaphore_mem>>
      %dma_start3A = arith.constant 0 : i32
      %dma_start3A_16 = tpu.memref_slice %arg5[%arg0, %mul3A_15, %dma_start3A] : memref<2x10016x32xf32, #tpu.memory_space<hbm>> -> memref<1x626x32xf32, #tpu.memory_space<hbm>>
      %dma_start3A_17 = tpu.memref_squeeze %dma_start3A_16 : memref<1x626x32xf32, #tpu.memory_space<hbm>> -> memref<626x32xf32, #tpu.memory_space<hbm>>
      %dma_start3A_18 = arith.constant 0 : i32
      %dma_start3A_19 = tpu.memref_slice %arg6[%mul3A_13, %dma_start3A_18] : memref<10016x32xf32, #tpu.memory_space<vmem_shared>> -> memref<626x32xf32, #tpu.memory_space<vmem_shared>>
      tpu.enqueue_dma source(%dma_start3A_19 : memref<626x32xf32, #tpu.memory_space<vmem_shared>>) target(%dma_start3A_17 : memref<626x32xf32, #tpu.memory_space<hbm>>) target_semaphore(%run_scoped3A : memref<!tpu.dma_semaphore, #tpu.memory_space<semaphore_mem>>)
      %dma_wait3A = arith.constant 0 : i32
      %dma_wait3A_20 = tpu.memref_slice %arg5[%arg0, %mul3A_15, %dma_wait3A] : memref<2x10016x32xf32, #tpu.memory_space<hbm>> -> memref<1x626x32xf32, #tpu.memory_space<hbm>>
      %dma_wait3A_21 = tpu.memref_squeeze %dma_wait3A_20 : memref<1x626x32xf32, #tpu.memory_space<hbm>> -> memref<626x32xf32, #tpu.memory_space<hbm>>
      %dma_wait3A_22 = arith.constant 0 : i32
      %dma_wait3A_23 = tpu.memref_slice %arg6[%mul3A_13, %dma_wait3A_22] : memref<10016x32xf32, #tpu.memory_space<vmem_shared>> -> memref<626x32xf32, #tpu.memory_space<vmem_shared>>
      tpu.wait_dma2 semaphore(%run_scoped3A : memref<!tpu.dma_semaphore, #tpu.memory_space<semaphore_mem>>) src(%dma_wait3A_23 : memref<626x32xf32, #tpu.memory_space<vmem_shared>>) dst(%dma_wait3A_21 : memref<626x32xf32, #tpu.memory_space<hbm>>)
      tpu.yield
    }) : () -> ()
    return
  }
}

#map = affine_map<(d0, d1) -> (0, 0)>
#map1 = affine_map<(d0, d1) -> (0, 0, 0)>
module attributes {stable_mosaic.version = 14 : i64} {
  func.func @_gather_body(%arg0: i32, %arg1: i32, %arg2: memref<10000x32xf32, #tpu.memory_space<hbm>>, %arg3: memref<10000x16xf32, #tpu.memory_space<hbm>>, %arg4: memref<32x4x1280xi32, #tpu.memory_space<hbm>>, %arg5: memref<32x4x1280xi32, #tpu.memory_space<hbm>>, %arg6: memref<163840x32xf32, #tpu.memory_space<hbm>>, %arg7: memref<163840x16xf32, #tpu.memory_space<hbm>>, %arg8: memref<4x1280xi32, #tpu.memory_space<vmem>>, %arg9: memref<4x1280xi32, #tpu.memory_space<vmem>>, %arg10: memref<1280x32xf32, #tpu.memory_space<vmem>>, %arg11: memref<1280x16xf32, #tpu.memory_space<vmem>>, %arg12: memref<!tpu.dma_semaphore, #tpu.memory_space<semaphore_mem>>, %arg13: memref<!tpu.dma_semaphore, #tpu.memory_space<semaphore_mem>>) attributes {dimension_semantics = [#tpu.dimension_semantics<core_parallel>, #tpu.dimension_semantics<subcore_parallel>], iteration_bounds = array<i64: 2, 16>, scalar_prefetch = 0 : i64, scratch_operands = 6 : i64, tpu.core_type = #tpu.core_type<sc_vector_subcore>, window_params = [{transform_indices = #map}, {transform_indices = #map}, {transform_indices = #map1}, {transform_indices = #map1}, {transform_indices = #map}, {transform_indices = #map}]} {
    %mul3A = arith.constant 2 : i32
    %mul3A_0 = arith.muli %arg1, %mul3A : i32
    %add3A = arith.addi %mul3A_0, %arg0 : i32
    "tpu.region"() ({
      %run_scoped3A = tpu.sem_alloc : memref<!tpu.dma_semaphore, #tpu.memory_space<semaphore_mem>>
      %dma_start3A = arith.constant 0 : i32
      %dma_start3A_7 = arith.constant 0 : i32
      %dma_start3A_8 = tpu.memref_slice %arg4[%add3A, %dma_start3A, %dma_start3A_7] : memref<32x4x1280xi32, #tpu.memory_space<hbm>> -> memref<1x4x1280xi32, #tpu.memory_space<hbm>>
      %dma_start3A_9 = tpu.memref_squeeze %dma_start3A_8 : memref<1x4x1280xi32, #tpu.memory_space<hbm>> -> memref<4x1280xi32, #tpu.memory_space<hbm>>
      %dma_start3A_10 = arith.constant 0 : i32
      %dma_start3A_11 = arith.constant 0 : i32
      %dma_start3A_12 = tpu.memref_slice %arg4[%add3A, %dma_start3A_10, %dma_start3A_11] : memref<32x4x1280xi32, #tpu.memory_space<hbm>> -> memref<1x4x1280xi32, #tpu.memory_space<hbm>>
      %dma_start3A_13 = tpu.memref_squeeze %dma_start3A_12 : memref<1x4x1280xi32, #tpu.memory_space<hbm>> -> memref<4x1280xi32, #tpu.memory_space<hbm>>
      tpu.enqueue_dma source(%dma_start3A_13 : memref<4x1280xi32, #tpu.memory_space<hbm>>) target(%arg8 : memref<4x1280xi32, #tpu.memory_space<vmem>>) target_semaphore(%run_scoped3A : memref<!tpu.dma_semaphore, #tpu.memory_space<semaphore_mem>>)
      %dma_wait3A = arith.constant 0 : i32
      %dma_wait3A_14 = arith.constant 0 : i32
      %dma_wait3A_15 = tpu.memref_slice %arg4[%add3A, %dma_wait3A, %dma_wait3A_14] : memref<32x4x1280xi32, #tpu.memory_space<hbm>> -> memref<1x4x1280xi32, #tpu.memory_space<hbm>>
      %dma_wait3A_16 = tpu.memref_squeeze %dma_wait3A_15 : memref<1x4x1280xi32, #tpu.memory_space<hbm>> -> memref<4x1280xi32, #tpu.memory_space<hbm>>
      %dma_wait3A_17 = arith.constant 0 : i32
      %dma_wait3A_18 = arith.constant 0 : i32
      %dma_wait3A_19 = tpu.memref_slice %arg4[%add3A, %dma_wait3A_17, %dma_wait3A_18] : memref<32x4x1280xi32, #tpu.memory_space<hbm>> -> memref<1x4x1280xi32, #tpu.memory_space<hbm>>
      %dma_wait3A_20 = tpu.memref_squeeze %dma_wait3A_19 : memref<1x4x1280xi32, #tpu.memory_space<hbm>> -> memref<4x1280xi32, #tpu.memory_space<hbm>>
      tpu.wait_dma2 semaphore(%run_scoped3A : memref<!tpu.dma_semaphore, #tpu.memory_space<semaphore_mem>>) src(%dma_wait3A_20 : memref<4x1280xi32, #tpu.memory_space<hbm>>) dst(%arg8 : memref<4x1280xi32, #tpu.memory_space<vmem>>)
      tpu.yield
    }) : () -> ()
    "tpu.region"() ({
      %run_scoped3A = tpu.sem_alloc : memref<!tpu.dma_semaphore, #tpu.memory_space<semaphore_mem>>
      %dma_start3A = arith.constant 0 : i32
      %dma_start3A_7 = arith.constant 0 : i32
      %dma_start3A_8 = tpu.memref_slice %arg5[%add3A, %dma_start3A, %dma_start3A_7] : memref<32x4x1280xi32, #tpu.memory_space<hbm>> -> memref<1x4x1280xi32, #tpu.memory_space<hbm>>
      %dma_start3A_9 = tpu.memref_squeeze %dma_start3A_8 : memref<1x4x1280xi32, #tpu.memory_space<hbm>> -> memref<4x1280xi32, #tpu.memory_space<hbm>>
      %dma_start3A_10 = arith.constant 0 : i32
      %dma_start3A_11 = arith.constant 0 : i32
      %dma_start3A_12 = tpu.memref_slice %arg5[%add3A, %dma_start3A_10, %dma_start3A_11] : memref<32x4x1280xi32, #tpu.memory_space<hbm>> -> memref<1x4x1280xi32, #tpu.memory_space<hbm>>
      %dma_start3A_13 = tpu.memref_squeeze %dma_start3A_12 : memref<1x4x1280xi32, #tpu.memory_space<hbm>> -> memref<4x1280xi32, #tpu.memory_space<hbm>>
      tpu.enqueue_dma source(%dma_start3A_13 : memref<4x1280xi32, #tpu.memory_space<hbm>>) target(%arg9 : memref<4x1280xi32, #tpu.memory_space<vmem>>) target_semaphore(%run_scoped3A : memref<!tpu.dma_semaphore, #tpu.memory_space<semaphore_mem>>)
      %dma_wait3A = arith.constant 0 : i32
      %dma_wait3A_14 = arith.constant 0 : i32
      %dma_wait3A_15 = tpu.memref_slice %arg5[%add3A, %dma_wait3A, %dma_wait3A_14] : memref<32x4x1280xi32, #tpu.memory_space<hbm>> -> memref<1x4x1280xi32, #tpu.memory_space<hbm>>
      %dma_wait3A_16 = tpu.memref_squeeze %dma_wait3A_15 : memref<1x4x1280xi32, #tpu.memory_space<hbm>> -> memref<4x1280xi32, #tpu.memory_space<hbm>>
      %dma_wait3A_17 = arith.constant 0 : i32
      %dma_wait3A_18 = arith.constant 0 : i32
      %dma_wait3A_19 = tpu.memref_slice %arg5[%add3A, %dma_wait3A_17, %dma_wait3A_18] : memref<32x4x1280xi32, #tpu.memory_space<hbm>> -> memref<1x4x1280xi32, #tpu.memory_space<hbm>>
      %dma_wait3A_20 = tpu.memref_squeeze %dma_wait3A_19 : memref<1x4x1280xi32, #tpu.memory_space<hbm>> -> memref<4x1280xi32, #tpu.memory_space<hbm>>
      tpu.wait_dma2 semaphore(%run_scoped3A : memref<!tpu.dma_semaphore, #tpu.memory_space<semaphore_mem>>) src(%dma_wait3A_20 : memref<4x1280xi32, #tpu.memory_space<hbm>>) dst(%arg9 : memref<4x1280xi32, #tpu.memory_space<vmem>>)
      tpu.yield
    }) : () -> ()
    %scan3A = arith.constant 0 : i32
    %scan3A_1 = arith.constant 0 : i32
    %scan3A_2 = arith.constant 4 : i32
    %scan3A_3 = arith.addi %scan3A_1, %scan3A_2 : i32
    %scan3A_4 = arith.constant 1 : i32
    %scan3A_5 = scf.for %scan3A_7 = %scan3A_1 to %scan3A_3 step %scan3A_4 iter_args(%scan3A_8 = %scan3A) -> (i32)  : i32 {
      %dma_start3A = arith.constant 0 : i32
      %dma_start3A_9 = tpu.memref_slice %arg8[%scan3A_7, %dma_start3A] : memref<4x1280xi32, #tpu.memory_space<vmem>> -> memref<1x1280xi32, #tpu.memory_space<vmem>>
      %dma_start3A_10 = tpu.memref_squeeze %dma_start3A_9 : memref<1x1280xi32, #tpu.memory_space<vmem>> -> memref<1280xi32, #tpu.memory_space<vmem>>
      %dma_start3A_11 = arith.constant 0 : i32
      %dma_start3A_12 = arith.constant 0 : i32
      %dma_start3A_13 = tpu.memref_slice %arg2[%dma_start3A_11, %dma_start3A_12] : memref<10000x32xf32, #tpu.memory_space<hbm>> -> memref<10000x32xf32, #tpu.memory_space<hbm>>
      tpu.enqueue_indirect_dma source(%dma_start3A_13 : memref<10000x32xf32, #tpu.memory_space<hbm>>) target(%arg10 : memref<1280x32xf32, #tpu.memory_space<vmem>>) offsets(%dma_start3A_10 : memref<1280xi32, #tpu.memory_space<vmem>>) semaphore(%arg12 : memref<!tpu.dma_semaphore, #tpu.memory_space<semaphore_mem>>)
      %dma_start3A_14 = arith.constant 0 : i32
      %dma_start3A_15 = tpu.memref_slice %arg9[%scan3A_7, %dma_start3A_14] : memref<4x1280xi32, #tpu.memory_space<vmem>> -> memref<1x1280xi32, #tpu.memory_space<vmem>>
      %dma_start3A_16 = tpu.memref_squeeze %dma_start3A_15 : memref<1x1280xi32, #tpu.memory_space<vmem>> -> memref<1280xi32, #tpu.memory_space<vmem>>
      %dma_start3A_17 = arith.constant 0 : i32
      %dma_start3A_18 = arith.constant 0 : i32
      %dma_start3A_19 = tpu.memref_slice %arg3[%dma_start3A_17, %dma_start3A_18] : memref<10000x16xf32, #tpu.memory_space<hbm>> -> memref<10000x16xf32, #tpu.memory_space<hbm>>
      tpu.enqueue_indirect_dma source(%dma_start3A_19 : memref<10000x16xf32, #tpu.memory_space<hbm>>) target(%arg11 : memref<1280x16xf32, #tpu.memory_space<vmem>>) offsets(%dma_start3A_16 : memref<1280xi32, #tpu.memory_space<vmem>>) semaphore(%arg12 : memref<!tpu.dma_semaphore, #tpu.memory_space<semaphore_mem>>)
      %mul3A_20 = arith.constant 5120 : i32
      %mul3A_21 = arith.muli %add3A, %mul3A_20 : i32
      %mul3A_22 = arith.constant 1280 : i32
      %mul3A_23 = arith.muli %scan3A_7, %mul3A_22 : i32
      %add3A_24 = arith.addi %mul3A_21, %mul3A_23 : i32
      %dma_wait3A = arith.constant 0 : i32
      %dma_wait3A_25 = tpu.memref_slice %arg8[%scan3A_7, %dma_wait3A] : memref<4x1280xi32, #tpu.memory_space<vmem>> -> memref<1x1280xi32, #tpu.memory_space<vmem>>
      %dma_wait3A_26 = tpu.memref_squeeze %dma_wait3A_25 : memref<1x1280xi32, #tpu.memory_space<vmem>> -> memref<1280xi32, #tpu.memory_space<vmem>>
      %dma_wait3A_27 = arith.constant 0 : i32
      %dma_wait3A_28 = arith.constant 0 : i32
      %dma_wait3A_29 = tpu.memref_slice %arg2[%dma_wait3A_27, %dma_wait3A_28] : memref<10000x32xf32, #tpu.memory_space<hbm>> -> memref<10000x32xf32, #tpu.memory_space<hbm>>
      tpu.wait_indirect_dma semaphore(%arg12 : memref<!tpu.dma_semaphore, #tpu.memory_space<semaphore_mem>>) src(%dma_wait3A_29 : memref<10000x32xf32, #tpu.memory_space<hbm>>) dst(%arg10 : memref<1280x32xf32, #tpu.memory_space<vmem>>)
      %dma_wait3A_30 = arith.constant 0 : i32
      %dma_wait3A_31 = tpu.memref_slice %arg9[%scan3A_7, %dma_wait3A_30] : memref<4x1280xi32, #tpu.memory_space<vmem>> -> memref<1x1280xi32, #tpu.memory_space<vmem>>
      %dma_wait3A_32 = tpu.memref_squeeze %dma_wait3A_31 : memref<1x1280xi32, #tpu.memory_space<vmem>> -> memref<1280xi32, #tpu.memory_space<vmem>>
      %dma_wait3A_33 = arith.constant 0 : i32
      %dma_wait3A_34 = arith.constant 0 : i32
      %dma_wait3A_35 = tpu.memref_slice %arg3[%dma_wait3A_33, %dma_wait3A_34] : memref<10000x16xf32, #tpu.memory_space<hbm>> -> memref<10000x16xf32, #tpu.memory_space<hbm>>
      tpu.wait_indirect_dma semaphore(%arg12 : memref<!tpu.dma_semaphore, #tpu.memory_space<semaphore_mem>>) src(%dma_wait3A_35 : memref<10000x16xf32, #tpu.memory_space<hbm>>) dst(%arg11 : memref<1280x16xf32, #tpu.memory_space<vmem>>)
      "tpu.region"() ({
        %run_scoped3A = tpu.sem_alloc : memref<!tpu.dma_semaphore, #tpu.memory_space<semaphore_mem>>
        %dma_start3A_37 = arith.constant 0 : i32
        %dma_start3A_38 = tpu.memref_slice %arg6[%add3A_24, %dma_start3A_37] : memref<163840x32xf32, #tpu.memory_space<hbm>> -> memref<1280x32xf32, #tpu.memory_space<hbm>>
        %dma_start3A_39 = arith.constant 0 : i32
        %dma_start3A_40 = tpu.memref_slice %arg6[%add3A_24, %dma_start3A_39] : memref<163840x32xf32, #tpu.memory_space<hbm>> -> memref<1280x32xf32, #tpu.memory_space<hbm>>
        tpu.enqueue_dma source(%arg10 : memref<1280x32xf32, #tpu.memory_space<vmem>>) target(%dma_start3A_40 : memref<1280x32xf32, #tpu.memory_space<hbm>>) target_semaphore(%run_scoped3A : memref<!tpu.dma_semaphore, #tpu.memory_space<semaphore_mem>>)
        %dma_wait3A_41 = arith.constant 0 : i32
        %dma_wait3A_42 = tpu.memref_slice %arg6[%add3A_24, %dma_wait3A_41] : memref<163840x32xf32, #tpu.memory_space<hbm>> -> memref<1280x32xf32, #tpu.memory_space<hbm>>
        %dma_wait3A_43 = arith.constant 0 : i32
        %dma_wait3A_44 = tpu.memref_slice %arg6[%add3A_24, %dma_wait3A_43] : memref<163840x32xf32, #tpu.memory_space<hbm>> -> memref<1280x32xf32, #tpu.memory_space<hbm>>
        tpu.wait_dma2 semaphore(%run_scoped3A : memref<!tpu.dma_semaphore, #tpu.memory_space<semaphore_mem>>) src(%arg10 : memref<1280x32xf32, #tpu.memory_space<vmem>>) dst(%dma_wait3A_44 : memref<1280x32xf32, #tpu.memory_space<hbm>>)
        tpu.yield
      }) : () -> ()
      "tpu.region"() ({
        %run_scoped3A = tpu.sem_alloc : memref<!tpu.dma_semaphore, #tpu.memory_space<semaphore_mem>>
        %dma_start3A_37 = arith.constant 0 : i32
        %dma_start3A_38 = tpu.memref_slice %arg7[%add3A_24, %dma_start3A_37] : memref<163840x16xf32, #tpu.memory_space<hbm>> -> memref<1280x16xf32, #tpu.memory_space<hbm>>
        %dma_start3A_39 = arith.constant 0 : i32
        %dma_start3A_40 = tpu.memref_slice %arg7[%add3A_24, %dma_start3A_39] : memref<163840x16xf32, #tpu.memory_space<hbm>> -> memref<1280x16xf32, #tpu.memory_space<hbm>>
        tpu.enqueue_dma source(%arg11 : memref<1280x16xf32, #tpu.memory_space<vmem>>) target(%dma_start3A_40 : memref<1280x16xf32, #tpu.memory_space<hbm>>) target_semaphore(%run_scoped3A : memref<!tpu.dma_semaphore, #tpu.memory_space<semaphore_mem>>)
        %dma_wait3A_41 = arith.constant 0 : i32
        %dma_wait3A_42 = tpu.memref_slice %arg7[%add3A_24, %dma_wait3A_41] : memref<163840x16xf32, #tpu.memory_space<hbm>> -> memref<1280x16xf32, #tpu.memory_space<hbm>>
        %dma_wait3A_43 = arith.constant 0 : i32
        %dma_wait3A_44 = tpu.memref_slice %arg7[%add3A_24, %dma_wait3A_43] : memref<163840x16xf32, #tpu.memory_space<hbm>> -> memref<1280x16xf32, #tpu.memory_space<hbm>>
        tpu.wait_dma2 semaphore(%run_scoped3A : memref<!tpu.dma_semaphore, #tpu.memory_space<semaphore_mem>>) src(%arg11 : memref<1280x16xf32, #tpu.memory_space<vmem>>) dst(%dma_wait3A_44 : memref<1280x16xf32, #tpu.memory_space<hbm>>)
        tpu.yield
      }) : () -> ()
      %scan3A_36 = arith.constant 0 : i32
      scf.yield %scan3A_36 : i32
    }
    %scan3A_6 = arith.constant 4 : i32
    return
  }
}

#map = affine_map<(d0, d1) -> (0, 0)>
#map1 = affine_map<(d0, d1) -> (0, 0, 0)>
module attributes {stable_mosaic.version = 14 : i64} {
  func.func @_scatter_body(%arg0: i32, %arg1: i32, %arg2: memref<163840x32xf32, #tpu.memory_space<hbm>>, %arg3: memref<32x4x1280xi32, #tpu.memory_space<hbm>>, %arg4: memref<10016x32xf32, #tpu.memory_space<hbm>>, %arg5: memref<2x10016x32xf32, #tpu.memory_space<hbm>>, %arg6: memref<10016x32xf32, #tpu.memory_space<vmem_shared>>, %arg7: memref<4x1280xi32, #tpu.memory_space<vmem>>, %arg8: memref<1280x32xf32, #tpu.memory_space<vmem>>, %arg9: memref<!tpu.dma_semaphore, #tpu.memory_space<semaphore_mem>>) attributes {dimension_semantics = [#tpu.dimension_semantics<core_parallel>, #tpu.dimension_semantics<subcore_parallel>], iteration_bounds = array<i64: 2, 16>, scalar_prefetch = 0 : i64, scratch_operands = 4 : i64, tpu.core_type = #tpu.core_type<sc_vector_subcore>, window_params = [{transform_indices = #map}, {transform_indices = #map1}, {transform_indices = #map}, {transform_indices = #map1}]} {
    %mul3A = arith.constant 2 : i32
    %mul3A_0 = arith.muli %arg1, %mul3A : i32
    %add3A = arith.addi %mul3A_0, %arg0 : i32
    %mul3A_1 = arith.constant 626 : i32
    %mul3A_2 = arith.muli %arg1, %mul3A_1 : i32
    %mul3A_3 = arith.constant 626 : i32
    %mul3A_4 = arith.muli %arg1, %mul3A_3 : i32
    "tpu.region"() ({
      %run_scoped3A = tpu.sem_alloc : memref<!tpu.dma_semaphore, #tpu.memory_space<semaphore_mem>>
      %dma_start3A = arith.constant 0 : i32
      %dma_start3A_16 = tpu.memref_slice %arg6[%mul3A_4, %dma_start3A] : memref<10016x32xf32, #tpu.memory_space<vmem_shared>> -> memref<626x32xf32, #tpu.memory_space<vmem_shared>>
      %dma_start3A_17 = arith.constant 0 : i32
      %dma_start3A_18 = tpu.memref_slice %arg4[%mul3A_2, %dma_start3A_17] : memref<10016x32xf32, #tpu.memory_space<hbm>> -> memref<626x32xf32, #tpu.memory_space<hbm>>
      tpu.enqueue_dma source(%dma_start3A_18 : memref<626x32xf32, #tpu.memory_space<hbm>>) target(%dma_start3A_16 : memref<626x32xf32, #tpu.memory_space<vmem_shared>>) target_semaphore(%run_scoped3A : memref<!tpu.dma_semaphore, #tpu.memory_space<semaphore_mem>>)
      %dma_wait3A = arith.constant 0 : i32
      %dma_wait3A_19 = tpu.memref_slice %arg6[%mul3A_4, %dma_wait3A] : memref<10016x32xf32, #tpu.memory_space<vmem_shared>> -> memref<626x32xf32, #tpu.memory_space<vmem_shared>>
      %dma_wait3A_20 = arith.constant 0 : i32
      %dma_wait3A_21 = tpu.memref_slice %arg4[%mul3A_2, %dma_wait3A_20] : memref<10016x32xf32, #tpu.memory_space<hbm>> -> memref<626x32xf32, #tpu.memory_space<hbm>>
      tpu.wait_dma2 semaphore(%run_scoped3A : memref<!tpu.dma_semaphore, #tpu.memory_space<semaphore_mem>>) src(%dma_wait3A_21 : memref<626x32xf32, #tpu.memory_space<hbm>>) dst(%dma_wait3A_19 : memref<626x32xf32, #tpu.memory_space<vmem_shared>>)
      tpu.yield
    }) : () -> ()
    "tpu.region"() ({
      %run_scoped3A = tpu.sem_alloc : memref<!tpu.dma_semaphore, #tpu.memory_space<semaphore_mem>>
      %dma_start3A = arith.constant 0 : i32
      %dma_start3A_16 = arith.constant 0 : i32
      %dma_start3A_17 = tpu.memref_slice %arg3[%add3A, %dma_start3A, %dma_start3A_16] : memref<32x4x1280xi32, #tpu.memory_space<hbm>> -> memref<1x4x1280xi32, #tpu.memory_space<hbm>>
      %dma_start3A_18 = tpu.memref_squeeze %dma_start3A_17 : memref<1x4x1280xi32, #tpu.memory_space<hbm>> -> memref<4x1280xi32, #tpu.memory_space<hbm>>
      %dma_start3A_19 = arith.constant 0 : i32
      %dma_start3A_20 = arith.constant 0 : i32
      %dma_start3A_21 = tpu.memref_slice %arg3[%add3A, %dma_start3A_19, %dma_start3A_20] : memref<32x4x1280xi32, #tpu.memory_space<hbm>> -> memref<1x4x1280xi32, #tpu.memory_space<hbm>>
      %dma_start3A_22 = tpu.memref_squeeze %dma_start3A_21 : memref<1x4x1280xi32, #tpu.memory_space<hbm>> -> memref<4x1280xi32, #tpu.memory_space<hbm>>
      tpu.enqueue_dma source(%dma_start3A_22 : memref<4x1280xi32, #tpu.memory_space<hbm>>) target(%arg7 : memref<4x1280xi32, #tpu.memory_space<vmem>>) target_semaphore(%run_scoped3A : memref<!tpu.dma_semaphore, #tpu.memory_space<semaphore_mem>>)
      %dma_wait3A = arith.constant 0 : i32
      %dma_wait3A_23 = arith.constant 0 : i32
      %dma_wait3A_24 = tpu.memref_slice %arg3[%add3A, %dma_wait3A, %dma_wait3A_23] : memref<32x4x1280xi32, #tpu.memory_space<hbm>> -> memref<1x4x1280xi32, #tpu.memory_space<hbm>>
      %dma_wait3A_25 = tpu.memref_squeeze %dma_wait3A_24 : memref<1x4x1280xi32, #tpu.memory_space<hbm>> -> memref<4x1280xi32, #tpu.memory_space<hbm>>
      %dma_wait3A_26 = arith.constant 0 : i32
      %dma_wait3A_27 = arith.constant 0 : i32
      %dma_wait3A_28 = tpu.memref_slice %arg3[%add3A, %dma_wait3A_26, %dma_wait3A_27] : memref<32x4x1280xi32, #tpu.memory_space<hbm>> -> memref<1x4x1280xi32, #tpu.memory_space<hbm>>
      %dma_wait3A_29 = tpu.memref_squeeze %dma_wait3A_28 : memref<1x4x1280xi32, #tpu.memory_space<hbm>> -> memref<4x1280xi32, #tpu.memory_space<hbm>>
      tpu.wait_dma2 semaphore(%run_scoped3A : memref<!tpu.dma_semaphore, #tpu.memory_space<semaphore_mem>>) src(%dma_wait3A_29 : memref<4x1280xi32, #tpu.memory_space<hbm>>) dst(%arg7 : memref<4x1280xi32, #tpu.memory_space<vmem>>)
      tpu.yield
    }) : () -> ()
    %barrier3A = arith.constant 0 : index
    tpu.barrier barrier_id(%barrier3A)
    %scan3A = arith.constant 0 : i32
    %scan3A_5 = arith.constant 0 : i32
    %scan3A_6 = arith.constant 4 : i32
    %scan3A_7 = arith.addi %scan3A_5, %scan3A_6 : i32
    %scan3A_8 = arith.constant 1 : i32
    %scan3A_9 = scf.for %scan3A_16 = %scan3A_5 to %scan3A_7 step %scan3A_8 iter_args(%scan3A_17 = %scan3A) -> (i32)  : i32 {
      %mul3A_18 = arith.constant 5120 : i32
      %mul3A_19 = arith.muli %add3A, %mul3A_18 : i32
      %mul3A_20 = arith.constant 1280 : i32
      %mul3A_21 = arith.muli %scan3A_16, %mul3A_20 : i32
      %add3A_22 = arith.addi %mul3A_19, %mul3A_21 : i32
      %dma_start3A = arith.constant 0 : i32
      %dma_start3A_23 = tpu.memref_slice %arg2[%add3A_22, %dma_start3A] : memref<163840x32xf32, #tpu.memory_space<hbm>> -> memref<1280x32xf32, #tpu.memory_space<hbm>>
      %dma_start3A_24 = arith.constant 0 : i32
      %dma_start3A_25 = tpu.memref_slice %arg2[%add3A_22, %dma_start3A_24] : memref<163840x32xf32, #tpu.memory_space<hbm>> -> memref<1280x32xf32, #tpu.memory_space<hbm>>
      tpu.enqueue_dma source(%dma_start3A_25 : memref<1280x32xf32, #tpu.memory_space<hbm>>) target(%arg8 : memref<1280x32xf32, #tpu.memory_space<vmem>>) target_semaphore(%arg9 : memref<!tpu.dma_semaphore, #tpu.memory_space<semaphore_mem>>)
      %mul3A_26 = arith.constant 5120 : i32
      %mul3A_27 = arith.muli %add3A, %mul3A_26 : i32
      %mul3A_28 = arith.constant 1280 : i32
      %mul3A_29 = arith.muli %scan3A_16, %mul3A_28 : i32
      %add3A_30 = arith.addi %mul3A_27, %mul3A_29 : i32
      %dma_wait3A = arith.constant 0 : i32
      %dma_wait3A_31 = tpu.memref_slice %arg2[%add3A_30, %dma_wait3A] : memref<163840x32xf32, #tpu.memory_space<hbm>> -> memref<1280x32xf32, #tpu.memory_space<hbm>>
      %dma_wait3A_32 = arith.constant 0 : i32
      %dma_wait3A_33 = tpu.memref_slice %arg2[%add3A_30, %dma_wait3A_32] : memref<163840x32xf32, #tpu.memory_space<hbm>> -> memref<1280x32xf32, #tpu.memory_space<hbm>>
      tpu.wait_dma2 semaphore(%arg9 : memref<!tpu.dma_semaphore, #tpu.memory_space<semaphore_mem>>) src(%dma_wait3A_33 : memref<1280x32xf32, #tpu.memory_space<hbm>>) dst(%arg8 : memref<1280x32xf32, #tpu.memory_space<vmem>>)
      "tpu.region"() ({
        %run_scoped3A = tpu.sem_alloc : memref<!tpu.dma_semaphore, #tpu.memory_space<semaphore_mem>>
        %dma_start3A_35 = arith.constant 0 : i32
        %dma_start3A_36 = tpu.memref_slice %arg7[%scan3A_16, %dma_start3A_35] : memref<4x1280xi32, #tpu.memory_space<vmem>> -> memref<1x1280xi32, #tpu.memory_space<vmem>>
        %dma_start3A_37 = tpu.memref_squeeze %dma_start3A_36 : memref<1x1280xi32, #tpu.memory_space<vmem>> -> memref<1280xi32, #tpu.memory_space<vmem>>
        %dma_start3A_38 = arith.constant 0 : i32
        %dma_start3A_39 = arith.constant 0 : i32
        %dma_start3A_40 = tpu.memref_slice %arg6[%dma_start3A_38, %dma_start3A_39] : memref<10016x32xf32, #tpu.memory_space<vmem_shared>> -> memref<10016x32xf32, #tpu.memory_space<vmem_shared>>
        tpu.enqueue_indirect_dma source(%arg8 : memref<1280x32xf32, #tpu.memory_space<vmem>>) target(%dma_start3A_40 : memref<10016x32xf32, #tpu.memory_space<vmem_shared>>) offsets(%dma_start3A_37 : memref<1280xi32, #tpu.memory_space<vmem>>) semaphore(%run_scoped3A : memref<!tpu.dma_semaphore, #tpu.memory_space<semaphore_mem>>) {add = true}
        %dma_wait3A_41 = arith.constant 0 : i32
        %dma_wait3A_42 = tpu.memref_slice %arg7[%scan3A_16, %dma_wait3A_41] : memref<4x1280xi32, #tpu.memory_space<vmem>> -> memref<1x1280xi32, #tpu.memory_space<vmem>>
        %dma_wait3A_43 = tpu.memref_squeeze %dma_wait3A_42 : memref<1x1280xi32, #tpu.memory_space<vmem>> -> memref<1280xi32, #tpu.memory_space<vmem>>
        %dma_wait3A_44 = arith.constant 0 : i32
        %dma_wait3A_45 = arith.constant 0 : i32
        %dma_wait3A_46 = tpu.memref_slice %arg6[%dma_wait3A_44, %dma_wait3A_45] : memref<10016x32xf32, #tpu.memory_space<vmem_shared>> -> memref<10016x32xf32, #tpu.memory_space<vmem_shared>>
        tpu.wait_indirect_dma semaphore(%run_scoped3A : memref<!tpu.dma_semaphore, #tpu.memory_space<semaphore_mem>>) src(%arg8 : memref<1280x32xf32, #tpu.memory_space<vmem>>) dst(%dma_wait3A_46 : memref<10016x32xf32, #tpu.memory_space<vmem_shared>>)
        tpu.yield
      }) : () -> ()
      %scan3A_34 = arith.constant 0 : i32
      scf.yield %scan3A_34 : i32
    }
    %scan3A_10 = arith.constant 4 : i32
    %barrier3A_11 = arith.constant 0 : index
    tpu.barrier barrier_id(%barrier3A_11)
    %mul3A_12 = arith.constant 626 : i32
    %mul3A_13 = arith.muli %arg1, %mul3A_12 : i32
    %mul3A_14 = arith.constant 626 : i32
    %mul3A_15 = arith.muli %arg1, %mul3A_14 : i32
    "tpu.region"() ({
      %run_scoped3A = tpu.sem_alloc : memref<!tpu.dma_semaphore, #tpu.memory_space<semaphore_mem>>
      %dma_start3A = arith.constant 0 : i32
      %dma_start3A_16 = tpu.memref_slice %arg5[%arg0, %mul3A_15, %dma_start3A] : memref<2x10016x32xf32, #tpu.memory_space<hbm>> -> memref<1x626x32xf32, #tpu.memory_space<hbm>>
      %dma_start3A_17 = tpu.memref_squeeze %dma_start3A_16 : memref<1x626x32xf32, #tpu.memory_space<hbm>> -> memref<626x32xf32, #tpu.memory_space<hbm>>
      %dma_start3A_18 = arith.constant 0 : i32
      %dma_start3A_19 = tpu.memref_slice %arg6[%mul3A_13, %dma_start3A_18] : memref<10016x32xf32, #tpu.memory_space<vmem_shared>> -> memref<626x32xf32, #tpu.memory_space<vmem_shared>>
      tpu.enqueue_dma source(%dma_start3A_19 : memref<626x32xf32, #tpu.memory_space<vmem_shared>>) target(%dma_start3A_17 : memref<626x32xf32, #tpu.memory_space<hbm>>) target_semaphore(%run_scoped3A : memref<!tpu.dma_semaphore, #tpu.memory_space<semaphore_mem>>)
      %dma_wait3A = arith.constant 0 : i32
      %dma_wait3A_20 = tpu.memref_slice %arg5[%arg0, %mul3A_15, %dma_wait3A] : memref<2x10016x32xf32, #tpu.memory_space<hbm>> -> memref<1x626x32xf32, #tpu.memory_space<hbm>>
      %dma_wait3A_21 = tpu.memref_squeeze %dma_wait3A_20 : memref<1x626x32xf32, #tpu.memory_space<hbm>> -> memref<626x32xf32, #tpu.memory_space<hbm>>
      %dma_wait3A_22 = arith.constant 0 : i32
      %dma_wait3A_23 = tpu.memref_slice %arg6[%mul3A_13, %dma_wait3A_22] : memref<10016x32xf32, #tpu.memory_space<vmem_shared>> -> memref<626x32xf32, #tpu.memory_space<vmem_shared>>
      tpu.wait_dma2 semaphore(%run_scoped3A : memref<!tpu.dma_semaphore, #tpu.memory_space<semaphore_mem>>) src(%dma_wait3A_23 : memref<626x32xf32, #tpu.memory_space<vmem_shared>>) dst(%dma_wait3A_21 : memref<626x32xf32, #tpu.memory_space<hbm>>)
      tpu.yield
    }) : () -> ()
    return
  }
}

#map = affine_map<(d0, d1) -> (0, 0)>
#map1 = affine_map<(d0, d1) -> (0, 0, 0)>
module attributes {stable_mosaic.version = 14 : i64} {
  func.func @_gather_body(%arg0: i32, %arg1: i32, %arg2: memref<10000x32xf32, #tpu.memory_space<hbm>>, %arg3: memref<10000x16xf32, #tpu.memory_space<hbm>>, %arg4: memref<32x4x1280xi32, #tpu.memory_space<hbm>>, %arg5: memref<32x4x1280xi32, #tpu.memory_space<hbm>>, %arg6: memref<163840x32xf32, #tpu.memory_space<hbm>>, %arg7: memref<163840x16xf32, #tpu.memory_space<hbm>>, %arg8: memref<4x1280xi32, #tpu.memory_space<vmem>>, %arg9: memref<4x1280xi32, #tpu.memory_space<vmem>>, %arg10: memref<1280x32xf32, #tpu.memory_space<vmem>>, %arg11: memref<1280x16xf32, #tpu.memory_space<vmem>>, %arg12: memref<!tpu.dma_semaphore, #tpu.memory_space<semaphore_mem>>, %arg13: memref<!tpu.dma_semaphore, #tpu.memory_space<semaphore_mem>>) attributes {dimension_semantics = [#tpu.dimension_semantics<core_parallel>, #tpu.dimension_semantics<subcore_parallel>], iteration_bounds = array<i64: 2, 16>, scalar_prefetch = 0 : i64, scratch_operands = 6 : i64, tpu.core_type = #tpu.core_type<sc_vector_subcore>, window_params = [{transform_indices = #map}, {transform_indices = #map}, {transform_indices = #map1}, {transform_indices = #map1}, {transform_indices = #map}, {transform_indices = #map}]} {
    %mul3A = arith.constant 2 : i32
    %mul3A_0 = arith.muli %arg1, %mul3A : i32
    %add3A = arith.addi %mul3A_0, %arg0 : i32
    "tpu.region"() ({
      %run_scoped3A = tpu.sem_alloc : memref<!tpu.dma_semaphore, #tpu.memory_space<semaphore_mem>>
      %dma_start3A = arith.constant 0 : i32
      %dma_start3A_7 = arith.constant 0 : i32
      %dma_start3A_8 = tpu.memref_slice %arg4[%add3A, %dma_start3A, %dma_start3A_7] : memref<32x4x1280xi32, #tpu.memory_space<hbm>> -> memref<1x4x1280xi32, #tpu.memory_space<hbm>>
      %dma_start3A_9 = tpu.memref_squeeze %dma_start3A_8 : memref<1x4x1280xi32, #tpu.memory_space<hbm>> -> memref<4x1280xi32, #tpu.memory_space<hbm>>
      %dma_start3A_10 = arith.constant 0 : i32
      %dma_start3A_11 = arith.constant 0 : i32
      %dma_start3A_12 = tpu.memref_slice %arg4[%add3A, %dma_start3A_10, %dma_start3A_11] : memref<32x4x1280xi32, #tpu.memory_space<hbm>> -> memref<1x4x1280xi32, #tpu.memory_space<hbm>>
      %dma_start3A_13 = tpu.memref_squeeze %dma_start3A_12 : memref<1x4x1280xi32, #tpu.memory_space<hbm>> -> memref<4x1280xi32, #tpu.memory_space<hbm>>
      tpu.enqueue_dma source(%dma_start3A_13 : memref<4x1280xi32, #tpu.memory_space<hbm>>) target(%arg8 : memref<4x1280xi32, #tpu.memory_space<vmem>>) target_semaphore(%run_scoped3A : memref<!tpu.dma_semaphore, #tpu.memory_space<semaphore_mem>>)
      %dma_wait3A = arith.constant 0 : i32
      %dma_wait3A_14 = arith.constant 0 : i32
      %dma_wait3A_15 = tpu.memref_slice %arg4[%add3A, %dma_wait3A, %dma_wait3A_14] : memref<32x4x1280xi32, #tpu.memory_space<hbm>> -> memref<1x4x1280xi32, #tpu.memory_space<hbm>>
      %dma_wait3A_16 = tpu.memref_squeeze %dma_wait3A_15 : memref<1x4x1280xi32, #tpu.memory_space<hbm>> -> memref<4x1280xi32, #tpu.memory_space<hbm>>
      %dma_wait3A_17 = arith.constant 0 : i32
      %dma_wait3A_18 = arith.constant 0 : i32
      %dma_wait3A_19 = tpu.memref_slice %arg4[%add3A, %dma_wait3A_17, %dma_wait3A_18] : memref<32x4x1280xi32, #tpu.memory_space<hbm>> -> memref<1x4x1280xi32, #tpu.memory_space<hbm>>
      %dma_wait3A_20 = tpu.memref_squeeze %dma_wait3A_19 : memref<1x4x1280xi32, #tpu.memory_space<hbm>> -> memref<4x1280xi32, #tpu.memory_space<hbm>>
      tpu.wait_dma2 semaphore(%run_scoped3A : memref<!tpu.dma_semaphore, #tpu.memory_space<semaphore_mem>>) src(%dma_wait3A_20 : memref<4x1280xi32, #tpu.memory_space<hbm>>) dst(%arg8 : memref<4x1280xi32, #tpu.memory_space<vmem>>)
      tpu.yield
    }) : () -> ()
    "tpu.region"() ({
      %run_scoped3A = tpu.sem_alloc : memref<!tpu.dma_semaphore, #tpu.memory_space<semaphore_mem>>
      %dma_start3A = arith.constant 0 : i32
      %dma_start3A_7 = arith.constant 0 : i32
      %dma_start3A_8 = tpu.memref_slice %arg5[%add3A, %dma_start3A, %dma_start3A_7] : memref<32x4x1280xi32, #tpu.memory_space<hbm>> -> memref<1x4x1280xi32, #tpu.memory_space<hbm>>
      %dma_start3A_9 = tpu.memref_squeeze %dma_start3A_8 : memref<1x4x1280xi32, #tpu.memory_space<hbm>> -> memref<4x1280xi32, #tpu.memory_space<hbm>>
      %dma_start3A_10 = arith.constant 0 : i32
      %dma_start3A_11 = arith.constant 0 : i32
      %dma_start3A_12 = tpu.memref_slice %arg5[%add3A, %dma_start3A_10, %dma_start3A_11] : memref<32x4x1280xi32, #tpu.memory_space<hbm>> -> memref<1x4x1280xi32, #tpu.memory_space<hbm>>
      %dma_start3A_13 = tpu.memref_squeeze %dma_start3A_12 : memref<1x4x1280xi32, #tpu.memory_space<hbm>> -> memref<4x1280xi32, #tpu.memory_space<hbm>>
      tpu.enqueue_dma source(%dma_start3A_13 : memref<4x1280xi32, #tpu.memory_space<hbm>>) target(%arg9 : memref<4x1280xi32, #tpu.memory_space<vmem>>) target_semaphore(%run_scoped3A : memref<!tpu.dma_semaphore, #tpu.memory_space<semaphore_mem>>)
      %dma_wait3A = arith.constant 0 : i32
      %dma_wait3A_14 = arith.constant 0 : i32
      %dma_wait3A_15 = tpu.memref_slice %arg5[%add3A, %dma_wait3A, %dma_wait3A_14] : memref<32x4x1280xi32, #tpu.memory_space<hbm>> -> memref<1x4x1280xi32, #tpu.memory_space<hbm>>
      %dma_wait3A_16 = tpu.memref_squeeze %dma_wait3A_15 : memref<1x4x1280xi32, #tpu.memory_space<hbm>> -> memref<4x1280xi32, #tpu.memory_space<hbm>>
      %dma_wait3A_17 = arith.constant 0 : i32
      %dma_wait3A_18 = arith.constant 0 : i32
      %dma_wait3A_19 = tpu.memref_slice %arg5[%add3A, %dma_wait3A_17, %dma_wait3A_18] : memref<32x4x1280xi32, #tpu.memory_space<hbm>> -> memref<1x4x1280xi32, #tpu.memory_space<hbm>>
      %dma_wait3A_20 = tpu.memref_squeeze %dma_wait3A_19 : memref<1x4x1280xi32, #tpu.memory_space<hbm>> -> memref<4x1280xi32, #tpu.memory_space<hbm>>
      tpu.wait_dma2 semaphore(%run_scoped3A : memref<!tpu.dma_semaphore, #tpu.memory_space<semaphore_mem>>) src(%dma_wait3A_20 : memref<4x1280xi32, #tpu.memory_space<hbm>>) dst(%arg9 : memref<4x1280xi32, #tpu.memory_space<vmem>>)
      tpu.yield
    }) : () -> ()
    %scan3A = arith.constant 0 : i32
    %scan3A_1 = arith.constant 0 : i32
    %scan3A_2 = arith.constant 4 : i32
    %scan3A_3 = arith.addi %scan3A_1, %scan3A_2 : i32
    %scan3A_4 = arith.constant 1 : i32
    %scan3A_5 = scf.for %scan3A_7 = %scan3A_1 to %scan3A_3 step %scan3A_4 iter_args(%scan3A_8 = %scan3A) -> (i32)  : i32 {
      %dma_start3A = arith.constant 0 : i32
      %dma_start3A_9 = tpu.memref_slice %arg8[%scan3A_7, %dma_start3A] : memref<4x1280xi32, #tpu.memory_space<vmem>> -> memref<1x1280xi32, #tpu.memory_space<vmem>>
      %dma_start3A_10 = tpu.memref_squeeze %dma_start3A_9 : memref<1x1280xi32, #tpu.memory_space<vmem>> -> memref<1280xi32, #tpu.memory_space<vmem>>
      %dma_start3A_11 = arith.constant 0 : i32
      %dma_start3A_12 = arith.constant 0 : i32
      %dma_start3A_13 = tpu.memref_slice %arg2[%dma_start3A_11, %dma_start3A_12] : memref<10000x32xf32, #tpu.memory_space<hbm>> -> memref<10000x32xf32, #tpu.memory_space<hbm>>
      tpu.enqueue_indirect_dma source(%dma_start3A_13 : memref<10000x32xf32, #tpu.memory_space<hbm>>) target(%arg10 : memref<1280x32xf32, #tpu.memory_space<vmem>>) offsets(%dma_start3A_10 : memref<1280xi32, #tpu.memory_space<vmem>>) semaphore(%arg12 : memref<!tpu.dma_semaphore, #tpu.memory_space<semaphore_mem>>)
      %dma_start3A_14 = arith.constant 0 : i32
      %dma_start3A_15 = tpu.memref_slice %arg9[%scan3A_7, %dma_start3A_14] : memref<4x1280xi32, #tpu.memory_space<vmem>> -> memref<1x1280xi32, #tpu.memory_space<vmem>>
      %dma_start3A_16 = tpu.memref_squeeze %dma_start3A_15 : memref<1x1280xi32, #tpu.memory_space<vmem>> -> memref<1280xi32, #tpu.memory_space<vmem>>
      %dma_start3A_17 = arith.constant 0 : i32
      %dma_start3A_18 = arith.constant 0 : i32
      %dma_start3A_19 = tpu.memref_slice %arg3[%dma_start3A_17, %dma_start3A_18] : memref<10000x16xf32, #tpu.memory_space<hbm>> -> memref<10000x16xf32, #tpu.memory_space<hbm>>
      tpu.enqueue_indirect_dma source(%dma_start3A_19 : memref<10000x16xf32, #tpu.memory_space<hbm>>) target(%arg11 : memref<1280x16xf32, #tpu.memory_space<vmem>>) offsets(%dma_start3A_16 : memref<1280xi32, #tpu.memory_space<vmem>>) semaphore(%arg12 : memref<!tpu.dma_semaphore, #tpu.memory_space<semaphore_mem>>)
      %mul3A_20 = arith.constant 5120 : i32
      %mul3A_21 = arith.muli %add3A, %mul3A_20 : i32
      %mul3A_22 = arith.constant 1280 : i32
      %mul3A_23 = arith.muli %scan3A_7, %mul3A_22 : i32
      %add3A_24 = arith.addi %mul3A_21, %mul3A_23 : i32
      %dma_wait3A = arith.constant 0 : i32
      %dma_wait3A_25 = tpu.memref_slice %arg8[%scan3A_7, %dma_wait3A] : memref<4x1280xi32, #tpu.memory_space<vmem>> -> memref<1x1280xi32, #tpu.memory_space<vmem>>
      %dma_wait3A_26 = tpu.memref_squeeze %dma_wait3A_25 : memref<1x1280xi32, #tpu.memory_space<vmem>> -> memref<1280xi32, #tpu.memory_space<vmem>>
      %dma_wait3A_27 = arith.constant 0 : i32
      %dma_wait3A_28 = arith.constant 0 : i32
      %dma_wait3A_29 = tpu.memref_slice %arg2[%dma_wait3A_27, %dma_wait3A_28] : memref<10000x32xf32, #tpu.memory_space<hbm>> -> memref<10000x32xf32, #tpu.memory_space<hbm>>
      tpu.wait_indirect_dma semaphore(%arg12 : memref<!tpu.dma_semaphore, #tpu.memory_space<semaphore_mem>>) src(%dma_wait3A_29 : memref<10000x32xf32, #tpu.memory_space<hbm>>) dst(%arg10 : memref<1280x32xf32, #tpu.memory_space<vmem>>)
      %dma_wait3A_30 = arith.constant 0 : i32
      %dma_wait3A_31 = tpu.memref_slice %arg9[%scan3A_7, %dma_wait3A_30] : memref<4x1280xi32, #tpu.memory_space<vmem>> -> memref<1x1280xi32, #tpu.memory_space<vmem>>
      %dma_wait3A_32 = tpu.memref_squeeze %dma_wait3A_31 : memref<1x1280xi32, #tpu.memory_space<vmem>> -> memref<1280xi32, #tpu.memory_space<vmem>>
      %dma_wait3A_33 = arith.constant 0 : i32
      %dma_wait3A_34 = arith.constant 0 : i32
      %dma_wait3A_35 = tpu.memref_slice %arg3[%dma_wait3A_33, %dma_wait3A_34] : memref<10000x16xf32, #tpu.memory_space<hbm>> -> memref<10000x16xf32, #tpu.memory_space<hbm>>
      tpu.wait_indirect_dma semaphore(%arg12 : memref<!tpu.dma_semaphore, #tpu.memory_space<semaphore_mem>>) src(%dma_wait3A_35 : memref<10000x16xf32, #tpu.memory_space<hbm>>) dst(%arg11 : memref<1280x16xf32, #tpu.memory_space<vmem>>)
      "tpu.region"() ({
        %run_scoped3A = tpu.sem_alloc : memref<!tpu.dma_semaphore, #tpu.memory_space<semaphore_mem>>
        %dma_start3A_37 = arith.constant 0 : i32
        %dma_start3A_38 = tpu.memref_slice %arg6[%add3A_24, %dma_start3A_37] : memref<163840x32xf32, #tpu.memory_space<hbm>> -> memref<1280x32xf32, #tpu.memory_space<hbm>>
        %dma_start3A_39 = arith.constant 0 : i32
        %dma_start3A_40 = tpu.memref_slice %arg6[%add3A_24, %dma_start3A_39] : memref<163840x32xf32, #tpu.memory_space<hbm>> -> memref<1280x32xf32, #tpu.memory_space<hbm>>
        tpu.enqueue_dma source(%arg10 : memref<1280x32xf32, #tpu.memory_space<vmem>>) target(%dma_start3A_40 : memref<1280x32xf32, #tpu.memory_space<hbm>>) target_semaphore(%run_scoped3A : memref<!tpu.dma_semaphore, #tpu.memory_space<semaphore_mem>>)
        %dma_wait3A_41 = arith.constant 0 : i32
        %dma_wait3A_42 = tpu.memref_slice %arg6[%add3A_24, %dma_wait3A_41] : memref<163840x32xf32, #tpu.memory_space<hbm>> -> memref<1280x32xf32, #tpu.memory_space<hbm>>
        %dma_wait3A_43 = arith.constant 0 : i32
        %dma_wait3A_44 = tpu.memref_slice %arg6[%add3A_24, %dma_wait3A_43] : memref<163840x32xf32, #tpu.memory_space<hbm>> -> memref<1280x32xf32, #tpu.memory_space<hbm>>
        tpu.wait_dma2 semaphore(%run_scoped3A : memref<!tpu.dma_semaphore, #tpu.memory_space<semaphore_mem>>) src(%arg10 : memref<1280x32xf32, #tpu.memory_space<vmem>>) dst(%dma_wait3A_44 : memref<1280x32xf32, #tpu.memory_space<hbm>>)
        tpu.yield
      }) : () -> ()
      "tpu.region"() ({
        %run_scoped3A = tpu.sem_alloc : memref<!tpu.dma_semaphore, #tpu.memory_space<semaphore_mem>>
        %dma_start3A_37 = arith.constant 0 : i32
        %dma_start3A_38 = tpu.memref_slice %arg7[%add3A_24, %dma_start3A_37] : memref<163840x16xf32, #tpu.memory_space<hbm>> -> memref<1280x16xf32, #tpu.memory_space<hbm>>
        %dma_start3A_39 = arith.constant 0 : i32
        %dma_start3A_40 = tpu.memref_slice %arg7[%add3A_24, %dma_start3A_39] : memref<163840x16xf32, #tpu.memory_space<hbm>> -> memref<1280x16xf32, #tpu.memory_space<hbm>>
        tpu.enqueue_dma source(%arg11 : memref<1280x16xf32, #tpu.memory_space<vmem>>) target(%dma_start3A_40 : memref<1280x16xf32, #tpu.memory_space<hbm>>) target_semaphore(%run_scoped3A : memref<!tpu.dma_semaphore, #tpu.memory_space<semaphore_mem>>)
        %dma_wait3A_41 = arith.constant 0 : i32
        %dma_wait3A_42 = tpu.memref_slice %arg7[%add3A_24, %dma_wait3A_41] : memref<163840x16xf32, #tpu.memory_space<hbm>> -> memref<1280x16xf32, #tpu.memory_space<hbm>>
        %dma_wait3A_43 = arith.constant 0 : i32
        %dma_wait3A_44 = tpu.memref_slice %arg7[%add3A_24, %dma_wait3A_43] : memref<163840x16xf32, #tpu.memory_space<hbm>> -> memref<1280x16xf32, #tpu.memory_space<hbm>>
        tpu.wait_dma2 semaphore(%run_scoped3A : memref<!tpu.dma_semaphore, #tpu.memory_space<semaphore_mem>>) src(%arg11 : memref<1280x16xf32, #tpu.memory_space<vmem>>) dst(%dma_wait3A_44 : memref<1280x16xf32, #tpu.memory_space<hbm>>)
        tpu.yield
      }) : () -> ()
      %scan3A_36 = arith.constant 0 : i32
      scf.yield %scan3A_36 : i32
    }
    %scan3A_6 = arith.constant 4 : i32
    return
  }
}

#map = affine_map<(d0, d1) -> (0, 0)>
#map1 = affine_map<(d0, d1) -> (0, 0, 0)>
module attributes {stable_mosaic.version = 14 : i64} {
  func.func @_gather_body(%arg0: i32, %arg1: i32, %arg2: memref<10000x32xf32, #tpu.memory_space<hbm>>, %arg3: memref<10000x16xf32, #tpu.memory_space<hbm>>, %arg4: memref<32x4x1280xi32, #tpu.memory_space<hbm>>, %arg5: memref<32x4x1280xi32, #tpu.memory_space<hbm>>, %arg6: memref<163840x32xf32, #tpu.memory_space<hbm>>, %arg7: memref<163840x16xf32, #tpu.memory_space<hbm>>, %arg8: memref<4x1280xi32, #tpu.memory_space<vmem>>, %arg9: memref<4x1280xi32, #tpu.memory_space<vmem>>, %arg10: memref<1280x32xf32, #tpu.memory_space<vmem>>, %arg11: memref<1280x16xf32, #tpu.memory_space<vmem>>, %arg12: memref<!tpu.dma_semaphore, #tpu.memory_space<semaphore_mem>>, %arg13: memref<!tpu.dma_semaphore, #tpu.memory_space<semaphore_mem>>) attributes {dimension_semantics = [#tpu.dimension_semantics<core_parallel>, #tpu.dimension_semantics<subcore_parallel>], iteration_bounds = array<i64: 2, 16>, scalar_prefetch = 0 : i64, scratch_operands = 6 : i64, tpu.core_type = #tpu.core_type<sc_vector_subcore>, window_params = [{transform_indices = #map}, {transform_indices = #map}, {transform_indices = #map1}, {transform_indices = #map1}, {transform_indices = #map}, {transform_indices = #map}]} {
    %mul3A = arith.constant 2 : i32
    %mul3A_0 = arith.muli %arg1, %mul3A : i32
    %add3A = arith.addi %mul3A_0, %arg0 : i32
    "tpu.region"() ({
      %run_scoped3A = tpu.sem_alloc : memref<!tpu.dma_semaphore, #tpu.memory_space<semaphore_mem>>
      %dma_start3A = arith.constant 0 : i32
      %dma_start3A_7 = arith.constant 0 : i32
      %dma_start3A_8 = tpu.memref_slice %arg4[%add3A, %dma_start3A, %dma_start3A_7] : memref<32x4x1280xi32, #tpu.memory_space<hbm>> -> memref<1x4x1280xi32, #tpu.memory_space<hbm>>
      %dma_start3A_9 = tpu.memref_squeeze %dma_start3A_8 : memref<1x4x1280xi32, #tpu.memory_space<hbm>> -> memref<4x1280xi32, #tpu.memory_space<hbm>>
      %dma_start3A_10 = arith.constant 0 : i32
      %dma_start3A_11 = arith.constant 0 : i32
      %dma_start3A_12 = tpu.memref_slice %arg4[%add3A, %dma_start3A_10, %dma_start3A_11] : memref<32x4x1280xi32, #tpu.memory_space<hbm>> -> memref<1x4x1280xi32, #tpu.memory_space<hbm>>
      %dma_start3A_13 = tpu.memref_squeeze %dma_start3A_12 : memref<1x4x1280xi32, #tpu.memory_space<hbm>> -> memref<4x1280xi32, #tpu.memory_space<hbm>>
      tpu.enqueue_dma source(%dma_start3A_13 : memref<4x1280xi32, #tpu.memory_space<hbm>>) target(%arg8 : memref<4x1280xi32, #tpu.memory_space<vmem>>) target_semaphore(%run_scoped3A : memref<!tpu.dma_semaphore, #tpu.memory_space<semaphore_mem>>)
      %dma_wait3A = arith.constant 0 : i32
      %dma_wait3A_14 = arith.constant 0 : i32
      %dma_wait3A_15 = tpu.memref_slice %arg4[%add3A, %dma_wait3A, %dma_wait3A_14] : memref<32x4x1280xi32, #tpu.memory_space<hbm>> -> memref<1x4x1280xi32, #tpu.memory_space<hbm>>
      %dma_wait3A_16 = tpu.memref_squeeze %dma_wait3A_15 : memref<1x4x1280xi32, #tpu.memory_space<hbm>> -> memref<4x1280xi32, #tpu.memory_space<hbm>>
      %dma_wait3A_17 = arith.constant 0 : i32
      %dma_wait3A_18 = arith.constant 0 : i32
      %dma_wait3A_19 = tpu.memref_slice %arg4[%add3A, %dma_wait3A_17, %dma_wait3A_18] : memref<32x4x1280xi32, #tpu.memory_space<hbm>> -> memref<1x4x1280xi32, #tpu.memory_space<hbm>>
      %dma_wait3A_20 = tpu.memref_squeeze %dma_wait3A_19 : memref<1x4x1280xi32, #tpu.memory_space<hbm>> -> memref<4x1280xi32, #tpu.memory_space<hbm>>
      tpu.wait_dma2 semaphore(%run_scoped3A : memref<!tpu.dma_semaphore, #tpu.memory_space<semaphore_mem>>) src(%dma_wait3A_20 : memref<4x1280xi32, #tpu.memory_space<hbm>>) dst(%arg8 : memref<4x1280xi32, #tpu.memory_space<vmem>>)
      tpu.yield
    }) : () -> ()
    "tpu.region"() ({
      %run_scoped3A = tpu.sem_alloc : memref<!tpu.dma_semaphore, #tpu.memory_space<semaphore_mem>>
      %dma_start3A = arith.constant 0 : i32
      %dma_start3A_7 = arith.constant 0 : i32
      %dma_start3A_8 = tpu.memref_slice %arg5[%add3A, %dma_start3A, %dma_start3A_7] : memref<32x4x1280xi32, #tpu.memory_space<hbm>> -> memref<1x4x1280xi32, #tpu.memory_space<hbm>>
      %dma_start3A_9 = tpu.memref_squeeze %dma_start3A_8 : memref<1x4x1280xi32, #tpu.memory_space<hbm>> -> memref<4x1280xi32, #tpu.memory_space<hbm>>
      %dma_start3A_10 = arith.constant 0 : i32
      %dma_start3A_11 = arith.constant 0 : i32
      %dma_start3A_12 = tpu.memref_slice %arg5[%add3A, %dma_start3A_10, %dma_start3A_11] : memref<32x4x1280xi32, #tpu.memory_space<hbm>> -> memref<1x4x1280xi32, #tpu.memory_space<hbm>>
      %dma_start3A_13 = tpu.memref_squeeze %dma_start3A_12 : memref<1x4x1280xi32, #tpu.memory_space<hbm>> -> memref<4x1280xi32, #tpu.memory_space<hbm>>
      tpu.enqueue_dma source(%dma_start3A_13 : memref<4x1280xi32, #tpu.memory_space<hbm>>) target(%arg9 : memref<4x1280xi32, #tpu.memory_space<vmem>>) target_semaphore(%run_scoped3A : memref<!tpu.dma_semaphore, #tpu.memory_space<semaphore_mem>>)
      %dma_wait3A = arith.constant 0 : i32
      %dma_wait3A_14 = arith.constant 0 : i32
      %dma_wait3A_15 = tpu.memref_slice %arg5[%add3A, %dma_wait3A, %dma_wait3A_14] : memref<32x4x1280xi32, #tpu.memory_space<hbm>> -> memref<1x4x1280xi32, #tpu.memory_space<hbm>>
      %dma_wait3A_16 = tpu.memref_squeeze %dma_wait3A_15 : memref<1x4x1280xi32, #tpu.memory_space<hbm>> -> memref<4x1280xi32, #tpu.memory_space<hbm>>
      %dma_wait3A_17 = arith.constant 0 : i32
      %dma_wait3A_18 = arith.constant 0 : i32
      %dma_wait3A_19 = tpu.memref_slice %arg5[%add3A, %dma_wait3A_17, %dma_wait3A_18] : memref<32x4x1280xi32, #tpu.memory_space<hbm>> -> memref<1x4x1280xi32, #tpu.memory_space<hbm>>
      %dma_wait3A_20 = tpu.memref_squeeze %dma_wait3A_19 : memref<1x4x1280xi32, #tpu.memory_space<hbm>> -> memref<4x1280xi32, #tpu.memory_space<hbm>>
      tpu.wait_dma2 semaphore(%run_scoped3A : memref<!tpu.dma_semaphore, #tpu.memory_space<semaphore_mem>>) src(%dma_wait3A_20 : memref<4x1280xi32, #tpu.memory_space<hbm>>) dst(%arg9 : memref<4x1280xi32, #tpu.memory_space<vmem>>)
      tpu.yield
    }) : () -> ()
    %scan3A = arith.constant 0 : i32
    %scan3A_1 = arith.constant 0 : i32
    %scan3A_2 = arith.constant 4 : i32
    %scan3A_3 = arith.addi %scan3A_1, %scan3A_2 : i32
    %scan3A_4 = arith.constant 1 : i32
    %scan3A_5 = scf.for %scan3A_7 = %scan3A_1 to %scan3A_3 step %scan3A_4 iter_args(%scan3A_8 = %scan3A) -> (i32)  : i32 {
      %dma_start3A = arith.constant 0 : i32
      %dma_start3A_9 = tpu.memref_slice %arg8[%scan3A_7, %dma_start3A] : memref<4x1280xi32, #tpu.memory_space<vmem>> -> memref<1x1280xi32, #tpu.memory_space<vmem>>
      %dma_start3A_10 = tpu.memref_squeeze %dma_start3A_9 : memref<1x1280xi32, #tpu.memory_space<vmem>> -> memref<1280xi32, #tpu.memory_space<vmem>>
      %dma_start3A_11 = arith.constant 0 : i32
      %dma_start3A_12 = arith.constant 0 : i32
      %dma_start3A_13 = tpu.memref_slice %arg2[%dma_start3A_11, %dma_start3A_12] : memref<10000x32xf32, #tpu.memory_space<hbm>> -> memref<10000x32xf32, #tpu.memory_space<hbm>>
      tpu.enqueue_indirect_dma source(%dma_start3A_13 : memref<10000x32xf32, #tpu.memory_space<hbm>>) target(%arg10 : memref<1280x32xf32, #tpu.memory_space<vmem>>) offsets(%dma_start3A_10 : memref<1280xi32, #tpu.memory_space<vmem>>) semaphore(%arg12 : memref<!tpu.dma_semaphore, #tpu.memory_space<semaphore_mem>>)
      %dma_start3A_14 = arith.constant 0 : i32
      %dma_start3A_15 = tpu.memref_slice %arg9[%scan3A_7, %dma_start3A_14] : memref<4x1280xi32, #tpu.memory_space<vmem>> -> memref<1x1280xi32, #tpu.memory_space<vmem>>
      %dma_start3A_16 = tpu.memref_squeeze %dma_start3A_15 : memref<1x1280xi32, #tpu.memory_space<vmem>> -> memref<1280xi32, #tpu.memory_space<vmem>>
      %dma_start3A_17 = arith.constant 0 : i32
      %dma_start3A_18 = arith.constant 0 : i32
      %dma_start3A_19 = tpu.memref_slice %arg3[%dma_start3A_17, %dma_start3A_18] : memref<10000x16xf32, #tpu.memory_space<hbm>> -> memref<10000x16xf32, #tpu.memory_space<hbm>>
      tpu.enqueue_indirect_dma source(%dma_start3A_19 : memref<10000x16xf32, #tpu.memory_space<hbm>>) target(%arg11 : memref<1280x16xf32, #tpu.memory_space<vmem>>) offsets(%dma_start3A_16 : memref<1280xi32, #tpu.memory_space<vmem>>) semaphore(%arg12 : memref<!tpu.dma_semaphore, #tpu.memory_space<semaphore_mem>>)
      %mul3A_20 = arith.constant 5120 : i32
      %mul3A_21 = arith.muli %add3A, %mul3A_20 : i32
      %mul3A_22 = arith.constant 1280 : i32
      %mul3A_23 = arith.muli %scan3A_7, %mul3A_22 : i32
      %add3A_24 = arith.addi %mul3A_21, %mul3A_23 : i32
      %dma_wait3A = arith.constant 0 : i32
      %dma_wait3A_25 = tpu.memref_slice %arg8[%scan3A_7, %dma_wait3A] : memref<4x1280xi32, #tpu.memory_space<vmem>> -> memref<1x1280xi32, #tpu.memory_space<vmem>>
      %dma_wait3A_26 = tpu.memref_squeeze %dma_wait3A_25 : memref<1x1280xi32, #tpu.memory_space<vmem>> -> memref<1280xi32, #tpu.memory_space<vmem>>
      %dma_wait3A_27 = arith.constant 0 : i32
      %dma_wait3A_28 = arith.constant 0 : i32
      %dma_wait3A_29 = tpu.memref_slice %arg2[%dma_wait3A_27, %dma_wait3A_28] : memref<10000x32xf32, #tpu.memory_space<hbm>> -> memref<10000x32xf32, #tpu.memory_space<hbm>>
      tpu.wait_indirect_dma semaphore(%arg12 : memref<!tpu.dma_semaphore, #tpu.memory_space<semaphore_mem>>) src(%dma_wait3A_29 : memref<10000x32xf32, #tpu.memory_space<hbm>>) dst(%arg10 : memref<1280x32xf32, #tpu.memory_space<vmem>>)
      %dma_wait3A_30 = arith.constant 0 : i32
      %dma_wait3A_31 = tpu.memref_slice %arg9[%scan3A_7, %dma_wait3A_30] : memref<4x1280xi32, #tpu.memory_space<vmem>> -> memref<1x1280xi32, #tpu.memory_space<vmem>>
      %dma_wait3A_32 = tpu.memref_squeeze %dma_wait3A_31 : memref<1x1280xi32, #tpu.memory_space<vmem>> -> memref<1280xi32, #tpu.memory_space<vmem>>
      %dma_wait3A_33 = arith.constant 0 : i32
      %dma_wait3A_34 = arith.constant 0 : i32
      %dma_wait3A_35 = tpu.memref_slice %arg3[%dma_wait3A_33, %dma_wait3A_34] : memref<10000x16xf32, #tpu.memory_space<hbm>> -> memref<10000x16xf32, #tpu.memory_space<hbm>>
      tpu.wait_indirect_dma semaphore(%arg12 : memref<!tpu.dma_semaphore, #tpu.memory_space<semaphore_mem>>) src(%dma_wait3A_35 : memref<10000x16xf32, #tpu.memory_space<hbm>>) dst(%arg11 : memref<1280x16xf32, #tpu.memory_space<vmem>>)
      "tpu.region"() ({
        %run_scoped3A = tpu.sem_alloc : memref<!tpu.dma_semaphore, #tpu.memory_space<semaphore_mem>>
        %dma_start3A_37 = arith.constant 0 : i32
        %dma_start3A_38 = tpu.memref_slice %arg6[%add3A_24, %dma_start3A_37] : memref<163840x32xf32, #tpu.memory_space<hbm>> -> memref<1280x32xf32, #tpu.memory_space<hbm>>
        %dma_start3A_39 = arith.constant 0 : i32
        %dma_start3A_40 = tpu.memref_slice %arg6[%add3A_24, %dma_start3A_39] : memref<163840x32xf32, #tpu.memory_space<hbm>> -> memref<1280x32xf32, #tpu.memory_space<hbm>>
        tpu.enqueue_dma source(%arg10 : memref<1280x32xf32, #tpu.memory_space<vmem>>) target(%dma_start3A_40 : memref<1280x32xf32, #tpu.memory_space<hbm>>) target_semaphore(%run_scoped3A : memref<!tpu.dma_semaphore, #tpu.memory_space<semaphore_mem>>)
        %dma_wait3A_41 = arith.constant 0 : i32
        %dma_wait3A_42 = tpu.memref_slice %arg6[%add3A_24, %dma_wait3A_41] : memref<163840x32xf32, #tpu.memory_space<hbm>> -> memref<1280x32xf32, #tpu.memory_space<hbm>>
        %dma_wait3A_43 = arith.constant 0 : i32
        %dma_wait3A_44 = tpu.memref_slice %arg6[%add3A_24, %dma_wait3A_43] : memref<163840x32xf32, #tpu.memory_space<hbm>> -> memref<1280x32xf32, #tpu.memory_space<hbm>>
        tpu.wait_dma2 semaphore(%run_scoped3A : memref<!tpu.dma_semaphore, #tpu.memory_space<semaphore_mem>>) src(%arg10 : memref<1280x32xf32, #tpu.memory_space<vmem>>) dst(%dma_wait3A_44 : memref<1280x32xf32, #tpu.memory_space<hbm>>)
        tpu.yield
      }) : () -> ()
      "tpu.region"() ({
        %run_scoped3A = tpu.sem_alloc : memref<!tpu.dma_semaphore, #tpu.memory_space<semaphore_mem>>
        %dma_start3A_37 = arith.constant 0 : i32
        %dma_start3A_38 = tpu.memref_slice %arg7[%add3A_24, %dma_start3A_37] : memref<163840x16xf32, #tpu.memory_space<hbm>> -> memref<1280x16xf32, #tpu.memory_space<hbm>>
        %dma_start3A_39 = arith.constant 0 : i32
        %dma_start3A_40 = tpu.memref_slice %arg7[%add3A_24, %dma_start3A_39] : memref<163840x16xf32, #tpu.memory_space<hbm>> -> memref<1280x16xf32, #tpu.memory_space<hbm>>
        tpu.enqueue_dma source(%arg11 : memref<1280x16xf32, #tpu.memory_space<vmem>>) target(%dma_start3A_40 : memref<1280x16xf32, #tpu.memory_space<hbm>>) target_semaphore(%run_scoped3A : memref<!tpu.dma_semaphore, #tpu.memory_space<semaphore_mem>>)
        %dma_wait3A_41 = arith.constant 0 : i32
        %dma_wait3A_42 = tpu.memref_slice %arg7[%add3A_24, %dma_wait3A_41] : memref<163840x16xf32, #tpu.memory_space<hbm>> -> memref<1280x16xf32, #tpu.memory_space<hbm>>
        %dma_wait3A_43 = arith.constant 0 : i32
        %dma_wait3A_44 = tpu.memref_slice %arg7[%add3A_24, %dma_wait3A_43] : memref<163840x16xf32, #tpu.memory_space<hbm>> -> memref<1280x16xf32, #tpu.memory_space<hbm>>
        tpu.wait_dma2 semaphore(%run_scoped3A : memref<!tpu.dma_semaphore, #tpu.memory_space<semaphore_mem>>) src(%arg11 : memref<1280x16xf32, #tpu.memory_space<vmem>>) dst(%dma_wait3A_44 : memref<1280x16xf32, #tpu.memory_space<hbm>>)
        tpu.yield
      }) : () -> ()
      %scan3A_36 = arith.constant 0 : i32
      scf.yield %scan3A_36 : i32
    }
    %scan3A_6 = arith.constant 4 : i32
    return
  }
}

#map = affine_map<(d0, d1) -> (0, 0)>
#map1 = affine_map<(d0, d1) -> (0, 0, 0)>
module attributes {stable_mosaic.version = 14 : i64} {
  func.func @_scatter_body(%arg0: i32, %arg1: i32, %arg2: memref<163840x32xf32, #tpu.memory_space<hbm>>, %arg3: memref<32x4x1280xi32, #tpu.memory_space<hbm>>, %arg4: memref<10016x32xf32, #tpu.memory_space<hbm>>, %arg5: memref<2x10016x32xf32, #tpu.memory_space<hbm>>, %arg6: memref<10016x32xf32, #tpu.memory_space<vmem_shared>>, %arg7: memref<4x1280xi32, #tpu.memory_space<vmem>>, %arg8: memref<1280x32xf32, #tpu.memory_space<vmem>>, %arg9: memref<!tpu.dma_semaphore, #tpu.memory_space<semaphore_mem>>) attributes {dimension_semantics = [#tpu.dimension_semantics<core_parallel>, #tpu.dimension_semantics<subcore_parallel>], iteration_bounds = array<i64: 2, 16>, scalar_prefetch = 0 : i64, scratch_operands = 4 : i64, tpu.core_type = #tpu.core_type<sc_vector_subcore>, window_params = [{transform_indices = #map}, {transform_indices = #map1}, {transform_indices = #map}, {transform_indices = #map1}]} {
    %mul3A = arith.constant 2 : i32
    %mul3A_0 = arith.muli %arg1, %mul3A : i32
    %add3A = arith.addi %mul3A_0, %arg0 : i32
    %mul3A_1 = arith.constant 626 : i32
    %mul3A_2 = arith.muli %arg1, %mul3A_1 : i32
    %mul3A_3 = arith.constant 626 : i32
    %mul3A_4 = arith.muli %arg1, %mul3A_3 : i32
    "tpu.region"() ({
      %run_scoped3A = tpu.sem_alloc : memref<!tpu.dma_semaphore, #tpu.memory_space<semaphore_mem>>
      %dma_start3A = arith.constant 0 : i32
      %dma_start3A_16 = tpu.memref_slice %arg6[%mul3A_4, %dma_start3A] : memref<10016x32xf32, #tpu.memory_space<vmem_shared>> -> memref<626x32xf32, #tpu.memory_space<vmem_shared>>
      %dma_start3A_17 = arith.constant 0 : i32
      %dma_start3A_18 = tpu.memref_slice %arg4[%mul3A_2, %dma_start3A_17] : memref<10016x32xf32, #tpu.memory_space<hbm>> -> memref<626x32xf32, #tpu.memory_space<hbm>>
      tpu.enqueue_dma source(%dma_start3A_18 : memref<626x32xf32, #tpu.memory_space<hbm>>) target(%dma_start3A_16 : memref<626x32xf32, #tpu.memory_space<vmem_shared>>) target_semaphore(%run_scoped3A : memref<!tpu.dma_semaphore, #tpu.memory_space<semaphore_mem>>)
      %dma_wait3A = arith.constant 0 : i32
      %dma_wait3A_19 = tpu.memref_slice %arg6[%mul3A_4, %dma_wait3A] : memref<10016x32xf32, #tpu.memory_space<vmem_shared>> -> memref<626x32xf32, #tpu.memory_space<vmem_shared>>
      %dma_wait3A_20 = arith.constant 0 : i32
      %dma_wait3A_21 = tpu.memref_slice %arg4[%mul3A_2, %dma_wait3A_20] : memref<10016x32xf32, #tpu.memory_space<hbm>> -> memref<626x32xf32, #tpu.memory_space<hbm>>
      tpu.wait_dma2 semaphore(%run_scoped3A : memref<!tpu.dma_semaphore, #tpu.memory_space<semaphore_mem>>) src(%dma_wait3A_21 : memref<626x32xf32, #tpu.memory_space<hbm>>) dst(%dma_wait3A_19 : memref<626x32xf32, #tpu.memory_space<vmem_shared>>)
      tpu.yield
    }) : () -> ()
    "tpu.region"() ({
      %run_scoped3A = tpu.sem_alloc : memref<!tpu.dma_semaphore, #tpu.memory_space<semaphore_mem>>
      %dma_start3A = arith.constant 0 : i32
      %dma_start3A_16 = arith.constant 0 : i32
      %dma_start3A_17 = tpu.memref_slice %arg3[%add3A, %dma_start3A, %dma_start3A_16] : memref<32x4x1280xi32, #tpu.memory_space<hbm>> -> memref<1x4x1280xi32, #tpu.memory_space<hbm>>
      %dma_start3A_18 = tpu.memref_squeeze %dma_start3A_17 : memref<1x4x1280xi32, #tpu.memory_space<hbm>> -> memref<4x1280xi32, #tpu.memory_space<hbm>>
      %dma_start3A_19 = arith.constant 0 : i32
      %dma_start3A_20 = arith.constant 0 : i32
      %dma_start3A_21 = tpu.memref_slice %arg3[%add3A, %dma_start3A_19, %dma_start3A_20] : memref<32x4x1280xi32, #tpu.memory_space<hbm>> -> memref<1x4x1280xi32, #tpu.memory_space<hbm>>
      %dma_start3A_22 = tpu.memref_squeeze %dma_start3A_21 : memref<1x4x1280xi32, #tpu.memory_space<hbm>> -> memref<4x1280xi32, #tpu.memory_space<hbm>>
      tpu.enqueue_dma source(%dma_start3A_22 : memref<4x1280xi32, #tpu.memory_space<hbm>>) target(%arg7 : memref<4x1280xi32, #tpu.memory_space<vmem>>) target_semaphore(%run_scoped3A : memref<!tpu.dma_semaphore, #tpu.memory_space<semaphore_mem>>)
      %dma_wait3A = arith.constant 0 : i32
      %dma_wait3A_23 = arith.constant 0 : i32
      %dma_wait3A_24 = tpu.memref_slice %arg3[%add3A, %dma_wait3A, %dma_wait3A_23] : memref<32x4x1280xi32, #tpu.memory_space<hbm>> -> memref<1x4x1280xi32, #tpu.memory_space<hbm>>
      %dma_wait3A_25 = tpu.memref_squeeze %dma_wait3A_24 : memref<1x4x1280xi32, #tpu.memory_space<hbm>> -> memref<4x1280xi32, #tpu.memory_space<hbm>>
      %dma_wait3A_26 = arith.constant 0 : i32
      %dma_wait3A_27 = arith.constant 0 : i32
      %dma_wait3A_28 = tpu.memref_slice %arg3[%add3A, %dma_wait3A_26, %dma_wait3A_27] : memref<32x4x1280xi32, #tpu.memory_space<hbm>> -> memref<1x4x1280xi32, #tpu.memory_space<hbm>>
      %dma_wait3A_29 = tpu.memref_squeeze %dma_wait3A_28 : memref<1x4x1280xi32, #tpu.memory_space<hbm>> -> memref<4x1280xi32, #tpu.memory_space<hbm>>
      tpu.wait_dma2 semaphore(%run_scoped3A : memref<!tpu.dma_semaphore, #tpu.memory_space<semaphore_mem>>) src(%dma_wait3A_29 : memref<4x1280xi32, #tpu.memory_space<hbm>>) dst(%arg7 : memref<4x1280xi32, #tpu.memory_space<vmem>>)
      tpu.yield
    }) : () -> ()
    %barrier3A = arith.constant 0 : index
    tpu.barrier barrier_id(%barrier3A)
    %scan3A = arith.constant 0 : i32
    %scan3A_5 = arith.constant 0 : i32
    %scan3A_6 = arith.constant 4 : i32
    %scan3A_7 = arith.addi %scan3A_5, %scan3A_6 : i32
    %scan3A_8 = arith.constant 1 : i32
    %scan3A_9 = scf.for %scan3A_16 = %scan3A_5 to %scan3A_7 step %scan3A_8 iter_args(%scan3A_17 = %scan3A) -> (i32)  : i32 {
      %mul3A_18 = arith.constant 5120 : i32
      %mul3A_19 = arith.muli %add3A, %mul3A_18 : i32
      %mul3A_20 = arith.constant 1280 : i32
      %mul3A_21 = arith.muli %scan3A_16, %mul3A_20 : i32
      %add3A_22 = arith.addi %mul3A_19, %mul3A_21 : i32
      %dma_start3A = arith.constant 0 : i32
      %dma_start3A_23 = tpu.memref_slice %arg2[%add3A_22, %dma_start3A] : memref<163840x32xf32, #tpu.memory_space<hbm>> -> memref<1280x32xf32, #tpu.memory_space<hbm>>
      %dma_start3A_24 = arith.constant 0 : i32
      %dma_start3A_25 = tpu.memref_slice %arg2[%add3A_22, %dma_start3A_24] : memref<163840x32xf32, #tpu.memory_space<hbm>> -> memref<1280x32xf32, #tpu.memory_space<hbm>>
      tpu.enqueue_dma source(%dma_start3A_25 : memref<1280x32xf32, #tpu.memory_space<hbm>>) target(%arg8 : memref<1280x32xf32, #tpu.memory_space<vmem>>) target_semaphore(%arg9 : memref<!tpu.dma_semaphore, #tpu.memory_space<semaphore_mem>>)
      %mul3A_26 = arith.constant 5120 : i32
      %mul3A_27 = arith.muli %add3A, %mul3A_26 : i32
      %mul3A_28 = arith.constant 1280 : i32
      %mul3A_29 = arith.muli %scan3A_16, %mul3A_28 : i32
      %add3A_30 = arith.addi %mul3A_27, %mul3A_29 : i32
      %dma_wait3A = arith.constant 0 : i32
      %dma_wait3A_31 = tpu.memref_slice %arg2[%add3A_30, %dma_wait3A] : memref<163840x32xf32, #tpu.memory_space<hbm>> -> memref<1280x32xf32, #tpu.memory_space<hbm>>
      %dma_wait3A_32 = arith.constant 0 : i32
      %dma_wait3A_33 = tpu.memref_slice %arg2[%add3A_30, %dma_wait3A_32] : memref<163840x32xf32, #tpu.memory_space<hbm>> -> memref<1280x32xf32, #tpu.memory_space<hbm>>
      tpu.wait_dma2 semaphore(%arg9 : memref<!tpu.dma_semaphore, #tpu.memory_space<semaphore_mem>>) src(%dma_wait3A_33 : memref<1280x32xf32, #tpu.memory_space<hbm>>) dst(%arg8 : memref<1280x32xf32, #tpu.memory_space<vmem>>)
      "tpu.region"() ({
        %run_scoped3A = tpu.sem_alloc : memref<!tpu.dma_semaphore, #tpu.memory_space<semaphore_mem>>
        %dma_start3A_35 = arith.constant 0 : i32
        %dma_start3A_36 = tpu.memref_slice %arg7[%scan3A_16, %dma_start3A_35] : memref<4x1280xi32, #tpu.memory_space<vmem>> -> memref<1x1280xi32, #tpu.memory_space<vmem>>
        %dma_start3A_37 = tpu.memref_squeeze %dma_start3A_36 : memref<1x1280xi32, #tpu.memory_space<vmem>> -> memref<1280xi32, #tpu.memory_space<vmem>>
        %dma_start3A_38 = arith.constant 0 : i32
        %dma_start3A_39 = arith.constant 0 : i32
        %dma_start3A_40 = tpu.memref_slice %arg6[%dma_start3A_38, %dma_start3A_39] : memref<10016x32xf32, #tpu.memory_space<vmem_shared>> -> memref<10016x32xf32, #tpu.memory_space<vmem_shared>>
        tpu.enqueue_indirect_dma source(%arg8 : memref<1280x32xf32, #tpu.memory_space<vmem>>) target(%dma_start3A_40 : memref<10016x32xf32, #tpu.memory_space<vmem_shared>>) offsets(%dma_start3A_37 : memref<1280xi32, #tpu.memory_space<vmem>>) semaphore(%run_scoped3A : memref<!tpu.dma_semaphore, #tpu.memory_space<semaphore_mem>>) {add = true}
        %dma_wait3A_41 = arith.constant 0 : i32
        %dma_wait3A_42 = tpu.memref_slice %arg7[%scan3A_16, %dma_wait3A_41] : memref<4x1280xi32, #tpu.memory_space<vmem>> -> memref<1x1280xi32, #tpu.memory_space<vmem>>
        %dma_wait3A_43 = tpu.memref_squeeze %dma_wait3A_42 : memref<1x1280xi32, #tpu.memory_space<vmem>> -> memref<1280xi32, #tpu.memory_space<vmem>>
        %dma_wait3A_44 = arith.constant 0 : i32
        %dma_wait3A_45 = arith.constant 0 : i32
        %dma_wait3A_46 = tpu.memref_slice %arg6[%dma_wait3A_44, %dma_wait3A_45] : memref<10016x32xf32, #tpu.memory_space<vmem_shared>> -> memref<10016x32xf32, #tpu.memory_space<vmem_shared>>
        tpu.wait_indirect_dma semaphore(%run_scoped3A : memref<!tpu.dma_semaphore, #tpu.memory_space<semaphore_mem>>) src(%arg8 : memref<1280x32xf32, #tpu.memory_space<vmem>>) dst(%dma_wait3A_46 : memref<10016x32xf32, #tpu.memory_space<vmem_shared>>)
        tpu.yield
      }) : () -> ()
      %scan3A_34 = arith.constant 0 : i32
      scf.yield %scan3A_34 : i32
    }
    %scan3A_10 = arith.constant 4 : i32
    %barrier3A_11 = arith.constant 0 : index
    tpu.barrier barrier_id(%barrier3A_11)
    %mul3A_12 = arith.constant 626 : i32
    %mul3A_13 = arith.muli %arg1, %mul3A_12 : i32
    %mul3A_14 = arith.constant 626 : i32
    %mul3A_15 = arith.muli %arg1, %mul3A_14 : i32
    "tpu.region"() ({
      %run_scoped3A = tpu.sem_alloc : memref<!tpu.dma_semaphore, #tpu.memory_space<semaphore_mem>>
      %dma_start3A = arith.constant 0 : i32
      %dma_start3A_16 = tpu.memref_slice %arg5[%arg0, %mul3A_15, %dma_start3A] : memref<2x10016x32xf32, #tpu.memory_space<hbm>> -> memref<1x626x32xf32, #tpu.memory_space<hbm>>
      %dma_start3A_17 = tpu.memref_squeeze %dma_start3A_16 : memref<1x626x32xf32, #tpu.memory_space<hbm>> -> memref<626x32xf32, #tpu.memory_space<hbm>>
      %dma_start3A_18 = arith.constant 0 : i32
      %dma_start3A_19 = tpu.memref_slice %arg6[%mul3A_13, %dma_start3A_18] : memref<10016x32xf32, #tpu.memory_space<vmem_shared>> -> memref<626x32xf32, #tpu.memory_space<vmem_shared>>
      tpu.enqueue_dma source(%dma_start3A_19 : memref<626x32xf32, #tpu.memory_space<vmem_shared>>) target(%dma_start3A_17 : memref<626x32xf32, #tpu.memory_space<hbm>>) target_semaphore(%run_scoped3A : memref<!tpu.dma_semaphore, #tpu.memory_space<semaphore_mem>>)
      %dma_wait3A = arith.constant 0 : i32
      %dma_wait3A_20 = tpu.memref_slice %arg5[%arg0, %mul3A_15, %dma_wait3A] : memref<2x10016x32xf32, #tpu.memory_space<hbm>> -> memref<1x626x32xf32, #tpu.memory_space<hbm>>
      %dma_wait3A_21 = tpu.memref_squeeze %dma_wait3A_20 : memref<1x626x32xf32, #tpu.memory_space<hbm>> -> memref<626x32xf32, #tpu.memory_space<hbm>>
      %dma_wait3A_22 = arith.constant 0 : i32
      %dma_wait3A_23 = tpu.memref_slice %arg6[%mul3A_13, %dma_wait3A_22] : memref<10016x32xf32, #tpu.memory_space<vmem_shared>> -> memref<626x32xf32, #tpu.memory_space<vmem_shared>>
      tpu.wait_dma2 semaphore(%run_scoped3A : memref<!tpu.dma_semaphore, #tpu.memory_space<semaphore_mem>>) src(%dma_wait3A_23 : memref<626x32xf32, #tpu.memory_space<vmem_shared>>) dst(%dma_wait3A_21 : memref<626x32xf32, #tpu.memory_space<hbm>>)
      tpu.yield
    }) : () -> ()
    return
  }
}

#map = affine_map<(d0, d1) -> (0, 0)>
#map1 = affine_map<(d0, d1) -> (0, 0, 0)>
module attributes {stable_mosaic.version = 14 : i64} {
  func.func @_gather_body(%arg0: i32, %arg1: i32, %arg2: memref<10000x32xf32, #tpu.memory_space<hbm>>, %arg3: memref<10000x16xf32, #tpu.memory_space<hbm>>, %arg4: memref<32x4x1280xi32, #tpu.memory_space<hbm>>, %arg5: memref<32x4x1280xi32, #tpu.memory_space<hbm>>, %arg6: memref<163840x32xf32, #tpu.memory_space<hbm>>, %arg7: memref<163840x16xf32, #tpu.memory_space<hbm>>, %arg8: memref<4x1280xi32, #tpu.memory_space<vmem>>, %arg9: memref<4x1280xi32, #tpu.memory_space<vmem>>, %arg10: memref<1280x32xf32, #tpu.memory_space<vmem>>, %arg11: memref<1280x16xf32, #tpu.memory_space<vmem>>, %arg12: memref<!tpu.dma_semaphore, #tpu.memory_space<semaphore_mem>>, %arg13: memref<!tpu.dma_semaphore, #tpu.memory_space<semaphore_mem>>) attributes {dimension_semantics = [#tpu.dimension_semantics<core_parallel>, #tpu.dimension_semantics<subcore_parallel>], iteration_bounds = array<i64: 2, 16>, scalar_prefetch = 0 : i64, scratch_operands = 6 : i64, tpu.core_type = #tpu.core_type<sc_vector_subcore>, window_params = [{transform_indices = #map}, {transform_indices = #map}, {transform_indices = #map1}, {transform_indices = #map1}, {transform_indices = #map}, {transform_indices = #map}]} {
    %mul3A = arith.constant 2 : i32
    %mul3A_0 = arith.muli %arg1, %mul3A : i32
    %add3A = arith.addi %mul3A_0, %arg0 : i32
    "tpu.region"() ({
      %run_scoped3A = tpu.sem_alloc : memref<!tpu.dma_semaphore, #tpu.memory_space<semaphore_mem>>
      %dma_start3A = arith.constant 0 : i32
      %dma_start3A_7 = arith.constant 0 : i32
      %dma_start3A_8 = tpu.memref_slice %arg4[%add3A, %dma_start3A, %dma_start3A_7] : memref<32x4x1280xi32, #tpu.memory_space<hbm>> -> memref<1x4x1280xi32, #tpu.memory_space<hbm>>
      %dma_start3A_9 = tpu.memref_squeeze %dma_start3A_8 : memref<1x4x1280xi32, #tpu.memory_space<hbm>> -> memref<4x1280xi32, #tpu.memory_space<hbm>>
      %dma_start3A_10 = arith.constant 0 : i32
      %dma_start3A_11 = arith.constant 0 : i32
      %dma_start3A_12 = tpu.memref_slice %arg4[%add3A, %dma_start3A_10, %dma_start3A_11] : memref<32x4x1280xi32, #tpu.memory_space<hbm>> -> memref<1x4x1280xi32, #tpu.memory_space<hbm>>
      %dma_start3A_13 = tpu.memref_squeeze %dma_start3A_12 : memref<1x4x1280xi32, #tpu.memory_space<hbm>> -> memref<4x1280xi32, #tpu.memory_space<hbm>>
      tpu.enqueue_dma source(%dma_start3A_13 : memref<4x1280xi32, #tpu.memory_space<hbm>>) target(%arg8 : memref<4x1280xi32, #tpu.memory_space<vmem>>) target_semaphore(%run_scoped3A : memref<!tpu.dma_semaphore, #tpu.memory_space<semaphore_mem>>)
      %dma_wait3A = arith.constant 0 : i32
      %dma_wait3A_14 = arith.constant 0 : i32
      %dma_wait3A_15 = tpu.memref_slice %arg4[%add3A, %dma_wait3A, %dma_wait3A_14] : memref<32x4x1280xi32, #tpu.memory_space<hbm>> -> memref<1x4x1280xi32, #tpu.memory_space<hbm>>
      %dma_wait3A_16 = tpu.memref_squeeze %dma_wait3A_15 : memref<1x4x1280xi32, #tpu.memory_space<hbm>> -> memref<4x1280xi32, #tpu.memory_space<hbm>>
      %dma_wait3A_17 = arith.constant 0 : i32
      %dma_wait3A_18 = arith.constant 0 : i32
      %dma_wait3A_19 = tpu.memref_slice %arg4[%add3A, %dma_wait3A_17, %dma_wait3A_18] : memref<32x4x1280xi32, #tpu.memory_space<hbm>> -> memref<1x4x1280xi32, #tpu.memory_space<hbm>>
      %dma_wait3A_20 = tpu.memref_squeeze %dma_wait3A_19 : memref<1x4x1280xi32, #tpu.memory_space<hbm>> -> memref<4x1280xi32, #tpu.memory_space<hbm>>
      tpu.wait_dma2 semaphore(%run_scoped3A : memref<!tpu.dma_semaphore, #tpu.memory_space<semaphore_mem>>) src(%dma_wait3A_20 : memref<4x1280xi32, #tpu.memory_space<hbm>>) dst(%arg8 : memref<4x1280xi32, #tpu.memory_space<vmem>>)
      tpu.yield
    }) : () -> ()
    "tpu.region"() ({
      %run_scoped3A = tpu.sem_alloc : memref<!tpu.dma_semaphore, #tpu.memory_space<semaphore_mem>>
      %dma_start3A = arith.constant 0 : i32
      %dma_start3A_7 = arith.constant 0 : i32
      %dma_start3A_8 = tpu.memref_slice %arg5[%add3A, %dma_start3A, %dma_start3A_7] : memref<32x4x1280xi32, #tpu.memory_space<hbm>> -> memref<1x4x1280xi32, #tpu.memory_space<hbm>>
      %dma_start3A_9 = tpu.memref_squeeze %dma_start3A_8 : memref<1x4x1280xi32, #tpu.memory_space<hbm>> -> memref<4x1280xi32, #tpu.memory_space<hbm>>
      %dma_start3A_10 = arith.constant 0 : i32
      %dma_start3A_11 = arith.constant 0 : i32
      %dma_start3A_12 = tpu.memref_slice %arg5[%add3A, %dma_start3A_10, %dma_start3A_11] : memref<32x4x1280xi32, #tpu.memory_space<hbm>> -> memref<1x4x1280xi32, #tpu.memory_space<hbm>>
      %dma_start3A_13 = tpu.memref_squeeze %dma_start3A_12 : memref<1x4x1280xi32, #tpu.memory_space<hbm>> -> memref<4x1280xi32, #tpu.memory_space<hbm>>
      tpu.enqueue_dma source(%dma_start3A_13 : memref<4x1280xi32, #tpu.memory_space<hbm>>) target(%arg9 : memref<4x1280xi32, #tpu.memory_space<vmem>>) target_semaphore(%run_scoped3A : memref<!tpu.dma_semaphore, #tpu.memory_space<semaphore_mem>>)
      %dma_wait3A = arith.constant 0 : i32
      %dma_wait3A_14 = arith.constant 0 : i32
      %dma_wait3A_15 = tpu.memref_slice %arg5[%add3A, %dma_wait3A, %dma_wait3A_14] : memref<32x4x1280xi32, #tpu.memory_space<hbm>> -> memref<1x4x1280xi32, #tpu.memory_space<hbm>>
      %dma_wait3A_16 = tpu.memref_squeeze %dma_wait3A_15 : memref<1x4x1280xi32, #tpu.memory_space<hbm>> -> memref<4x1280xi32, #tpu.memory_space<hbm>>
      %dma_wait3A_17 = arith.constant 0 : i32
      %dma_wait3A_18 = arith.constant 0 : i32
      %dma_wait3A_19 = tpu.memref_slice %arg5[%add3A, %dma_wait3A_17, %dma_wait3A_18] : memref<32x4x1280xi32, #tpu.memory_space<hbm>> -> memref<1x4x1280xi32, #tpu.memory_space<hbm>>
      %dma_wait3A_20 = tpu.memref_squeeze %dma_wait3A_19 : memref<1x4x1280xi32, #tpu.memory_space<hbm>> -> memref<4x1280xi32, #tpu.memory_space<hbm>>
      tpu.wait_dma2 semaphore(%run_scoped3A : memref<!tpu.dma_semaphore, #tpu.memory_space<semaphore_mem>>) src(%dma_wait3A_20 : memref<4x1280xi32, #tpu.memory_space<hbm>>) dst(%arg9 : memref<4x1280xi32, #tpu.memory_space<vmem>>)
      tpu.yield
    }) : () -> ()
    %scan3A = arith.constant 0 : i32
    %scan3A_1 = arith.constant 0 : i32
    %scan3A_2 = arith.constant 4 : i32
    %scan3A_3 = arith.addi %scan3A_1, %scan3A_2 : i32
    %scan3A_4 = arith.constant 1 : i32
    %scan3A_5 = scf.for %scan3A_7 = %scan3A_1 to %scan3A_3 step %scan3A_4 iter_args(%scan3A_8 = %scan3A) -> (i32)  : i32 {
      %dma_start3A = arith.constant 0 : i32
      %dma_start3A_9 = tpu.memref_slice %arg8[%scan3A_7, %dma_start3A] : memref<4x1280xi32, #tpu.memory_space<vmem>> -> memref<1x1280xi32, #tpu.memory_space<vmem>>
      %dma_start3A_10 = tpu.memref_squeeze %dma_start3A_9 : memref<1x1280xi32, #tpu.memory_space<vmem>> -> memref<1280xi32, #tpu.memory_space<vmem>>
      %dma_start3A_11 = arith.constant 0 : i32
      %dma_start3A_12 = arith.constant 0 : i32
      %dma_start3A_13 = tpu.memref_slice %arg2[%dma_start3A_11, %dma_start3A_12] : memref<10000x32xf32, #tpu.memory_space<hbm>> -> memref<10000x32xf32, #tpu.memory_space<hbm>>
      tpu.enqueue_indirect_dma source(%dma_start3A_13 : memref<10000x32xf32, #tpu.memory_space<hbm>>) target(%arg10 : memref<1280x32xf32, #tpu.memory_space<vmem>>) offsets(%dma_start3A_10 : memref<1280xi32, #tpu.memory_space<vmem>>) semaphore(%arg12 : memref<!tpu.dma_semaphore, #tpu.memory_space<semaphore_mem>>)
      %dma_start3A_14 = arith.constant 0 : i32
      %dma_start3A_15 = tpu.memref_slice %arg9[%scan3A_7, %dma_start3A_14] : memref<4x1280xi32, #tpu.memory_space<vmem>> -> memref<1x1280xi32, #tpu.memory_space<vmem>>
      %dma_start3A_16 = tpu.memref_squeeze %dma_start3A_15 : memref<1x1280xi32, #tpu.memory_space<vmem>> -> memref<1280xi32, #tpu.memory_space<vmem>>
      %dma_start3A_17 = arith.constant 0 : i32
      %dma_start3A_18 = arith.constant 0 : i32
      %dma_start3A_19 = tpu.memref_slice %arg3[%dma_start3A_17, %dma_start3A_18] : memref<10000x16xf32, #tpu.memory_space<hbm>> -> memref<10000x16xf32, #tpu.memory_space<hbm>>
      tpu.enqueue_indirect_dma source(%dma_start3A_19 : memref<10000x16xf32, #tpu.memory_space<hbm>>) target(%arg11 : memref<1280x16xf32, #tpu.memory_space<vmem>>) offsets(%dma_start3A_16 : memref<1280xi32, #tpu.memory_space<vmem>>) semaphore(%arg12 : memref<!tpu.dma_semaphore, #tpu.memory_space<semaphore_mem>>)
      %mul3A_20 = arith.constant 5120 : i32
      %mul3A_21 = arith.muli %add3A, %mul3A_20 : i32
      %mul3A_22 = arith.constant 1280 : i32
      %mul3A_23 = arith.muli %scan3A_7, %mul3A_22 : i32
      %add3A_24 = arith.addi %mul3A_21, %mul3A_23 : i32
      %dma_wait3A = arith.constant 0 : i32
      %dma_wait3A_25 = tpu.memref_slice %arg8[%scan3A_7, %dma_wait3A] : memref<4x1280xi32, #tpu.memory_space<vmem>> -> memref<1x1280xi32, #tpu.memory_space<vmem>>
      %dma_wait3A_26 = tpu.memref_squeeze %dma_wait3A_25 : memref<1x1280xi32, #tpu.memory_space<vmem>> -> memref<1280xi32, #tpu.memory_space<vmem>>
      %dma_wait3A_27 = arith.constant 0 : i32
      %dma_wait3A_28 = arith.constant 0 : i32
      %dma_wait3A_29 = tpu.memref_slice %arg2[%dma_wait3A_27, %dma_wait3A_28] : memref<10000x32xf32, #tpu.memory_space<hbm>> -> memref<10000x32xf32, #tpu.memory_space<hbm>>
      tpu.wait_indirect_dma semaphore(%arg12 : memref<!tpu.dma_semaphore, #tpu.memory_space<semaphore_mem>>) src(%dma_wait3A_29 : memref<10000x32xf32, #tpu.memory_space<hbm>>) dst(%arg10 : memref<1280x32xf32, #tpu.memory_space<vmem>>)
      %dma_wait3A_30 = arith.constant 0 : i32
      %dma_wait3A_31 = tpu.memref_slice %arg9[%scan3A_7, %dma_wait3A_30] : memref<4x1280xi32, #tpu.memory_space<vmem>> -> memref<1x1280xi32, #tpu.memory_space<vmem>>
      %dma_wait3A_32 = tpu.memref_squeeze %dma_wait3A_31 : memref<1x1280xi32, #tpu.memory_space<vmem>> -> memref<1280xi32, #tpu.memory_space<vmem>>
      %dma_wait3A_33 = arith.constant 0 : i32
      %dma_wait3A_34 = arith.constant 0 : i32
      %dma_wait3A_35 = tpu.memref_slice %arg3[%dma_wait3A_33, %dma_wait3A_34] : memref<10000x16xf32, #tpu.memory_space<hbm>> -> memref<10000x16xf32, #tpu.memory_space<hbm>>
      tpu.wait_indirect_dma semaphore(%arg12 : memref<!tpu.dma_semaphore, #tpu.memory_space<semaphore_mem>>) src(%dma_wait3A_35 : memref<10000x16xf32, #tpu.memory_space<hbm>>) dst(%arg11 : memref<1280x16xf32, #tpu.memory_space<vmem>>)
      "tpu.region"() ({
        %run_scoped3A = tpu.sem_alloc : memref<!tpu.dma_semaphore, #tpu.memory_space<semaphore_mem>>
        %dma_start3A_37 = arith.constant 0 : i32
        %dma_start3A_38 = tpu.memref_slice %arg6[%add3A_24, %dma_start3A_37] : memref<163840x32xf32, #tpu.memory_space<hbm>> -> memref<1280x32xf32, #tpu.memory_space<hbm>>
        %dma_start3A_39 = arith.constant 0 : i32
        %dma_start3A_40 = tpu.memref_slice %arg6[%add3A_24, %dma_start3A_39] : memref<163840x32xf32, #tpu.memory_space<hbm>> -> memref<1280x32xf32, #tpu.memory_space<hbm>>
        tpu.enqueue_dma source(%arg10 : memref<1280x32xf32, #tpu.memory_space<vmem>>) target(%dma_start3A_40 : memref<1280x32xf32, #tpu.memory_space<hbm>>) target_semaphore(%run_scoped3A : memref<!tpu.dma_semaphore, #tpu.memory_space<semaphore_mem>>)
        %dma_wait3A_41 = arith.constant 0 : i32
        %dma_wait3A_42 = tpu.memref_slice %arg6[%add3A_24, %dma_wait3A_41] : memref<163840x32xf32, #tpu.memory_space<hbm>> -> memref<1280x32xf32, #tpu.memory_space<hbm>>
        %dma_wait3A_43 = arith.constant 0 : i32
        %dma_wait3A_44 = tpu.memref_slice %arg6[%add3A_24, %dma_wait3A_43] : memref<163840x32xf32, #tpu.memory_space<hbm>> -> memref<1280x32xf32, #tpu.memory_space<hbm>>
        tpu.wait_dma2 semaphore(%run_scoped3A : memref<!tpu.dma_semaphore, #tpu.memory_space<semaphore_mem>>) src(%arg10 : memref<1280x32xf32, #tpu.memory_space<vmem>>) dst(%dma_wait3A_44 : memref<1280x32xf32, #tpu.memory_space<hbm>>)
        tpu.yield
      }) : () -> ()
      "tpu.region"() ({
        %run_scoped3A = tpu.sem_alloc : memref<!tpu.dma_semaphore, #tpu.memory_space<semaphore_mem>>
        %dma_start3A_37 = arith.constant 0 : i32
        %dma_start3A_38 = tpu.memref_slice %arg7[%add3A_24, %dma_start3A_37] : memref<163840x16xf32, #tpu.memory_space<hbm>> -> memref<1280x16xf32, #tpu.memory_space<hbm>>
        %dma_start3A_39 = arith.constant 0 : i32
        %dma_start3A_40 = tpu.memref_slice %arg7[%add3A_24, %dma_start3A_39] : memref<163840x16xf32, #tpu.memory_space<hbm>> -> memref<1280x16xf32, #tpu.memory_space<hbm>>
        tpu.enqueue_dma source(%arg11 : memref<1280x16xf32, #tpu.memory_space<vmem>>) target(%dma_start3A_40 : memref<1280x16xf32, #tpu.memory_space<hbm>>) target_semaphore(%run_scoped3A : memref<!tpu.dma_semaphore, #tpu.memory_space<semaphore_mem>>)
        %dma_wait3A_41 = arith.constant 0 : i32
        %dma_wait3A_42 = tpu.memref_slice %arg7[%add3A_24, %dma_wait3A_41] : memref<163840x16xf32, #tpu.memory_space<hbm>> -> memref<1280x16xf32, #tpu.memory_space<hbm>>
        %dma_wait3A_43 = arith.constant 0 : i32
        %dma_wait3A_44 = tpu.memref_slice %arg7[%add3A_24, %dma_wait3A_43] : memref<163840x16xf32, #tpu.memory_space<hbm>> -> memref<1280x16xf32, #tpu.memory_space<hbm>>
        tpu.wait_dma2 semaphore(%run_scoped3A : memref<!tpu.dma_semaphore, #tpu.memory_space<semaphore_mem>>) src(%arg11 : memref<1280x16xf32, #tpu.memory_space<vmem>>) dst(%dma_wait3A_44 : memref<1280x16xf32, #tpu.memory_space<hbm>>)
        tpu.yield
      }) : () -> ()
      %scan3A_36 = arith.constant 0 : i32
      scf.yield %scan3A_36 : i32
    }
    %scan3A_6 = arith.constant 4 : i32
    return
  }
}

#map = affine_map<(d0, d1) -> (0, 0)>
#map1 = affine_map<(d0, d1) -> (0, 0, 0)>
module attributes {stable_mosaic.version = 14 : i64} {
  func.func @_scatter_body(%arg0: i32, %arg1: i32, %arg2: memref<163840x32xf32, #tpu.memory_space<hbm>>, %arg3: memref<32x4x1280xi32, #tpu.memory_space<hbm>>, %arg4: memref<10016x32xf32, #tpu.memory_space<hbm>>, %arg5: memref<2x10016x32xf32, #tpu.memory_space<hbm>>, %arg6: memref<10016x32xf32, #tpu.memory_space<vmem_shared>>, %arg7: memref<4x1280xi32, #tpu.memory_space<vmem>>, %arg8: memref<1280x32xf32, #tpu.memory_space<vmem>>, %arg9: memref<!tpu.dma_semaphore, #tpu.memory_space<semaphore_mem>>) attributes {dimension_semantics = [#tpu.dimension_semantics<core_parallel>, #tpu.dimension_semantics<subcore_parallel>], iteration_bounds = array<i64: 2, 16>, scalar_prefetch = 0 : i64, scratch_operands = 4 : i64, tpu.core_type = #tpu.core_type<sc_vector_subcore>, window_params = [{transform_indices = #map}, {transform_indices = #map1}, {transform_indices = #map}, {transform_indices = #map1}]} {
    %mul3A = arith.constant 2 : i32
    %mul3A_0 = arith.muli %arg1, %mul3A : i32
    %add3A = arith.addi %mul3A_0, %arg0 : i32
    %mul3A_1 = arith.constant 626 : i32
    %mul3A_2 = arith.muli %arg1, %mul3A_1 : i32
    %mul3A_3 = arith.constant 626 : i32
    %mul3A_4 = arith.muli %arg1, %mul3A_3 : i32
    "tpu.region"() ({
      %run_scoped3A = tpu.sem_alloc : memref<!tpu.dma_semaphore, #tpu.memory_space<semaphore_mem>>
      %dma_start3A = arith.constant 0 : i32
      %dma_start3A_16 = tpu.memref_slice %arg6[%mul3A_4, %dma_start3A] : memref<10016x32xf32, #tpu.memory_space<vmem_shared>> -> memref<626x32xf32, #tpu.memory_space<vmem_shared>>
      %dma_start3A_17 = arith.constant 0 : i32
      %dma_start3A_18 = tpu.memref_slice %arg4[%mul3A_2, %dma_start3A_17] : memref<10016x32xf32, #tpu.memory_space<hbm>> -> memref<626x32xf32, #tpu.memory_space<hbm>>
      tpu.enqueue_dma source(%dma_start3A_18 : memref<626x32xf32, #tpu.memory_space<hbm>>) target(%dma_start3A_16 : memref<626x32xf32, #tpu.memory_space<vmem_shared>>) target_semaphore(%run_scoped3A : memref<!tpu.dma_semaphore, #tpu.memory_space<semaphore_mem>>)
      %dma_wait3A = arith.constant 0 : i32
      %dma_wait3A_19 = tpu.memref_slice %arg6[%mul3A_4, %dma_wait3A] : memref<10016x32xf32, #tpu.memory_space<vmem_shared>> -> memref<626x32xf32, #tpu.memory_space<vmem_shared>>
      %dma_wait3A_20 = arith.constant 0 : i32
      %dma_wait3A_21 = tpu.memref_slice %arg4[%mul3A_2, %dma_wait3A_20] : memref<10016x32xf32, #tpu.memory_space<hbm>> -> memref<626x32xf32, #tpu.memory_space<hbm>>
      tpu.wait_dma2 semaphore(%run_scoped3A : memref<!tpu.dma_semaphore, #tpu.memory_space<semaphore_mem>>) src(%dma_wait3A_21 : memref<626x32xf32, #tpu.memory_space<hbm>>) dst(%dma_wait3A_19 : memref<626x32xf32, #tpu.memory_space<vmem_shared>>)
      tpu.yield
    }) : () -> ()
    "tpu.region"() ({
      %run_scoped3A = tpu.sem_alloc : memref<!tpu.dma_semaphore, #tpu.memory_space<semaphore_mem>>
      %dma_start3A = arith.constant 0 : i32
      %dma_start3A_16 = arith.constant 0 : i32
      %dma_start3A_17 = tpu.memref_slice %arg3[%add3A, %dma_start3A, %dma_start3A_16] : memref<32x4x1280xi32, #tpu.memory_space<hbm>> -> memref<1x4x1280xi32, #tpu.memory_space<hbm>>
      %dma_start3A_18 = tpu.memref_squeeze %dma_start3A_17 : memref<1x4x1280xi32, #tpu.memory_space<hbm>> -> memref<4x1280xi32, #tpu.memory_space<hbm>>
      %dma_start3A_19 = arith.constant 0 : i32
      %dma_start3A_20 = arith.constant 0 : i32
      %dma_start3A_21 = tpu.memref_slice %arg3[%add3A, %dma_start3A_19, %dma_start3A_20] : memref<32x4x1280xi32, #tpu.memory_space<hbm>> -> memref<1x4x1280xi32, #tpu.memory_space<hbm>>
      %dma_start3A_22 = tpu.memref_squeeze %dma_start3A_21 : memref<1x4x1280xi32, #tpu.memory_space<hbm>> -> memref<4x1280xi32, #tpu.memory_space<hbm>>
      tpu.enqueue_dma source(%dma_start3A_22 : memref<4x1280xi32, #tpu.memory_space<hbm>>) target(%arg7 : memref<4x1280xi32, #tpu.memory_space<vmem>>) target_semaphore(%run_scoped3A : memref<!tpu.dma_semaphore, #tpu.memory_space<semaphore_mem>>)
      %dma_wait3A = arith.constant 0 : i32
      %dma_wait3A_23 = arith.constant 0 : i32
      %dma_wait3A_24 = tpu.memref_slice %arg3[%add3A, %dma_wait3A, %dma_wait3A_23] : memref<32x4x1280xi32, #tpu.memory_space<hbm>> -> memref<1x4x1280xi32, #tpu.memory_space<hbm>>
      %dma_wait3A_25 = tpu.memref_squeeze %dma_wait3A_24 : memref<1x4x1280xi32, #tpu.memory_space<hbm>> -> memref<4x1280xi32, #tpu.memory_space<hbm>>
      %dma_wait3A_26 = arith.constant 0 : i32
      %dma_wait3A_27 = arith.constant 0 : i32
      %dma_wait3A_28 = tpu.memref_slice %arg3[%add3A, %dma_wait3A_26, %dma_wait3A_27] : memref<32x4x1280xi32, #tpu.memory_space<hbm>> -> memref<1x4x1280xi32, #tpu.memory_space<hbm>>
      %dma_wait3A_29 = tpu.memref_squeeze %dma_wait3A_28 : memref<1x4x1280xi32, #tpu.memory_space<hbm>> -> memref<4x1280xi32, #tpu.memory_space<hbm>>
      tpu.wait_dma2 semaphore(%run_scoped3A : memref<!tpu.dma_semaphore, #tpu.memory_space<semaphore_mem>>) src(%dma_wait3A_29 : memref<4x1280xi32, #tpu.memory_space<hbm>>) dst(%arg7 : memref<4x1280xi32, #tpu.memory_space<vmem>>)
      tpu.yield
    }) : () -> ()
    %barrier3A = arith.constant 0 : index
    tpu.barrier barrier_id(%barrier3A)
    %scan3A = arith.constant 0 : i32
    %scan3A_5 = arith.constant 0 : i32
    %scan3A_6 = arith.constant 4 : i32
    %scan3A_7 = arith.addi %scan3A_5, %scan3A_6 : i32
    %scan3A_8 = arith.constant 1 : i32
    %scan3A_9 = scf.for %scan3A_16 = %scan3A_5 to %scan3A_7 step %scan3A_8 iter_args(%scan3A_17 = %scan3A) -> (i32)  : i32 {
      %mul3A_18 = arith.constant 5120 : i32
      %mul3A_19 = arith.muli %add3A, %mul3A_18 : i32
      %mul3A_20 = arith.constant 1280 : i32
      %mul3A_21 = arith.muli %scan3A_16, %mul3A_20 : i32
      %add3A_22 = arith.addi %mul3A_19, %mul3A_21 : i32
      %dma_start3A = arith.constant 0 : i32
      %dma_start3A_23 = tpu.memref_slice %arg2[%add3A_22, %dma_start3A] : memref<163840x32xf32, #tpu.memory_space<hbm>> -> memref<1280x32xf32, #tpu.memory_space<hbm>>
      %dma_start3A_24 = arith.constant 0 : i32
      %dma_start3A_25 = tpu.memref_slice %arg2[%add3A_22, %dma_start3A_24] : memref<163840x32xf32, #tpu.memory_space<hbm>> -> memref<1280x32xf32, #tpu.memory_space<hbm>>
      tpu.enqueue_dma source(%dma_start3A_25 : memref<1280x32xf32, #tpu.memory_space<hbm>>) target(%arg8 : memref<1280x32xf32, #tpu.memory_space<vmem>>) target_semaphore(%arg9 : memref<!tpu.dma_semaphore, #tpu.memory_space<semaphore_mem>>)
      %mul3A_26 = arith.constant 5120 : i32
      %mul3A_27 = arith.muli %add3A, %mul3A_26 : i32
      %mul3A_28 = arith.constant 1280 : i32
      %mul3A_29 = arith.muli %scan3A_16, %mul3A_28 : i32
      %add3A_30 = arith.addi %mul3A_27, %mul3A_29 : i32
      %dma_wait3A = arith.constant 0 : i32
      %dma_wait3A_31 = tpu.memref_slice %arg2[%add3A_30, %dma_wait3A] : memref<163840x32xf32, #tpu.memory_space<hbm>> -> memref<1280x32xf32, #tpu.memory_space<hbm>>
      %dma_wait3A_32 = arith.constant 0 : i32
      %dma_wait3A_33 = tpu.memref_slice %arg2[%add3A_30, %dma_wait3A_32] : memref<163840x32xf32, #tpu.memory_space<hbm>> -> memref<1280x32xf32, #tpu.memory_space<hbm>>
      tpu.wait_dma2 semaphore(%arg9 : memref<!tpu.dma_semaphore, #tpu.memory_space<semaphore_mem>>) src(%dma_wait3A_33 : memref<1280x32xf32, #tpu.memory_space<hbm>>) dst(%arg8 : memref<1280x32xf32, #tpu.memory_space<vmem>>)
      "tpu.region"() ({
        %run_scoped3A = tpu.sem_alloc : memref<!tpu.dma_semaphore, #tpu.memory_space<semaphore_mem>>
        %dma_start3A_35 = arith.constant 0 : i32
        %dma_start3A_36 = tpu.memref_slice %arg7[%scan3A_16, %dma_start3A_35] : memref<4x1280xi32, #tpu.memory_space<vmem>> -> memref<1x1280xi32, #tpu.memory_space<vmem>>
        %dma_start3A_37 = tpu.memref_squeeze %dma_start3A_36 : memref<1x1280xi32, #tpu.memory_space<vmem>> -> memref<1280xi32, #tpu.memory_space<vmem>>
        %dma_start3A_38 = arith.constant 0 : i32
        %dma_start3A_39 = arith.constant 0 : i32
        %dma_start3A_40 = tpu.memref_slice %arg6[%dma_start3A_38, %dma_start3A_39] : memref<10016x32xf32, #tpu.memory_space<vmem_shared>> -> memref<10016x32xf32, #tpu.memory_space<vmem_shared>>
        tpu.enqueue_indirect_dma source(%arg8 : memref<1280x32xf32, #tpu.memory_space<vmem>>) target(%dma_start3A_40 : memref<10016x32xf32, #tpu.memory_space<vmem_shared>>) offsets(%dma_start3A_37 : memref<1280xi32, #tpu.memory_space<vmem>>) semaphore(%run_scoped3A : memref<!tpu.dma_semaphore, #tpu.memory_space<semaphore_mem>>) {add = true}
        %dma_wait3A_41 = arith.constant 0 : i32
        %dma_wait3A_42 = tpu.memref_slice %arg7[%scan3A_16, %dma_wait3A_41] : memref<4x1280xi32, #tpu.memory_space<vmem>> -> memref<1x1280xi32, #tpu.memory_space<vmem>>
        %dma_wait3A_43 = tpu.memref_squeeze %dma_wait3A_42 : memref<1x1280xi32, #tpu.memory_space<vmem>> -> memref<1280xi32, #tpu.memory_space<vmem>>
        %dma_wait3A_44 = arith.constant 0 : i32
        %dma_wait3A_45 = arith.constant 0 : i32
        %dma_wait3A_46 = tpu.memref_slice %arg6[%dma_wait3A_44, %dma_wait3A_45] : memref<10016x32xf32, #tpu.memory_space<vmem_shared>> -> memref<10016x32xf32, #tpu.memory_space<vmem_shared>>
        tpu.wait_indirect_dma semaphore(%run_scoped3A : memref<!tpu.dma_semaphore, #tpu.memory_space<semaphore_mem>>) src(%arg8 : memref<1280x32xf32, #tpu.memory_space<vmem>>) dst(%dma_wait3A_46 : memref<10016x32xf32, #tpu.memory_space<vmem_shared>>)
        tpu.yield
      }) : () -> ()
      %scan3A_34 = arith.constant 0 : i32
      scf.yield %scan3A_34 : i32
    }
    %scan3A_10 = arith.constant 4 : i32
    %barrier3A_11 = arith.constant 0 : index
    tpu.barrier barrier_id(%barrier3A_11)
    %mul3A_12 = arith.constant 626 : i32
    %mul3A_13 = arith.muli %arg1, %mul3A_12 : i32
    %mul3A_14 = arith.constant 626 : i32
    %mul3A_15 = arith.muli %arg1, %mul3A_14 : i32
    "tpu.region"() ({
      %run_scoped3A = tpu.sem_alloc : memref<!tpu.dma_semaphore, #tpu.memory_space<semaphore_mem>>
      %dma_start3A = arith.constant 0 : i32
      %dma_start3A_16 = tpu.memref_slice %arg5[%arg0, %mul3A_15, %dma_start3A] : memref<2x10016x32xf32, #tpu.memory_space<hbm>> -> memref<1x626x32xf32, #tpu.memory_space<hbm>>
      %dma_start3A_17 = tpu.memref_squeeze %dma_start3A_16 : memref<1x626x32xf32, #tpu.memory_space<hbm>> -> memref<626x32xf32, #tpu.memory_space<hbm>>
      %dma_start3A_18 = arith.constant 0 : i32
      %dma_start3A_19 = tpu.memref_slice %arg6[%mul3A_13, %dma_start3A_18] : memref<10016x32xf32, #tpu.memory_space<vmem_shared>> -> memref<626x32xf32, #tpu.memory_space<vmem_shared>>
      tpu.enqueue_dma source(%dma_start3A_19 : memref<626x32xf32, #tpu.memory_space<vmem_shared>>) target(%dma_start3A_17 : memref<626x32xf32, #tpu.memory_space<hbm>>) target_semaphore(%run_scoped3A : memref<!tpu.dma_semaphore, #tpu.memory_space<semaphore_mem>>)
      %dma_wait3A = arith.constant 0 : i32
      %dma_wait3A_20 = tpu.memref_slice %arg5[%arg0, %mul3A_15, %dma_wait3A] : memref<2x10016x32xf32, #tpu.memory_space<hbm>> -> memref<1x626x32xf32, #tpu.memory_space<hbm>>
      %dma_wait3A_21 = tpu.memref_squeeze %dma_wait3A_20 : memref<1x626x32xf32, #tpu.memory_space<hbm>> -> memref<626x32xf32, #tpu.memory_space<hbm>>
      %dma_wait3A_22 = arith.constant 0 : i32
      %dma_wait3A_23 = tpu.memref_slice %arg6[%mul3A_13, %dma_wait3A_22] : memref<10016x32xf32, #tpu.memory_space<vmem_shared>> -> memref<626x32xf32, #tpu.memory_space<vmem_shared>>
      tpu.wait_dma2 semaphore(%run_scoped3A : memref<!tpu.dma_semaphore, #tpu.memory_space<semaphore_mem>>) src(%dma_wait3A_23 : memref<626x32xf32, #tpu.memory_space<vmem_shared>>) dst(%dma_wait3A_21 : memref<626x32xf32, #tpu.memory_space<hbm>>)
      tpu.yield
    }) : () -> ()
    return
  }
}

module attributes {stable_mosaic.version = 14 : i64} {
  func.func @_h0_body(%arg0: memref<10000x128xf32, #tpu.memory_space<vmem>>, %arg1: memref<128x16xf32, #tpu.memory_space<vmem>>, %arg2: memref<1x16xf32, #tpu.memory_space<vmem>>, %arg3: memref<10000x4xf32, #tpu.memory_space<vmem>>, %arg4: memref<10000x32xf32, #tpu.memory_space<vmem>>, %arg5: memref<10000x16xf32, #tpu.memory_space<vmem>>) attributes {dimension_semantics = [], scalar_prefetch = 0 : i64, scratch_operands = 0 : i64, tpu.core_type = #tpu.core_type<tc>} {
    %get3A = arith.constant 0 : index
    %get3A_0 = arith.constant 0 : index
    %get3A_1 = vector.load %arg0[%get3A, %get3A_0] : memref<10000x128xf32, #tpu.memory_space<vmem>>, vector<10000x128xf32>
    %get3A_2 = arith.constant 0 : index
    %get3A_3 = arith.constant 0 : index
    %get3A_4 = vector.load %arg1[%get3A_2, %get3A_3] : memref<128x16xf32, #tpu.memory_space<vmem>>, vector<128x16xf32>
    %dot_general3A = arith.constant dense<0.000000e+00> : vector<10000x16xf32>
    %dot_general3A_5 = tpu.matmul %get3A_1, %get3A_4, %dot_general3A {dimension_numbers = #tpu.dot_dimension_numbers<[1], [0], [0], [1], [0, 0, 1, 1], [], []>, transpose_lhs_hint = false} : vector<10000x128xf32>, vector<128x16xf32>, vector<10000x16xf32> -> vector<10000x16xf32>
    %get3A_6 = arith.constant 0 : index
    %get3A_7 = arith.constant 0 : index
    %get3A_8 = vector.load %arg2[%get3A_6, %get3A_7] : memref<1x16xf32, #tpu.memory_space<vmem>>, vector<1x16xf32>
    %add3A = vector.broadcast %get3A_8 : vector<1x16xf32> to vector<10000x16xf32>
    %add3A_9 = arith.addf %dot_general3A_5, %add3A : vector<10000x16xf32>
    %get3A_10 = arith.constant 0 : index
    %get3A_11 = arith.constant 0 : index
    %get3A_12 = vector.load %arg3[%get3A_10, %get3A_11] : memref<10000x4xf32, #tpu.memory_space<vmem>>, vector<10000x4xf32>
    %broadcast_in_dim3A = arith.constant 0.000000e+00 : f32
    %broadcast_in_dim3A_13 = vector.broadcast %broadcast_in_dim3A : f32 to vector<10000x12xf32>
    %concatenate3A = tpu.concatenate %add3A_9, %get3A_12, %broadcast_in_dim3A_13 in 1 : vector<10000x16xf32>, vector<10000x4xf32>, vector<10000x12xf32> -> vector<10000x32xf32>
    %swap3A = arith.constant 0 : index
    %swap3A_14 = arith.constant 0 : index
    %swap3A_15 = vector.load %arg4[%swap3A, %swap3A_14] : memref<10000x32xf32, #tpu.memory_space<vmem>>, vector<10000x32xf32>
    tpu.vector_store %arg4[%swap3A, %swap3A_14], %concatenate3A {strides = array<i32>} : memref<10000x32xf32, #tpu.memory_space<vmem>>, vector<10000x32xf32>,
    %concatenate3A_16 = tpu.concatenate %get3A_12, %broadcast_in_dim3A_13 in 1 : vector<10000x4xf32>, vector<10000x12xf32> -> vector<10000x16xf32>
    %swap3A_17 = arith.constant 0 : index
    %swap3A_18 = arith.constant 0 : index
    %swap3A_19 = vector.load %arg5[%swap3A_17, %swap3A_18] : memref<10000x16xf32, #tpu.memory_space<vmem>>, vector<10000x16xf32>
    tpu.vector_store %arg5[%swap3A_17, %swap3A_18], %concatenate3A_16 {strides = array<i32>} : memref<10000x16xf32, #tpu.memory_space<vmem>>, vector<10000x16xf32>,
    return
  }
}

module attributes {stable_mosaic.version = 14 : i64} {
  func.func @_edge_body(%arg0: i32, %arg1: memref<4096x4xf32, #tpu.memory_space<vmem>>, %arg2: memref<4096x32xf32, #tpu.memory_space<vmem>>, %arg3: memref<4096x16xf32, #tpu.memory_space<vmem>>, %arg4: memref<5x32xf32, #tpu.memory_space<vmem>>, %arg5: memref<1x32xf32, #tpu.memory_space<vmem>>, %arg6: memref<16x512xf32, #tpu.memory_space<vmem>>, %arg7: memref<32x512xf32, #tpu.memory_space<vmem>>, %arg8: memref<16x16xf32, #tpu.memory_space<vmem>>, %arg9: memref<1x16xf32, #tpu.memory_space<vmem>>, %arg10: memref<4096x32xf32, #tpu.memory_space<vmem>>) attributes {dimension_semantics = [#tpu.dimension_semantics<arbitrary>], iteration_bounds = array<i64: 40>, scalar_prefetch = 0 : i64, scratch_operands = 0 : i64, tpu.core_type = #tpu.core_type<tc>, window_params = [{transform_indices = @transform_0, window_bounds = array<i64: 4096, 4>}, {transform_indices = @transform_1, window_bounds = array<i64: 4096, 32>}, {transform_indices = @transform_2, window_bounds = array<i64: 4096, 16>}, {pipeline_mode = #tpu.pipeline_mode<synchronous>, transform_indices = @transform_3, window_bounds = array<i64: 5, 32>}, {pipeline_mode = #tpu.pipeline_mode<synchronous>, transform_indices = @transform_4, window_bounds = array<i64: 1, 32>}, {pipeline_mode = #tpu.pipeline_mode<synchronous>, transform_indices = @transform_5, window_bounds = array<i64: 16, 512>}, {pipeline_mode = #tpu.pipeline_mode<synchronous>, transform_indices = @transform_6, window_bounds = array<i64: 32, 512>}, {pipeline_mode = #tpu.pipeline_mode<synchronous>, transform_indices = @transform_7, window_bounds = array<i64: 16, 16>}, {pipeline_mode = #tpu.pipeline_mode<synchronous>, transform_indices = @transform_8, window_bounds = array<i64: 1, 16>}, {transform_indices = @transform_9, window_bounds = array<i64: 4096, 32>}]} {
    %mul3A = arith.constant 4096 : i32
    %mul3A_0 = arith.muli %arg0, %mul3A : i32
    %iota3A = tpu.iota {dimensions = array<i32: 0>} : vector<4096x1xi32>
    %add3A = vector.broadcast %mul3A_0 : i32 to vector<4096x1xi32>
    %add3A_1 = arith.addi %add3A, %iota3A : vector<4096x1xi32>
    %lt3A = arith.constant 160000 : i32
    %lt3A_2 = vector.broadcast %lt3A : i32 to vector<4096x1xi32>
    %lt3A_3 = arith.cmpi slt, %add3A_1, %lt3A_2 : vector<4096x1xi32>
    %convert_element_type3A = arith.extui %lt3A_3 : vector<4096x1xi1> to vector<4096x1xi32>
    %convert_element_type3A_4 = arith.sitofp %convert_element_type3A : vector<4096x1xi32> to vector<4096x1xf32>
    %get3A = arith.constant 0 : index
    %get3A_5 = arith.constant 0 : index
    %get3A_6 = vector.load %arg2[%get3A, %get3A_5] : memref<4096x32xf32, #tpu.memory_space<vmem>>, vector<4096x32xf32>
    %slice3A = vector.extract_strided_slice %get3A_6 {offsets = [0, 0], sizes = [4096, 16], strides = [1, 1]} : vector<4096x32xf32> to vector<4096x16xf32>
    %slice3A_7 = vector.extract_strided_slice %get3A_6 {offsets = [0, 16], sizes = [4096, 4], strides = [1, 1]} : vector<4096x32xf32> to vector<4096x4xf32>
    %get3A_8 = arith.constant 0 : index
    %get3A_9 = arith.constant 0 : index
    %get3A_10 = vector.load %arg3[%get3A_8, %get3A_9] : memref<4096x16xf32, #tpu.memory_space<vmem>>, vector<4096x4xf32>
    %sub3A = arith.subf %slice3A_7, %get3A_10 : vector<4096x4xf32>
    %mul3A_11 = arith.mulf %sub3A, %sub3A : vector<4096x4xf32>
    %reduce_sum3A = arith.constant dense<0.000000e+00> : vector<4096xf32>
    %reduce_sum3A_12 = vector.multi_reduction <add>, %mul3A_11, %reduce_sum3A [1] : vector<4096x4xf32> to vector<4096xf32>
    %broadcast_in_dim3A = vector.shape_cast %reduce_sum3A_12 : vector<4096xf32> to vector<4096x1xf32>
    %add3A_13 = arith.constant 9.99999996E-13 : f32
    %add3A_14 = vector.broadcast %add3A_13 : f32 to vector<4096x1xf32>
    %add3A_15 = arith.addf %broadcast_in_dim3A, %add3A_14 : vector<4096x1xf32>
    %sqrt3A = math.sqrt %add3A_15 : vector<4096x1xf32>
    %get3A_16 = arith.constant 0 : index
    %get3A_17 = arith.constant 0 : index
    %get3A_18 = vector.load %arg1[%get3A_16, %get3A_17] : memref<4096x4xf32, #tpu.memory_space<vmem>>, vector<4096x4xf32>
    %get3A_19 = arith.constant 0 : index
    %get3A_20 = arith.constant 0 : index
    %get3A_21 = vector.load %arg4[%get3A_19, %get3A_20] : memref<5x32xf32, #tpu.memory_space<vmem>>, vector<4x32xf32>
    %dot_general3A = arith.constant dense<0.000000e+00> : vector<4096x32xf32>
    %dot_general3A_22 = tpu.matmul %get3A_18, %get3A_21, %dot_general3A {dimension_numbers = #tpu.dot_dimension_numbers<[1], [0], [0], [1], [0, 0, 1, 1], [], []>, transpose_lhs_hint = false} : vector<4096x4xf32>, vector<4x32xf32>, vector<4096x32xf32> -> vector<4096x32xf32>
    %get3A_23 = arith.constant 4 : index
    %get3A_24 = arith.constant 0 : index
    %get3A_25 = vector.load %arg4[%get3A_23, %get3A_24] : memref<5x32xf32, #tpu.memory_space<vmem>>, vector<1x32xf32>
    %mul3A_26 = vector.broadcast %sqrt3A : vector<4096x1xf32> to vector<4096x32xf32>
    %mul3A_27 = vector.broadcast %get3A_25 : vector<1x32xf32> to vector<4096x32xf32>
    %mul3A_28 = arith.mulf %mul3A_26, %mul3A_27 : vector<4096x32xf32>
    %add3A_29 = arith.addf %dot_general3A_22, %mul3A_28 : vector<4096x32xf32>
    %get3A_30 = arith.constant 0 : index
    %get3A_31 = arith.constant 0 : index
    %get3A_32 = vector.load %arg5[%get3A_30, %get3A_31] : memref<1x32xf32, #tpu.memory_space<vmem>>, vector<1x32xf32>
    %add3A_33 = vector.broadcast %get3A_32 : vector<1x32xf32> to vector<4096x32xf32>
    %add3A_34 = arith.addf %add3A_29, %add3A_33 : vector<4096x32xf32>
    %neg3A = arith.constant 0.000000e+00 : f32
    %neg3A_35 = vector.broadcast %neg3A : f32 to vector<4096x32xf32>
    %neg3A_36 = arith.subf %neg3A_35, %add3A_34 : vector<4096x32xf32>
    %exp3A = math.exp %neg3A_36 : vector<4096x32xf32>
    %add3A_37 = arith.constant 1.000000e+00 : f32
    %add3A_38 = vector.broadcast %add3A_37 : f32 to vector<4096x32xf32>
    %add3A_39 = arith.addf %add3A_38, %exp3A : vector<4096x32xf32>
    %div3A = arith.constant 1.000000e+00 : f32
    %div3A_40 = vector.broadcast %div3A : f32 to vector<4096x32xf32>
    %div3A_41 = arith.divf %div3A_40, %add3A_39 : vector<4096x32xf32>
    %mul3A_42 = arith.mulf %add3A_34, %div3A_41 : vector<4096x32xf32>
    %get3A_43 = arith.constant 0 : index
    %get3A_44 = arith.constant 0 : index
    %get3A_45 = vector.load %arg7[%get3A_43, %get3A_44] : memref<32x512xf32, #tpu.memory_space<vmem>>, vector<32x512xf32>
    %dot_general3A_46 = arith.constant dense<0.000000e+00> : vector<4096x512xf32>
    %dot_general3A_47 = tpu.matmul %mul3A_42, %get3A_45, %dot_general3A_46 {dimension_numbers = #tpu.dot_dimension_numbers<[1], [0], [0], [1], [0, 0, 1, 1], [], []>, transpose_lhs_hint = false} : vector<4096x32xf32>, vector<32x512xf32>, vector<4096x512xf32> -> vector<4096x512xf32>
    %get3A_48 = arith.constant 0 : index
    %get3A_49 = arith.constant 0 : index
    %get3A_50 = vector.load %arg6[%get3A_48, %get3A_49] : memref<16x512xf32, #tpu.memory_space<vmem>>, vector<16x512xf32>
    %dot_general3A_51 = arith.constant dense<0.000000e+00> : vector<4096x512xf32>
    %dot_general3A_52 = tpu.matmul %slice3A, %get3A_50, %dot_general3A_51 {dimension_numbers = #tpu.dot_dimension_numbers<[1], [0], [0], [1], [0, 0, 1, 1], [], []>, transpose_lhs_hint = false} : vector<4096x16xf32>, vector<16x512xf32>, vector<4096x512xf32> -> vector<4096x512xf32>
    %mul3A_53 = arith.mulf %dot_general3A_47, %dot_general3A_52 : vector<4096x512xf32>
    %slice3A_54 = vector.extract_strided_slice %mul3A_53 {offsets = [0, 0], sizes = [4096, 256], strides = [1, 1]} : vector<4096x512xf32> to vector<4096x256xf32>
    %slice3A_55 = vector.extract_strided_slice %mul3A_53 {offsets = [0, 256], sizes = [4096, 256], strides = [1, 1]} : vector<4096x512xf32> to vector<4096x256xf32>
    %add3A_56 = arith.addf %slice3A_54, %slice3A_55 : vector<4096x256xf32>
    %slice3A_57 = vector.extract_strided_slice %add3A_56 {offsets = [0, 0], sizes = [4096, 128], strides = [1, 1]} : vector<4096x256xf32> to vector<4096x128xf32>
    %slice3A_58 = vector.extract_strided_slice %add3A_56 {offsets = [0, 128], sizes = [4096, 128], strides = [1, 1]} : vector<4096x256xf32> to vector<4096x128xf32>
    %add3A_59 = arith.addf %slice3A_57, %slice3A_58 : vector<4096x128xf32>
    %slice3A_60 = vector.extract_strided_slice %add3A_59 {offsets = [0, 0], sizes = [4096, 64], strides = [1, 1]} : vector<4096x128xf32> to vector<4096x64xf32>
    %slice3A_61 = vector.extract_strided_slice %add3A_59 {offsets = [0, 64], sizes = [4096, 64], strides = [1, 1]} : vector<4096x128xf32> to vector<4096x64xf32>
    %add3A_62 = arith.addf %slice3A_60, %slice3A_61 : vector<4096x64xf32>
    %slice3A_63 = vector.extract_strided_slice %add3A_62 {offsets = [0, 0], sizes = [4096, 32], strides = [1, 1]} : vector<4096x64xf32> to vector<4096x32xf32>
    %slice3A_64 = vector.extract_strided_slice %add3A_62 {offsets = [0, 32], sizes = [4096, 32], strides = [1, 1]} : vector<4096x64xf32> to vector<4096x32xf32>
    %add3A_65 = arith.addf %slice3A_63, %slice3A_64 : vector<4096x32xf32>
    %slice3A_66 = vector.extract_strided_slice %add3A_65 {offsets = [0, 0], sizes = [4096, 16], strides = [1, 1]} : vector<4096x32xf32> to vector<4096x16xf32>
    %slice3A_67 = vector.extract_strided_slice %add3A_65 {offsets = [0, 16], sizes = [4096, 16], strides = [1, 1]} : vector<4096x32xf32> to vector<4096x16xf32>
    %add3A_68 = arith.addf %slice3A_66, %slice3A_67 : vector<4096x16xf32>
    %get3A_69 = arith.constant 0 : index
    %get3A_70 = arith.constant 0 : index
    %get3A_71 = vector.load %arg8[%get3A_69, %get3A_70] : memref<16x16xf32, #tpu.memory_space<vmem>>, vector<16x16xf32>
    %dot_general3A_72 = arith.constant dense<0.000000e+00> : vector<4096x16xf32>
    %dot_general3A_73 = tpu.matmul %slice3A, %get3A_71, %dot_general3A_72 {dimension_numbers = #tpu.dot_dimension_numbers<[1], [0], [0], [1], [0, 0, 1, 1], [], []>, transpose_lhs_hint = false} : vector<4096x16xf32>, vector<16x16xf32>, vector<4096x16xf32> -> vector<4096x16xf32>
    %add3A_74 = arith.addf %add3A_68, %dot_general3A_73 : vector<4096x16xf32>
    %mul3A_75 = vector.broadcast %convert_element_type3A_4 : vector<4096x1xf32> to vector<4096x16xf32>
    %mul3A_76 = arith.mulf %add3A_74, %mul3A_75 : vector<4096x16xf32>
    %get3A_77 = arith.constant 0 : index
    %get3A_78 = arith.constant 0 : index
    %get3A_79 = vector.load %arg9[%get3A_77, %get3A_78] : memref<1x16xf32, #tpu.memory_space<vmem>>, vector<1x16xf32>
    %mul3A_80 = vector.broadcast %get3A_79 : vector<1x16xf32> to vector<4096x16xf32>
    %mul3A_81 = arith.mulf %mul3A_76, %mul3A_80 : vector<4096x16xf32>
    %reduce_sum3A_82 = arith.constant dense<0.000000e+00> : vector<4096xf32>
    %reduce_sum3A_83 = vector.multi_reduction <add>, %mul3A_81, %reduce_sum3A_82 [1] : vector<4096x16xf32> to vector<4096xf32>
    %broadcast_in_dim3A_84 = vector.shape_cast %reduce_sum3A_83 : vector<4096xf32> to vector<4096x1xf32>
    %iota3A_85 = tpu.iota {dimensions = array<i32: 1>} : vector<1x4xi32>
    %mul3A_86 = vector.broadcast %broadcast_in_dim3A_84 : vector<4096x1xf32> to vector<4096x4xf32>
    %mul3A_87 = arith.mulf %sub3A, %mul3A_86 : vector<4096x4xf32>
    %eq3A = arith.constant 3 : i32
    %eq3A_88 = vector.broadcast %eq3A : i32 to vector<1x4xi32>
    %eq3A_89 = arith.cmpi eq, %iota3A_85, %eq3A_88 : vector<1x4xi32>
    %jit3A = arith.constant 1.000000e+00 : f32
    %jit3A_90 = arith.constant 0.000000e+00 : f32
    %broadcast_in_dim3A_91 = vector.broadcast %jit3A : f32 to vector<1x4xf32>
    %broadcast_in_dim3A_92 = vector.broadcast %jit3A_90 : f32 to vector<1x4xf32>
    %select_n3A = arith.select %eq3A_89, %broadcast_in_dim3A_91, %broadcast_in_dim3A_92 : vector<1x4xi1>, vector<1x4xf32>
    %mul3A_93 = vector.broadcast %select_n3A : vector<1x4xf32> to vector<4096x4xf32>
    %mul3A_94 = vector.broadcast %convert_element_type3A_4 : vector<4096x1xf32> to vector<4096x4xf32>
    %mul3A_95 = arith.mulf %mul3A_93, %mul3A_94 : vector<4096x4xf32>
    %add3A_96 = arith.addf %mul3A_87, %mul3A_95 : vector<4096x4xf32>
    %broadcast_in_dim3A_97 = arith.constant 0.000000e+00 : f32
    %broadcast_in_dim3A_98 = vector.broadcast %broadcast_in_dim3A_97 : f32 to vector<4096x12xf32>
    %concatenate3A = tpu.concatenate %mul3A_76, %add3A_96, %broadcast_in_dim3A_98 in 1 : vector<4096x16xf32>, vector<4096x4xf32>, vector<4096x12xf32> -> vector<4096x32xf32>
    %swap3A = arith.constant 0 : index
    %swap3A_99 = arith.constant 0 : index
    %swap3A_100 = vector.load %arg10[%swap3A, %swap3A_99] : memref<4096x32xf32, #tpu.memory_space<vmem>>, vector<4096x32xf32>
    tpu.vector_store %arg10[%swap3A, %swap3A_99], %concatenate3A {strides = array<i32>} : memref<4096x32xf32, #tpu.memory_space<vmem>>, vector<4096x32xf32>,
    return
  }
  func.func @transform_0(%arg0: i32) -> (i32, i32) {
    %c0_i32 = arith.constant 0 : i32
    %c0_i32_0 = arith.constant 0 : i32
    return %arg0, %c0_i32 : i32, i32
  }
  func.func @transform_1(%arg0: i32) -> (i32, i32) {
    %c0_i32 = arith.constant 0 : i32
    %c0_i32_0 = arith.constant 0 : i32
    return %arg0, %c0_i32 : i32, i32
  }
  func.func @transform_2(%arg0: i32) -> (i32, i32) {
    %c0_i32 = arith.constant 0 : i32
    %c0_i32_0 = arith.constant 0 : i32
    return %arg0, %c0_i32 : i32, i32
  }
  func.func @transform_3(%arg0: i32) -> (i32, i32) {
    %c0_i32 = arith.constant 0 : i32
    %c0_i32_0 = arith.constant 0 : i32
    %c0_i32_1 = arith.constant 0 : i32
    return %c0_i32, %c0_i32_0 : i32, i32
  }
  func.func @transform_4(%arg0: i32) -> (i32, i32) {
    %c0_i32 = arith.constant 0 : i32
    %c0_i32_0 = arith.constant 0 : i32
    %c0_i32_1 = arith.constant 0 : i32
    return %c0_i32, %c0_i32_0 : i32, i32
  }
  func.func @transform_5(%arg0: i32) -> (i32, i32) {
    %c0_i32 = arith.constant 0 : i32
    %c0_i32_0 = arith.constant 0 : i32
    %c0_i32_1 = arith.constant 0 : i32
    return %c0_i32, %c0_i32_0 : i32, i32
  }
  func.func @transform_6(%arg0: i32) -> (i32, i32) {
    %c0_i32 = arith.constant 0 : i32
    %c0_i32_0 = arith.constant 0 : i32
    %c0_i32_1 = arith.constant 0 : i32
    return %c0_i32, %c0_i32_0 : i32, i32
  }
  func.func @transform_7(%arg0: i32) -> (i32, i32) {
    %c0_i32 = arith.constant 0 : i32
    %c0_i32_0 = arith.constant 0 : i32
    %c0_i32_1 = arith.constant 0 : i32
    return %c0_i32, %c0_i32_0 : i32, i32
  }
  func.func @transform_8(%arg0: i32) -> (i32, i32) {
    %c0_i32 = arith.constant 0 : i32
    %c0_i32_0 = arith.constant 0 : i32
    %c0_i32_1 = arith.constant 0 : i32
    return %c0_i32, %c0_i32_0 : i32, i32
  }
  func.func @transform_9(%arg0: i32) -> (i32, i32) {
    %c0_i32 = arith.constant 0 : i32
    %c0_i32_0 = arith.constant 0 : i32
    return %arg0, %c0_i32 : i32, i32
  }
}

module attributes {stable_mosaic.version = 14 : i64} {
  func.func @_update_body(%arg0: memref<10000x32xf32, #tpu.memory_space<vmem>>, %arg1: memref<2x10016x32xf32, #tpu.memory_space<vmem>>, %arg2: memref<16x16xf32, #tpu.memory_space<vmem>>, %arg3: memref<1x16xf32, #tpu.memory_space<vmem>>, %arg4: memref<10000x32xf32, #tpu.memory_space<vmem>>, %arg5: memref<10000x16xf32, #tpu.memory_space<vmem>>) attributes {dimension_semantics = [], scalar_prefetch = 0 : i64, scratch_operands = 0 : i64, tpu.core_type = #tpu.core_type<tc>} {
    %get3A = arith.constant 0 : index
    %get3A_0 = arith.constant 0 : index
    %get3A_1 = arith.constant 0 : index
    %get3A_2 = vector.load %arg1[%get3A, %get3A_0, %get3A_1] : memref<2x10016x32xf32, #tpu.memory_space<vmem>>, vector<1x10000x32xf32>
    %get3A_3 = vector.shape_cast %get3A_2 : vector<1x10000x32xf32> to vector<10000x32xf32>
    %get3A_4 = arith.constant 1 : index
    %get3A_5 = arith.constant 0 : index
    %get3A_6 = arith.constant 0 : index
    %get3A_7 = vector.load %arg1[%get3A_4, %get3A_5, %get3A_6] : memref<2x10016x32xf32, #tpu.memory_space<vmem>>, vector<1x10000x32xf32>
    %get3A_8 = vector.shape_cast %get3A_7 : vector<1x10000x32xf32> to vector<10000x32xf32>
    %add3A = arith.addf %get3A_3, %get3A_8 : vector<10000x32xf32>
    %slice3A = vector.extract_strided_slice %add3A {offsets = [0, 0], sizes = [10000, 16], strides = [1, 1]} : vector<10000x32xf32> to vector<10000x16xf32>
    %slice3A_9 = vector.extract_strided_slice %add3A {offsets = [0, 16], sizes = [10000, 4], strides = [1, 1]} : vector<10000x32xf32> to vector<10000x4xf32>
    %slice3A_10 = vector.extract_strided_slice %slice3A_9 {offsets = [0, 3], sizes = [10000, 1], strides = [1, 1]} : vector<10000x4xf32> to vector<10000x1xf32>
    %max3A = arith.constant 1.000000e+00 : f32
    %max3A_11 = vector.broadcast %max3A : f32 to vector<10000x1xf32>
    %max3A_12 = arith.maximumf %slice3A_10, %max3A_11 : vector<10000x1xf32>
    %get3A_13 = arith.constant 0 : index
    %get3A_14 = arith.constant 0 : index
    %get3A_15 = vector.load %arg0[%get3A_13, %get3A_14] : memref<10000x32xf32, #tpu.memory_space<vmem>>, vector<10000x16xf32>
    %get3A_16 = arith.constant 0 : index
    %get3A_17 = arith.constant 16 : index
    %get3A_18 = vector.load %arg0[%get3A_16, %get3A_17] : memref<10000x32xf32, #tpu.memory_space<vmem>>, vector<10000x4xf32>
    %get3A_19 = arith.constant 0 : index
    %get3A_20 = arith.constant 0 : index
    %get3A_21 = vector.load %arg2[%get3A_19, %get3A_20] : memref<16x16xf32, #tpu.memory_space<vmem>>, vector<16x16xf32>
    %dot_general3A = arith.constant dense<0.000000e+00> : vector<10000x16xf32>
    %dot_general3A_22 = tpu.matmul %get3A_15, %get3A_21, %dot_general3A {dimension_numbers = #tpu.dot_dimension_numbers<[1], [0], [0], [1], [0, 0, 1, 1], [], []>, transpose_lhs_hint = false} : vector<10000x16xf32>, vector<16x16xf32>, vector<10000x16xf32> -> vector<10000x16xf32>
    %add3A_23 = arith.addf %get3A_15, %dot_general3A_22 : vector<10000x16xf32>
    %div3A = vector.broadcast %max3A_12 : vector<10000x1xf32> to vector<10000x16xf32>
    %div3A_24 = arith.divf %slice3A, %div3A : vector<10000x16xf32>
    %add3A_25 = arith.addf %add3A_23, %div3A_24 : vector<10000x16xf32>
    %get3A_26 = arith.constant 0 : index
    %get3A_27 = arith.constant 0 : index
    %get3A_28 = vector.load %arg3[%get3A_26, %get3A_27] : memref<1x16xf32, #tpu.memory_space<vmem>>, vector<1x16xf32>
    %add3A_29 = vector.broadcast %get3A_28 : vector<1x16xf32> to vector<10000x16xf32>
    %add3A_30 = arith.addf %add3A_25, %add3A_29 : vector<10000x16xf32>
    %iota3A = tpu.iota {dimensions = array<i32: 1>} : vector<1x4xi32>
    %lt3A = arith.constant 3 : i32
    %lt3A_31 = vector.broadcast %lt3A : i32 to vector<1x4xi32>
    %lt3A_32 = arith.cmpi slt, %iota3A, %lt3A_31 : vector<1x4xi32>
    %jit3A = arith.constant 1.000000e+00 : f32
    %jit3A_33 = arith.constant 0.000000e+00 : f32
    %broadcast_in_dim3A = vector.broadcast %jit3A : f32 to vector<1x4xf32>
    %broadcast_in_dim3A_34 = vector.broadcast %jit3A_33 : f32 to vector<1x4xf32>
    %select_n3A = arith.select %lt3A_32, %broadcast_in_dim3A, %broadcast_in_dim3A_34 : vector<1x4xi1>, vector<1x4xf32>
    %mul3A = vector.broadcast %select_n3A : vector<1x4xf32> to vector<10000x4xf32>
    %mul3A_35 = arith.mulf %slice3A_9, %mul3A : vector<10000x4xf32>
    %div3A_36 = vector.broadcast %max3A_12 : vector<10000x1xf32> to vector<10000x4xf32>
    %div3A_37 = arith.divf %mul3A_35, %div3A_36 : vector<10000x4xf32>
    %add3A_38 = arith.addf %get3A_18, %div3A_37 : vector<10000x4xf32>
    %broadcast_in_dim3A_39 = arith.constant 0.000000e+00 : f32
    %broadcast_in_dim3A_40 = vector.broadcast %broadcast_in_dim3A_39 : f32 to vector<10000x12xf32>
    %concatenate3A = tpu.concatenate %add3A_30, %add3A_38, %broadcast_in_dim3A_40 in 1 : vector<10000x16xf32>, vector<10000x4xf32>, vector<10000x12xf32> -> vector<10000x32xf32>
    %swap3A = arith.constant 0 : index
    %swap3A_41 = arith.constant 0 : index
    %swap3A_42 = vector.load %arg4[%swap3A, %swap3A_41] : memref<10000x32xf32, #tpu.memory_space<vmem>>, vector<10000x32xf32>
    tpu.vector_store %arg4[%swap3A, %swap3A_41], %concatenate3A {strides = array<i32>} : memref<10000x32xf32, #tpu.memory_space<vmem>>, vector<10000x32xf32>,
    %concatenate3A_43 = tpu.concatenate %add3A_38, %broadcast_in_dim3A_40 in 1 : vector<10000x4xf32>, vector<10000x12xf32> -> vector<10000x16xf32>
    %swap3A_44 = arith.constant 0 : index
    %swap3A_45 = arith.constant 0 : index
    %swap3A_46 = vector.load %arg5[%swap3A_44, %swap3A_45] : memref<10000x16xf32, #tpu.memory_space<vmem>>, vector<10000x16xf32>
    tpu.vector_store %arg5[%swap3A_44, %swap3A_45], %concatenate3A_43 {strides = array<i32>} : memref<10000x16xf32, #tpu.memory_space<vmem>>, vector<10000x16xf32>,
    return
  }
}

module attributes {stable_mosaic.version = 14 : i64} {
  func.func @_update_body(%arg0: memref<10000x32xf32, #tpu.memory_space<vmem>>, %arg1: memref<2x10016x32xf32, #tpu.memory_space<vmem>>, %arg2: memref<16x16xf32, #tpu.memory_space<vmem>>, %arg3: memref<1x16xf32, #tpu.memory_space<vmem>>, %arg4: memref<10000x32xf32, #tpu.memory_space<vmem>>, %arg5: memref<10000x16xf32, #tpu.memory_space<vmem>>) attributes {dimension_semantics = [], scalar_prefetch = 0 : i64, scratch_operands = 0 : i64, tpu.core_type = #tpu.core_type<tc>} {
    %get3A = arith.constant 0 : index
    %get3A_0 = arith.constant 0 : index
    %get3A_1 = arith.constant 0 : index
    %get3A_2 = vector.load %arg1[%get3A, %get3A_0, %get3A_1] : memref<2x10016x32xf32, #tpu.memory_space<vmem>>, vector<1x10000x32xf32>
    %get3A_3 = vector.shape_cast %get3A_2 : vector<1x10000x32xf32> to vector<10000x32xf32>
    %get3A_4 = arith.constant 1 : index
    %get3A_5 = arith.constant 0 : index
    %get3A_6 = arith.constant 0 : index
    %get3A_7 = vector.load %arg1[%get3A_4, %get3A_5, %get3A_6] : memref<2x10016x32xf32, #tpu.memory_space<vmem>>, vector<1x10000x32xf32>
    %get3A_8 = vector.shape_cast %get3A_7 : vector<1x10000x32xf32> to vector<10000x32xf32>
    %add3A = arith.addf %get3A_3, %get3A_8 : vector<10000x32xf32>
    %slice3A = vector.extract_strided_slice %add3A {offsets = [0, 0], sizes = [10000, 16], strides = [1, 1]} : vector<10000x32xf32> to vector<10000x16xf32>
    %slice3A_9 = vector.extract_strided_slice %add3A {offsets = [0, 16], sizes = [10000, 4], strides = [1, 1]} : vector<10000x32xf32> to vector<10000x4xf32>
    %slice3A_10 = vector.extract_strided_slice %slice3A_9 {offsets = [0, 3], sizes = [10000, 1], strides = [1, 1]} : vector<10000x4xf32> to vector<10000x1xf32>
    %max3A = arith.constant 1.000000e+00 : f32
    %max3A_11 = vector.broadcast %max3A : f32 to vector<10000x1xf32>
    %max3A_12 = arith.maximumf %slice3A_10, %max3A_11 : vector<10000x1xf32>
    %get3A_13 = arith.constant 0 : index
    %get3A_14 = arith.constant 0 : index
    %get3A_15 = vector.load %arg0[%get3A_13, %get3A_14] : memref<10000x32xf32, #tpu.memory_space<vmem>>, vector<10000x16xf32>
    %get3A_16 = arith.constant 0 : index
    %get3A_17 = arith.constant 16 : index
    %get3A_18 = vector.load %arg0[%get3A_16, %get3A_17] : memref<10000x32xf32, #tpu.memory_space<vmem>>, vector<10000x4xf32>
    %get3A_19 = arith.constant 0 : index
    %get3A_20 = arith.constant 0 : index
    %get3A_21 = vector.load %arg2[%get3A_19, %get3A_20] : memref<16x16xf32, #tpu.memory_space<vmem>>, vector<16x16xf32>
    %dot_general3A = arith.constant dense<0.000000e+00> : vector<10000x16xf32>
    %dot_general3A_22 = tpu.matmul %get3A_15, %get3A_21, %dot_general3A {dimension_numbers = #tpu.dot_dimension_numbers<[1], [0], [0], [1], [0, 0, 1, 1], [], []>, transpose_lhs_hint = false} : vector<10000x16xf32>, vector<16x16xf32>, vector<10000x16xf32> -> vector<10000x16xf32>
    %add3A_23 = arith.addf %get3A_15, %dot_general3A_22 : vector<10000x16xf32>
    %div3A = vector.broadcast %max3A_12 : vector<10000x1xf32> to vector<10000x16xf32>
    %div3A_24 = arith.divf %slice3A, %div3A : vector<10000x16xf32>
    %add3A_25 = arith.addf %add3A_23, %div3A_24 : vector<10000x16xf32>
    %get3A_26 = arith.constant 0 : index
    %get3A_27 = arith.constant 0 : index
    %get3A_28 = vector.load %arg3[%get3A_26, %get3A_27] : memref<1x16xf32, #tpu.memory_space<vmem>>, vector<1x16xf32>
    %add3A_29 = vector.broadcast %get3A_28 : vector<1x16xf32> to vector<10000x16xf32>
    %add3A_30 = arith.addf %add3A_25, %add3A_29 : vector<10000x16xf32>
    %iota3A = tpu.iota {dimensions = array<i32: 1>} : vector<1x4xi32>
    %lt3A = arith.constant 3 : i32
    %lt3A_31 = vector.broadcast %lt3A : i32 to vector<1x4xi32>
    %lt3A_32 = arith.cmpi slt, %iota3A, %lt3A_31 : vector<1x4xi32>
    %jit3A = arith.constant 1.000000e+00 : f32
    %jit3A_33 = arith.constant 0.000000e+00 : f32
    %broadcast_in_dim3A = vector.broadcast %jit3A : f32 to vector<1x4xf32>
    %broadcast_in_dim3A_34 = vector.broadcast %jit3A_33 : f32 to vector<1x4xf32>
    %select_n3A = arith.select %lt3A_32, %broadcast_in_dim3A, %broadcast_in_dim3A_34 : vector<1x4xi1>, vector<1x4xf32>
    %mul3A = vector.broadcast %select_n3A : vector<1x4xf32> to vector<10000x4xf32>
    %mul3A_35 = arith.mulf %slice3A_9, %mul3A : vector<10000x4xf32>
    %div3A_36 = vector.broadcast %max3A_12 : vector<10000x1xf32> to vector<10000x4xf32>
    %div3A_37 = arith.divf %mul3A_35, %div3A_36 : vector<10000x4xf32>
    %add3A_38 = arith.addf %get3A_18, %div3A_37 : vector<10000x4xf32>
    %broadcast_in_dim3A_39 = arith.constant 0.000000e+00 : f32
    %broadcast_in_dim3A_40 = vector.broadcast %broadcast_in_dim3A_39 : f32 to vector<10000x12xf32>
    %concatenate3A = tpu.concatenate %add3A_30, %add3A_38, %broadcast_in_dim3A_40 in 1 : vector<10000x16xf32>, vector<10000x4xf32>, vector<10000x12xf32> -> vector<10000x32xf32>
    %swap3A = arith.constant 0 : index
    %swap3A_41 = arith.constant 0 : index
    %swap3A_42 = vector.load %arg4[%swap3A, %swap3A_41] : memref<10000x32xf32, #tpu.memory_space<vmem>>, vector<10000x32xf32>
    tpu.vector_store %arg4[%swap3A, %swap3A_41], %concatenate3A {strides = array<i32>} : memref<10000x32xf32, #tpu.memory_space<vmem>>, vector<10000x32xf32>,
    %concatenate3A_43 = tpu.concatenate %add3A_38, %broadcast_in_dim3A_40 in 1 : vector<10000x4xf32>, vector<10000x12xf32> -> vector<10000x16xf32>
    %swap3A_44 = arith.constant 0 : index
    %swap3A_45 = arith.constant 0 : index
    %swap3A_46 = vector.load %arg5[%swap3A_44, %swap3A_45] : memref<10000x16xf32, #tpu.memory_space<vmem>>, vector<10000x16xf32>
    tpu.vector_store %arg5[%swap3A_44, %swap3A_45], %concatenate3A_43 {strides = array<i32>} : memref<10000x16xf32, #tpu.memory_space<vmem>>, vector<10000x16xf32>,
    return
  }
}

module attributes {stable_mosaic.version = 14 : i64} {
  func.func @_s2s_body(%arg0: memref<10000x32xf32, #tpu.memory_space<vmem>>, %arg1: memref<10000x1xi32, #tpu.memory_space<vmem>>, %arg2: memref<32x64xf32, #tpu.memory_space<vmem>>, %arg3: memref<16x64xf32, #tpu.memory_space<vmem>>, %arg4: memref<1x64xf32, #tpu.memory_space<vmem>>, %arg5: memref<32x16xf32, #tpu.memory_space<vmem>>, %arg6: memref<1x16xf32, #tpu.memory_space<vmem>>, %arg7: memref<16x1xf32, #tpu.memory_space<vmem>>, %arg8: memref<1x1xf32, #tpu.memory_space<vmem>>, %arg9: memref<64x1xf32, #tpu.memory_space<vmem>>) attributes {dimension_semantics = [], scalar_prefetch = 0 : i64, scratch_operands = 0 : i64, tpu.core_type = #tpu.core_type<tc>} {
    %get3A = arith.constant 0 : index
    %get3A_0 = arith.constant 0 : index
    %get3A_1 = vector.load %arg0[%get3A, %get3A_0] : memref<10000x32xf32, #tpu.memory_space<vmem>>, vector<10000x16xf32>
    %get3A_2 = arith.constant 0 : index
    %get3A_3 = arith.constant 0 : index
    %get3A_4 = vector.load %arg1[%get3A_2, %get3A_3] : memref<10000x1xi32, #tpu.memory_space<vmem>>, vector<10000x1xi32>
    %iota3A = tpu.iota {dimensions = array<i32: 1>} : vector<10000x64xi32>
    %eq3A = vector.broadcast %get3A_4 : vector<10000x1xi32> to vector<10000x64xi32>
    %eq3A_5 = arith.cmpi eq, %eq3A, %iota3A : vector<10000x64xi32>
    %convert_element_type3A = arith.extui %eq3A_5 : vector<10000x64xi1> to vector<10000x64xi32>
    %convert_element_type3A_6 = arith.sitofp %convert_element_type3A : vector<10000x64xi32> to vector<10000x64xf32>
    %broadcast_in_dim3A = arith.constant 0.000000e+00 : f32
    %broadcast_in_dim3A_7 = vector.broadcast %broadcast_in_dim3A : f32 to vector<64x32xf32>
    %broadcast_in_dim3A_8 = arith.constant 0.000000e+00 : f32
    %broadcast_in_dim3A_9 = vector.broadcast %broadcast_in_dim3A_8 : f32 to vector<64x16xf32>
    %broadcast_in_dim3A_10 = arith.constant 0.000000e+00 : f32
    %broadcast_in_dim3A_11 = vector.broadcast %broadcast_in_dim3A_10 : f32 to vector<64x16xf32>
    %get3A_12 = arith.constant 0 : index
    %get3A_13 = arith.constant 0 : index
    %get3A_14 = vector.load %arg2[%get3A_12, %get3A_13] : memref<32x64xf32, #tpu.memory_space<vmem>>, vector<32x64xf32>
    %dot_general3A = arith.constant dense<0.000000e+00> : vector<64x64xf32>
    %dot_general3A_15 = tpu.matmul %broadcast_in_dim3A_7, %get3A_14, %dot_general3A {dimension_numbers = #tpu.dot_dimension_numbers<[1], [0], [0], [1], [0, 0, 1, 1], [], []>, transpose_lhs_hint = false} : vector<64x32xf32>, vector<32x64xf32>, vector<64x64xf32> -> vector<64x64xf32>
    %get3A_16 = arith.constant 0 : index
    %get3A_17 = arith.constant 0 : index
    %get3A_18 = vector.load %arg3[%get3A_16, %get3A_17] : memref<16x64xf32, #tpu.memory_space<vmem>>, vector<16x64xf32>
    %dot_general3A_19 = arith.constant dense<0.000000e+00> : vector<64x64xf32>
    %dot_general3A_20 = tpu.matmul %broadcast_in_dim3A_9, %get3A_18, %dot_general3A_19 {dimension_numbers = #tpu.dot_dimension_numbers<[1], [0], [0], [1], [0, 0, 1, 1], [], []>, transpose_lhs_hint = false} : vector<64x16xf32>, vector<16x64xf32>, vector<64x64xf32> -> vector<64x64xf32>
    %add3A = arith.addf %dot_general3A_15, %dot_general3A_20 : vector<64x64xf32>
    %get3A_21 = arith.constant 0 : index
    %get3A_22 = arith.constant 0 : index
    %get3A_23 = vector.load %arg4[%get3A_21, %get3A_22] : memref<1x64xf32, #tpu.memory_space<vmem>>, vector<1x64xf32>
    %add3A_24 = vector.broadcast %get3A_23 : vector<1x64xf32> to vector<64x64xf32>
    %add3A_25 = arith.addf %add3A, %add3A_24 : vector<64x64xf32>
    %slice3A = vector.extract_strided_slice %add3A_25 {offsets = [0, 0], sizes = [64, 16], strides = [1, 1]} : vector<64x64xf32> to vector<64x16xf32>
    %slice3A_26 = vector.extract_strided_slice %add3A_25 {offsets = [0, 16], sizes = [64, 16], strides = [1, 1]} : vector<64x64xf32> to vector<64x16xf32>
    %slice3A_27 = vector.extract_strided_slice %add3A_25 {offsets = [0, 32], sizes = [64, 16], strides = [1, 1]} : vector<64x64xf32> to vector<64x16xf32>
    %slice3A_28 = vector.extract_strided_slice %add3A_25 {offsets = [0, 48], sizes = [64, 16], strides = [1, 1]} : vector<64x64xf32> to vector<64x16xf32>
    %neg3A = arith.constant 0.000000e+00 : f32
    %neg3A_29 = vector.broadcast %neg3A : f32 to vector<64x16xf32>
    %neg3A_30 = arith.subf %neg3A_29, %slice3A_26 : vector<64x16xf32>
    %exp3A = math.exp %neg3A_30 : vector<64x16xf32>
    %add3A_31 = arith.constant 1.000000e+00 : f32
    %add3A_32 = vector.broadcast %add3A_31 : f32 to vector<64x16xf32>
    %add3A_33 = arith.addf %add3A_32, %exp3A : vector<64x16xf32>
    %div3A = arith.constant 1.000000e+00 : f32
    %div3A_34 = vector.broadcast %div3A : f32 to vector<64x16xf32>
    %div3A_35 = arith.divf %div3A_34, %add3A_33 : vector<64x16xf32>
    %mul3A = arith.mulf %div3A_35, %broadcast_in_dim3A_11 : vector<64x16xf32>
    %neg3A_36 = arith.constant 0.000000e+00 : f32
    %neg3A_37 = vector.broadcast %neg3A_36 : f32 to vector<64x16xf32>
    %neg3A_38 = arith.subf %neg3A_37, %slice3A : vector<64x16xf32>
    %exp3A_39 = math.exp %neg3A_38 : vector<64x16xf32>
    %add3A_40 = arith.constant 1.000000e+00 : f32
    %add3A_41 = vector.broadcast %add3A_40 : f32 to vector<64x16xf32>
    %add3A_42 = arith.addf %add3A_41, %exp3A_39 : vector<64x16xf32>
    %div3A_43 = arith.constant 1.000000e+00 : f32
    %div3A_44 = vector.broadcast %div3A_43 : f32 to vector<64x16xf32>
    %div3A_45 = arith.divf %div3A_44, %add3A_42 : vector<64x16xf32>
    %tanh3A = math.tanh %slice3A_27 : vector<64x16xf32>
    %mul3A_46 = arith.mulf %div3A_45, %tanh3A : vector<64x16xf32>
    %add3A_47 = arith.addf %mul3A, %mul3A_46 : vector<64x16xf32>
    %neg3A_48 = arith.constant 0.000000e+00 : f32
    %neg3A_49 = vector.broadcast %neg3A_48 : f32 to vector<64x16xf32>
    %neg3A_50 = arith.subf %neg3A_49, %slice3A_28 : vector<64x16xf32>
    %exp3A_51 = math.exp %neg3A_50 : vector<64x16xf32>
    %add3A_52 = arith.constant 1.000000e+00 : f32
    %add3A_53 = vector.broadcast %add3A_52 : f32 to vector<64x16xf32>
    %add3A_54 = arith.addf %add3A_53, %exp3A_51 : vector<64x16xf32>
    %div3A_55 = arith.constant 1.000000e+00 : f32
    %div3A_56 = vector.broadcast %div3A_55 : f32 to vector<64x16xf32>
    %div3A_57 = arith.divf %div3A_56, %add3A_54 : vector<64x16xf32>
    %tanh3A_58 = math.tanh %add3A_47 : vector<64x16xf32>
    %mul3A_59 = arith.mulf %div3A_57, %tanh3A_58 : vector<64x16xf32>
    %dot_general3A_60 = arith.constant dense<0.000000e+00> : vector<10000x16xf32>
    %dot_general3A_61 = tpu.matmul %convert_element_type3A_6, %mul3A_59, %dot_general3A_60 {dimension_numbers = #tpu.dot_dimension_numbers<[1], [0], [0], [1], [0, 0, 1, 1], [], []>, transpose_lhs_hint = false} : vector<10000x64xf32>, vector<64x16xf32>, vector<10000x16xf32> -> vector<10000x16xf32>
    %mul3A_62 = arith.mulf %get3A_1, %dot_general3A_61 : vector<10000x16xf32>
    %reduce_sum3A = arith.constant dense<0.000000e+00> : vector<10000xf32>
    %reduce_sum3A_63 = vector.multi_reduction <add>, %mul3A_62, %reduce_sum3A [1] : vector<10000x16xf32> to vector<10000xf32>
    %broadcast_in_dim3A_64 = vector.shape_cast %reduce_sum3A_63 : vector<10000xf32> to vector<10000x1xf32>
    %gt3A = arith.constant 0.000000e+00 : f32
    %gt3A_65 = vector.broadcast %gt3A : f32 to vector<10000x64xf32>
    %gt3A_66 = arith.cmpf ogt, %convert_element_type3A_6, %gt3A_65 : vector<10000x64xf32>
    %jit3A = arith.constant -3.400000e+38 : f32
    %broadcast_in_dim3A_67 = vector.shape_cast %broadcast_in_dim3A_64 : vector<10000x1xf32> to vector<10000x1xf32>
    %broadcast_in_dim3A_68 = vector.broadcast %broadcast_in_dim3A_67 : vector<10000x1xf32> to vector<10000x64xf32>
    %broadcast_in_dim3A_69 = vector.broadcast %jit3A : f32 to vector<10000x64xf32>
    %select_n3A = arith.select %gt3A_66, %broadcast_in_dim3A_68, %broadcast_in_dim3A_69 : vector<10000x64xi1>, vector<10000x64xf32>
    %reduce_max3A = arith.constant dense<0xFF800000> : vector<64xf32>
    %reduce_max3A_70 = vector.multi_reduction <maximumf>, %select_n3A, %reduce_max3A [0] : vector<10000x64xf32> to vector<64xf32>
    %broadcast_in_dim3A_71 = vector.shape_cast %reduce_max3A_70 : vector<64xf32> to vector<1x64xf32>
    %lt3A = arith.constant -9.99999993E+36 : f32
    %lt3A_72 = vector.broadcast %lt3A : f32 to vector<1x64xf32>
    %lt3A_73 = arith.cmpf olt, %broadcast_in_dim3A_71, %lt3A_72 : vector<1x64xf32>
    %jit3A_74 = arith.constant 0.000000e+00 : f32
    %broadcast_in_dim3A_75 = vector.broadcast %jit3A_74 : f32 to vector<1x64xf32>
    %select_n3A_76 = arith.select %lt3A_73, %broadcast_in_dim3A_75, %broadcast_in_dim3A_71 : vector<1x64xi1>, vector<1x64xf32>
    %transpose3A = tpu.transpose %select_n3A_76, [1, 0] : vector<1x64xf32> -> vector<64x1xf32>
    %dot_general3A_77 = arith.constant dense<0.000000e+00> : vector<10000x1xf32>
    %dot_general3A_78 = tpu.matmul %convert_element_type3A_6, %transpose3A, %dot_general3A_77 {dimension_numbers = #tpu.dot_dimension_numbers<[1], [0], [0], [1], [0, 0, 1, 1], [], []>, transpose_lhs_hint = false} : vector<10000x64xf32>, vector<64x1xf32>, vector<10000x1xf32> -> vector<10000x1xf32>
    %sub3A = arith.subf %broadcast_in_dim3A_64, %dot_general3A_78 : vector<10000x1xf32>
    %exp3A_79 = math.exp %sub3A : vector<10000x1xf32>
    %dot_general3A_80 = arith.constant dense<0.000000e+00> : vector<64x1xf32>
    %dot_general3A_81 = tpu.matmul %convert_element_type3A_6, %exp3A_79, %dot_general3A_80 {dimension_numbers = #tpu.dot_dimension_numbers<[0], [0], [1], [1], [0, 1, 1, 1], [], []>, transpose_lhs_hint = false} : vector<10000x64xf32>, vector<10000x1xf32>, vector<64x1xf32> -> vector<64x1xf32>
    %gt3A_82 = arith.constant 0.000000e+00 : f32
    %gt3A_83 = vector.broadcast %gt3A_82 : f32 to vector<64x1xf32>
    %gt3A_84 = arith.cmpf ogt, %dot_general3A_81, %gt3A_83 : vector<64x1xf32>
    %jit3A_85 = arith.constant 1.000000e+00 : f32
    %broadcast_in_dim3A_86 = vector.broadcast %jit3A_85 : f32 to vector<64x1xf32>
    %select_n3A_87 = arith.select %gt3A_84, %dot_general3A_81, %broadcast_in_dim3A_86 : vector<64x1xi1>, vector<64x1xf32>
    %dot_general3A_88 = arith.constant dense<0.000000e+00> : vector<10000x1xf32>
    %dot_general3A_89 = tpu.matmul %convert_element_type3A_6, %select_n3A_87, %dot_general3A_88 {dimension_numbers = #tpu.dot_dimension_numbers<[1], [0], [0], [1], [0, 0, 1, 1], [], []>, transpose_lhs_hint = false} : vector<10000x64xf32>, vector<64x1xf32>, vector<10000x1xf32> -> vector<10000x1xf32>
    %div3A_90 = arith.divf %exp3A_79, %dot_general3A_89 : vector<10000x1xf32>
    %mul3A_91 = vector.broadcast %div3A_90 : vector<10000x1xf32> to vector<10000x16xf32>
    %mul3A_92 = arith.mulf %mul3A_91, %get3A_1 : vector<10000x16xf32>
    %dot_general3A_93 = arith.constant dense<0.000000e+00> : vector<64x16xf32>
    %dot_general3A_94 = tpu.matmul %convert_element_type3A_6, %mul3A_92, %dot_general3A_93 {dimension_numbers = #tpu.dot_dimension_numbers<[0], [0], [1], [1], [0, 1, 1, 1], [], []>, transpose_lhs_hint = false} : vector<10000x64xf32>, vector<10000x16xf32>, vector<64x16xf32> -> vector<64x16xf32>
    %concatenate3A = tpu.concatenate %mul3A_59, %dot_general3A_94 in 1 : vector<64x16xf32>, vector<64x16xf32> -> vector<64x32xf32>
    %get3A_95 = arith.constant 0 : index
    %get3A_96 = arith.constant 0 : index
    %get3A_97 = vector.load %arg2[%get3A_95, %get3A_96] : memref<32x64xf32, #tpu.memory_space<vmem>>, vector<32x64xf32>
    %dot_general3A_98 = arith.constant dense<0.000000e+00> : vector<64x64xf32>
    %dot_general3A_99 = tpu.matmul %concatenate3A, %get3A_97, %dot_general3A_98 {dimension_numbers = #tpu.dot_dimension_numbers<[1], [0], [0], [1], [0, 0, 1, 1], [], []>, transpose_lhs_hint = false} : vector<64x32xf32>, vector<32x64xf32>, vector<64x64xf32> -> vector<64x64xf32>
    %get3A_100 = arith.constant 0 : index
    %get3A_101 = arith.constant 0 : index
    %get3A_102 = vector.load %arg3[%get3A_100, %get3A_101] : memref<16x64xf32, #tpu.memory_space<vmem>>, vector<16x64xf32>
    %dot_general3A_103 = arith.constant dense<0.000000e+00> : vector<64x64xf32>
    %dot_general3A_104 = tpu.matmul %mul3A_59, %get3A_102, %dot_general3A_103 {dimension_numbers = #tpu.dot_dimension_numbers<[1], [0], [0], [1], [0, 0, 1, 1], [], []>, transpose_lhs_hint = false} : vector<64x16xf32>, vector<16x64xf32>, vector<64x64xf32> -> vector<64x64xf32>
    %add3A_105 = arith.addf %dot_general3A_99, %dot_general3A_104 : vector<64x64xf32>
    %get3A_106 = arith.constant 0 : index
    %get3A_107 = arith.constant 0 : index
    %get3A_108 = vector.load %arg4[%get3A_106, %get3A_107] : memref<1x64xf32, #tpu.memory_space<vmem>>, vector<1x64xf32>
    %add3A_109 = vector.broadcast %get3A_108 : vector<1x64xf32> to vector<64x64xf32>
    %add3A_110 = arith.addf %add3A_105, %add3A_109 : vector<64x64xf32>
    %slice3A_111 = vector.extract_strided_slice %add3A_110 {offsets = [0, 0], sizes = [64, 16], strides = [1, 1]} : vector<64x64xf32> to vector<64x16xf32>
    %slice3A_112 = vector.extract_strided_slice %add3A_110 {offsets = [0, 16], sizes = [64, 16], strides = [1, 1]} : vector<64x64xf32> to vector<64x16xf32>
    %slice3A_113 = vector.extract_strided_slice %add3A_110 {offsets = [0, 32], sizes = [64, 16], strides = [1, 1]} : vector<64x64xf32> to vector<64x16xf32>
    %slice3A_114 = vector.extract_strided_slice %add3A_110 {offsets = [0, 48], sizes = [64, 16], strides = [1, 1]} : vector<64x64xf32> to vector<64x16xf32>
    %neg3A_115 = arith.constant 0.000000e+00 : f32
    %neg3A_116 = vector.broadcast %neg3A_115 : f32 to vector<64x16xf32>
    %neg3A_117 = arith.subf %neg3A_116, %slice3A_112 : vector<64x16xf32>
    %exp3A_118 = math.exp %neg3A_117 : vector<64x16xf32>
    %add3A_119 = arith.constant 1.000000e+00 : f32
    %add3A_120 = vector.broadcast %add3A_119 : f32 to vector<64x16xf32>
    %add3A_121 = arith.addf %add3A_120, %exp3A_118 : vector<64x16xf32>
    %div3A_122 = arith.constant 1.000000e+00 : f32
    %div3A_123 = vector.broadcast %div3A_122 : f32 to vector<64x16xf32>
    %div3A_124 = arith.divf %div3A_123, %add3A_121 : vector<64x16xf32>
    %mul3A_125 = arith.mulf %div3A_124, %add3A_47 : vector<64x16xf32>
    %neg3A_126 = arith.constant 0.000000e+00 : f32
    %neg3A_127 = vector.broadcast %neg3A_126 : f32 to vector<64x16xf32>
    %neg3A_128 = arith.subf %neg3A_127, %slice3A_111 : vector<64x16xf32>
    %exp3A_129 = math.exp %neg3A_128 : vector<64x16xf32>
    %add3A_130 = arith.constant 1.000000e+00 : f32
    %add3A_131 = vector.broadcast %add3A_130 : f32 to vector<64x16xf32>
    %add3A_132 = arith.addf %add3A_131, %exp3A_129 : vector<64x16xf32>
    %div3A_133 = arith.constant 1.000000e+00 : f32
    %div3A_134 = vector.broadcast %div3A_133 : f32 to vector<64x16xf32>
    %div3A_135 = arith.divf %div3A_134, %add3A_132 : vector<64x16xf32>
    %tanh3A_136 = math.tanh %slice3A_113 : vector<64x16xf32>
    %mul3A_137 = arith.mulf %div3A_135, %tanh3A_136 : vector<64x16xf32>
    %add3A_138 = arith.addf %mul3A_125, %mul3A_137 : vector<64x16xf32>
    %neg3A_139 = arith.constant 0.000000e+00 : f32
    %neg3A_140 = vector.broadcast %neg3A_139 : f32 to vector<64x16xf32>
    %neg3A_141 = arith.subf %neg3A_140, %slice3A_114 : vector<64x16xf32>
    %exp3A_142 = math.exp %neg3A_141 : vector<64x16xf32>
    %add3A_143 = arith.constant 1.000000e+00 : f32
    %add3A_144 = vector.broadcast %add3A_143 : f32 to vector<64x16xf32>
    %add3A_145 = arith.addf %add3A_144, %exp3A_142 : vector<64x16xf32>
    %div3A_146 = arith.constant 1.000000e+00 : f32
    %div3A_147 = vector.broadcast %div3A_146 : f32 to vector<64x16xf32>
    %div3A_148 = arith.divf %div3A_147, %add3A_145 : vector<64x16xf32>
    %tanh3A_149 = math.tanh %add3A_138 : vector<64x16xf32>
    %mul3A_150 = arith.mulf %div3A_148, %tanh3A_149 : vector<64x16xf32>
    %dot_general3A_151 = arith.constant dense<0.000000e+00> : vector<10000x16xf32>
    %dot_general3A_152 = tpu.matmul %convert_element_type3A_6, %mul3A_150, %dot_general3A_151 {dimension_numbers = #tpu.dot_dimension_numbers<[1], [0], [0], [1], [0, 0, 1, 1], [], []>, transpose_lhs_hint = false} : vector<10000x64xf32>, vector<64x16xf32>, vector<10000x16xf32> -> vector<10000x16xf32>
    %mul3A_153 = arith.mulf %get3A_1, %dot_general3A_152 : vector<10000x16xf32>
    %reduce_sum3A_154 = arith.constant dense<0.000000e+00> : vector<10000xf32>
    %reduce_sum3A_155 = vector.multi_reduction <add>, %mul3A_153, %reduce_sum3A_154 [1] : vector<10000x16xf32> to vector<10000xf32>
    %broadcast_in_dim3A_156 = vector.shape_cast %reduce_sum3A_155 : vector<10000xf32> to vector<10000x1xf32>
    %gt3A_157 = arith.constant 0.000000e+00 : f32
    %gt3A_158 = vector.broadcast %gt3A_157 : f32 to vector<10000x64xf32>
    %gt3A_159 = arith.cmpf ogt, %convert_element_type3A_6, %gt3A_158 : vector<10000x64xf32>
    %jit3A_160 = arith.constant -3.400000e+38 : f32
    %broadcast_in_dim3A_161 = vector.shape_cast %broadcast_in_dim3A_156 : vector<10000x1xf32> to vector<10000x1xf32>
    %broadcast_in_dim3A_162 = vector.broadcast %broadcast_in_dim3A_161 : vector<10000x1xf32> to vector<10000x64xf32>
    %broadcast_in_dim3A_163 = vector.broadcast %jit3A_160 : f32 to vector<10000x64xf32>
    %select_n3A_164 = arith.select %gt3A_159, %broadcast_in_dim3A_162, %broadcast_in_dim3A_163 : vector<10000x64xi1>, vector<10000x64xf32>
    %reduce_max3A_165 = arith.constant dense<0xFF800000> : vector<64xf32>
    %reduce_max3A_166 = vector.multi_reduction <maximumf>, %select_n3A_164, %reduce_max3A_165 [0] : vector<10000x64xf32> to vector<64xf32>
    %broadcast_in_dim3A_167 = vector.shape_cast %reduce_max3A_166 : vector<64xf32> to vector<1x64xf32>
    %lt3A_168 = arith.constant -9.99999993E+36 : f32
    %lt3A_169 = vector.broadcast %lt3A_168 : f32 to vector<1x64xf32>
    %lt3A_170 = arith.cmpf olt, %broadcast_in_dim3A_167, %lt3A_169 : vector<1x64xf32>
    %jit3A_171 = arith.constant 0.000000e+00 : f32
    %broadcast_in_dim3A_172 = vector.broadcast %jit3A_171 : f32 to vector<1x64xf32>
    %select_n3A_173 = arith.select %lt3A_170, %broadcast_in_dim3A_172, %broadcast_in_dim3A_167 : vector<1x64xi1>, vector<1x64xf32>
    %transpose3A_174 = tpu.transpose %select_n3A_173, [1, 0] : vector<1x64xf32> -> vector<64x1xf32>
    %dot_general3A_175 = arith.constant dense<0.000000e+00> : vector<10000x1xf32>
    %dot_general3A_176 = tpu.matmul %convert_element_type3A_6, %transpose3A_174, %dot_general3A_175 {dimension_numbers = #tpu.dot_dimension_numbers<[1], [0], [0], [1], [0, 0, 1, 1], [], []>, transpose_lhs_hint = false} : vector<10000x64xf32>, vector<64x1xf32>, vector<10000x1xf32> -> vector<10000x1xf32>
    %sub3A_177 = arith.subf %broadcast_in_dim3A_156, %dot_general3A_176 : vector<10000x1xf32>
    %exp3A_178 = math.exp %sub3A_177 : vector<10000x1xf32>
    %dot_general3A_179 = arith.constant dense<0.000000e+00> : vector<64x1xf32>
    %dot_general3A_180 = tpu.matmul %convert_element_type3A_6, %exp3A_178, %dot_general3A_179 {dimension_numbers = #tpu.dot_dimension_numbers<[0], [0], [1], [1], [0, 1, 1, 1], [], []>, transpose_lhs_hint = false} : vector<10000x64xf32>, vector<10000x1xf32>, vector<64x1xf32> -> vector<64x1xf32>
    %gt3A_181 = arith.constant 0.000000e+00 : f32
    %gt3A_182 = vector.broadcast %gt3A_181 : f32 to vector<64x1xf32>
    %gt3A_183 = arith.cmpf ogt, %dot_general3A_180, %gt3A_182 : vector<64x1xf32>
    %jit3A_184 = arith.constant 1.000000e+00 : f32
    %broadcast_in_dim3A_185 = vector.broadcast %jit3A_184 : f32 to vector<64x1xf32>
    %select_n3A_186 = arith.select %gt3A_183, %dot_general3A_180, %broadcast_in_dim3A_185 : vector<64x1xi1>, vector<64x1xf32>
    %dot_general3A_187 = arith.constant dense<0.000000e+00> : vector<10000x1xf32>
    %dot_general3A_188 = tpu.matmul %convert_element_type3A_6, %select_n3A_186, %dot_general3A_187 {dimension_numbers = #tpu.dot_dimension_numbers<[1], [0], [0], [1], [0, 0, 1, 1], [], []>, transpose_lhs_hint = false} : vector<10000x64xf32>, vector<64x1xf32>, vector<10000x1xf32> -> vector<10000x1xf32>
    %div3A_189 = arith.divf %exp3A_178, %dot_general3A_188 : vector<10000x1xf32>
    %mul3A_190 = vector.broadcast %div3A_189 : vector<10000x1xf32> to vector<10000x16xf32>
    %mul3A_191 = arith.mulf %mul3A_190, %get3A_1 : vector<10000x16xf32>
    %dot_general3A_192 = arith.constant dense<0.000000e+00> : vector<64x16xf32>
    %dot_general3A_193 = tpu.matmul %convert_element_type3A_6, %mul3A_191, %dot_general3A_192 {dimension_numbers = #tpu.dot_dimension_numbers<[0], [0], [1], [1], [0, 1, 1, 1], [], []>, transpose_lhs_hint = false} : vector<10000x64xf32>, vector<10000x16xf32>, vector<64x16xf32> -> vector<64x16xf32>
    %concatenate3A_194 = tpu.concatenate %mul3A_150, %dot_general3A_193 in 1 : vector<64x16xf32>, vector<64x16xf32> -> vector<64x32xf32>
    %get3A_195 = arith.constant 0 : index
    %get3A_196 = arith.constant 0 : index
    %get3A_197 = vector.load %arg2[%get3A_195, %get3A_196] : memref<32x64xf32, #tpu.memory_space<vmem>>, vector<32x64xf32>
    %dot_general3A_198 = arith.constant dense<0.000000e+00> : vector<64x64xf32>
    %dot_general3A_199 = tpu.matmul %concatenate3A_194, %get3A_197, %dot_general3A_198 {dimension_numbers = #tpu.dot_dimension_numbers<[1], [0], [0], [1], [0, 0, 1, 1], [], []>, transpose_lhs_hint = false} : vector<64x32xf32>, vector<32x64xf32>, vector<64x64xf32> -> vector<64x64xf32>
    %get3A_200 = arith.constant 0 : index
    %get3A_201 = arith.constant 0 : index
    %get3A_202 = vector.load %arg3[%get3A_200, %get3A_201] : memref<16x64xf32, #tpu.memory_space<vmem>>, vector<16x64xf32>
    %dot_general3A_203 = arith.constant dense<0.000000e+00> : vector<64x64xf32>
    %dot_general3A_204 = tpu.matmul %mul3A_150, %get3A_202, %dot_general3A_203 {dimension_numbers = #tpu.dot_dimension_numbers<[1], [0], [0], [1], [0, 0, 1, 1], [], []>, transpose_lhs_hint = false} : vector<64x16xf32>, vector<16x64xf32>, vector<64x64xf32> -> vector<64x64xf32>
    %add3A_205 = arith.addf %dot_general3A_199, %dot_general3A_204 : vector<64x64xf32>
    %get3A_206 = arith.constant 0 : index
    %get3A_207 = arith.constant 0 : index
    %get3A_208 = vector.load %arg4[%get3A_206, %get3A_207] : memref<1x64xf32, #tpu.memory_space<vmem>>, vector<1x64xf32>
    %add3A_209 = vector.broadcast %get3A_208 : vector<1x64xf32> to vector<64x64xf32>
    %add3A_210 = arith.addf %add3A_205, %add3A_209 : vector<64x64xf32>
    %slice3A_211 = vector.extract_strided_slice %add3A_210 {offsets = [0, 0], sizes = [64, 16], strides = [1, 1]} : vector<64x64xf32> to vector<64x16xf32>
    %slice3A_212 = vector.extract_strided_slice %add3A_210 {offsets = [0, 16], sizes = [64, 16], strides = [1, 1]} : vector<64x64xf32> to vector<64x16xf32>
    %slice3A_213 = vector.extract_strided_slice %add3A_210 {offsets = [0, 32], sizes = [64, 16], strides = [1, 1]} : vector<64x64xf32> to vector<64x16xf32>
    %slice3A_214 = vector.extract_strided_slice %add3A_210 {offsets = [0, 48], sizes = [64, 16], strides = [1, 1]} : vector<64x64xf32> to vector<64x16xf32>
    %neg3A_215 = arith.constant 0.000000e+00 : f32
    %neg3A_216 = vector.broadcast %neg3A_215 : f32 to vector<64x16xf32>
    %neg3A_217 = arith.subf %neg3A_216, %slice3A_212 : vector<64x16xf32>
    %exp3A_218 = math.exp %neg3A_217 : vector<64x16xf32>
    %add3A_219 = arith.constant 1.000000e+00 : f32
    %add3A_220 = vector.broadcast %add3A_219 : f32 to vector<64x16xf32>
    %add3A_221 = arith.addf %add3A_220, %exp3A_218 : vector<64x16xf32>
    %div3A_222 = arith.constant 1.000000e+00 : f32
    %div3A_223 = vector.broadcast %div3A_222 : f32 to vector<64x16xf32>
    %div3A_224 = arith.divf %div3A_223, %add3A_221 : vector<64x16xf32>
    %mul3A_225 = arith.mulf %div3A_224, %add3A_138 : vector<64x16xf32>
    %neg3A_226 = arith.constant 0.000000e+00 : f32
    %neg3A_227 = vector.broadcast %neg3A_226 : f32 to vector<64x16xf32>
    %neg3A_228 = arith.subf %neg3A_227, %slice3A_211 : vector<64x16xf32>
    %exp3A_229 = math.exp %neg3A_228 : vector<64x16xf32>
    %add3A_230 = arith.constant 1.000000e+00 : f32
    %add3A_231 = vector.broadcast %add3A_230 : f32 to vector<64x16xf32>
    %add3A_232 = arith.addf %add3A_231, %exp3A_229 : vector<64x16xf32>
    %div3A_233 = arith.constant 1.000000e+00 : f32
    %div3A_234 = vector.broadcast %div3A_233 : f32 to vector<64x16xf32>
    %div3A_235 = arith.divf %div3A_234, %add3A_232 : vector<64x16xf32>
    %tanh3A_236 = math.tanh %slice3A_213 : vector<64x16xf32>
    %mul3A_237 = arith.mulf %div3A_235, %tanh3A_236 : vector<64x16xf32>
    %add3A_238 = arith.addf %mul3A_225, %mul3A_237 : vector<64x16xf32>
    %neg3A_239 = arith.constant 0.000000e+00 : f32
    %neg3A_240 = vector.broadcast %neg3A_239 : f32 to vector<64x16xf32>
    %neg3A_241 = arith.subf %neg3A_240, %slice3A_214 : vector<64x16xf32>
    %exp3A_242 = math.exp %neg3A_241 : vector<64x16xf32>
    %add3A_243 = arith.constant 1.000000e+00 : f32
    %add3A_244 = vector.broadcast %add3A_243 : f32 to vector<64x16xf32>
    %add3A_245 = arith.addf %add3A_244, %exp3A_242 : vector<64x16xf32>
    %div3A_246 = arith.constant 1.000000e+00 : f32
    %div3A_247 = vector.broadcast %div3A_246 : f32 to vector<64x16xf32>
    %div3A_248 = arith.divf %div3A_247, %add3A_245 : vector<64x16xf32>
    %tanh3A_249 = math.tanh %add3A_238 : vector<64x16xf32>
    %mul3A_250 = arith.mulf %div3A_248, %tanh3A_249 : vector<64x16xf32>
    %dot_general3A_251 = arith.constant dense<0.000000e+00> : vector<10000x16xf32>
    %dot_general3A_252 = tpu.matmul %convert_element_type3A_6, %mul3A_250, %dot_general3A_251 {dimension_numbers = #tpu.dot_dimension_numbers<[1], [0], [0], [1], [0, 0, 1, 1], [], []>, transpose_lhs_hint = false} : vector<10000x64xf32>, vector<64x16xf32>, vector<10000x16xf32> -> vector<10000x16xf32>
    %mul3A_253 = arith.mulf %get3A_1, %dot_general3A_252 : vector<10000x16xf32>
    %reduce_sum3A_254 = arith.constant dense<0.000000e+00> : vector<10000xf32>
    %reduce_sum3A_255 = vector.multi_reduction <add>, %mul3A_253, %reduce_sum3A_254 [1] : vector<10000x16xf32> to vector<10000xf32>
    %broadcast_in_dim3A_256 = vector.shape_cast %reduce_sum3A_255 : vector<10000xf32> to vector<10000x1xf32>
    %gt3A_257 = arith.constant 0.000000e+00 : f32
    %gt3A_258 = vector.broadcast %gt3A_257 : f32 to vector<10000x64xf32>
    %gt3A_259 = arith.cmpf ogt, %convert_element_type3A_6, %gt3A_258 : vector<10000x64xf32>
    %jit3A_260 = arith.constant -3.400000e+38 : f32
    %broadcast_in_dim3A_261 = vector.shape_cast %broadcast_in_dim3A_256 : vector<10000x1xf32> to vector<10000x1xf32>
    %broadcast_in_dim3A_262 = vector.broadcast %broadcast_in_dim3A_261 : vector<10000x1xf32> to vector<10000x64xf32>
    %broadcast_in_dim3A_263 = vector.broadcast %jit3A_260 : f32 to vector<10000x64xf32>
    %select_n3A_264 = arith.select %gt3A_259, %broadcast_in_dim3A_262, %broadcast_in_dim3A_263 : vector<10000x64xi1>, vector<10000x64xf32>
    %reduce_max3A_265 = arith.constant dense<0xFF800000> : vector<64xf32>
    %reduce_max3A_266 = vector.multi_reduction <maximumf>, %select_n3A_264, %reduce_max3A_265 [0] : vector<10000x64xf32> to vector<64xf32>
    %broadcast_in_dim3A_267 = vector.shape_cast %reduce_max3A_266 : vector<64xf32> to vector<1x64xf32>
    %lt3A_268 = arith.constant -9.99999993E+36 : f32
    %lt3A_269 = vector.broadcast %lt3A_268 : f32 to vector<1x64xf32>
    %lt3A_270 = arith.cmpf olt, %broadcast_in_dim3A_267, %lt3A_269 : vector<1x64xf32>
    %jit3A_271 = arith.constant 0.000000e+00 : f32
    %broadcast_in_dim3A_272 = vector.broadcast %jit3A_271 : f32 to vector<1x64xf32>
    %select_n3A_273 = arith.select %lt3A_270, %broadcast_in_dim3A_272, %broadcast_in_dim3A_267 : vector<1x64xi1>, vector<1x64xf32>
    %transpose3A_274 = tpu.transpose %select_n3A_273, [1, 0] : vector<1x64xf32> -> vector<64x1xf32>
    %dot_general3A_275 = arith.constant dense<0.000000e+00> : vector<10000x1xf32>
    %dot_general3A_276 = tpu.matmul %convert_element_type3A_6, %transpose3A_274, %dot_general3A_275 {dimension_numbers = #tpu.dot_dimension_numbers<[1], [0], [0], [1], [0, 0, 1, 1], [], []>, transpose_lhs_hint = false} : vector<10000x64xf32>, vector<64x1xf32>, vector<10000x1xf32> -> vector<10000x1xf32>
    %sub3A_277 = arith.subf %broadcast_in_dim3A_256, %dot_general3A_276 : vector<10000x1xf32>
    %exp3A_278 = math.exp %sub3A_277 : vector<10000x1xf32>
    %dot_general3A_279 = arith.constant dense<0.000000e+00> : vector<64x1xf32>
    %dot_general3A_280 = tpu.matmul %convert_element_type3A_6, %exp3A_278, %dot_general3A_279 {dimension_numbers = #tpu.dot_dimension_numbers<[0], [0], [1], [1], [0, 1, 1, 1], [], []>, transpose_lhs_hint = false} : vector<10000x64xf32>, vector<10000x1xf32>, vector<64x1xf32> -> vector<64x1xf32>
    %gt3A_281 = arith.constant 0.000000e+00 : f32
    %gt3A_282 = vector.broadcast %gt3A_281 : f32 to vector<64x1xf32>
    %gt3A_283 = arith.cmpf ogt, %dot_general3A_280, %gt3A_282 : vector<64x1xf32>
    %jit3A_284 = arith.constant 1.000000e+00 : f32
    %broadcast_in_dim3A_285 = vector.broadcast %jit3A_284 : f32 to vector<64x1xf32>
    %select_n3A_286 = arith.select %gt3A_283, %dot_general3A_280, %broadcast_in_dim3A_285 : vector<64x1xi1>, vector<64x1xf32>
    %dot_general3A_287 = arith.constant dense<0.000000e+00> : vector<10000x1xf32>
    %dot_general3A_288 = tpu.matmul %convert_element_type3A_6, %select_n3A_286, %dot_general3A_287 {dimension_numbers = #tpu.dot_dimension_numbers<[1], [0], [0], [1], [0, 0, 1, 1], [], []>, transpose_lhs_hint = false} : vector<10000x64xf32>, vector<64x1xf32>, vector<10000x1xf32> -> vector<10000x1xf32>
    %div3A_289 = arith.divf %exp3A_278, %dot_general3A_288 : vector<10000x1xf32>
    %mul3A_290 = vector.broadcast %div3A_289 : vector<10000x1xf32> to vector<10000x16xf32>
    %mul3A_291 = arith.mulf %mul3A_290, %get3A_1 : vector<10000x16xf32>
    %dot_general3A_292 = arith.constant dense<0.000000e+00> : vector<64x16xf32>
    %dot_general3A_293 = tpu.matmul %convert_element_type3A_6, %mul3A_291, %dot_general3A_292 {dimension_numbers = #tpu.dot_dimension_numbers<[0], [0], [1], [1], [0, 1, 1, 1], [], []>, transpose_lhs_hint = false} : vector<10000x64xf32>, vector<10000x16xf32>, vector<64x16xf32> -> vector<64x16xf32>
    %concatenate3A_294 = tpu.concatenate %mul3A_250, %dot_general3A_293 in 1 : vector<64x16xf32>, vector<64x16xf32> -> vector<64x32xf32>
    %get3A_295 = arith.constant 0 : index
    %get3A_296 = arith.constant 0 : index
    %get3A_297 = vector.load %arg5[%get3A_295, %get3A_296] : memref<32x16xf32, #tpu.memory_space<vmem>>, vector<32x16xf32>
    %dot_general3A_298 = arith.constant dense<0.000000e+00> : vector<64x16xf32>
    %dot_general3A_299 = tpu.matmul %concatenate3A_294, %get3A_297, %dot_general3A_298 {dimension_numbers = #tpu.dot_dimension_numbers<[1], [0], [0], [1], [0, 0, 1, 1], [], []>, transpose_lhs_hint = false} : vector<64x32xf32>, vector<32x16xf32>, vector<64x16xf32> -> vector<64x16xf32>
    %get3A_300 = arith.constant 0 : index
    %get3A_301 = arith.constant 0 : index
    %get3A_302 = vector.load %arg6[%get3A_300, %get3A_301] : memref<1x16xf32, #tpu.memory_space<vmem>>, vector<1x16xf32>
    %add3A_303 = vector.broadcast %get3A_302 : vector<1x16xf32> to vector<64x16xf32>
    %add3A_304 = arith.addf %dot_general3A_299, %add3A_303 : vector<64x16xf32>
    %neg3A_305 = arith.constant 0.000000e+00 : f32
    %neg3A_306 = vector.broadcast %neg3A_305 : f32 to vector<64x16xf32>
    %neg3A_307 = arith.subf %neg3A_306, %add3A_304 : vector<64x16xf32>
    %exp3A_308 = math.exp %neg3A_307 : vector<64x16xf32>
    %add3A_309 = arith.constant 1.000000e+00 : f32
    %add3A_310 = vector.broadcast %add3A_309 : f32 to vector<64x16xf32>
    %add3A_311 = arith.addf %add3A_310, %exp3A_308 : vector<64x16xf32>
    %div3A_312 = arith.constant 1.000000e+00 : f32
    %div3A_313 = vector.broadcast %div3A_312 : f32 to vector<64x16xf32>
    %div3A_314 = arith.divf %div3A_313, %add3A_311 : vector<64x16xf32>
    %mul3A_315 = arith.mulf %add3A_304, %div3A_314 : vector<64x16xf32>
    %get3A_316 = arith.constant 0 : index
    %get3A_317 = arith.constant 0 : index
    %get3A_318 = vector.load %arg7[%get3A_316, %get3A_317] : memref<16x1xf32, #tpu.memory_space<vmem>>, vector<16x1xf32>
    %dot_general3A_319 = arith.constant dense<0.000000e+00> : vector<64x1xf32>
    %dot_general3A_320 = tpu.matmul %mul3A_315, %get3A_318, %dot_general3A_319 {dimension_numbers = #tpu.dot_dimension_numbers<[1], [0], [0], [1], [0, 0, 1, 1], [], []>, transpose_lhs_hint = false} : vector<64x16xf32>, vector<16x1xf32>, vector<64x1xf32> -> vector<64x1xf32>
    %get3A_321 = arith.constant 0 : index
    %get3A_322 = arith.constant 0 : index
    %get3A_323 = vector.load %arg8[%get3A_321, %get3A_322] : memref<1x1xf32, #tpu.memory_space<vmem>>, vector<1x1xf32>
    %add3A_324 = vector.broadcast %get3A_323 : vector<1x1xf32> to vector<64x1xf32>
    %add3A_325 = arith.addf %dot_general3A_320, %add3A_324 : vector<64x1xf32>
    %swap3A = arith.constant 0 : index
    %swap3A_326 = arith.constant 0 : index
    %swap3A_327 = vector.load %arg9[%swap3A, %swap3A_326] : memref<64x1xf32, #tpu.memory_space<vmem>>, vector<64x1xf32>
    tpu.vector_store %arg9[%swap3A, %swap3A_326], %add3A_325 {strides = array<i32>} : memref<64x1xf32, #tpu.memory_space<vmem>>, vector<64x1xf32>,
    return
  }
}

</mosaic_0001>

<sc_bundles>
// kernel: kernel.20.cloned.1.call-start
scs
__scs_entry_jumppad:
0x0: {  	(pc) =	sbr.rel $0x88, $3  }
0x1: {  	(tag) =	ssettag $0x0;
	lr =	simm.s32 $0x1  }
0x2: {  	[smem:$0x3F8C] =	sst lr;
	_ =	strace $0xD0000000  }
0x3: {  	_ = 	snop  }
0x4: {  	_ = 	snop  }
0x5: {  	_ = 	snop  }
0x6: {  	_ = 	snop  }
0x7: {  	_ = 	snop  }
__scs_overlays_trampoline_lowered:
0x8: {  	[smem:$0x3F9B] =	sst s0  }
0x9: {  	[smem:$0x3F9C] =	sst s1  }
0xa: {  	[smem:$0x3F9D] =	sst s2  }
0xb: {  	[smem:$0x3F9E] =	sst s3  }
0xc: {  	[smem:$0x3F9F] =	sst s4  }
0xd: {  	[smem:$0x3FA0] =	sst s5  }
0xe: {  	[smem:$0x3FA1] =	sst s6  }
0xf: {  	[smem:$0x3FA2] =	sst s7  }
0x10: {  	[smem:$0x3FA3] =	sst s8  }
0x11: {  	[smem:$0x3FA4] =	sst s9;
	s0 =	simm.s32 @!p0 $0x0  }
0x12: {  	s1 =	sld [smem:$0x3F8A];
	s0 =	simm.s32 @p0 $0x1  }
0x13: {  	[smem:$0x3FA5] =	sst s0;
	s0 =	simm.s32 @!p1 $0x0  }
0x14: {  	s2 =	sld [smem:$0x3F89];
	s0 =	simm.s32 @p1 $0x1  }
0x15: {  	[smem:$0x3FA6] =	sst s0;
	s0 =	simm.s32 @!p2 $0x0  }
0x16: {  	s3 =	sld [smem:$0x3FDB];
	s0 =	simm.s32 @p2 $0x1  }
0x17: {  	s4 =	simm.s32 $0x1BF5;
	[smem:$0x3FA8] =	sst s0  }
0x18: {  	s0 =	sld [smem:$0x3F8B];
	_ =	swait.ge [sflag:s4], $0x0  }
0x19: {  	s7 =	sld [smem:$0x3F8C]  }
0x1a: {  	s8 =	sadd.s32 $0xFFFFE003, lr  }
0x1b: {  	s9 =	sadd.s32 $0xFFFFFEF7, lr;
	s5 =	simm.s32 $0xFFFFFFFF;
	p2 =	slt.u32 s8, $0xFFFFF086  }
0x1c: {  	p1 =	slt.u32 s9, $0xF7A;
	s5 =	simm.s32 @!p2 $0x0  }
0x1d: {  	s5 =	simm.s32 @p1 $0x1;
	p0 =	seq.s32 s7, s2  }
0x1e: {  	s7 =	smul.u32 @!p0 $0xF7A, s2;
	p2 =	seq.s32 @!p0 s5, $0x0  }
0x1f: {  	s9 =	smul.u32 $0xF7A, s1;
	s8 =	simm.s32 @!p0 $0x1BF5;
	p2 =	por !p2, p0  }
0x20: {  	[sflag:s8] =	ssyncset.s32 @!p0 $0xFFFFF086;
	s6 =	sadd.s32 @!p0 s3, s7;
	s7 =	simm.s32 @!p0 $0x108  }
0x21: {  	s3 =	sadd.s32 s3, s9;
	s6 =	sadd.s32 @!p0 $0x88, s6;
	s7 =	simm.s32 @p2 $0x1082  }
0x22: {  	[simem:s7], [sflag:s8] =	dma.local @!p0 [hbm:s6], $0xF7A  }
0x23: {  	s9 =	sor.u32 $0xD0000000, s2;
	s6 =	simm.s32 $0x108;
	_ =	swait.ge @!p0 [sflag:s8], $0x0  }
0x24: {  	s3 =	sadd.s32 $0x88, s3;
	s6 =	simm.s32 @!p1 $0x1082;
	[sflag:s4] =	ssyncset.s32 $0xFFFFF086  }
0x25: {  	[simem:s6], [sflag:s4] =	dma.local [hbm:s3], $0xF7A  }
0x26: {  	[smem:$0x3F8C] =	sst s1;
	(tag) =	ssettag s2;
	_ =	strace s9  }
0x27: {  	s1 =	sld [smem:$0x3F9C]  }
0x28: {  	s2 =	sld [smem:$0x3F9D]  }
0x29: {  	s4 =	sld [smem:$0x3F9F]  }
0x2a: {  	p0 =	seq.s32 s5, $0x0;
	s5 =	sld [smem:$0x3FA0]  }
0x2b: {  	s6 =	sld [smem:$0x3FA1]  }
0x2c: {  	s7 =	sld [smem:$0x3FA2]  }
0x2d: {  	s3 =	simm.s32 $0x108;
	s8 =	sld [smem:$0x3FA3]  }
0x2e: {  	s3 =	simm.s32 @!p0 $0x1082;
	s9 =	sld [smem:$0x3FA4]  }
0x2f: {  	lr =	sadd.s32 s0, s3;
	s0 =	sld [smem:$0x3F9B]  }
0x30: {  	s3 =	sld [smem:$0x3F9E]  }
0x31: {  	[smem:$0x3FA7] =	sst s10  }
0x32: {  	s10 =	sld [smem:$0x3FA5];
	_ =	sdelay $0x3  }
0x33: {  	p0 =	seq.s32 s10, $0x1;
	s10 =	sld [smem:$0x3FA7];
	_ =	sdelay $0x3  }
0x34: {  	[smem:$0x3FA7] =	sst s10  }
0x35: {  	s10 =	sld [smem:$0x3FA6];
	_ =	sdelay $0x3  }
0x36: {  	p1 =	seq.s32 s10, $0x1;
	s10 =	sld [smem:$0x3FA7];
	_ =	sdelay $0x3  }
0x37: {  	[smem:$0x3FA7] =	sst s10  }
0x38: {  	s10 =	sld [smem:$0x3FA8]  }
0x39: {  	_ = 	snop;
	(pc) =	sbr.ind lr, $3  }
0x3a: {  	_ = 	snop  }
0x3b: {  	_ = 	snop  }
0x3c: {  	p2 =	seq.s32 s10, $0x1;
	s10 =	sld [smem:$0x3FA7]  }
0x3d: {  	_ =	shalt  }
0x3e: {  	_ =	shalt  }
0x3f: {  	_ =	shalt  }
0x40: {  	_ =	shalt  }
0x41: {  	_ =	shalt  }
0x42: {  	_ =	shalt  }
0x43: {  	_ =	shalt  }
0x44: {  	_ =	shalt  }
0x45: {  	_ =	shalt  }
0x46: {  	_ =	shalt  }
0x47: {  	_ =	shalt  }
0x48: {  	_ =	shalt  }
0x49: {  	_ =	shalt  }
0x4a: {  	_ =	shalt  }
0x4b: {  	_ =	shalt  }
0x4c: {  	_ =	shalt  }
0x4d: {  	_ =	shalt  }
0x4e: {  	_ =	shalt  }
0x4f: {  	_ =	shalt  }
0x50: {  	_ =	shalt  }
0x51: {  	_ =	shalt  }
0x52: {  	_ =	shalt  }
0x53: {  	_ =	shalt  }
0x54: {  	_ =	shalt  }
0x55: {  	_ =	shalt  }
0x56: {  	_ =	shalt  }
0x57: {  	_ =	shalt  }
0x58: {  	_ =	shalt  }
0x59: {  	_ =	shalt  }
0x5a: {  	_ =	shalt  }
0x5b: {  	_ =	shalt  }
0x5c: {  	_ =	shalt  }
0x5d: {  	_ =	shalt  }
0x5e: {  	_ =	shalt  }
0x5f: {  	_ =	shalt  }
0x60: {  	_ =	shalt  }
0x61: {  	_ =	shalt  }
0x62: {  	_ =	shalt  }
0x63: {  	_ =	shalt  }
0x64: {  	_ =	shalt  }
0x65: {  	_ =	shalt  }
0x66: {  	_ =	shalt  }
0x67: {  	_ =	shalt  }
0x68: {  	_ =	shalt  }
0x69: {  	_ =	shalt  }
0x6a: {  	_ =	shalt  }
0x6b: {  	_ =	shalt  }
0x6c: {  	_ =	shalt  }
0x6d: {  	_ =	shalt  }
0x6e: {  	_ =	shalt  }
0x6f: {  	_ =	shalt  }
0x70: {  	_ =	shalt  }
0x71: {  	_ =	shalt  }
0x72: {  	_ =	shalt  }
0x73: {  	_ =	shalt  }
0x74: {  	_ =	shalt  }
0x75: {  	_ =	shalt  }
0x76: {  	_ =	shalt  }
0x77: {  	_ =	shalt  }
0x78: {  	_ =	shalt  }
0x79: {  	_ =	shalt  }
0x7a: {  	_ =	shalt  }
0x7b: {  	_ =	shalt  }
0x7c: {  	_ =	shalt  }
0x7d: {  	_ =	shalt  }
0x7e: {  	_ =	shalt  }
0x7f: {  	_ =	shalt  }
0x80: {  	_ =	shalt  }
0x81: {  	_ =	shalt  }
0x82: {  	_ =	shalt  }
0x83: {  	_ =	shalt  }
0x84: {  	_ =	shalt  }
0x85: {  	_ =	shalt  }
0x86: {  	_ =	shalt  }
0x87: {  	_ =	shalt  }
.Lfunc_end0:
.L_simem_size_0:
called_computation_lowered:
.L_overlay_start_0:
0x88: {  	s2 =	sld [smem:$0x3FD9]  }
0x89: {  	s3 =	sld [smem:$0x3FFE];
	_ =	sdelay $0x1  }
0x8a: {  	s1 =	srdreg.scid  }
0x8b: {  	s0 =	sand.u32 $0x1, s1  }
0x8c: {  	s16 =	sshll.u32 s0, $0xA;
	s2 =	sadd.s32 s3, s2  }
0x8d: {  	s2 =	sadd.s32 s2, s16  }
0x8e: {  	[smem:$0x3FB3] =	sst s2  }
0x8f: {  	_ = 	snop  }
0x90: {  	(tm) =	ssettm $0x1  }
0x91: {  	s17 =	sld [smem:$0x3FFB];
	_ =	sdelay $0x3  }
0x92: {  	_ =	strace s17  }
0x93: {  	s2 =	sld [smem:$0x3FFC];
	_ =	sdelay $0x3  }
0x94: {  	_ =	strace s2  }
0x95: {  	s2 =	sld [smem:$0x3FFD];
	_ =	sdelay $0x3  }
0x96: {  	_ =	strace s2  }
0x97: {  	_ =	strace $0x8FFFFFFF  }
0x98: {  	s18 =	sld [smem:$0x3FDB];
	_ =	sdelay $0x1  }
0x99: {  	s19 =	simm.s32 $_scs_section_size  }
0x9a: {  	s4 =	simm.s32 $_size__tile_overlayer_lowered;
	s5 =	simm.s32 $_tile_overlayer_lowered  }
0x9b: {  	s22 =	simm.s32 $0x1BFF;
	s21 =	sshll.u32 s5, $0x1;
	s2 =	sadd.s32 s19, s18  }
0x9c: {  	s6 =	simm.s32 $0x0;
	s20 =	sshll.u32 s4, $0x1;
	s4 =	sadd.s32 s21, s2  }
0x9d: {  	[timem:s6], [sflag:s22] =	dma.local [hbm:s4], s20  }
0x9e: {  	_ =	swait.ge [sflag:s22], s20  }
0x9f: {  	s3 =	ssub.s32 $0x0, s20;
	[sflag:s22] =	ssyncset.done $0x0  }
0xa0: {  	[sflag:s22] =	ssyncadd.s32 s3;
	_ =	sdelay $0x1  }
0xa1: {  	s23 =	simm.s32 $0x1B8B  }
0xa2: {  	_ =	swait.ge [sflag:s23], $0x1  }
0xa3: {  	[sflag:s23] =	ssyncset.done $0x0  }
0xa4: {  	s25 =	simm.s32 $0x1B8E;
	s24 =	sld [smem:$0x3FFE];
	[sflag:s23] =	ssyncadd.s32 $0xFFFFFFFF  }
0xa5: {  	s26 =	simm.s32 $execute0_lowered;
	[smem:$0x3FD2] =	sst s25  }
0xa6: {  	s4 =	sshll.u32 s26, $0x1;
	_ =	strace $0x80000046;
	[dreg:$0x1] =	wrdreg $0xFFFFFFFF  }
0xa7: {  	s28 =	simm.s32 $_size_execute0_lowered;
	s2 =	sadd.s32 s2, s4;
	[dreg:$0x0] =	wrdreg $0x0  }
0xa8: {  	s4 =	sshll.u32 s28, $0x1;
	[dreg:$0x2] =	wrdreg s2  }
0xa9: {  	[dreg:$0x3] =	wrdreg s4  }
0xaa: {  	[dreg:$0x4] =	wrdreg $0xC0  }
0xab: {  	_ =	task [dreg:s6], $0x5FFFF  }
0xac: {  	[dreg:$0x1] =	wrdreg $0xFFFFFFFF  }
0xad: {  	[dreg:$0x0] =	wrdreg $0x60  }
0xae: {  	[dreg:$0x2] =	wrdreg s24  }
0xaf: {  	[dreg:$0x3] =	wrdreg $0x9  }
0xb0: {  	_ =	task.clear_ibuf [dreg:s6], $0x4FFFF;
	_ =	strace $0x90000046  }
0xb1: {  	s29 =	simm.s32 $0x9;
	_ =	strace $0x80000048  }
0xb2: {  	_ =	swait.ge [sflag:s29], $0x1  }
0xb3: {  	[sflag:s29] =	ssyncadd.s32 $0xFFFFFFFF  }
0xb4: {  	_ =	strace $0x90000048  }
0xb5: {  	_ =	sfence  }
0xb6: {  	s30 =	sld [smem:$0x0];
	_ =	sdelay $0x2  }
0xb7: {  	s31 =	sshll.u32 s1, $0xD;
	s1 =	sshrl.u32 s1, $0x2  }
0xb8: {  	s3 =	sand.u32 $0x4000, s31;
	s1 =	sadd.s32 s1, s30  }
0xb9: {  	s0 =	sor.u32 s3, s0;
	s1 =	sshll.u32 s1, $0x11  }
0xba: {  	s0 =	sor.u32 s1, s0  }
0xbb: {  	s0 =	sadd.s32 $0x8F2B, s0  }
0xbc: {  	[sflag:s0] =	ssyncadd.remote.s32 $0x1  }
0xbd: {  	_ =	sfence.sel $0xFFFF  }
0xbe: {  	[dreg:$0x0] =	wrdreg $0xFFFFFFFF;
	(pc) =	sbr.abs _section_cstart, $3  }
0xbf: {  	[dreg:$0x1] =	wrdreg $0xFFFFFFFF  }
0xc0: {  	_ =	task.clear_ibuf [dreg:s6], $0x2FFFF;
	_ =	strace $0x9FFFFFFF  }
0xc1: {  	(tm) =	ssettm $0x7FFFFFFF  }
tec
execute0_lowered:
.L_overlay_start_1:
0x0: {  	(tag) =	ssettag $0x1  }
0x1: {  	s1 =	srdreg.scid;
	s0 =	stileid.u32  }
0x2: {  	s25 =	sand.u32 $0x1, s1;
	s30 =	sshll.u32 s0, $0x1  }
0x3: {  	s14 =	sor.u32 s25, s30  }
0x4: {  	s24 =	smul.u32 $0x1400, s14  }
0x5: {  	s15 =	rddreg [dreg:$0x0]  }
0x6: {  	s2 =	simm.s32 $0x0;
	s1 =	rddreg [dreg:$0x1];
	s3 =	sshrl.u32 s24, $0x3  }
0x7: {  	[smem:$0x7FF] =	sst s2;
	s5 =	sadd.s32 s3, s15  }
0x8: {  	_ =	strace $0x80000047;
	s3 =	simm.s32 $0x2;
	s4 =	sadd.s32 $0xEE00, s5  }
0x9: {  	[tilespmem:s2], [sflag:$0x2] =	stream.linear.gather [hbm4b:s4+s2], $0x1400, $0x38;
	[tilespmem:$0x11800] =	vst v63  }
0xa: {  	_ =	swait.ge [sflag:s3], $0x1400  }
0xb: {  	[sflag:s3] =	ssyncset.done $0x0  }
0xc: {  	s6 =	simm.s32 $0x1400;
	s5 =	sadd.s32 $0x9E00, s5;
	[sflag:s3] =	ssyncadd.s32 $0xFFFFEC00  }
0xd: {  	[tilespmem:s6], [sflag:$0x2] =	stream.linear.gather [hbm4b:s5+s2], $0x1400, $0x38;
	[tilespmem:$0x11800] =	vst v63  }
0xe: {  	_ =	swait.ge [sflag:s3], $0x1400  }
0xf: {  	s8 =	simm.s32 $0x500;
	[sflag:s3] =	ssyncset.done $0x0  }
0x10: {  	s9 =	simm.s32 $0x2800;
	s7 =	sadd.s32 $0x3B000, s15;
	[sflag:s3] =	ssyncadd.s32 $0xFFFFEC00  }
0x11: {  	[tilespmem:s9], [sflag:$0x1] =	stream.indirect.gather [hbm4b:s7+s8], $0x20, s2, s8, $0xb8;
	[tilespmem:$0x11800] =	vst v63  }
0x12: {  	s11 =	simm.s32 $0xC800;
	s12 =	simm.s32 $0x1;
	s10 =	sadd.s32 $0x44E00, s15  }
0x13: {  	[tilespmem:s11], [sflag:$0x1] =	stream.indirect.gather [hbm4b:s10+s8], $0x10, s6, s8, $0xb8;
	[tilespmem:$0x11800] =	vst v63  }
0x14: {  	_ =	swait.ge [sflag:s12], $0xA000  }
0x15: {  	[sflag:s12] =	ssyncset.done $0x0  }
0x16: {  	[sflag:s12] =	ssyncadd.s32 $0xFFFF6000  }
0x17: {  	s13 =	smul.u32 $0x5000, s14;
	_ =	swait.ge [sflag:s12], $0x5000  }
0x18: {  	s28 =	sadd.s32 $0x99E00, s15;
	[sflag:s12] =	ssyncset.done $0x0  }
0x19: {  	s13 =	sadd.s32 s28, s13;
	[sflag:s12] =	ssyncadd.s32 $0xFFFFB000  }
0x1a: {  	[hbm4b:s13+s2] =	stream.linear.scatter [tilespmem:s9], [sflag:$0x2], $0xA000, $0x38;
	[tilespmem:$0x11800] =	vst v63  }
0x1b: {  	s14 =	smul.u32 $0x2800, s14;
	_ =	swait.ge [sflag:s3], $0xA000  }
0x1c: {  	s26 =	sadd.s32 $0x49E00, s15;
	[sflag:s3] =	ssyncset.done $0x0  }
0x1d: {  	s14 =	sadd.s32 s26, s14;
	[sflag:s3] =	ssyncadd.s32 $0xFFFF6000  }
0x1e: {  	[hbm4b:s14+s2] =	stream.linear.scatter [tilespmem:s11], [sflag:$0x2], $0x5000, $0x38;
	[tilespmem:$0x11800] =	vst v63  }
0x1f: {  	_ =	swait.ge [sflag:s3], $0x5000  }
0x20: {  	[sflag:s3] =	ssyncset.done $0x0  }
0x21: {  	[sflag:s3] =	ssyncadd.s32 $0xFFFFB000  }
0x22: {  	[tilespmem:s9], [sflag:$0x1] =	stream.indirect.gather [hbm4b:s7+s8], $0x20, s8, s8, $0xb8;
	[tilespmem:$0x11800] =	vst v63  }
0x23: {  	s15 =	simm.s32 $0x1900  }
0x24: {  	[tilespmem:s11], [sflag:$0x1] =	stream.indirect.gather [hbm4b:s10+s8], $0x10, s15, s8, $0xb8;
	[tilespmem:$0x11800] =	vst v63  }
0x25: {  	_ =	swait.ge [sflag:s12], $0xA000  }
0x26: {  	[sflag:s12] =	ssyncset.done $0x0  }
0x27: {  	[sflag:s12] =	ssyncadd.s32 $0xFFFF6000  }
0x28: {  	s17 =	sadd.s32 $0x500, s24;
	_ =	swait.ge [sflag:s12], $0x5000  }
0x29: {  	s16 =	sshll.u32 s17, $0x2;
	[sflag:s12] =	ssyncset.done $0x0  }
0x2a: {  	s16 =	sadd.s32 s28, s16;
	[sflag:s12] =	ssyncadd.s32 $0xFFFFB000  }
0x2b: {  	[hbm4b:s16+s2] =	stream.linear.scatter [tilespmem:s9], [sflag:$0x2], $0xA000, $0x38;
	[tilespmem:$0x11800] =	vst v63  }
0x2c: {  	_ =	swait.ge [sflag:s3], $0xA000  }
0x2d: {  	s17 =	sshll.u32 s17, $0x1;
	[sflag:s3] =	ssyncset.done $0x0  }
0x2e: {  	s17 =	sadd.s32 s26, s17;
	[sflag:s3] =	ssyncadd.s32 $0xFFFF6000  }
0x2f: {  	[hbm4b:s17+s2] =	stream.linear.scatter [tilespmem:s11], [sflag:$0x2], $0x5000, $0x38;
	[tilespmem:$0x11800] =	vst v63  }
0x30: {  	_ =	swait.ge [sflag:s3], $0x5000  }
0x31: {  	[sflag:s3] =	ssyncset.done $0x0  }
0x32: {  	s18 =	simm.s32 $0xA00;
	[sflag:s3] =	ssyncadd.s32 $0xFFFFB000  }
0x33: {  	[tilespmem:s9], [sflag:$0x1] =	stream.indirect.gather [hbm4b:s7+s8], $0x20, s18, s8, $0xb8;
	[tilespmem:$0x11800] =	vst v63  }
0x34: {  	s19 =	simm.s32 $0x1E00  }
0x35: {  	[tilespmem:s11], [sflag:$0x1] =	stream.indirect.gather [hbm4b:s10+s8], $0x10, s19, s8, $0xb8;
	[tilespmem:$0x11800] =	vst v63  }
0x36: {  	_ =	swait.ge [sflag:s12], $0xA000  }
0x37: {  	[sflag:s12] =	ssyncset.done $0x0  }
0x38: {  	[sflag:s12] =	ssyncadd.s32 $0xFFFF6000  }
0x39: {  	s21 =	sadd.s32 $0xA00, s24;
	_ =	swait.ge [sflag:s12], $0x5000  }
0x3a: {  	s20 =	sshll.u32 s21, $0x2;
	[sflag:s12] =	ssyncset.done $0x0  }
0x3b: {  	s20 =	sadd.s32 s28, s20;
	[sflag:s12] =	ssyncadd.s32 $0xFFFFB000  }
0x3c: {  	[hbm4b:s20+s2] =	stream.linear.scatter [tilespmem:s9], [sflag:$0x2], $0xA000, $0x38;
	[tilespmem:$0x11800] =	vst v63  }
0x3d: {  	_ =	swait.ge [sflag:s3], $0xA000  }
0x3e: {  	s21 =	sshll.u32 s21, $0x1;
	[sflag:s3] =	ssyncset.done $0x0  }
0x3f: {  	s21 =	sadd.s32 s26, s21;
	[sflag:s3] =	ssyncadd.s32 $0xFFFF6000  }
0x40: {  	[hbm4b:s21+s2] =	stream.linear.scatter [tilespmem:s11], [sflag:$0x2], $0x5000, $0x38;
	[tilespmem:$0x11800] =	vst v63  }
0x41: {  	_ =	swait.ge [sflag:s3], $0x5000  }
0x42: {  	[sflag:s3] =	ssyncset.done $0x0  }
0x43: {  	s22 =	simm.s32 $0xF00;
	[sflag:s3] =	ssyncadd.s32 $0xFFFFB000  }
0x44: {  	[tilespmem:s9], [sflag:$0x1] =	stream.indirect.gather [hbm4b:s7+s8], $0x20, s22, s8, $0xb8;
	[tilespmem:$0x11800] =	vst v63  }
0x45: {  	s23 =	simm.s32 $0x2300  }
0x46: {  	[tilespmem:s11], [sflag:$0x1] =	stream.indirect.gather [hbm4b:s10+s8], $0x10, s23, s8, $0xb8;
	[tilespmem:$0x11800] =	vst v63  }
0x47: {  	_ =	swait.ge [sflag:s12], $0xA000  }
0x48: {  	[sflag:s12] =	ssyncset.done $0x0  }
0x49: {  	s25 =	ssub.s32 $0x2, s25;
	s29 =	sadd.s32 $0xF00, s24;
	[sflag:s12] =	ssyncadd.s32 $0xFFFF6000  }
0x4a: {  	s31 =	sshrl.u32 s25, $0x1;
	s24 =	sshll.u32 s29, $0x2;
	_ =	swait.ge [sflag:s12], $0x5000  }
0x4b: {  	s24 =	sadd.s32 s28, s24;
	s28 =	ssub.s32 s25, s31;
	[sflag:s12] =	ssyncset.done $0x0  }
0x4c: {  	s31 =	smax.u32 s28, $0x1;
	[sflag:s12] =	ssyncadd.s32 $0xFFFFB000  }
0x4d: {  	[hbm4b:s24+s2] =	stream.linear.scatter [tilespmem:s9], [sflag:$0x2], $0xA000, $0x38;
	[tilespmem:$0x11800] =	vst v63  }
0x4e: {  	p0 =	sne.s32 s31, $0x1;
	_ =	swait.ge [sflag:s3], $0xA000  }
.Ltmp0:
0x4f: {  	s30 =	sshll.u32 s29, $0x1;
	[sflag:s3] =	ssyncset.done $0x0;
	(pc) =	sbr.rel @!p0 .LBB2_2-.Ltmp0, $4  }
0x50: {  	s25 =	sadd.s32 s26, s30;
	[sflag:s3] =	ssyncadd.s32 $0xFFFF6000  }
0x51: {  	[hbm4b:s25+s2] =	stream.linear.scatter [tilespmem:s11], [sflag:$0x2], $0x5000, $0x38;
	[tilespmem:$0x11800] =	vst v63  }
0x52: {  	_ =	swait.ge [sflag:s3], $0x5000  }
0x53: {  	s26 =	sadd.s32 $0xFFFFFFFF, s31;
	[sflag:s3] =	ssyncset.done $0x0  }
.LBB2_1:
0x54: {  	p0 =	sne.s32 s26, $0x1;
	s26 =	sadd.s32 $0xFFFFFFFF, s26;
	[sflag:s3] =	ssyncadd.s32 $0xFFFFB000  }
0x55: {  	[tilespmem:s2], [sflag:$0x2] =	stream.linear.gather [hbm4b:s4+s2], $0x1400, $0x38;
	[tilespmem:$0x11800] =	vst v63  }
0x56: {  	_ =	swait.ge [sflag:s3], $0x1400  }
0x57: {  	[sflag:s3] =	ssyncset.done $0x0  }
0x58: {  	[sflag:s3] =	ssyncadd.s32 $0xFFFFEC00  }
0x59: {  	[tilespmem:s6], [sflag:$0x2] =	stream.linear.gather [hbm4b:s5+s2], $0x1400, $0x38;
	[tilespmem:$0x11800] =	vst v63  }
0x5a: {  	_ =	swait.ge [sflag:s3], $0x1400  }
0x5b: {  	[sflag:s3] =	ssyncset.done $0x0  }
0x5c: {  	[sflag:s3] =	ssyncadd.s32 $0xFFFFEC00  }
0x5d: {  	[tilespmem:s9], [sflag:$0x1] =	stream.indirect.gather [hbm4b:s7+s8], $0x20, s2, s8, $0xb8;
	[tilespmem:$0x11800] =	vst v63  }
0x5e: {  	_ = 	snop  }
0x5f: {  	[tilespmem:s11], [sflag:$0x1] =	stream.indirect.gather [hbm4b:s10+s8], $0x10, s6, s8, $0xb8;
	[tilespmem:$0x11800] =	vst v63  }
0x60: {  	_ =	swait.ge [sflag:s12], $0xA000  }
0x61: {  	[sflag:s12] =	ssyncset.done $0x0  }
0x62: {  	[sflag:s12] =	ssyncadd.s32 $0xFFFF6000  }
0x63: {  	_ =	swait.ge [sflag:s12], $0x5000  }
0x64: {  	[sflag:s12] =	ssyncset.done $0x0  }
0x65: {  	[sflag:s12] =	ssyncadd.s32 $0xFFFFB000  }
0x66: {  	[hbm4b:s13+s2] =	stream.linear.scatter [tilespmem:s9], [sflag:$0x2], $0xA000, $0x38;
	[tilespmem:$0x11800] =	vst v63  }
0x67: {  	_ =	swait.ge [sflag:s3], $0xA000  }
0x68: {  	[sflag:s3] =	ssyncset.done $0x0  }
0x69: {  	[sflag:s3] =	ssyncadd.s32 $0xFFFF6000  }
0x6a: {  	[hbm4b:s14+s2] =	stream.linear.scatter [tilespmem:s11], [sflag:$0x2], $0x5000, $0x38;
	[tilespmem:$0x11800] =	vst v63  }
0x6b: {  	_ =	swait.ge [sflag:s3], $0x5000  }
0x6c: {  	[sflag:s3] =	ssyncset.done $0x0  }
0x6d: {  	[sflag:s3] =	ssyncadd.s32 $0xFFFFB000  }
0x6e: {  	[tilespmem:s9], [sflag:$0x1] =	stream.indirect.gather [hbm4b:s7+s8], $0x20, s8, s8, $0xb8;
	[tilespmem:$0x11800] =	vst v63  }
0x6f: {  	_ = 	snop  }
0x70: {  	[tilespmem:s11], [sflag:$0x1] =	stream.indirect.gather [hbm4b:s10+s8], $0x10, s15, s8, $0xb8;
	[tilespmem:$0x11800] =	vst v63  }
0x71: {  	_ =	swait.ge [sflag:s12], $0xA000  }
0x72: {  	[sflag:s12] =	ssyncset.done $0x0  }
0x73: {  	[sflag:s12] =	ssyncadd.s32 $0xFFFF6000  }
0x74: {  	_ =	swait.ge [sflag:s12], $0x5000  }
0x75: {  	[sflag:s12] =	ssyncset.done $0x0  }
0x76: {  	[sflag:s12] =	ssyncadd.s32 $0xFFFFB000  }
0x77: {  	[hbm4b:s16+s2] =	stream.linear.scatter [tilespmem:s9], [sflag:$0x2], $0xA000, $0x38;
	[tilespmem:$0x11800] =	vst v63  }
0x78: {  	_ =	swait.ge [sflag:s3], $0xA000  }
0x79: {  	[sflag:s3] =	ssyncset.done $0x0  }
0x7a: {  	[sflag:s3] =	ssyncadd.s32 $0xFFFF6000  }
0x7b: {  	[hbm4b:s17+s2] =	stream.linear.scatter [tilespmem:s11], [sflag:$0x2], $0x5000, $0x38;
	[tilespmem:$0x11800] =	vst v63  }
0x7c: {  	_ =	swait.ge [sflag:s3], $0x5000  }
0x7d: {  	[sflag:s3] =	ssyncset.done $0x0  }
0x7e: {  	[sflag:s3] =	ssyncadd.s32 $0xFFFFB000  }
0x7f: {  	[tilespmem:s9], [sflag:$0x1] =	stream.indirect.gather [hbm4b:s7+s8], $0x20, s18, s8, $0xb8;
	[tilespmem:$0x11800] =	vst v63  }
0x80: {  	_ = 	snop  }
0x81: {  	[tilespmem:s11], [sflag:$0x1] =	stream.indirect.gather [hbm4b:s10+s8], $0x10, s19, s8, $0xb8;
	[tilespmem:$0x11800] =	vst v63  }
0x82: {  	_ =	swait.ge [sflag:s12], $0xA000  }
0x83: {  	[sflag:s12] =	ssyncset.done $0x0  }
0x84: {  	[sflag:s12] =	ssyncadd.s32 $0xFFFF6000  }
0x85: {  	_ =	swait.ge [sflag:s12], $0x5000  }
0x86: {  	[sflag:s12] =	ssyncset.done $0x0  }
0x87: {  	[sflag:s12] =	ssyncadd.s32 $0xFFFFB000  }
0x88: {  	[hbm4b:s20+s2] =	stream.linear.scatter [tilespmem:s9], [sflag:$0x2], $0xA000, $0x38;
	[tilespmem:$0x11800] =	vst v63  }
0x89: {  	_ =	swait.ge [sflag:s3], $0xA000  }
0x8a: {  	[sflag:s3] =	ssyncset.done $0x0  }
0x8b: {  	[sflag:s3] =	ssyncadd.s32 $0xFFFF6000  }
0x8c: {  	[hbm4b:s21+s2] =	stream.linear.scatter [tilespmem:s11], [sflag:$0x2], $0x5000, $0x38;
	[tilespmem:$0x11800] =	vst v63  }
0x8d: {  	_ =	swait.ge [sflag:s3], $0x5000  }
0x8e: {  	[sflag:s3] =	ssyncset.done $0x0  }
0x8f: {  	[sflag:s3] =	ssyncadd.s32 $0xFFFFB000  }
0x90: {  	[tilespmem:s9], [sflag:$0x1] =	stream.indirect.gather [hbm4b:s7+s8], $0x20, s22, s8, $0xb8;
	[tilespmem:$0x11800] =	vst v63  }
0x91: {  	_ = 	snop  }
0x92: {  	[tilespmem:s11], [sflag:$0x1] =	stream.indirect.gather [hbm4b:s10+s8], $0x10, s23, s8, $0xb8;
	[tilespmem:$0x11800] =	vst v63  }
0x93: {  	_ =	swait.ge [sflag:s12], $0xA000  }
0x94: {  	[sflag:s12] =	ssyncset.done $0x0  }
0x95: {  	[sflag:s12] =	ssyncadd.s32 $0xFFFF6000  }
0x96: {  	_ =	swait.ge [sflag:s12], $0x5000  }
0x97: {  	[sflag:s12] =	ssyncset.done $0x0  }
0x98: {  	[sflag:s12] =	ssyncadd.s32 $0xFFFFB000  }
0x99: {  	[hbm4b:s24+s2] =	stream.linear.scatter [tilespmem:s9], [sflag:$0x2], $0xA000, $0x38;
	[tilespmem:$0x11800] =	vst v63  }
0x9a: {  	_ =	swait.ge [sflag:s3], $0xA000  }
.Ltmp1:
0x9b: {  	[sflag:s3] =	ssyncset.done $0x0;
	(pc) =	sbr.rel @p0 .LBB2_1-.Ltmp1, $4  }
0x9c: {  	[sflag:s3] =	ssyncadd.s32 $0xFFFF6000  }
0x9d: {  	[hbm4b:s25+s2] =	stream.linear.scatter [tilespmem:s11], [sflag:$0x2], $0x5000, $0x38;
	[tilespmem:$0x11800] =	vst v63  }
0x9e: {  	_ =	swait.ge [sflag:s3], $0x5000  }
0x9f: {  	[sflag:s3] =	ssyncset.done $0x0  }
.LBB2_2:
0xa0: {  	[sflag:s3] =	ssyncadd.s32 $0xFFFFB000  }
0xa1: {  	_ =	sfence.sel $0x180000  }
0xa2: {  	[bflag:$0x0] =	sbarrier.arrive $0xFFFF  }
0xa3: {  	p0 =	sne.s32 s0, $0x0;
	_ =	strace $0x90000047  }
0xa4: {  	s0 =	sadd.s32 @!p0 $0x100000, s1;
	[bflag:$0x2] =	sbarrier.arrive $0xFFFF  }
0xa5: {  	[sflag:s0] =	ssyncadd.tile.s32 @!p0 $0x1;
	_ =	shalt  }
.Lfunc_end2:
_tile_overlayer_lowered:
.L_overlay_start_2:
0xa6: {  	(tag) =	ssettag $0x2  }
0xa7: {  	s0 =	rddreg [dreg:$0x0];
	s2 =	stileid.u32  }
0xa8: {  	s1 =	rddreg [dreg:$0x1];
	p0 =	sne.s32 s2, $0x0  }
0xa9: {  	s3 =	rddreg [dreg:$0x2];
	[bflag:$0x3] =	sbarrier.arrive $0xFFFF;
	s2 =	simm.s32 @!p0 $0x1C02  }
0xaa: {  	[timem:s3], [sflag:s2] =	dma.local @!p0 [hbm:s0], s1  }
0xab: {  	s0 =	simm.s32 @!p0 $0x2  }
0xac: {  	_ =	swait.ge @!p0 [sflag:s0], s1  }
0xad: {  	s1 =	ssub.s32 @!p0 $0x0, s1;
	[sflag:s0] =	ssyncset.done @!p0 $0x0  }
0xae: {  	[sflag:s0] =	ssyncadd.s32 @!p0 s1  }
0xaf: {  	[bflag:$0x3] =	sbarrier.arrive $0xFFFF  }
0xb0: {  	_ =	shalt  }

// kernel: kernel.23.cloned.1.call-start
scs
__scs_entry_jumppad:
0x0: {  	(pc) =	sbr.rel $0x88, $3  }
0x1: {  	(tag) =	ssettag $0x0;
	lr =	simm.s32 $0x1  }
0x2: {  	[smem:$0x3F8C] =	sst lr;
	_ =	strace $0xD0000000  }
0x3: {  	_ = 	snop  }
0x4: {  	_ = 	snop  }
0x5: {  	_ = 	snop  }
0x6: {  	_ = 	snop  }
0x7: {  	_ = 	snop  }
__scs_overlays_trampoline_lowered:
0x8: {  	[smem:$0x3F9B] =	sst s0  }
0x9: {  	[smem:$0x3F9C] =	sst s1  }
0xa: {  	[smem:$0x3F9D] =	sst s2  }
0xb: {  	[smem:$0x3F9E] =	sst s3  }
0xc: {  	[smem:$0x3F9F] =	sst s4  }
0xd: {  	[smem:$0x3FA0] =	sst s5  }
0xe: {  	[smem:$0x3FA1] =	sst s6  }
0xf: {  	[smem:$0x3FA2] =	sst s7  }
0x10: {  	[smem:$0x3FA3] =	sst s8  }
0x11: {  	[smem:$0x3FA4] =	sst s9;
	s0 =	simm.s32 @!p0 $0x0  }
0x12: {  	s1 =	sld [smem:$0x3F8A];
	s0 =	simm.s32 @p0 $0x1  }
0x13: {  	[smem:$0x3FA5] =	sst s0;
	s0 =	simm.s32 @!p1 $0x0  }
0x14: {  	s2 =	sld [smem:$0x3F89];
	s0 =	simm.s32 @p1 $0x1  }
0x15: {  	[smem:$0x3FA6] =	sst s0;
	s0 =	simm.s32 @!p2 $0x0  }
0x16: {  	s3 =	sld [smem:$0x3FDB];
	s0 =	simm.s32 @p2 $0x1  }
0x17: {  	s4 =	simm.s32 $0x1BF5;
	[smem:$0x3FA8] =	sst s0  }
0x18: {  	s0 =	sld [smem:$0x3F8B];
	_ =	swait.ge [sflag:s4], $0x0  }
0x19: {  	s7 =	sld [smem:$0x3F8C]  }
0x1a: {  	s8 =	sadd.s32 $0xFFFFE003, lr  }
0x1b: {  	s9 =	sadd.s32 $0xFFFFFEF7, lr;
	s5 =	simm.s32 $0xFFFFFFFF;
	p2 =	slt.u32 s8, $0xFFFFF086  }
0x1c: {  	p1 =	slt.u32 s9, $0xF7A;
	s5 =	simm.s32 @!p2 $0x0  }
0x1d: {  	s5 =	simm.s32 @p1 $0x1;
	p0 =	seq.s32 s7, s2  }
0x1e: {  	s7 =	smul.u32 @!p0 $0xF7A, s2;
	p2 =	seq.s32 @!p0 s5, $0x0  }
0x1f: {  	s9 =	smul.u32 $0xF7A, s1;
	s8 =	simm.s32 @!p0 $0x1BF5;
	p2 =	por !p2, p0  }
0x20: {  	[sflag:s8] =	ssyncset.s32 @!p0 $0xFFFFF086;
	s6 =	sadd.s32 @!p0 s3, s7;
	s7 =	simm.s32 @!p0 $0x108  }
0x21: {  	s3 =	sadd.s32 s3, s9;
	s6 =	sadd.s32 @!p0 $0x88, s6;
	s7 =	simm.s32 @p2 $0x1082  }
0x22: {  	[simem:s7], [sflag:s8] =	dma.local @!p0 [hbm:s6], $0xF7A  }
0x23: {  	s9 =	sor.u32 $0xD0000000, s2;
	s6 =	simm.s32 $0x108;
	_ =	swait.ge @!p0 [sflag:s8], $0x0  }
0x24: {  	s3 =	sadd.s32 $0x88, s3;
	s6 =	simm.s32 @!p1 $0x1082;
	[sflag:s4] =	ssyncset.s32 $0xFFFFF086  }
0x25: {  	[simem:s6], [sflag:s4] =	dma.local [hbm:s3], $0xF7A  }
0x26: {  	[smem:$0x3F8C] =	sst s1;
	(tag) =	ssettag s2;
	_ =	strace s9  }
0x27: {  	s1 =	sld [smem:$0x3F9C]  }
0x28: {  	s2 =	sld [smem:$0x3F9D]  }
0x29: {  	s4 =	sld [smem:$0x3F9F]  }
0x2a: {  	p0 =	seq.s32 s5, $0x0;
	s5 =	sld [smem:$0x3FA0]  }
0x2b: {  	s6 =	sld [smem:$0x3FA1]  }
0x2c: {  	s7 =	sld [smem:$0x3FA2]  }
0x2d: {  	s3 =	simm.s32 $0x108;
	s8 =	sld [smem:$0x3FA3]  }
0x2e: {  	s3 =	simm.s32 @!p0 $0x1082;
	s9 =	sld [smem:$0x3FA4]  }
0x2f: {  	lr =	sadd.s32 s0, s3;
	s0 =	sld [smem:$0x3F9B]  }
0x30: {  	s3 =	sld [smem:$0x3F9E]  }
0x31: {  	[smem:$0x3FA7] =	sst s10  }
0x32: {  	s10 =	sld [smem:$0x3FA5];
	_ =	sdelay $0x3  }
0x33: {  	p0 =	seq.s32 s10, $0x1;
	s10 =	sld [smem:$0x3FA7];
	_ =	sdelay $0x3  }
0x34: {  	[smem:$0x3FA7] =	sst s10  }
0x35: {  	s10 =	sld [smem:$0x3FA6];
	_ =	sdelay $0x3  }
0x36: {  	p1 =	seq.s32 s10, $0x1;
	s10 =	sld [smem:$0x3FA7];
	_ =	sdelay $0x3  }
0x37: {  	[smem:$0x3FA7] =	sst s10  }
0x38: {  	s10 =	sld [smem:$0x3FA8]  }
0x39: {  	_ = 	snop;
	(pc) =	sbr.ind lr, $3  }
0x3a: {  	_ = 	snop  }
0x3b: {  	_ = 	snop  }
0x3c: {  	p2 =	seq.s32 s10, $0x1;
	s10 =	sld [smem:$0x3FA7]  }
0x3d: {  	_ =	shalt  }
0x3e: {  	_ =	shalt  }
0x3f: {  	_ =	shalt  }
0x40: {  	_ =	shalt  }
0x41: {  	_ =	shalt  }
0x42: {  	_ =	shalt  }
0x43: {  	_ =	shalt  }
0x44: {  	_ =	shalt  }
0x45: {  	_ =	shalt  }
0x46: {  	_ =	shalt  }
0x47: {  	_ =	shalt  }
0x48: {  	_ =	shalt  }
0x49: {  	_ =	shalt  }
0x4a: {  	_ =	shalt  }
0x4b: {  	_ =	shalt  }
0x4c: {  	_ =	shalt  }
0x4d: {  	_ =	shalt  }
0x4e: {  	_ =	shalt  }
0x4f: {  	_ =	shalt  }
0x50: {  	_ =	shalt  }
0x51: {  	_ =	shalt  }
0x52: {  	_ =	shalt  }
0x53: {  	_ =	shalt  }
0x54: {  	_ =	shalt  }
0x55: {  	_ =	shalt  }
0x56: {  	_ =	shalt  }
0x57: {  	_ =	shalt  }
0x58: {  	_ =	shalt  }
0x59: {  	_ =	shalt  }
0x5a: {  	_ =	shalt  }
0x5b: {  	_ =	shalt  }
0x5c: {  	_ =	shalt  }
0x5d: {  	_ =	shalt  }
0x5e: {  	_ =	shalt  }
0x5f: {  	_ =	shalt  }
0x60: {  	_ =	shalt  }
0x61: {  	_ =	shalt  }
0x62: {  	_ =	shalt  }
0x63: {  	_ =	shalt  }
0x64: {  	_ =	shalt  }
0x65: {  	_ =	shalt  }
0x66: {  	_ =	shalt  }
0x67: {  	_ =	shalt  }
0x68: {  	_ =	shalt  }
0x69: {  	_ =	shalt  }
0x6a: {  	_ =	shalt  }
0x6b: {  	_ =	shalt  }
0x6c: {  	_ =	shalt  }
0x6d: {  	_ =	shalt  }
0x6e: {  	_ =	shalt  }
0x6f: {  	_ =	shalt  }
0x70: {  	_ =	shalt  }
0x71: {  	_ =	shalt  }
0x72: {  	_ =	shalt  }
0x73: {  	_ =	shalt  }
0x74: {  	_ =	shalt  }
0x75: {  	_ =	shalt  }
0x76: {  	_ =	shalt  }
0x77: {  	_ =	shalt  }
0x78: {  	_ =	shalt  }
0x79: {  	_ =	shalt  }
0x7a: {  	_ =	shalt  }
0x7b: {  	_ =	shalt  }
0x7c: {  	_ =	shalt  }
0x7d: {  	_ =	shalt  }
0x7e: {  	_ =	shalt  }
0x7f: {  	_ =	shalt  }
0x80: {  	_ =	shalt  }
0x81: {  	_ =	shalt  }
0x82: {  	_ =	shalt  }
0x83: {  	_ =	shalt  }
0x84: {  	_ =	shalt  }
0x85: {  	_ =	shalt  }
0x86: {  	_ =	shalt  }
0x87: {  	_ =	shalt  }
.Lfunc_end0:
.L_simem_size_0:
called_computation.1_lowered:
.L_overlay_start_0:
0x88: {  	s2 =	sld [smem:$0x3FD9]  }
0x89: {  	s3 =	sld [smem:$0x3FFE];
	_ =	sdelay $0x1  }
0x8a: {  	s1 =	srdreg.scid  }
0x8b: {  	s0 =	sand.u32 $0x1, s1  }
0x8c: {  	s16 =	sshll.u32 s0, $0xA;
	s2 =	sadd.s32 s3, s2  }
0x8d: {  	s2 =	sadd.s32 s2, s16  }
0x8e: {  	[smem:$0x3FB3] =	sst s2  }
0x8f: {  	_ = 	snop  }
0x90: {  	(tm) =	ssettm $0x1  }
0x91: {  	s17 =	sld [smem:$0x3FFB];
	_ =	sdelay $0x3  }
0x92: {  	_ =	strace s17  }
0x93: {  	s2 =	sld [smem:$0x3FFC];
	_ =	sdelay $0x3  }
0x94: {  	_ =	strace s2  }
0x95: {  	s2 =	sld [smem:$0x3FFD];
	_ =	sdelay $0x3  }
0x96: {  	_ =	strace s2  }
0x97: {  	_ =	strace $0x8FFFFFFF  }
0x98: {  	s18 =	sld [smem:$0x3FDB];
	_ =	sdelay $0x1  }
0x99: {  	s19 =	simm.s32 $_scs_section_size  }
0x9a: {  	s4 =	simm.s32 $_size__tile_overlayer_lowered;
	s5 =	simm.s32 $_tile_overlayer_lowered  }
0x9b: {  	s22 =	simm.s32 $0x1BFF;
	s21 =	sshll.u32 s5, $0x1;
	s2 =	sadd.s32 s19, s18  }
0x9c: {  	s6 =	simm.s32 $0x0;
	s20 =	sshll.u32 s4, $0x1;
	s4 =	sadd.s32 s21, s2  }
0x9d: {  	[timem:s6], [sflag:s22] =	dma.local [hbm:s4], s20  }
0x9e: {  	_ =	swait.ge [sflag:s22], s20  }
0x9f: {  	s3 =	ssub.s32 $0x0, s20;
	[sflag:s22] =	ssyncset.done $0x0  }
0xa0: {  	[sflag:s22] =	ssyncadd.s32 s3;
	_ =	sdelay $0x1  }
0xa1: {  	s23 =	simm.s32 $0x1B8B  }
0xa2: {  	_ =	swait.ge [sflag:s23], $0x1  }
0xa3: {  	[sflag:s23] =	ssyncset.done $0x0  }
0xa4: {  	s25 =	simm.s32 $0x1B8E;
	s24 =	sld [smem:$0x3FFE];
	[sflag:s23] =	ssyncadd.s32 $0xFFFFFFFF  }
0xa5: {  	s26 =	simm.s32 $execute0_lowered;
	[smem:$0x3FD2] =	sst s25  }
0xa6: {  	s4 =	sshll.u32 s26, $0x1;
	_ =	strace $0x80000049;
	[dreg:$0x1] =	wrdreg $0xFFFFFFFF  }
0xa7: {  	s28 =	simm.s32 $_size_execute0_lowered;
	s2 =	sadd.s32 s2, s4;
	[dreg:$0x0] =	wrdreg $0x0  }
0xa8: {  	s4 =	sshll.u32 s28, $0x1;
	[dreg:$0x2] =	wrdreg s2  }
0xa9: {  	[dreg:$0x3] =	wrdreg s4  }
0xaa: {  	[dreg:$0x4] =	wrdreg $0xC0  }
0xab: {  	_ =	task [dreg:s6], $0x5FFFF  }
0xac: {  	[dreg:$0x1] =	wrdreg $0xFFFFFFFF  }
0xad: {  	[dreg:$0x0] =	wrdreg $0x60  }
0xae: {  	[dreg:$0x2] =	wrdreg s24  }
0xaf: {  	[dreg:$0x3] =	wrdreg $0x0  }
0xb0: {  	[dreg:$0x4] =	wrdreg $0x9  }
0xb1: {  	_ =	task.clear_ibuf [dreg:s6], $0x5FFFF;
	_ =	strace $0x90000049  }
0xb2: {  	s29 =	simm.s32 $0x9;
	_ =	strace $0x8000004B  }
0xb3: {  	_ =	swait.ge [sflag:s29], $0x1  }
0xb4: {  	[sflag:s29] =	ssyncadd.s32 $0xFFFFFFFF  }
0xb5: {  	_ =	strace $0x9000004B  }
0xb6: {  	_ =	sfence  }
0xb7: {  	s30 =	sld [smem:$0x0];
	_ =	sdelay $0x2  }
0xb8: {  	s31 =	sshll.u32 s1, $0xD;
	s1 =	sshrl.u32 s1, $0x2  }
0xb9: {  	s3 =	sand.u32 $0x4000, s31;
	s1 =	sadd.s32 s1, s30  }
0xba: {  	s0 =	sor.u32 s3, s0;
	s1 =	sshll.u32 s1, $0x11  }
0xbb: {  	s0 =	sor.u32 s1, s0  }
0xbc: {  	s0 =	sadd.s32 $0x8F2B, s0  }
0xbd: {  	[sflag:s0] =	ssyncadd.remote.s32 $0x1  }
0xbe: {  	_ =	sfence.sel $0xFFFF  }
0xbf: {  	[dreg:$0x0] =	wrdreg $0xFFFFFFFF;
	(pc) =	sbr.abs _section_cstart, $3  }
0xc0: {  	[dreg:$0x1] =	wrdreg $0xFFFFFFFF  }
0xc1: {  	_ =	task.clear_ibuf [dreg:s6], $0x2FFFF;
	_ =	strace $0x9FFFFFFF  }
0xc2: {  	(tm) =	ssettm $0x7FFFFFFF  }
0xc3: {  	_ =	shalt  }
tec
execute0_lowered:
.L_overlay_start_1:
0x0: {  	(tag) =	ssettag $0x1  }
0x1: {  	s20 =	rddreg [dreg:$0x0]  }
0x2: {  	s2 =	rddreg [dreg:$0x1]  }
0x3: {  	s0 =	rddreg [dreg:$0x2]  }
0x4: {  	s1 =	stileid.u32;
	s4 =	srdreg.scid;
	s3 =	simm.s32 $0x0  }
0x5: {  	s21 =	smul.u32 $0x4E40, s1;
	s22 =	sand.u32 $0x1, s4;
	s26 =	sshll.u32 s1, $0x1  }
0x6: {  	[smem:$0x7FF] =	sst s3;
	s5 =	sshll.u32 s1, $0x6;
	s8 =	sor.u32 s22, s26  }
0x7: {  	_ =	strace $0x8000004A;
	s5 =	sor.u32 $0x1C02, s5;
	s28 =	sshrl.u32 s21, $0x3  }
0x8: {  	s9 =	smul.u32 $0x280, s8;
	s6 =	sadd.s32 s21, s2;
	s4 =	sadd.s32 s28, s20  }
0x9: {  	s7 =	sshrl.u32 s6, $0x3;
	s6 =	simm.s32 $0x2;
	s4 =	sadd.s32 $0xDB000, s4  }
0xa: {  	[spmem:s7], [sflag:s5] =	dma.local [hbm:s4], $0x9C8  }
0xb: {  	_ =	swait.ge [sflag:s6], $0x9C8  }
0xc: {  	s10 =	smul.u32 $0x5000, s8;
	s29 =	sadd.s32 s9, s20;
	[sflag:s6] =	ssyncset.done $0x0  }
0xd: {  	s9 =	simm.s32 $0x4E40;
	s8 =	sadd.s32 $0x9E00, s29;
	[sflag:s6] =	ssyncadd.s32 $0xFFFFF638  }
0xe: {  	[tilespmem:s9], [sflag:$0x2] =	stream.linear.gather [hbm4b:s8+s3], $0x1400, $0x38;
	[tilespmem:$0x10240] =	vst v63  }
0xf: {  	_ =	swait.ge [sflag:s6], $0x1400  }
0x10: {  	[sflag:s6] =	ssyncset.done $0x0  }
0x11: {  	s11 =	simm.s32 $0x6240;
	s18 =	sadd.s32 s10, s20;
	[sflag:s6] =	ssyncadd.s32 $0xFFFFEC00  }
0x12: {  	s12 =	simm.s32 $0x1;
	s10 =	sadd.s32 $0x3B000, s18;
	[bflag:$0x0] =	sbarrier.arrive $0xFFFF  }
0x13: {  	[tilespmem:s11], [sflag:$0x1] =	stream.linear.gather [hbm4b:s10+s3], $0xA000, $0x38;
	[tilespmem:$0x10240] =	vst v63  }
0x14: {  	_ =	swait.ge [sflag:s12], $0xA000  }
0x15: {  	[sflag:s12] =	ssyncset.done $0x0  }
0x16: {  	s13 =	simm.s32 $0x500;
	[sflag:s12] =	ssyncadd.s32 $0xFFFF6000  }
0x17: {  	[spmem:s2] =	stream.indirect.scatter.add.f32 [tilespmem:s11], [sflag:$0x2], $0x20, s9, s13, $0xb8;
	[tilespmem:$0x10240] =	vst v63  }
0x18: {  	_ =	swait.ge [sflag:s6], $0xA000  }
0x19: {  	[sflag:s6] =	ssyncset.done $0x0  }
0x1a: {  	s14 =	sadd.s32 $0x3C400, s18;
	[sflag:s6] =	ssyncadd.s32 $0xFFFF6000  }
0x1b: {  	[tilespmem:s11], [sflag:$0x1] =	stream.linear.gather [hbm4b:s14+s3], $0xA000, $0x38;
	[tilespmem:$0x10240] =	vst v63  }
0x1c: {  	_ =	swait.ge [sflag:s12], $0xA000  }
0x1d: {  	[sflag:s12] =	ssyncset.done $0x0  }
0x1e: {  	s15 =	simm.s32 $0x5340;
	[sflag:s12] =	ssyncadd.s32 $0xFFFF6000  }
0x1f: {  	[spmem:s2] =	stream.indirect.scatter.add.f32 [tilespmem:s11], [sflag:$0x2], $0x20, s15, s13, $0xb8;
	[tilespmem:$0x10240] =	vst v63  }
0x20: {  	_ =	swait.ge [sflag:s6], $0xA000  }
0x21: {  	[sflag:s6] =	ssyncset.done $0x0  }
0x22: {  	s16 =	sadd.s32 $0x3D800, s18;
	[sflag:s6] =	ssyncadd.s32 $0xFFFF6000  }
0x23: {  	[tilespmem:s11], [sflag:$0x1] =	stream.linear.gather [hbm4b:s16+s3], $0xA000, $0x38;
	[tilespmem:$0x10240] =	vst v63  }
0x24: {  	_ =	swait.ge [sflag:s12], $0xA000  }
0x25: {  	[sflag:s12] =	ssyncset.done $0x0  }
0x26: {  	s17 =	simm.s32 $0x5840;
	[sflag:s12] =	ssyncadd.s32 $0xFFFF6000  }
0x27: {  	[spmem:s2] =	stream.indirect.scatter.add.f32 [tilespmem:s11], [sflag:$0x2], $0x20, s17, s13, $0xb8;
	[tilespmem:$0x10240] =	vst v63  }
0x28: {  	_ =	swait.ge [sflag:s6], $0xA000  }
0x29: {  	[sflag:s6] =	ssyncset.done $0x0  }
0x2a: {  	s23 =	smul.u32 $0x4E400, s22;
	s18 =	sadd.s32 $0x3EC00, s18;
	[sflag:s6] =	ssyncadd.s32 $0xFFFF6000  }
0x2b: {  	[tilespmem:s11], [sflag:$0x1] =	stream.linear.gather [hbm4b:s18+s3], $0xA000, $0x38;
	[tilespmem:$0x10240] =	vst v63  }
0x2c: {  	s19 =	simm.s32 $0x5D40;
	s22 =	ssub.s32 $0x2, s22;
	_ =	swait.ge [sflag:s12], $0xA000  }
0x2d: {  	s30 =	sshrl.u32 s22, $0x1;
	s21 =	sadd.s32 s21, s23;
	[sflag:s12] =	ssyncset.done $0x0  }
0x2e: {  	s31 =	ssub.s32 s22, s30;
	s21 =	sshrl.u32 s21, $0x3;
	[sflag:s12] =	ssyncadd.s32 $0xFFFF6000  }
0x2f: {  	[spmem:s2] =	stream.indirect.scatter.add.f32 [tilespmem:s11], [sflag:$0x2], $0x20, s19, s13, $0xb8;
	[tilespmem:$0x10240] =	vst v63  }
0x30: {  	s20 =	sadd.s32 s21, s20;
	s21 =	smax.u32 s31, $0x1;
	_ =	swait.ge [sflag:s6], $0xA000  }
0x31: {  	p0 =	sne.s32 s21, $0x1;
	[sflag:s6] =	ssyncset.done $0x0  }
.Ltmp0:
0x32: {  	[sflag:s6] =	ssyncadd.s32 $0xFFFF6000;
	(pc) =	sbr.rel @!p0 .LBB2_2-.Ltmp0, $4  }
0x33: {  	s20 =	sadd.s32 $0xE4E00, s20;
	[bflag:$0x0] =	sbarrier.arrive $0xFFFF  }
0x34: {  	[hbm:s20], [sflag:s5] =	dma.local [spmem:s7], $0x9C8  }
0x35: {  	_ =	swait.ge [sflag:s6], $0x9C8  }
0x36: {  	s21 =	sadd.s32 $0xFFFFFFFF, s21;
	[sflag:s6] =	ssyncset.done $0x0  }
.LBB2_1:
0x37: {  	p0 =	sne.s32 s21, $0x1;
	s21 =	sadd.s32 $0xFFFFFFFF, s21;
	[sflag:s6] =	ssyncadd.s32 $0xFFFFF638  }
0x38: {  	[spmem:s7], [sflag:s5] =	dma.local [hbm:s4], $0x9C8  }
0x39: {  	_ =	swait.ge [sflag:s6], $0x9C8  }
0x3a: {  	[sflag:s6] =	ssyncset.done $0x0  }
0x3b: {  	[sflag:s6] =	ssyncadd.s32 $0xFFFFF638  }
0x3c: {  	[tilespmem:s9], [sflag:$0x2] =	stream.linear.gather [hbm4b:s8+s3], $0x1400, $0x38;
	[tilespmem:$0x10240] =	vst v63  }
0x3d: {  	_ =	swait.ge [sflag:s6], $0x1400  }
0x3e: {  	[sflag:s6] =	ssyncset.done $0x0  }
0x3f: {  	[sflag:s6] =	ssyncadd.s32 $0xFFFFEC00  }
0x40: {  	[bflag:$0x0] =	sbarrier.arrive $0xFFFF  }
0x41: {  	[tilespmem:s11], [sflag:$0x1] =	stream.linear.gather [hbm4b:s10+s3], $0xA000, $0x38;
	[tilespmem:$0x10240] =	vst v63  }
0x42: {  	_ =	swait.ge [sflag:s12], $0xA000  }
0x43: {  	[sflag:s12] =	ssyncset.done $0x0  }
0x44: {  	[sflag:s12] =	ssyncadd.s32 $0xFFFF6000  }
0x45: {  	[spmem:s2] =	stream.indirect.scatter.add.f32 [tilespmem:s11], [sflag:$0x2], $0x20, s9, s13, $0xb8;
	[tilespmem:$0x10240] =	vst v63  }
0x46: {  	_ =	swait.ge [sflag:s6], $0xA000  }
0x47: {  	[sflag:s6] =	ssyncset.done $0x0  }
0x48: {  	[sflag:s6] =	ssyncadd.s32 $0xFFFF6000  }
0x49: {  	[tilespmem:s11], [sflag:$0x1] =	stream.linear.gather [hbm4b:s14+s3], $0xA000, $0x38;
	[tilespmem:$0x10240] =	vst v63  }
0x4a: {  	_ =	swait.ge [sflag:s12], $0xA000  }
0x4b: {  	[sflag:s12] =	ssyncset.done $0x0  }
0x4c: {  	[sflag:s12] =	ssyncadd.s32 $0xFFFF6000  }
0x4d: {  	[spmem:s2] =	stream.indirect.scatter.add.f32 [tilespmem:s11], [sflag:$0x2], $0x20, s15, s13, $0xb8;
	[tilespmem:$0x10240] =	vst v63  }
0x4e: {  	_ =	swait.ge [sflag:s6], $0xA000  }
0x4f: {  	[sflag:s6] =	ssyncset.done $0x0  }
0x50: {  	[sflag:s6] =	ssyncadd.s32 $0xFFFF6000  }
0x51: {  	[tilespmem:s11], [sflag:$0x1] =	stream.linear.gather [hbm4b:s16+s3], $0xA000, $0x38;
	[tilespmem:$0x10240] =	vst v63  }
0x52: {  	_ =	swait.ge [sflag:s12], $0xA000  }
0x53: {  	[sflag:s12] =	ssyncset.done $0x0  }
0x54: {  	[sflag:s12] =	ssyncadd.s32 $0xFFFF6000  }
0x55: {  	[spmem:s2] =	stream.indirect.scatter.add.f32 [tilespmem:s11], [sflag:$0x2], $0x20, s17, s13, $0xb8;
	[tilespmem:$0x10240] =	vst v63  }
0x56: {  	_ =	swait.ge [sflag:s6], $0xA000  }
0x57: {  	[sflag:s6] =	ssyncset.done $0x0  }
0x58: {  	[sflag:s6] =	ssyncadd.s32 $0xFFFF6000  }
0x59: {  	[tilespmem:s11], [sflag:$0x1] =	stream.linear.gather [hbm4b:s18+s3], $0xA000, $0x38;
	[tilespmem:$0x10240] =	vst v63  }
0x5a: {  	_ =	swait.ge [sflag:s12], $0xA000  }
0x5b: {  	[sflag:s12] =	ssyncset.done $0x0  }
0x5c: {  	[sflag:s12] =	ssyncadd.s32 $0xFFFF6000  }
0x5d: {  	[spmem:s2] =	stream.indirect.scatter.add.f32 [tilespmem:s11], [sflag:$0x2], $0x20, s19, s13, $0xb8;
	[tilespmem:$0x10240] =	vst v63  }
0x5e: {  	_ =	swait.ge [sflag:s6], $0xA000  }
0x5f: {  	[sflag:s6] =	ssyncset.done $0x0  }
.Ltmp1:
0x60: {  	[sflag:s6] =	ssyncadd.s32 $0xFFFF6000;
	(pc) =	sbr.rel @p0 .LBB2_1-.Ltmp1, $4  }
0x61: {  	[bflag:$0x0] =	sbarrier.arrive $0xFFFF  }
0x62: {  	[hbm:s20], [sflag:s5] =	dma.local [spmem:s7], $0x9C8  }
0x63: {  	_ =	swait.ge [sflag:s6], $0x9C8  }
0x64: {  	[sflag:s6] =	ssyncset.done $0x0  }
.LBB2_2:
0x65: {  	[sflag:s6] =	ssyncadd.s32 $0xFFFFF638  }
0x66: {  	_ =	sfence.sel $0x180000  }
0x67: {  	[bflag:$0x0] =	sbarrier.arrive $0xFFFF  }
0x68: {  	p0 =	sne.s32 s1, $0x0;
	_ =	strace $0x9000004A  }
0x69: {  	s0 =	sadd.s32 @!p0 $0x100000, s0;
	[bflag:$0x2] =	sbarrier.arrive $0xFFFF  }
0x6a: {  	[sflag:s0] =	ssyncadd.tile.s32 @!p0 $0x1;
	_ =	shalt  }
.Lfunc_end2:
_tile_overlayer_lowered:
.L_overlay_start_2:
0x6b: {  	(tag) =	ssettag $0x2  }
0x6c: {  	s0 =	rddreg [dreg:$0x0];
	s2 =	stileid.u32  }
0x6d: {  	s1 =	rddreg [dreg:$0x1];
	p0 =	sne.s32 s2, $0x0  }
0x6e: {  	s3 =	rddreg [dreg:$0x2];
	[bflag:$0x3] =	sbarrier.arrive $0xFFFF;
	s2 =	simm.s32 @!p0 $0x1C02  }
0x6f: {  	[timem:s3], [sflag:s2] =	dma.local @!p0 [hbm:s0], s1  }
0x70: {  	s0 =	simm.s32 @!p0 $0x2  }
0x71: {  	_ =	swait.ge @!p0 [sflag:s0], s1  }
0x72: {  	s1 =	ssub.s32 @!p0 $0x0, s1;
	[sflag:s0] =	ssyncset.done @!p0 $0x0  }
0x73: {  	[sflag:s0] =	ssyncadd.s32 @!p0 s1  }
0x74: {  	[bflag:$0x3] =	sbarrier.arrive $0xFFFF  }
0x75: {  	_ =	shalt  }

// kernel: kernel.26.cloned.1.call-start
scs
__scs_entry_jumppad:
0x0: {  	(pc) =	sbr.rel $0x88, $3  }
0x1: {  	(tag) =	ssettag $0x0;
	lr =	simm.s32 $0x1  }
0x2: {  	[smem:$0x3F8C] =	sst lr;
	_ =	strace $0xD0000000  }
0x3: {  	_ = 	snop  }
0x4: {  	_ = 	snop  }
0x5: {  	_ = 	snop  }
0x6: {  	_ = 	snop  }
0x7: {  	_ = 	snop  }
__scs_overlays_trampoline_lowered:
0x8: {  	[smem:$0x3F9B] =	sst s0  }
0x9: {  	[smem:$0x3F9C] =	sst s1  }
0xa: {  	[smem:$0x3F9D] =	sst s2  }
0xb: {  	[smem:$0x3F9E] =	sst s3  }
0xc: {  	[smem:$0x3F9F] =	sst s4  }
0xd: {  	[smem:$0x3FA0] =	sst s5  }
0xe: {  	[smem:$0x3FA1] =	sst s6  }
0xf: {  	[smem:$0x3FA2] =	sst s7  }
0x10: {  	[smem:$0x3FA3] =	sst s8  }
0x11: {  	[smem:$0x3FA4] =	sst s9;
	s0 =	simm.s32 @!p0 $0x0  }
0x12: {  	s1 =	sld [smem:$0x3F8A];
	s0 =	simm.s32 @p0 $0x1  }
0x13: {  	[smem:$0x3FA5] =	sst s0;
	s0 =	simm.s32 @!p1 $0x0  }
0x14: {  	s2 =	sld [smem:$0x3F89];
	s0 =	simm.s32 @p1 $0x1  }
0x15: {  	[smem:$0x3FA6] =	sst s0;
	s0 =	simm.s32 @!p2 $0x0  }
0x16: {  	s3 =	sld [smem:$0x3FDB];
	s0 =	simm.s32 @p2 $0x1  }
0x17: {  	s4 =	simm.s32 $0x1BF5;
	[smem:$0x3FA8] =	sst s0  }
0x18: {  	s0 =	sld [smem:$0x3F8B];
	_ =	swait.ge [sflag:s4], $0x0  }
0x19: {  	s7 =	sld [smem:$0x3F8C]  }
0x1a: {  	s8 =	sadd.s32 $0xFFFFE003, lr  }
0x1b: {  	s9 =	sadd.s32 $0xFFFFFEF7, lr;
	s5 =	simm.s32 $0xFFFFFFFF;
	p2 =	slt.u32 s8, $0xFFFFF086  }
0x1c: {  	p1 =	slt.u32 s9, $0xF7A;
	s5 =	simm.s32 @!p2 $0x0  }
0x1d: {  	s5 =	simm.s32 @p1 $0x1;
	p0 =	seq.s32 s7, s2  }
0x1e: {  	s7 =	smul.u32 @!p0 $0xF7A, s2;
	p2 =	seq.s32 @!p0 s5, $0x0  }
0x1f: {  	s9 =	smul.u32 $0xF7A, s1;
	s8 =	simm.s32 @!p0 $0x1BF5;
	p2 =	por !p2, p0  }
0x20: {  	[sflag:s8] =	ssyncset.s32 @!p0 $0xFFFFF086;
	s6 =	sadd.s32 @!p0 s3, s7;
	s7 =	simm.s32 @!p0 $0x108  }
0x21: {  	s3 =	sadd.s32 s3, s9;
	s6 =	sadd.s32 @!p0 $0x88, s6;
	s7 =	simm.s32 @p2 $0x1082  }
0x22: {  	[simem:s7], [sflag:s8] =	dma.local @!p0 [hbm:s6], $0xF7A  }
0x23: {  	s9 =	sor.u32 $0xD0000000, s2;
	s6 =	simm.s32 $0x108;
	_ =	swait.ge @!p0 [sflag:s8], $0x0  }
0x24: {  	s3 =	sadd.s32 $0x88, s3;
	s6 =	simm.s32 @!p1 $0x1082;
	[sflag:s4] =	ssyncset.s32 $0xFFFFF086  }
0x25: {  	[simem:s6], [sflag:s4] =	dma.local [hbm:s3], $0xF7A  }
0x26: {  	[smem:$0x3F8C] =	sst s1;
	(tag) =	ssettag s2;
	_ =	strace s9  }
0x27: {  	s1 =	sld [smem:$0x3F9C]  }
0x28: {  	s2 =	sld [smem:$0x3F9D]  }
0x29: {  	s4 =	sld [smem:$0x3F9F]  }
0x2a: {  	p0 =	seq.s32 s5, $0x0;
	s5 =	sld [smem:$0x3FA0]  }
0x2b: {  	s6 =	sld [smem:$0x3FA1]  }
0x2c: {  	s7 =	sld [smem:$0x3FA2]  }
0x2d: {  	s3 =	simm.s32 $0x108;
	s8 =	sld [smem:$0x3FA3]  }
0x2e: {  	s3 =	simm.s32 @!p0 $0x1082;
	s9 =	sld [smem:$0x3FA4]  }
0x2f: {  	lr =	sadd.s32 s0, s3;
	s0 =	sld [smem:$0x3F9B]  }
0x30: {  	s3 =	sld [smem:$0x3F9E]  }
0x31: {  	[smem:$0x3FA7] =	sst s10  }
0x32: {  	s10 =	sld [smem:$0x3FA5];
	_ =	sdelay $0x3  }
0x33: {  	p0 =	seq.s32 s10, $0x1;
	s10 =	sld [smem:$0x3FA7];
	_ =	sdelay $0x3  }
0x34: {  	[smem:$0x3FA7] =	sst s10  }
0x35: {  	s10 =	sld [smem:$0x3FA6];
	_ =	sdelay $0x3  }
0x36: {  	p1 =	seq.s32 s10, $0x1;
	s10 =	sld [smem:$0x3FA7];
	_ =	sdelay $0x3  }
0x37: {  	[smem:$0x3FA7] =	sst s10  }
0x38: {  	s10 =	sld [smem:$0x3FA8]  }
0x39: {  	_ = 	snop;
	(pc) =	sbr.ind lr, $3  }
0x3a: {  	_ = 	snop  }
0x3b: {  	_ = 	snop  }
0x3c: {  	p2 =	seq.s32 s10, $0x1;
	s10 =	sld [smem:$0x3FA7]  }
0x3d: {  	_ =	shalt  }
0x3e: {  	_ =	shalt  }
0x3f: {  	_ =	shalt  }
0x40: {  	_ =	shalt  }
0x41: {  	_ =	shalt  }
0x42: {  	_ =	shalt  }
0x43: {  	_ =	shalt  }
0x44: {  	_ =	shalt  }
0x45: {  	_ =	shalt  }
0x46: {  	_ =	shalt  }
0x47: {  	_ =	shalt  }
0x48: {  	_ =	shalt  }
0x49: {  	_ =	shalt  }
0x4a: {  	_ =	shalt  }
0x4b: {  	_ =	shalt  }
0x4c: {  	_ =	shalt  }
0x4d: {  	_ =	shalt  }
0x4e: {  	_ =	shalt  }
0x4f: {  	_ =	shalt  }
0x50: {  	_ =	shalt  }
0x51: {  	_ =	shalt  }
0x52: {  	_ =	shalt  }
0x53: {  	_ =	shalt  }
0x54: {  	_ =	shalt  }
0x55: {  	_ =	shalt  }
0x56: {  	_ =	shalt  }
0x57: {  	_ =	shalt  }
0x58: {  	_ =	shalt  }
0x59: {  	_ =	shalt  }
0x5a: {  	_ =	shalt  }
0x5b: {  	_ =	shalt  }
0x5c: {  	_ =	shalt  }
0x5d: {  	_ =	shalt  }
0x5e: {  	_ =	shalt  }
0x5f: {  	_ =	shalt  }
0x60: {  	_ =	shalt  }
0x61: {  	_ =	shalt  }
0x62: {  	_ =	shalt  }
0x63: {  	_ =	shalt  }
0x64: {  	_ =	shalt  }
0x65: {  	_ =	shalt  }
0x66: {  	_ =	shalt  }
0x67: {  	_ =	shalt  }
0x68: {  	_ =	shalt  }
0x69: {  	_ =	shalt  }
0x6a: {  	_ =	shalt  }
0x6b: {  	_ =	shalt  }
0x6c: {  	_ =	shalt  }
0x6d: {  	_ =	shalt  }
0x6e: {  	_ =	shalt  }
0x6f: {  	_ =	shalt  }
0x70: {  	_ =	shalt  }
0x71: {  	_ =	shalt  }
0x72: {  	_ =	shalt  }
0x73: {  	_ =	shalt  }
0x74: {  	_ =	shalt  }
0x75: {  	_ =	shalt  }
0x76: {  	_ =	shalt  }
0x77: {  	_ =	shalt  }
0x78: {  	_ =	shalt  }
0x79: {  	_ =	shalt  }
0x7a: {  	_ =	shalt  }
0x7b: {  	_ =	shalt  }
0x7c: {  	_ =	shalt  }
0x7d: {  	_ =	shalt  }
0x7e: {  	_ =	shalt  }
0x7f: {  	_ =	shalt  }
0x80: {  	_ =	shalt  }
0x81: {  	_ =	shalt  }
0x82: {  	_ =	shalt  }
0x83: {  	_ =	shalt  }
0x84: {  	_ =	shalt  }
0x85: {  	_ =	shalt  }
0x86: {  	_ =	shalt  }
0x87: {  	_ =	shalt  }
.Lfunc_end0:
.L_simem_size_0:
called_computation.2_lowered:
.L_overlay_start_0:
0x88: {  	s2 =	sld [smem:$0x3FD9]  }
0x89: {  	s3 =	sld [smem:$0x3FFE];
	_ =	sdelay $0x1  }
0x8a: {  	s1 =	srdreg.scid  }
0x8b: {  	s0 =	sand.u32 $0x1, s1  }
0x8c: {  	s16 =	sshll.u32 s0, $0xA;
	s2 =	sadd.s32 s3, s2  }
0x8d: {  	s2 =	sadd.s32 s2, s16  }
0x8e: {  	[smem:$0x3FB3] =	sst s2  }
0x8f: {  	_ = 	snop  }
0x90: {  	(tm) =	ssettm $0x1  }
0x91: {  	s17 =	sld [smem:$0x3FFB];
	_ =	sdelay $0x3  }
0x92: {  	_ =	strace s17  }
0x93: {  	s2 =	sld [smem:$0x3FFC];
	_ =	sdelay $0x3  }
0x94: {  	_ =	strace s2  }
0x95: {  	s2 =	sld [smem:$0x3FFD];
	_ =	sdelay $0x3  }
0x96: {  	_ =	strace s2  }
0x97: {  	_ =	strace $0x8FFFFFFF  }
0x98: {  	s18 =	sld [smem:$0x3FDB];
	_ =	sdelay $0x1  }
0x99: {  	s19 =	simm.s32 $_scs_section_size  }
0x9a: {  	s4 =	simm.s32 $_size__tile_overlayer_lowered;
	s5 =	simm.s32 $_tile_overlayer_lowered  }
0x9b: {  	s22 =	simm.s32 $0x1BFF;
	s21 =	sshll.u32 s5, $0x1;
	s2 =	sadd.s32 s19, s18  }
0x9c: {  	s6 =	simm.s32 $0x0;
	s20 =	sshll.u32 s4, $0x1;
	s4 =	sadd.s32 s21, s2  }
0x9d: {  	[timem:s6], [sflag:s22] =	dma.local [hbm:s4], s20  }
0x9e: {  	_ =	swait.ge [sflag:s22], s20  }
0x9f: {  	s3 =	ssub.s32 $0x0, s20;
	[sflag:s22] =	ssyncset.done $0x0  }
0xa0: {  	[sflag:s22] =	ssyncadd.s32 s3;
	_ =	sdelay $0x1  }
0xa1: {  	s23 =	simm.s32 $0x1B8B  }
0xa2: {  	_ =	swait.ge [sflag:s23], $0x1  }
0xa3: {  	[sflag:s23] =	ssyncset.done $0x0  }
0xa4: {  	s25 =	simm.s32 $0x1B8E;
	s24 =	sld [smem:$0x3FFE];
	[sflag:s23] =	ssyncadd.s32 $0xFFFFFFFF  }
0xa5: {  	s26 =	simm.s32 $execute0_lowered;
	[smem:$0x3FD2] =	sst s25  }
0xa6: {  	s4 =	sshll.u32 s26, $0x1;
	_ =	strace $0x8000004C;
	[dreg:$0x1] =	wrdreg $0xFFFFFFFF  }
0xa7: {  	s28 =	simm.s32 $_size_execute0_lowered;
	s2 =	sadd.s32 s2, s4;
	[dreg:$0x0] =	wrdreg $0x0  }
0xa8: {  	s4 =	sshll.u32 s28, $0x1;
	[dreg:$0x2] =	wrdreg s2  }
0xa9: {  	[dreg:$0x3] =	wrdreg s4  }
0xaa: {  	[dreg:$0x4] =	wrdreg $0xC0  }
0xab: {  	_ =	task [dreg:s6], $0x5FFFF  }
0xac: {  	[dreg:$0x1] =	wrdreg $0xFFFFFFFF  }
0xad: {  	[dreg:$0x0] =	wrdreg $0x60  }
0xae: {  	[dreg:$0x2] =	wrdreg s24  }
0xaf: {  	[dreg:$0x3] =	wrdreg $0x9  }
0xb0: {  	_ =	task.clear_ibuf [dreg:s6], $0x4FFFF;
	_ =	strace $0x9000004C  }
0xb1: {  	s29 =	simm.s32 $0x9;
	_ =	strace $0x8000004E  }
0xb2: {  	_ =	swait.ge [sflag:s29], $0x1  }
0xb3: {  	[sflag:s29] =	ssyncadd.s32 $0xFFFFFFFF  }
0xb4: {  	_ =	strace $0x9000004E  }
0xb5: {  	_ =	sfence  }
0xb6: {  	s30 =	sld [smem:$0x0];
	_ =	sdelay $0x2  }
0xb7: {  	s31 =	sshll.u32 s1, $0xD;
	s1 =	sshrl.u32 s1, $0x2  }
0xb8: {  	s3 =	sand.u32 $0x4000, s31;
	s1 =	sadd.s32 s1, s30  }
0xb9: {  	s0 =	sor.u32 s3, s0;
	s1 =	sshll.u32 s1, $0x11  }
0xba: {  	s0 =	sor.u32 s1, s0  }
0xbb: {  	s0 =	sadd.s32 $0x8F2B, s0  }
0xbc: {  	[sflag:s0] =	ssyncadd.remote.s32 $0x1  }
0xbd: {  	_ =	sfence.sel $0xFFFF  }
0xbe: {  	[dreg:$0x0] =	wrdreg $0xFFFFFFFF;
	(pc) =	sbr.abs _section_cstart, $3  }
0xbf: {  	[dreg:$0x1] =	wrdreg $0xFFFFFFFF  }
0xc0: {  	_ =	task.clear_ibuf [dreg:s6], $0x2FFFF;
	_ =	strace $0x9FFFFFFF  }
0xc1: {  	(tm) =	ssettm $0x7FFFFFFF  }
tec
execute0_lowered:
.L_overlay_start_1:
0x0: {  	(tag) =	ssettag $0x1  }
0x1: {  	s1 =	srdreg.scid;
	s0 =	stileid.u32  }
0x2: {  	s25 =	sand.u32 $0x1, s1;
	s30 =	sshll.u32 s0, $0x1  }
0x3: {  	s14 =	sor.u32 s25, s30  }
0x4: {  	s24 =	smul.u32 $0x1400, s14  }
0x5: {  	s15 =	rddreg [dreg:$0x0]  }
0x6: {  	s2 =	simm.s32 $0x0;
	s1 =	rddreg [dreg:$0x1];
	s3 =	sshrl.u32 s24, $0x3  }
0x7: {  	[smem:$0x7FF] =	sst s2;
	s5 =	sadd.s32 s3, s15  }
0x8: {  	_ =	strace $0x8000004D;
	s3 =	simm.s32 $0x2;
	s4 =	sadd.s32 $0xEE00, s5  }
0x9: {  	[tilespmem:s2], [sflag:$0x2] =	stream.linear.gather [hbm4b:s4+s2], $0x1400, $0x38;
	[tilespmem:$0x11800] =	vst v63  }
0xa: {  	_ =	swait.ge [sflag:s3], $0x1400  }
0xb: {  	[sflag:s3] =	ssyncset.done $0x0  }
0xc: {  	s6 =	simm.s32 $0x1400;
	s5 =	sadd.s32 $0x9E00, s5;
	[sflag:s3] =	ssyncadd.s32 $0xFFFFEC00  }
0xd: {  	[tilespmem:s6], [sflag:$0x2] =	stream.linear.gather [hbm4b:s5+s2], $0x1400, $0x38;
	[tilespmem:$0x11800] =	vst v63  }
0xe: {  	_ =	swait.ge [sflag:s3], $0x1400  }
0xf: {  	s8 =	simm.s32 $0x500;
	[sflag:s3] =	ssyncset.done $0x0  }
0x10: {  	s9 =	simm.s32 $0x2800;
	s7 =	sadd.s32 $0xE4E00, s15;
	[sflag:s3] =	ssyncadd.s32 $0xFFFFEC00  }
0x11: {  	[tilespmem:s9], [sflag:$0x1] =	stream.indirect.gather [hbm4b:s7+s8], $0x20, s2, s8, $0xb8;
	[tilespmem:$0x11800] =	vst v63  }
0x12: {  	s11 =	simm.s32 $0xC800;
	s12 =	simm.s32 $0x1;
	s10 =	sadd.s32 $0xEEC00, s15  }
0x13: {  	[tilespmem:s11], [sflag:$0x1] =	stream.indirect.gather [hbm4b:s10+s8], $0x10, s6, s8, $0xb8;
	[tilespmem:$0x11800] =	vst v63  }
0x14: {  	_ =	swait.ge [sflag:s12], $0xA000  }
0x15: {  	[sflag:s12] =	ssyncset.done $0x0  }
0x16: {  	[sflag:s12] =	ssyncadd.s32 $0xFFFF6000  }
0x17: {  	s13 =	smul.u32 $0x5000, s14;
	_ =	swait.ge [sflag:s12], $0x5000  }
0x18: {  	s28 =	sadd.s32 $0x13A200, s15;
	[sflag:s12] =	ssyncset.done $0x0  }
0x19: {  	s13 =	sadd.s32 s28, s13;
	[sflag:s12] =	ssyncadd.s32 $0xFFFFB000  }
0x1a: {  	[hbm4b:s13+s2] =	stream.linear.scatter [tilespmem:s9], [sflag:$0x2], $0xA000, $0x38;
	[tilespmem:$0x11800] =	vst v63  }
0x1b: {  	s14 =	smul.u32 $0x2800, s14;
	_ =	swait.ge [sflag:s3], $0xA000  }
0x1c: {  	s26 =	sadd.s32 $0x13E00, s15;
	[sflag:s3] =	ssyncset.done $0x0  }
0x1d: {  	s14 =	sadd.s32 s26, s14;
	[sflag:s3] =	ssyncadd.s32 $0xFFFF6000  }
0x1e: {  	[hbm4b:s14+s2] =	stream.linear.scatter [tilespmem:s11], [sflag:$0x2], $0x5000, $0x38;
	[tilespmem:$0x11800] =	vst v63  }
0x1f: {  	_ =	swait.ge [sflag:s3], $0x5000  }
0x20: {  	[sflag:s3] =	ssyncset.done $0x0  }
0x21: {  	[sflag:s3] =	ssyncadd.s32 $0xFFFFB000  }
0x22: {  	[tilespmem:s9], [sflag:$0x1] =	stream.indirect.gather [hbm4b:s7+s8], $0x20, s8, s8, $0xb8;
	[tilespmem:$0x11800] =	vst v63  }
0x23: {  	s15 =	simm.s32 $0x1900  }
0x24: {  	[tilespmem:s11], [sflag:$0x1] =	stream.indirect.gather [hbm4b:s10+s8], $0x10, s15, s8, $0xb8;
	[tilespmem:$0x11800] =	vst v63  }
0x25: {  	_ =	swait.ge [sflag:s12], $0xA000  }
0x26: {  	[sflag:s12] =	ssyncset.done $0x0  }
0x27: {  	[sflag:s12] =	ssyncadd.s32 $0xFFFF6000  }
0x28: {  	s17 =	sadd.s32 $0x500, s24;
	_ =	swait.ge [sflag:s12], $0x5000  }
0x29: {  	s16 =	sshll.u32 s17, $0x2;
	[sflag:s12] =	ssyncset.done $0x0  }
0x2a: {  	s16 =	sadd.s32 s28, s16;
	[sflag:s12] =	ssyncadd.s32 $0xFFFFB000  }
0x2b: {  	[hbm4b:s16+s2] =	stream.linear.scatter [tilespmem:s9], [sflag:$0x2], $0xA000, $0x38;
	[tilespmem:$0x11800] =	vst v63  }
0x2c: {  	_ =	swait.ge [sflag:s3], $0xA000  }
0x2d: {  	s17 =	sshll.u32 s17, $0x1;
	[sflag:s3] =	ssyncset.done $0x0  }
0x2e: {  	s17 =	sadd.s32 s26, s17;
	[sflag:s3] =	ssyncadd.s32 $0xFFFF6000  }
0x2f: {  	[hbm4b:s17+s2] =	stream.linear.scatter [tilespmem:s11], [sflag:$0x2], $0x5000, $0x38;
	[tilespmem:$0x11800] =	vst v63  }
0x30: {  	_ =	swait.ge [sflag:s3], $0x5000  }
0x31: {  	[sflag:s3] =	ssyncset.done $0x0  }
0x32: {  	s18 =	simm.s32 $0xA00;
	[sflag:s3] =	ssyncadd.s32 $0xFFFFB000  }
0x33: {  	[tilespmem:s9], [sflag:$0x1] =	stream.indirect.gather [hbm4b:s7+s8], $0x20, s18, s8, $0xb8;
	[tilespmem:$0x11800] =	vst v63  }
0x34: {  	s19 =	simm.s32 $0x1E00  }
0x35: {  	[tilespmem:s11], [sflag:$0x1] =	stream.indirect.gather [hbm4b:s10+s8], $0x10, s19, s8, $0xb8;
	[tilespmem:$0x11800] =	vst v63  }
0x36: {  	_ =	swait.ge [sflag:s12], $0xA000  }
0x37: {  	[sflag:s12] =	ssyncset.done $0x0  }
0x38: {  	[sflag:s12] =	ssyncadd.s32 $0xFFFF6000  }
0x39: {  	s21 =	sadd.s32 $0xA00, s24;
	_ =	swait.ge [sflag:s12], $0x5000  }
0x3a: {  	s20 =	sshll.u32 s21, $0x2;
	[sflag:s12] =	ssyncset.done $0x0  }
0x3b: {  	s20 =	sadd.s32 s28, s20;
	[sflag:s12] =	ssyncadd.s32 $0xFFFFB000  }
0x3c: {  	[hbm4b:s20+s2] =	stream.linear.scatter [tilespmem:s9], [sflag:$0x2], $0xA000, $0x38;
	[tilespmem:$0x11800] =	vst v63  }
0x3d: {  	_ =	swait.ge [sflag:s3], $0xA000  }
0x3e: {  	s21 =	sshll.u32 s21, $0x1;
	[sflag:s3] =	ssyncset.done $0x0  }
0x3f: {  	s21 =	sadd.s32 s26, s21;
	[sflag:s3] =	ssyncadd.s32 $0xFFFF6000  }
0x40: {  	[hbm4b:s21+s2] =	stream.linear.scatter [tilespmem:s11], [sflag:$0x2], $0x5000, $0x38;
	[tilespmem:$0x11800] =	vst v63  }
0x41: {  	_ =	swait.ge [sflag:s3], $0x5000  }
0x42: {  	[sflag:s3] =	ssyncset.done $0x0  }
0x43: {  	s22 =	simm.s32 $0xF00;
	[sflag:s3] =	ssyncadd.s32 $0xFFFFB000  }
0x44: {  	[tilespmem:s9], [sflag:$0x1] =	stream.indirect.gather [hbm4b:s7+s8], $0x20, s22, s8, $0xb8;
	[tilespmem:$0x11800] =	vst v63  }
0x45: {  	s23 =	simm.s32 $0x2300  }
0x46: {  	[tilespmem:s11], [sflag:$0x1] =	stream.indirect.gather [hbm4b:s10+s8], $0x10, s23, s8, $0xb8;
	[tilespmem:$0x11800] =	vst v63  }
0x47: {  	_ =	swait.ge [sflag:s12], $0xA000  }
0x48: {  	[sflag:s12] =	ssyncset.done $0x0  }
0x49: {  	s25 =	ssub.s32 $0x2, s25;
	s29 =	sadd.s32 $0xF00, s24;
	[sflag:s12] =	ssyncadd.s32 $0xFFFF6000  }
0x4a: {  	s31 =	sshrl.u32 s25, $0x1;
	s24 =	sshll.u32 s29, $0x2;
	_ =	swait.ge [sflag:s12], $0x5000  }
0x4b: {  	s24 =	sadd.s32 s28, s24;
	s28 =	ssub.s32 s25, s31;
	[sflag:s12] =	ssyncset.done $0x0  }
0x4c: {  	s31 =	smax.u32 s28, $0x1;
	[sflag:s12] =	ssyncadd.s32 $0xFFFFB000  }
0x4d: {  	[hbm4b:s24+s2] =	stream.linear.scatter [tilespmem:s9], [sflag:$0x2], $0xA000, $0x38;
	[tilespmem:$0x11800] =	vst v63  }
0x4e: {  	p0 =	sne.s32 s31, $0x1;
	_ =	swait.ge [sflag:s3], $0xA000  }
.Ltmp0:
0x4f: {  	s30 =	sshll.u32 s29, $0x1;
	[sflag:s3] =	ssyncset.done $0x0;
	(pc) =	sbr.rel @!p0 .LBB2_2-.Ltmp0, $4  }
0x50: {  	s25 =	sadd.s32 s26, s30;
	[sflag:s3] =	ssyncadd.s32 $0xFFFF6000  }
0x51: {  	[hbm4b:s25+s2] =	stream.linear.scatter [tilespmem:s11], [sflag:$0x2], $0x5000, $0x38;
	[tilespmem:$0x11800] =	vst v63  }
0x52: {  	_ =	swait.ge [sflag:s3], $0x5000  }
0x53: {  	s26 =	sadd.s32 $0xFFFFFFFF, s31;
	[sflag:s3] =	ssyncset.done $0x0  }
.LBB2_1:
0x54: {  	p0 =	sne.s32 s26, $0x1;
	s26 =	sadd.s32 $0xFFFFFFFF, s26;
	[sflag:s3] =	ssyncadd.s32 $0xFFFFB000  }
0x55: {  	[tilespmem:s2], [sflag:$0x2] =	stream.linear.gather [hbm4b:s4+s2], $0x1400, $0x38;
	[tilespmem:$0x11800] =	vst v63  }
0x56: {  	_ =	swait.ge [sflag:s3], $0x1400  }
0x57: {  	[sflag:s3] =	ssyncset.done $0x0  }
0x58: {  	[sflag:s3] =	ssyncadd.s32 $0xFFFFEC00  }
0x59: {  	[tilespmem:s6], [sflag:$0x2] =	stream.linear.gather [hbm4b:s5+s2], $0x1400, $0x38;
	[tilespmem:$0x11800] =	vst v63  }
0x5a: {  	_ =	swait.ge [sflag:s3], $0x1400  }
0x5b: {  	[sflag:s3] =	ssyncset.done $0x0  }
0x5c: {  	[sflag:s3] =	ssyncadd.s32 $0xFFFFEC00  }
0x5d: {  	[tilespmem:s9], [sflag:$0x1] =	stream.indirect.gather [hbm4b:s7+s8], $0x20, s2, s8, $0xb8;
	[tilespmem:$0x11800] =	vst v63  }
0x5e: {  	_ = 	snop  }
0x5f: {  	[tilespmem:s11], [sflag:$0x1] =	stream.indirect.gather [hbm4b:s10+s8], $0x10, s6, s8, $0xb8;
	[tilespmem:$0x11800] =	vst v63  }
0x60: {  	_ =	swait.ge [sflag:s12], $0xA000  }
0x61: {  	[sflag:s12] =	ssyncset.done $0x0  }
0x62: {  	[sflag:s12] =	ssyncadd.s32 $0xFFFF6000  }
0x63: {  	_ =	swait.ge [sflag:s12], $0x5000  }
0x64: {  	[sflag:s12] =	ssyncset.done $0x0  }
0x65: {  	[sflag:s12] =	ssyncadd.s32 $0xFFFFB000  }
0x66: {  	[hbm4b:s13+s2] =	stream.linear.scatter [tilespmem:s9], [sflag:$0x2], $0xA000, $0x38;
	[tilespmem:$0x11800] =	vst v63  }
0x67: {  	_ =	swait.ge [sflag:s3], $0xA000  }
0x68: {  	[sflag:s3] =	ssyncset.done $0x0  }
0x69: {  	[sflag:s3] =	ssyncadd.s32 $0xFFFF6000  }
0x6a: {  	[hbm4b:s14+s2] =	stream.linear.scatter [tilespmem:s11], [sflag:$0x2], $0x5000, $0x38;
	[tilespmem:$0x11800] =	vst v63  }
0x6b: {  	_ =	swait.ge [sflag:s3], $0x5000  }
0x6c: {  	[sflag:s3] =	ssyncset.done $0x0  }
0x6d: {  	[sflag:s3] =	ssyncadd.s32 $0xFFFFB000  }
0x6e: {  	[tilespmem:s9], [sflag:$0x1] =	stream.indirect.gather [hbm4b:s7+s8], $0x20, s8, s8, $0xb8;
	[tilespmem:$0x11800] =	vst v63  }
0x6f: {  	_ = 	snop  }
0x70: {  	[tilespmem:s11], [sflag:$0x1] =	stream.indirect.gather [hbm4b:s10+s8], $0x10, s15, s8, $0xb8;
	[tilespmem:$0x11800] =	vst v63  }
0x71: {  	_ =	swait.ge [sflag:s12], $0xA000  }
0x72: {  	[sflag:s12] =	ssyncset.done $0x0  }
0x73: {  	[sflag:s12] =	ssyncadd.s32 $0xFFFF6000  }
0x74: {  	_ =	swait.ge [sflag:s12], $0x5000  }
0x75: {  	[sflag:s12] =	ssyncset.done $0x0  }
0x76: {  	[sflag:s12] =	ssyncadd.s32 $0xFFFFB000  }
0x77: {  	[hbm4b:s16+s2] =	stream.linear.scatter [tilespmem:s9], [sflag:$0x2], $0xA000, $0x38;
	[tilespmem:$0x11800] =	vst v63  }
0x78: {  	_ =	swait.ge [sflag:s3], $0xA000  }
0x79: {  	[sflag:s3] =	ssyncset.done $0x0  }
0x7a: {  	[sflag:s3] =	ssyncadd.s32 $0xFFFF6000  }
0x7b: {  	[hbm4b:s17+s2] =	stream.linear.scatter [tilespmem:s11], [sflag:$0x2], $0x5000, $0x38;
	[tilespmem:$0x11800] =	vst v63  }
0x7c: {  	_ =	swait.ge [sflag:s3], $0x5000  }
0x7d: {  	[sflag:s3] =	ssyncset.done $0x0  }
0x7e: {  	[sflag:s3] =	ssyncadd.s32 $0xFFFFB000  }
0x7f: {  	[tilespmem:s9], [sflag:$0x1] =	stream.indirect.gather [hbm4b:s7+s8], $0x20, s18, s8, $0xb8;
	[tilespmem:$0x11800] =	vst v63  }
0x80: {  	_ = 	snop  }
0x81: {  	[tilespmem:s11], [sflag:$0x1] =	stream.indirect.gather [hbm4b:s10+s8], $0x10, s19, s8, $0xb8;
	[tilespmem:$0x11800] =	vst v63  }
0x82: {  	_ =	swait.ge [sflag:s12], $0xA000  }
0x83: {  	[sflag:s12] =	ssyncset.done $0x0  }
0x84: {  	[sflag:s12] =	ssyncadd.s32 $0xFFFF6000  }
0x85: {  	_ =	swait.ge [sflag:s12], $0x5000  }
0x86: {  	[sflag:s12] =	ssyncset.done $0x0  }
0x87: {  	[sflag:s12] =	ssyncadd.s32 $0xFFFFB000  }
0x88: {  	[hbm4b:s20+s2] =	stream.linear.scatter [tilespmem:s9], [sflag:$0x2], $0xA000, $0x38;
	[tilespmem:$0x11800] =	vst v63  }
0x89: {  	_ =	swait.ge [sflag:s3], $0xA000  }
0x8a: {  	[sflag:s3] =	ssyncset.done $0x0  }
0x8b: {  	[sflag:s3] =	ssyncadd.s32 $0xFFFF6000  }
0x8c: {  	[hbm4b:s21+s2] =	stream.linear.scatter [tilespmem:s11], [sflag:$0x2], $0x5000, $0x38;
	[tilespmem:$0x11800] =	vst v63  }
0x8d: {  	_ =	swait.ge [sflag:s3], $0x5000  }
0x8e: {  	[sflag:s3] =	ssyncset.done $0x0  }
0x8f: {  	[sflag:s3] =	ssyncadd.s32 $0xFFFFB000  }
0x90: {  	[tilespmem:s9], [sflag:$0x1] =	stream.indirect.gather [hbm4b:s7+s8], $0x20, s22, s8, $0xb8;
	[tilespmem:$0x11800] =	vst v63  }
0x91: {  	_ = 	snop  }
0x92: {  	[tilespmem:s11], [sflag:$0x1] =	stream.indirect.gather [hbm4b:s10+s8], $0x10, s23, s8, $0xb8;
	[tilespmem:$0x11800] =	vst v63  }
0x93: {  	_ =	swait.ge [sflag:s12], $0xA000  }
0x94: {  	[sflag:s12] =	ssyncset.done $0x0  }
0x95: {  	[sflag:s12] =	ssyncadd.s32 $0xFFFF6000  }
0x96: {  	_ =	swait.ge [sflag:s12], $0x5000  }
0x97: {  	[sflag:s12] =	ssyncset.done $0x0  }
0x98: {  	[sflag:s12] =	ssyncadd.s32 $0xFFFFB000  }
0x99: {  	[hbm4b:s24+s2] =	stream.linear.scatter [tilespmem:s9], [sflag:$0x2], $0xA000, $0x38;
	[tilespmem:$0x11800] =	vst v63  }
0x9a: {  	_ =	swait.ge [sflag:s3], $0xA000  }
.Ltmp1:
0x9b: {  	[sflag:s3] =	ssyncset.done $0x0;
	(pc) =	sbr.rel @p0 .LBB2_1-.Ltmp1, $4  }
0x9c: {  	[sflag:s3] =	ssyncadd.s32 $0xFFFF6000  }
0x9d: {  	[hbm4b:s25+s2] =	stream.linear.scatter [tilespmem:s11], [sflag:$0x2], $0x5000, $0x38;
	[tilespmem:$0x11800] =	vst v63  }
0x9e: {  	_ =	swait.ge [sflag:s3], $0x5000  }
0x9f: {  	[sflag:s3] =	ssyncset.done $0x0  }
.LBB2_2:
0xa0: {  	[sflag:s3] =	ssyncadd.s32 $0xFFFFB000  }
0xa1: {  	_ =	sfence.sel $0x180000  }
0xa2: {  	[bflag:$0x0] =	sbarrier.arrive $0xFFFF  }
0xa3: {  	p0 =	sne.s32 s0, $0x0;
	_ =	strace $0x9000004D  }
0xa4: {  	s0 =	sadd.s32 @!p0 $0x100000, s1;
	[bflag:$0x2] =	sbarrier.arrive $0xFFFF  }
0xa5: {  	[sflag:s0] =	ssyncadd.tile.s32 @!p0 $0x1;
	_ =	shalt  }
.Lfunc_end2:
_tile_overlayer_lowered:
.L_overlay_start_2:
0xa6: {  	(tag) =	ssettag $0x2  }
0xa7: {  	s0 =	rddreg [dreg:$0x0];
	s2 =	stileid.u32  }
0xa8: {  	s1 =	rddreg [dreg:$0x1];
	p0 =	sne.s32 s2, $0x0  }
0xa9: {  	s3 =	rddreg [dreg:$0x2];
	[bflag:$0x3] =	sbarrier.arrive $0xFFFF;
	s2 =	simm.s32 @!p0 $0x1C02  }
0xaa: {  	[timem:s3], [sflag:s2] =	dma.local @!p0 [hbm:s0], s1  }
0xab: {  	s0 =	simm.s32 @!p0 $0x2  }
0xac: {  	_ =	swait.ge @!p0 [sflag:s0], s1  }
0xad: {  	s1 =	ssub.s32 @!p0 $0x0, s1;
	[sflag:s0] =	ssyncset.done @!p0 $0x0  }
0xae: {  	[sflag:s0] =	ssyncadd.s32 @!p0 s1  }
0xaf: {  	[bflag:$0x3] =	sbarrier.arrive $0xFFFF  }
0xb0: {  	_ =	shalt  }

// kernel: kernel.29.cloned.1.call-start
scs
__scs_entry_jumppad:
0x0: {  	(pc) =	sbr.rel $0x88, $3  }
0x1: {  	(tag) =	ssettag $0x0;
	lr =	simm.s32 $0x1  }
0x2: {  	[smem:$0x3F8C] =	sst lr;
	_ =	strace $0xD0000000  }
0x3: {  	_ = 	snop  }
0x4: {  	_ = 	snop  }
0x5: {  	_ = 	snop  }
0x6: {  	_ = 	snop  }
0x7: {  	_ = 	snop  }
__scs_overlays_trampoline_lowered:
0x8: {  	[smem:$0x3F9B] =	sst s0  }
0x9: {  	[smem:$0x3F9C] =	sst s1  }
0xa: {  	[smem:$0x3F9D] =	sst s2  }
0xb: {  	[smem:$0x3F9E] =	sst s3  }
0xc: {  	[smem:$0x3F9F] =	sst s4  }
0xd: {  	[smem:$0x3FA0] =	sst s5  }
0xe: {  	[smem:$0x3FA1] =	sst s6  }
0xf: {  	[smem:$0x3FA2] =	sst s7  }
0x10: {  	[smem:$0x3FA3] =	sst s8  }
0x11: {  	[smem:$0x3FA4] =	sst s9;
	s0 =	simm.s32 @!p0 $0x0  }
0x12: {  	s1 =	sld [smem:$0x3F8A];
	s0 =	simm.s32 @p0 $0x1  }
0x13: {  	[smem:$0x3FA5] =	sst s0;
	s0 =	simm.s32 @!p1 $0x0  }
0x14: {  	s2 =	sld [smem:$0x3F89];
	s0 =	simm.s32 @p1 $0x1  }
0x15: {  	[smem:$0x3FA6] =	sst s0;
	s0 =	simm.s32 @!p2 $0x0  }
0x16: {  	s3 =	sld [smem:$0x3FDB];
	s0 =	simm.s32 @p2 $0x1  }
0x17: {  	s4 =	simm.s32 $0x1BF5;
	[smem:$0x3FA8] =	sst s0  }
0x18: {  	s0 =	sld [smem:$0x3F8B];
	_ =	swait.ge [sflag:s4], $0x0  }
0x19: {  	s7 =	sld [smem:$0x3F8C]  }
0x1a: {  	s8 =	sadd.s32 $0xFFFFE003, lr  }
0x1b: {  	s9 =	sadd.s32 $0xFFFFFEF7, lr;
	s5 =	simm.s32 $0xFFFFFFFF;
	p2 =	slt.u32 s8, $0xFFFFF086  }
0x1c: {  	p1 =	slt.u32 s9, $0xF7A;
	s5 =	simm.s32 @!p2 $0x0  }
0x1d: {  	s5 =	simm.s32 @p1 $0x1;
	p0 =	seq.s32 s7, s2  }
0x1e: {  	s7 =	smul.u32 @!p0 $0xF7A, s2;
	p2 =	seq.s32 @!p0 s5, $0x0  }
0x1f: {  	s9 =	smul.u32 $0xF7A, s1;
	s8 =	simm.s32 @!p0 $0x1BF5;
	p2 =	por !p2, p0  }
0x20: {  	[sflag:s8] =	ssyncset.s32 @!p0 $0xFFFFF086;
	s6 =	sadd.s32 @!p0 s3, s7;
	s7 =	simm.s32 @!p0 $0x108  }
0x21: {  	s3 =	sadd.s32 s3, s9;
	s6 =	sadd.s32 @!p0 $0x88, s6;
	s7 =	simm.s32 @p2 $0x1082  }
0x22: {  	[simem:s7], [sflag:s8] =	dma.local @!p0 [hbm:s6], $0xF7A  }
0x23: {  	s9 =	sor.u32 $0xD0000000, s2;
	s6 =	simm.s32 $0x108;
	_ =	swait.ge @!p0 [sflag:s8], $0x0  }
0x24: {  	s3 =	sadd.s32 $0x88, s3;
	s6 =	simm.s32 @!p1 $0x1082;
	[sflag:s4] =	ssyncset.s32 $0xFFFFF086  }
0x25: {  	[simem:s6], [sflag:s4] =	dma.local [hbm:s3], $0xF7A  }
0x26: {  	[smem:$0x3F8C] =	sst s1;
	(tag) =	ssettag s2;
	_ =	strace s9  }
0x27: {  	s1 =	sld [smem:$0x3F9C]  }
0x28: {  	s2 =	sld [smem:$0x3F9D]  }
0x29: {  	s4 =	sld [smem:$0x3F9F]  }
0x2a: {  	p0 =	seq.s32 s5, $0x0;
	s5 =	sld [smem:$0x3FA0]  }
0x2b: {  	s6 =	sld [smem:$0x3FA1]  }
0x2c: {  	s7 =	sld [smem:$0x3FA2]  }
0x2d: {  	s3 =	simm.s32 $0x108;
	s8 =	sld [smem:$0x3FA3]  }
0x2e: {  	s3 =	simm.s32 @!p0 $0x1082;
	s9 =	sld [smem:$0x3FA4]  }
0x2f: {  	lr =	sadd.s32 s0, s3;
	s0 =	sld [smem:$0x3F9B]  }
0x30: {  	s3 =	sld [smem:$0x3F9E]  }
0x31: {  	[smem:$0x3FA7] =	sst s10  }
0x32: {  	s10 =	sld [smem:$0x3FA5];
	_ =	sdelay $0x3  }
0x33: {  	p0 =	seq.s32 s10, $0x1;
	s10 =	sld [smem:$0x3FA7];
	_ =	sdelay $0x3  }
0x34: {  	[smem:$0x3FA7] =	sst s10  }
0x35: {  	s10 =	sld [smem:$0x3FA6];
	_ =	sdelay $0x3  }
0x36: {  	p1 =	seq.s32 s10, $0x1;
	s10 =	sld [smem:$0x3FA7];
	_ =	sdelay $0x3  }
0x37: {  	[smem:$0x3FA7] =	sst s10  }
0x38: {  	s10 =	sld [smem:$0x3FA8]  }
0x39: {  	_ = 	snop;
	(pc) =	sbr.ind lr, $3  }
0x3a: {  	_ = 	snop  }
0x3b: {  	_ = 	snop  }
0x3c: {  	p2 =	seq.s32 s10, $0x1;
	s10 =	sld [smem:$0x3FA7]  }
0x3d: {  	_ =	shalt  }
0x3e: {  	_ =	shalt  }
0x3f: {  	_ =	shalt  }
0x40: {  	_ =	shalt  }
0x41: {  	_ =	shalt  }
0x42: {  	_ =	shalt  }
0x43: {  	_ =	shalt  }
0x44: {  	_ =	shalt  }
0x45: {  	_ =	shalt  }
0x46: {  	_ =	shalt  }
0x47: {  	_ =	shalt  }
0x48: {  	_ =	shalt  }
0x49: {  	_ =	shalt  }
0x4a: {  	_ =	shalt  }
0x4b: {  	_ =	shalt  }
0x4c: {  	_ =	shalt  }
0x4d: {  	_ =	shalt  }
0x4e: {  	_ =	shalt  }
0x4f: {  	_ =	shalt  }
0x50: {  	_ =	shalt  }
0x51: {  	_ =	shalt  }
0x52: {  	_ =	shalt  }
0x53: {  	_ =	shalt  }
0x54: {  	_ =	shalt  }
0x55: {  	_ =	shalt  }
0x56: {  	_ =	shalt  }
0x57: {  	_ =	shalt  }
0x58: {  	_ =	shalt  }
0x59: {  	_ =	shalt  }
0x5a: {  	_ =	shalt  }
0x5b: {  	_ =	shalt  }
0x5c: {  	_ =	shalt  }
0x5d: {  	_ =	shalt  }
0x5e: {  	_ =	shalt  }
0x5f: {  	_ =	shalt  }
0x60: {  	_ =	shalt  }
0x61: {  	_ =	shalt  }
0x62: {  	_ =	shalt  }
0x63: {  	_ =	shalt  }
0x64: {  	_ =	shalt  }
0x65: {  	_ =	shalt  }
0x66: {  	_ =	shalt  }
0x67: {  	_ =	shalt  }
0x68: {  	_ =	shalt  }
0x69: {  	_ =	shalt  }
0x6a: {  	_ =	shalt  }
0x6b: {  	_ =	shalt  }
0x6c: {  	_ =	shalt  }
0x6d: {  	_ =	shalt  }
0x6e: {  	_ =	shalt  }
0x6f: {  	_ =	shalt  }
0x70: {  	_ =	shalt  }
0x71: {  	_ =	shalt  }
0x72: {  	_ =	shalt  }
0x73: {  	_ =	shalt  }
0x74: {  	_ =	shalt  }
0x75: {  	_ =	shalt  }
0x76: {  	_ =	shalt  }
0x77: {  	_ =	shalt  }
0x78: {  	_ =	shalt  }
0x79: {  	_ =	shalt  }
0x7a: {  	_ =	shalt  }
0x7b: {  	_ =	shalt  }
0x7c: {  	_ =	shalt  }
0x7d: {  	_ =	shalt  }
0x7e: {  	_ =	shalt  }
0x7f: {  	_ =	shalt  }
0x80: {  	_ =	shalt  }
0x81: {  	_ =	shalt  }
0x82: {  	_ =	shalt  }
0x83: {  	_ =	shalt  }
0x84: {  	_ =	shalt  }
0x85: {  	_ =	shalt  }
0x86: {  	_ =	shalt  }
0x87: {  	_ =	shalt  }
.Lfunc_end0:
.L_simem_size_0:
called_computation.3_lowered:
.L_overlay_start_0:
0x88: {  	s2 =	sld [smem:$0x3FD9]  }
0x89: {  	s3 =	sld [smem:$0x3FFE];
	_ =	sdelay $0x1  }
0x8a: {  	s1 =	srdreg.scid  }
0x8b: {  	s0 =	sand.u32 $0x1, s1  }
0x8c: {  	s16 =	sshll.u32 s0, $0xA;
	s2 =	sadd.s32 s3, s2  }
0x8d: {  	s2 =	sadd.s32 s2, s16  }
0x8e: {  	[smem:$0x3FB3] =	sst s2  }
0x8f: {  	_ = 	snop  }
0x90: {  	(tm) =	ssettm $0x1  }
0x91: {  	s17 =	sld [smem:$0x3FFB];
	_ =	sdelay $0x3  }
0x92: {  	_ =	strace s17  }
0x93: {  	s2 =	sld [smem:$0x3FFC];
	_ =	sdelay $0x3  }
0x94: {  	_ =	strace s2  }
0x95: {  	s2 =	sld [smem:$0x3FFD];
	_ =	sdelay $0x3  }
0x96: {  	_ =	strace s2  }
0x97: {  	_ =	strace $0x8FFFFFFF  }
0x98: {  	s18 =	sld [smem:$0x3FDB];
	_ =	sdelay $0x1  }
0x99: {  	s19 =	simm.s32 $_scs_section_size  }
0x9a: {  	s4 =	simm.s32 $_size__tile_overlayer_lowered;
	s5 =	simm.s32 $_tile_overlayer_lowered  }
0x9b: {  	s22 =	simm.s32 $0x1BFF;
	s21 =	sshll.u32 s5, $0x1;
	s2 =	sadd.s32 s19, s18  }
0x9c: {  	s6 =	simm.s32 $0x0;
	s20 =	sshll.u32 s4, $0x1;
	s4 =	sadd.s32 s21, s2  }
0x9d: {  	[timem:s6], [sflag:s22] =	dma.local [hbm:s4], s20  }
0x9e: {  	_ =	swait.ge [sflag:s22], s20  }
0x9f: {  	s3 =	ssub.s32 $0x0, s20;
	[sflag:s22] =	ssyncset.done $0x0  }
0xa0: {  	[sflag:s22] =	ssyncadd.s32 s3;
	_ =	sdelay $0x1  }
0xa1: {  	s23 =	simm.s32 $0x1B8B  }
0xa2: {  	_ =	swait.ge [sflag:s23], $0x1  }
0xa3: {  	[sflag:s23] =	ssyncset.done $0x0  }
0xa4: {  	s25 =	simm.s32 $0x1B8E;
	s24 =	sld [smem:$0x3FFE];
	[sflag:s23] =	ssyncadd.s32 $0xFFFFFFFF  }
0xa5: {  	s26 =	simm.s32 $execute0_lowered;
	[smem:$0x3FD2] =	sst s25  }
0xa6: {  	s4 =	sshll.u32 s26, $0x1;
	_ =	strace $0x8000004F;
	[dreg:$0x1] =	wrdreg $0xFFFFFFFF  }
0xa7: {  	s28 =	simm.s32 $_size_execute0_lowered;
	s2 =	sadd.s32 s2, s4;
	[dreg:$0x0] =	wrdreg $0x0  }
0xa8: {  	s4 =	sshll.u32 s28, $0x1;
	[dreg:$0x2] =	wrdreg s2  }
0xa9: {  	[dreg:$0x3] =	wrdreg s4  }
0xaa: {  	[dreg:$0x4] =	wrdreg $0xC0  }
0xab: {  	_ =	task [dreg:s6], $0x5FFFF  }
0xac: {  	[dreg:$0x1] =	wrdreg $0xFFFFFFFF  }
0xad: {  	[dreg:$0x0] =	wrdreg $0x60  }
0xae: {  	[dreg:$0x2] =	wrdreg s24  }
0xaf: {  	[dreg:$0x3] =	wrdreg $0x0  }
0xb0: {  	[dreg:$0x4] =	wrdreg $0x9  }
0xb1: {  	_ =	task.clear_ibuf [dreg:s6], $0x5FFFF;
	_ =	strace $0x9000004F  }
0xb2: {  	s29 =	simm.s32 $0x9;
	_ =	strace $0x80000051  }
0xb3: {  	_ =	swait.ge [sflag:s29], $0x1  }
0xb4: {  	[sflag:s29] =	ssyncadd.s32 $0xFFFFFFFF  }
0xb5: {  	_ =	strace $0x90000051  }
0xb6: {  	_ =	sfence  }
0xb7: {  	s30 =	sld [smem:$0x0];
	_ =	sdelay $0x2  }
0xb8: {  	s31 =	sshll.u32 s1, $0xD;
	s1 =	sshrl.u32 s1, $0x2  }
0xb9: {  	s3 =	sand.u32 $0x4000, s31;
	s1 =	sadd.s32 s1, s30  }
0xba: {  	s0 =	sor.u32 s3, s0;
	s1 =	sshll.u32 s1, $0x11  }
0xbb: {  	s0 =	sor.u32 s1, s0  }
0xbc: {  	s0 =	sadd.s32 $0x8F2B, s0  }
0xbd: {  	[sflag:s0] =	ssyncadd.remote.s32 $0x1  }
0xbe: {  	_ =	sfence.sel $0xFFFF  }
0xbf: {  	[dreg:$0x0] =	wrdreg $0xFFFFFFFF;
	(pc) =	sbr.abs _section_cstart, $3  }
0xc0: {  	[dreg:$0x1] =	wrdreg $0xFFFFFFFF  }
0xc1: {  	_ =	task.clear_ibuf [dreg:s6], $0x2FFFF;
	_ =	strace $0x9FFFFFFF  }
0xc2: {  	(tm) =	ssettm $0x7FFFFFFF  }
0xc3: {  	_ =	shalt  }
tec
execute0_lowered:
.L_overlay_start_1:
0x0: {  	(tag) =	ssettag $0x1  }
0x1: {  	s20 =	rddreg [dreg:$0x0]  }
0x2: {  	s2 =	rddreg [dreg:$0x1]  }
0x3: {  	s0 =	rddreg [dreg:$0x2]  }
0x4: {  	s1 =	stileid.u32;
	s4 =	srdreg.scid;
	s3 =	simm.s32 $0x0  }
0x5: {  	s21 =	smul.u32 $0x4E40, s1;
	s22 =	sand.u32 $0x1, s4;
	s26 =	sshll.u32 s1, $0x1  }
0x6: {  	[smem:$0x7FF] =	sst s3;
	s5 =	sshll.u32 s1, $0x6;
	s8 =	sor.u32 s22, s26  }
0x7: {  	_ =	strace $0x80000050;
	s5 =	sor.u32 $0x1C02, s5;
	s28 =	sshrl.u32 s21, $0x3  }
0x8: {  	s9 =	smul.u32 $0x280, s8;
	s6 =	sadd.s32 s21, s2;
	s4 =	sadd.s32 s28, s20  }
0x9: {  	s7 =	sshrl.u32 s6, $0x3;
	s6 =	simm.s32 $0x2;
	s4 =	sadd.s32 $0xDB000, s4  }
0xa: {  	[spmem:s7], [sflag:s5] =	dma.local [hbm:s4], $0x9C8  }
0xb: {  	_ =	swait.ge [sflag:s6], $0x9C8  }
0xc: {  	s10 =	smul.u32 $0x5000, s8;
	s29 =	sadd.s32 s9, s20;
	[sflag:s6] =	ssyncset.done $0x0  }
0xd: {  	s9 =	simm.s32 $0x4E40;
	s8 =	sadd.s32 $0x9E00, s29;
	[sflag:s6] =	ssyncadd.s32 $0xFFFFF638  }
0xe: {  	[tilespmem:s9], [sflag:$0x2] =	stream.linear.gather [hbm4b:s8+s3], $0x1400, $0x38;
	[tilespmem:$0x10240] =	vst v63  }
0xf: {  	_ =	swait.ge [sflag:s6], $0x1400  }
0x10: {  	[sflag:s6] =	ssyncset.done $0x0  }
0x11: {  	s11 =	simm.s32 $0x6240;
	s18 =	sadd.s32 s10, s20;
	[sflag:s6] =	ssyncadd.s32 $0xFFFFEC00  }
0x12: {  	s12 =	simm.s32 $0x1;
	s10 =	sadd.s32 $0x13E00, s18;
	[bflag:$0x0] =	sbarrier.arrive $0xFFFF  }
0x13: {  	[tilespmem:s11], [sflag:$0x1] =	stream.linear.gather [hbm4b:s10+s3], $0xA000, $0x38;
	[tilespmem:$0x10240] =	vst v63  }
0x14: {  	_ =	swait.ge [sflag:s12], $0xA000  }
0x15: {  	[sflag:s12] =	ssyncset.done $0x0  }
0x16: {  	s13 =	simm.s32 $0x500;
	[sflag:s12] =	ssyncadd.s32 $0xFFFF6000  }
0x17: {  	[spmem:s2] =	stream.indirect.scatter.add.f32 [tilespmem:s11], [sflag:$0x2], $0x20, s9, s13, $0xb8;
	[tilespmem:$0x10240] =	vst v63  }
0x18: {  	_ =	swait.ge [sflag:s6], $0xA000  }
0x19: {  	[sflag:s6] =	ssyncset.done $0x0  }
0x1a: {  	s14 =	sadd.s32 $0x15200, s18;
	[sflag:s6] =	ssyncadd.s32 $0xFFFF6000  }
0x1b: {  	[tilespmem:s11], [sflag:$0x1] =	stream.linear.gather [hbm4b:s14+s3], $0xA000, $0x38;
	[tilespmem:$0x10240] =	vst v63  }
0x1c: {  	_ =	swait.ge [sflag:s12], $0xA000  }
0x1d: {  	[sflag:s12] =	ssyncset.done $0x0  }
0x1e: {  	s15 =	simm.s32 $0x5340;
	[sflag:s12] =	ssyncadd.s32 $0xFFFF6000  }
0x1f: {  	[spmem:s2] =	stream.indirect.scatter.add.f32 [tilespmem:s11], [sflag:$0x2], $0x20, s15, s13, $0xb8;
	[tilespmem:$0x10240] =	vst v63  }
0x20: {  	_ =	swait.ge [sflag:s6], $0xA000  }
0x21: {  	[sflag:s6] =	ssyncset.done $0x0  }
0x22: {  	s16 =	sadd.s32 $0x16600, s18;
	[sflag:s6] =	ssyncadd.s32 $0xFFFF6000  }
0x23: {  	[tilespmem:s11], [sflag:$0x1] =	stream.linear.gather [hbm4b:s16+s3], $0xA000, $0x38;
	[tilespmem:$0x10240] =	vst v63  }
0x24: {  	_ =	swait.ge [sflag:s12], $0xA000  }
0x25: {  	[sflag:s12] =	ssyncset.done $0x0  }
0x26: {  	s17 =	simm.s32 $0x5840;
	[sflag:s12] =	ssyncadd.s32 $0xFFFF6000  }
0x27: {  	[spmem:s2] =	stream.indirect.scatter.add.f32 [tilespmem:s11], [sflag:$0x2], $0x20, s17, s13, $0xb8;
	[tilespmem:$0x10240] =	vst v63  }
0x28: {  	_ =	swait.ge [sflag:s6], $0xA000  }
0x29: {  	[sflag:s6] =	ssyncset.done $0x0  }
0x2a: {  	s23 =	smul.u32 $0x4E400, s22;
	s18 =	sadd.s32 $0x17A00, s18;
	[sflag:s6] =	ssyncadd.s32 $0xFFFF6000  }
0x2b: {  	[tilespmem:s11], [sflag:$0x1] =	stream.linear.gather [hbm4b:s18+s3], $0xA000, $0x38;
	[tilespmem:$0x10240] =	vst v63  }
0x2c: {  	s19 =	simm.s32 $0x5D40;
	s22 =	ssub.s32 $0x2, s22;
	_ =	swait.ge [sflag:s12], $0xA000  }
0x2d: {  	s30 =	sshrl.u32 s22, $0x1;
	s21 =	sadd.s32 s21, s23;
	[sflag:s12] =	ssyncset.done $0x0  }
0x2e: {  	s31 =	ssub.s32 s22, s30;
	s21 =	sshrl.u32 s21, $0x3;
	[sflag:s12] =	ssyncadd.s32 $0xFFFF6000  }
0x2f: {  	[spmem:s2] =	stream.indirect.scatter.add.f32 [tilespmem:s11], [sflag:$0x2], $0x20, s19, s13, $0xb8;
	[tilespmem:$0x10240] =	vst v63  }
0x30: {  	s20 =	sadd.s32 s21, s20;
	s21 =	smax.u32 s31, $0x1;
	_ =	swait.ge [sflag:s6], $0xA000  }
0x31: {  	p0 =	sne.s32 s21, $0x1;
	[sflag:s6] =	ssyncset.done $0x0  }
.Ltmp0:
0x32: {  	[sflag:s6] =	ssyncadd.s32 $0xFFFF6000;
	(pc) =	sbr.rel @!p0 .LBB2_2-.Ltmp0, $4  }
0x33: {  	s20 =	sadd.s32 $0xE4E00, s20;
	[bflag:$0x0] =	sbarrier.arrive $0xFFFF  }
0x34: {  	[hbm:s20], [sflag:s5] =	dma.local [spmem:s7], $0x9C8  }
0x35: {  	_ =	swait.ge [sflag:s6], $0x9C8  }
0x36: {  	s21 =	sadd.s32 $0xFFFFFFFF, s21;
	[sflag:s6] =	ssyncset.done $0x0  }
.LBB2_1:
0x37: {  	p0 =	sne.s32 s21, $0x1;
	s21 =	sadd.s32 $0xFFFFFFFF, s21;
	[sflag:s6] =	ssyncadd.s32 $0xFFFFF638  }
0x38: {  	[spmem:s7], [sflag:s5] =	dma.local [hbm:s4], $0x9C8  }
0x39: {  	_ =	swait.ge [sflag:s6], $0x9C8  }
0x3a: {  	[sflag:s6] =	ssyncset.done $0x0  }
0x3b: {  	[sflag:s6] =	ssyncadd.s32 $0xFFFFF638  }
0x3c: {  	[tilespmem:s9], [sflag:$0x2] =	stream.linear.gather [hbm4b:s8+s3], $0x1400, $0x38;
	[tilespmem:$0x10240] =	vst v63  }
0x3d: {  	_ =	swait.ge [sflag:s6], $0x1400  }
0x3e: {  	[sflag:s6] =	ssyncset.done $0x0  }
0x3f: {  	[sflag:s6] =	ssyncadd.s32 $0xFFFFEC00  }
0x40: {  	[bflag:$0x0] =	sbarrier.arrive $0xFFFF  }
0x41: {  	[tilespmem:s11], [sflag:$0x1] =	stream.linear.gather [hbm4b:s10+s3], $0xA000, $0x38;
	[tilespmem:$0x10240] =	vst v63  }
0x42: {  	_ =	swait.ge [sflag:s12], $0xA000  }
0x43: {  	[sflag:s12] =	ssyncset.done $0x0  }
0x44: {  	[sflag:s12] =	ssyncadd.s32 $0xFFFF6000  }
0x45: {  	[spmem:s2] =	stream.indirect.scatter.add.f32 [tilespmem:s11], [sflag:$0x2], $0x20, s9, s13, $0xb8;
	[tilespmem:$0x10240] =	vst v63  }
0x46: {  	_ =	swait.ge [sflag:s6], $0xA000  }
0x47: {  	[sflag:s6] =	ssyncset.done $0x0  }
0x48: {  	[sflag:s6] =	ssyncadd.s32 $0xFFFF6000  }
0x49: {  	[tilespmem:s11], [sflag:$0x1] =	stream.linear.gather [hbm4b:s14+s3], $0xA000, $0x38;
	[tilespmem:$0x10240] =	vst v63  }
0x4a: {  	_ =	swait.ge [sflag:s12], $0xA000  }
0x4b: {  	[sflag:s12] =	ssyncset.done $0x0  }
0x4c: {  	[sflag:s12] =	ssyncadd.s32 $0xFFFF6000  }
0x4d: {  	[spmem:s2] =	stream.indirect.scatter.add.f32 [tilespmem:s11], [sflag:$0x2], $0x20, s15, s13, $0xb8;
	[tilespmem:$0x10240] =	vst v63  }
0x4e: {  	_ =	swait.ge [sflag:s6], $0xA000  }
0x4f: {  	[sflag:s6] =	ssyncset.done $0x0  }
0x50: {  	[sflag:s6] =	ssyncadd.s32 $0xFFFF6000  }
0x51: {  	[tilespmem:s11], [sflag:$0x1] =	stream.linear.gather [hbm4b:s16+s3], $0xA000, $0x38;
	[tilespmem:$0x10240] =	vst v63  }
0x52: {  	_ =	swait.ge [sflag:s12], $0xA000  }
0x53: {  	[sflag:s12] =	ssyncset.done $0x0  }
0x54: {  	[sflag:s12] =	ssyncadd.s32 $0xFFFF6000  }
0x55: {  	[spmem:s2] =	stream.indirect.scatter.add.f32 [tilespmem:s11], [sflag:$0x2], $0x20, s17, s13, $0xb8;
	[tilespmem:$0x10240] =	vst v63  }
0x56: {  	_ =	swait.ge [sflag:s6], $0xA000  }
0x57: {  	[sflag:s6] =	ssyncset.done $0x0  }
0x58: {  	[sflag:s6] =	ssyncadd.s32 $0xFFFF6000  }
0x59: {  	[tilespmem:s11], [sflag:$0x1] =	stream.linear.gather [hbm4b:s18+s3], $0xA000, $0x38;
	[tilespmem:$0x10240] =	vst v63  }
0x5a: {  	_ =	swait.ge [sflag:s12], $0xA000  }
0x5b: {  	[sflag:s12] =	ssyncset.done $0x0  }
0x5c: {  	[sflag:s12] =	ssyncadd.s32 $0xFFFF6000  }
0x5d: {  	[spmem:s2] =	stream.indirect.scatter.add.f32 [tilespmem:s11], [sflag:$0x2], $0x20, s19, s13, $0xb8;
	[tilespmem:$0x10240] =	vst v63  }
0x5e: {  	_ =	swait.ge [sflag:s6], $0xA000  }
0x5f: {  	[sflag:s6] =	ssyncset.done $0x0  }
.Ltmp1:
0x60: {  	[sflag:s6] =	ssyncadd.s32 $0xFFFF6000;
	(pc) =	sbr.rel @p0 .LBB2_1-.Ltmp1, $4  }
0x61: {  	[bflag:$0x0] =	sbarrier.arrive $0xFFFF  }
0x62: {  	[hbm:s20], [sflag:s5] =	dma.local [spmem:s7], $0x9C8  }
0x63: {  	_ =	swait.ge [sflag:s6], $0x9C8  }
0x64: {  	[sflag:s6] =	ssyncset.done $0x0  }
.LBB2_2:
0x65: {  	[sflag:s6] =	ssyncadd.s32 $0xFFFFF638  }
0x66: {  	_ =	sfence.sel $0x180000  }
0x67: {  	[bflag:$0x0] =	sbarrier.arrive $0xFFFF  }
0x68: {  	p0 =	sne.s32 s1, $0x0;
	_ =	strace $0x90000050  }
0x69: {  	s0 =	sadd.s32 @!p0 $0x100000, s0;
	[bflag:$0x2] =	sbarrier.arrive $0xFFFF  }
0x6a: {  	[sflag:s0] =	ssyncadd.tile.s32 @!p0 $0x1;
	_ =	shalt  }
.Lfunc_end2:
_tile_overlayer_lowered:
.L_overlay_start_2:
0x6b: {  	(tag) =	ssettag $0x2  }
0x6c: {  	s0 =	rddreg [dreg:$0x0];
	s2 =	stileid.u32  }
0x6d: {  	s1 =	rddreg [dreg:$0x1];
	p0 =	sne.s32 s2, $0x0  }
0x6e: {  	s3 =	rddreg [dreg:$0x2];
	[bflag:$0x3] =	sbarrier.arrive $0xFFFF;
	s2 =	simm.s32 @!p0 $0x1C02  }
0x6f: {  	[timem:s3], [sflag:s2] =	dma.local @!p0 [hbm:s0], s1  }
0x70: {  	s0 =	simm.s32 @!p0 $0x2  }
0x71: {  	_ =	swait.ge @!p0 [sflag:s0], s1  }
0x72: {  	s1 =	ssub.s32 @!p0 $0x0, s1;
	[sflag:s0] =	ssyncset.done @!p0 $0x0  }
0x73: {  	[sflag:s0] =	ssyncadd.s32 @!p0 s1  }
0x74: {  	[bflag:$0x3] =	sbarrier.arrive $0xFFFF  }
0x75: {  	_ =	shalt  }

// kernel: kernel.32.cloned.1.call-start
scs
__scs_entry_jumppad:
0x0: {  	(pc) =	sbr.rel $0x88, $3  }
0x1: {  	(tag) =	ssettag $0x0;
	lr =	simm.s32 $0x1  }
0x2: {  	[smem:$0x3F8C] =	sst lr;
	_ =	strace $0xD0000000  }
0x3: {  	_ = 	snop  }
0x4: {  	_ = 	snop  }
0x5: {  	_ = 	snop  }
0x6: {  	_ = 	snop  }
0x7: {  	_ = 	snop  }
__scs_overlays_trampoline_lowered:
0x8: {  	[smem:$0x3F9B] =	sst s0  }
0x9: {  	[smem:$0x3F9C] =	sst s1  }
0xa: {  	[smem:$0x3F9D] =	sst s2  }
0xb: {  	[smem:$0x3F9E] =	sst s3  }
0xc: {  	[smem:$0x3F9F] =	sst s4  }
0xd: {  	[smem:$0x3FA0] =	sst s5  }
0xe: {  	[smem:$0x3FA1] =	sst s6  }
0xf: {  	[smem:$0x3FA2] =	sst s7  }
0x10: {  	[smem:$0x3FA3] =	sst s8  }
0x11: {  	[smem:$0x3FA4] =	sst s9;
	s0 =	simm.s32 @!p0 $0x0  }
0x12: {  	s1 =	sld [smem:$0x3F8A];
	s0 =	simm.s32 @p0 $0x1  }
0x13: {  	[smem:$0x3FA5] =	sst s0;
	s0 =	simm.s32 @!p1 $0x0  }
0x14: {  	s2 =	sld [smem:$0x3F89];
	s0 =	simm.s32 @p1 $0x1  }
0x15: {  	[smem:$0x3FA6] =	sst s0;
	s0 =	simm.s32 @!p2 $0x0  }
0x16: {  	s3 =	sld [smem:$0x3FDB];
	s0 =	simm.s32 @p2 $0x1  }
0x17: {  	s4 =	simm.s32 $0x1BF5;
	[smem:$0x3FA8] =	sst s0  }
0x18: {  	s0 =	sld [smem:$0x3F8B];
	_ =	swait.ge [sflag:s4], $0x0  }
0x19: {  	s7 =	sld [smem:$0x3F8C]  }
0x1a: {  	s8 =	sadd.s32 $0xFFFFE003, lr  }
0x1b: {  	s9 =	sadd.s32 $0xFFFFFEF7, lr;
	s5 =	simm.s32 $0xFFFFFFFF;
	p2 =	slt.u32 s8, $0xFFFFF086  }
0x1c: {  	p1 =	slt.u32 s9, $0xF7A;
	s5 =	simm.s32 @!p2 $0x0  }
0x1d: {  	s5 =	simm.s32 @p1 $0x1;
	p0 =	seq.s32 s7, s2  }
0x1e: {  	s7 =	smul.u32 @!p0 $0xF7A, s2;
	p2 =	seq.s32 @!p0 s5, $0x0  }
0x1f: {  	s9 =	smul.u32 $0xF7A, s1;
	s8 =	simm.s32 @!p0 $0x1BF5;
	p2 =	por !p2, p0  }
0x20: {  	[sflag:s8] =	ssyncset.s32 @!p0 $0xFFFFF086;
	s6 =	sadd.s32 @!p0 s3, s7;
	s7 =	simm.s32 @!p0 $0x108  }
0x21: {  	s3 =	sadd.s32 s3, s9;
	s6 =	sadd.s32 @!p0 $0x88, s6;
	s7 =	simm.s32 @p2 $0x1082  }
0x22: {  	[simem:s7], [sflag:s8] =	dma.local @!p0 [hbm:s6], $0xF7A  }
0x23: {  	s9 =	sor.u32 $0xD0000000, s2;
	s6 =	simm.s32 $0x108;
	_ =	swait.ge @!p0 [sflag:s8], $0x0  }
0x24: {  	s3 =	sadd.s32 $0x88, s3;
	s6 =	simm.s32 @!p1 $0x1082;
	[sflag:s4] =	ssyncset.s32 $0xFFFFF086  }
0x25: {  	[simem:s6], [sflag:s4] =	dma.local [hbm:s3], $0xF7A  }
0x26: {  	[smem:$0x3F8C] =	sst s1;
	(tag) =	ssettag s2;
	_ =	strace s9  }
0x27: {  	s1 =	sld [smem:$0x3F9C]  }
0x28: {  	s2 =	sld [smem:$0x3F9D]  }
0x29: {  	s4 =	sld [smem:$0x3F9F]  }
0x2a: {  	p0 =	seq.s32 s5, $0x0;
	s5 =	sld [smem:$0x3FA0]  }
0x2b: {  	s6 =	sld [smem:$0x3FA1]  }
0x2c: {  	s7 =	sld [smem:$0x3FA2]  }
0x2d: {  	s3 =	simm.s32 $0x108;
	s8 =	sld [smem:$0x3FA3]  }
0x2e: {  	s3 =	simm.s32 @!p0 $0x1082;
	s9 =	sld [smem:$0x3FA4]  }
0x2f: {  	lr =	sadd.s32 s0, s3;
	s0 =	sld [smem:$0x3F9B]  }
0x30: {  	s3 =	sld [smem:$0x3F9E]  }
0x31: {  	[smem:$0x3FA7] =	sst s10  }
0x32: {  	s10 =	sld [smem:$0x3FA5];
	_ =	sdelay $0x3  }
0x33: {  	p0 =	seq.s32 s10, $0x1;
	s10 =	sld [smem:$0x3FA7];
	_ =	sdelay $0x3  }
0x34: {  	[smem:$0x3FA7] =	sst s10  }
0x35: {  	s10 =	sld [smem:$0x3FA6];
	_ =	sdelay $0x3  }
0x36: {  	p1 =	seq.s32 s10, $0x1;
	s10 =	sld [smem:$0x3FA7];
	_ =	sdelay $0x3  }
0x37: {  	[smem:$0x3FA7] =	sst s10  }
0x38: {  	s10 =	sld [smem:$0x3FA8]  }
0x39: {  	_ = 	snop;
	(pc) =	sbr.ind lr, $3  }
0x3a: {  	_ = 	snop  }
0x3b: {  	_ = 	snop  }
0x3c: {  	p2 =	seq.s32 s10, $0x1;
	s10 =	sld [smem:$0x3FA7]  }
0x3d: {  	_ =	shalt  }
0x3e: {  	_ =	shalt  }
0x3f: {  	_ =	shalt  }
0x40: {  	_ =	shalt  }
0x41: {  	_ =	shalt  }
0x42: {  	_ =	shalt  }
0x43: {  	_ =	shalt  }
0x44: {  	_ =	shalt  }
0x45: {  	_ =	shalt  }
0x46: {  	_ =	shalt  }
0x47: {  	_ =	shalt  }
0x48: {  	_ =	shalt  }
0x49: {  	_ =	shalt  }
0x4a: {  	_ =	shalt  }
0x4b: {  	_ =	shalt  }
0x4c: {  	_ =	shalt  }
0x4d: {  	_ =	shalt  }
0x4e: {  	_ =	shalt  }
0x4f: {  	_ =	shalt  }
0x50: {  	_ =	shalt  }
0x51: {  	_ =	shalt  }
0x52: {  	_ =	shalt  }
0x53: {  	_ =	shalt  }
0x54: {  	_ =	shalt  }
0x55: {  	_ =	shalt  }
0x56: {  	_ =	shalt  }
0x57: {  	_ =	shalt  }
0x58: {  	_ =	shalt  }
0x59: {  	_ =	shalt  }
0x5a: {  	_ =	shalt  }
0x5b: {  	_ =	shalt  }
0x5c: {  	_ =	shalt  }
0x5d: {  	_ =	shalt  }
0x5e: {  	_ =	shalt  }
0x5f: {  	_ =	shalt  }
0x60: {  	_ =	shalt  }
0x61: {  	_ =	shalt  }
0x62: {  	_ =	shalt  }
0x63: {  	_ =	shalt  }
0x64: {  	_ =	shalt  }
0x65: {  	_ =	shalt  }
0x66: {  	_ =	shalt  }
0x67: {  	_ =	shalt  }
0x68: {  	_ =	shalt  }
0x69: {  	_ =	shalt  }
0x6a: {  	_ =	shalt  }
0x6b: {  	_ =	shalt  }
0x6c: {  	_ =	shalt  }
0x6d: {  	_ =	shalt  }
0x6e: {  	_ =	shalt  }
0x6f: {  	_ =	shalt  }
0x70: {  	_ =	shalt  }
0x71: {  	_ =	shalt  }
0x72: {  	_ =	shalt  }
0x73: {  	_ =	shalt  }
0x74: {  	_ =	shalt  }
0x75: {  	_ =	shalt  }
0x76: {  	_ =	shalt  }
0x77: {  	_ =	shalt  }
0x78: {  	_ =	shalt  }
0x79: {  	_ =	shalt  }
0x7a: {  	_ =	shalt  }
0x7b: {  	_ =	shalt  }
0x7c: {  	_ =	shalt  }
0x7d: {  	_ =	shalt  }
0x7e: {  	_ =	shalt  }
0x7f: {  	_ =	shalt  }
0x80: {  	_ =	shalt  }
0x81: {  	_ =	shalt  }
0x82: {  	_ =	shalt  }
0x83: {  	_ =	shalt  }
0x84: {  	_ =	shalt  }
0x85: {  	_ =	shalt  }
0x86: {  	_ =	shalt  }
0x87: {  	_ =	shalt  }
.Lfunc_end0:
.L_simem_size_0:
called_computation.4_lowered:
.L_overlay_start_0:
0x88: {  	s2 =	sld [smem:$0x3FD9]  }
0x89: {  	s3 =	sld [smem:$0x3FFE];
	_ =	sdelay $0x1  }
0x8a: {  	s1 =	srdreg.scid  }
0x8b: {  	s0 =	sand.u32 $0x1, s1  }
0x8c: {  	s16 =	sshll.u32 s0, $0xA;
	s2 =	sadd.s32 s3, s2  }
0x8d: {  	s2 =	sadd.s32 s2, s16  }
0x8e: {  	[smem:$0x3FB3] =	sst s2  }
0x8f: {  	_ = 	snop  }
0x90: {  	(tm) =	ssettm $0x1  }
0x91: {  	s17 =	sld [smem:$0x3FFB];
	_ =	sdelay $0x3  }
0x92: {  	_ =	strace s17  }
0x93: {  	s2 =	sld [smem:$0x3FFC];
	_ =	sdelay $0x3  }
0x94: {  	_ =	strace s2  }
0x95: {  	s2 =	sld [smem:$0x3FFD];
	_ =	sdelay $0x3  }
0x96: {  	_ =	strace s2  }
0x97: {  	_ =	strace $0x8FFFFFFF  }
0x98: {  	s18 =	sld [smem:$0x3FDB];
	_ =	sdelay $0x1  }
0x99: {  	s19 =	simm.s32 $_scs_section_size  }
0x9a: {  	s4 =	simm.s32 $_size__tile_overlayer_lowered;
	s5 =	simm.s32 $_tile_overlayer_lowered  }
0x9b: {  	s22 =	simm.s32 $0x1BFF;
	s21 =	sshll.u32 s5, $0x1;
	s2 =	sadd.s32 s19, s18  }
0x9c: {  	s6 =	simm.s32 $0x0;
	s20 =	sshll.u32 s4, $0x1;
	s4 =	sadd.s32 s21, s2  }
0x9d: {  	[timem:s6], [sflag:s22] =	dma.local [hbm:s4], s20  }
0x9e: {  	_ =	swait.ge [sflag:s22], s20  }
0x9f: {  	s3 =	ssub.s32 $0x0, s20;
	[sflag:s22] =	ssyncset.done $0x0  }
0xa0: {  	[sflag:s22] =	ssyncadd.s32 s3;
	_ =	sdelay $0x1  }
0xa1: {  	s23 =	simm.s32 $0x1B8B  }
0xa2: {  	_ =	swait.ge [sflag:s23], $0x1  }
0xa3: {  	[sflag:s23] =	ssyncset.done $0x0  }
0xa4: {  	s25 =	simm.s32 $0x1B8E;
	s24 =	sld [smem:$0x3FFE];
	[sflag:s23] =	ssyncadd.s32 $0xFFFFFFFF  }
0xa5: {  	s26 =	simm.s32 $execute0_lowered;
	[smem:$0x3FD2] =	sst s25  }
0xa6: {  	s4 =	sshll.u32 s26, $0x1;
	_ =	strace $0x80000052;
	[dreg:$0x1] =	wrdreg $0xFFFFFFFF  }
0xa7: {  	s28 =	simm.s32 $_size_execute0_lowered;
	s2 =	sadd.s32 s2, s4;
	[dreg:$0x0] =	wrdreg $0x0  }
0xa8: {  	s4 =	sshll.u32 s28, $0x1;
	[dreg:$0x2] =	wrdreg s2  }
0xa9: {  	[dreg:$0x3] =	wrdreg s4  }
0xaa: {  	[dreg:$0x4] =	wrdreg $0xC0  }
0xab: {  	_ =	task [dreg:s6], $0x5FFFF  }
0xac: {  	[dreg:$0x1] =	wrdreg $0xFFFFFFFF  }
0xad: {  	[dreg:$0x0] =	wrdreg $0x60  }
0xae: {  	[dreg:$0x2] =	wrdreg s24  }
0xaf: {  	[dreg:$0x3] =	wrdreg $0x9  }
0xb0: {  	_ =	task.clear_ibuf [dreg:s6], $0x4FFFF;
	_ =	strace $0x90000052  }
0xb1: {  	s29 =	simm.s32 $0x9;
	_ =	strace $0x80000054  }
0xb2: {  	_ =	swait.ge [sflag:s29], $0x1  }
0xb3: {  	[sflag:s29] =	ssyncadd.s32 $0xFFFFFFFF  }
0xb4: {  	_ =	strace $0x90000054  }
0xb5: {  	_ =	sfence  }
0xb6: {  	s30 =	sld [smem:$0x0];
	_ =	sdelay $0x2  }
0xb7: {  	s31 =	sshll.u32 s1, $0xD;
	s1 =	sshrl.u32 s1, $0x2  }
0xb8: {  	s3 =	sand.u32 $0x4000, s31;
	s1 =	sadd.s32 s1, s30  }
0xb9: {  	s0 =	sor.u32 s3, s0;
	s1 =	sshll.u32 s1, $0x11  }
0xba: {  	s0 =	sor.u32 s1, s0  }
0xbb: {  	s0 =	sadd.s32 $0x8F2B, s0  }
0xbc: {  	[sflag:s0] =	ssyncadd.remote.s32 $0x1  }
0xbd: {  	_ =	sfence.sel $0xFFFF  }
0xbe: {  	[dreg:$0x0] =	wrdreg $0xFFFFFFFF;
	(pc) =	sbr.abs _section_cstart, $3  }
0xbf: {  	[dreg:$0x1] =	wrdreg $0xFFFFFFFF  }
0xc0: {  	_ =	task.clear_ibuf [dreg:s6], $0x2FFFF;
	_ =	strace $0x9FFFFFFF  }
0xc1: {  	(tm) =	ssettm $0x7FFFFFFF  }
tec
execute0_lowered:
.L_overlay_start_1:
0x0: {  	(tag) =	ssettag $0x1  }
0x1: {  	s1 =	srdreg.scid;
	s0 =	stileid.u32  }
0x2: {  	s25 =	sand.u32 $0x1, s1;
	s30 =	sshll.u32 s0, $0x1  }
0x3: {  	s14 =	sor.u32 s25, s30  }
0x4: {  	s24 =	smul.u32 $0x1400, s14  }
0x5: {  	s15 =	rddreg [dreg:$0x0]  }
0x6: {  	s2 =	simm.s32 $0x0;
	s1 =	rddreg [dreg:$0x1];
	s3 =	sshrl.u32 s24, $0x3  }
0x7: {  	[smem:$0x7FF] =	sst s2;
	s5 =	sadd.s32 s3, s15  }
0x8: {  	_ =	strace $0x80000053;
	s3 =	simm.s32 $0x2;
	s4 =	sadd.s32 $0xEE00, s5  }
0x9: {  	[tilespmem:s2], [sflag:$0x2] =	stream.linear.gather [hbm4b:s4+s2], $0x1400, $0x38;
	[tilespmem:$0x11800] =	vst v63  }
0xa: {  	_ =	swait.ge [sflag:s3], $0x1400  }
0xb: {  	[sflag:s3] =	ssyncset.done $0x0  }
0xc: {  	s6 =	simm.s32 $0x1400;
	s5 =	sadd.s32 $0x9E00, s5;
	[sflag:s3] =	ssyncadd.s32 $0xFFFFEC00  }
0xd: {  	[tilespmem:s6], [sflag:$0x2] =	stream.linear.gather [hbm4b:s5+s2], $0x1400, $0x38;
	[tilespmem:$0x11800] =	vst v63  }
0xe: {  	_ =	swait.ge [sflag:s3], $0x1400  }
0xf: {  	s8 =	simm.s32 $0x500;
	[sflag:s3] =	ssyncset.done $0x0  }
0x10: {  	s9 =	simm.s32 $0x2800;
	s7 =	sadd.s32 $0xE4E00, s15;
	[sflag:s3] =	ssyncadd.s32 $0xFFFFEC00  }
0x11: {  	[tilespmem:s9], [sflag:$0x1] =	stream.indirect.gather [hbm4b:s7+s8], $0x20, s2, s8, $0xb8;
	[tilespmem:$0x11800] =	vst v63  }
0x12: {  	s11 =	simm.s32 $0xC800;
	s12 =	simm.s32 $0x1;
	s10 =	sadd.s32 $0xEEC00, s15  }
0x13: {  	[tilespmem:s11], [sflag:$0x1] =	stream.indirect.gather [hbm4b:s10+s8], $0x10, s6, s8, $0xb8;
	[tilespmem:$0x11800] =	vst v63  }
0x14: {  	_ =	swait.ge [sflag:s12], $0xA000  }
0x15: {  	[sflag:s12] =	ssyncset.done $0x0  }
0x16: {  	[sflag:s12] =	ssyncadd.s32 $0xFFFF6000  }
0x17: {  	s13 =	smul.u32 $0x5000, s14;
	_ =	swait.ge [sflag:s12], $0x5000  }
0x18: {  	s28 =	sadd.s32 $0x13A200, s15;
	[sflag:s12] =	ssyncset.done $0x0  }
0x19: {  	s13 =	sadd.s32 s28, s13;
	[sflag:s12] =	ssyncadd.s32 $0xFFFFB000  }
0x1a: {  	[hbm4b:s13+s2] =	stream.linear.scatter [tilespmem:s9], [sflag:$0x2], $0xA000, $0x38;
	[tilespmem:$0x11800] =	vst v63  }
0x1b: {  	s14 =	smul.u32 $0x2800, s14;
	_ =	swait.ge [sflag:s3], $0xA000  }
0x1c: {  	s26 =	sadd.s32 $0x13E00, s15;
	[sflag:s3] =	ssyncset.done $0x0  }
0x1d: {  	s14 =	sadd.s32 s26, s14;
	[sflag:s3] =	ssyncadd.s32 $0xFFFF6000  }
0x1e: {  	[hbm4b:s14+s2] =	stream.linear.scatter [tilespmem:s11], [sflag:$0x2], $0x5000, $0x38;
	[tilespmem:$0x11800] =	vst v63  }
0x1f: {  	_ =	swait.ge [sflag:s3], $0x5000  }
0x20: {  	[sflag:s3] =	ssyncset.done $0x0  }
0x21: {  	[sflag:s3] =	ssyncadd.s32 $0xFFFFB000  }
0x22: {  	[tilespmem:s9], [sflag:$0x1] =	stream.indirect.gather [hbm4b:s7+s8], $0x20, s8, s8, $0xb8;
	[tilespmem:$0x11800] =	vst v63  }
0x23: {  	s15 =	simm.s32 $0x1900  }
0x24: {  	[tilespmem:s11], [sflag:$0x1] =	stream.indirect.gather [hbm4b:s10+s8], $0x10, s15, s8, $0xb8;
	[tilespmem:$0x11800] =	vst v63  }
0x25: {  	_ =	swait.ge [sflag:s12], $0xA000  }
0x26: {  	[sflag:s12] =	ssyncset.done $0x0  }
0x27: {  	[sflag:s12] =	ssyncadd.s32 $0xFFFF6000  }
0x28: {  	s17 =	sadd.s32 $0x500, s24;
	_ =	swait.ge [sflag:s12], $0x5000  }
0x29: {  	s16 =	sshll.u32 s17, $0x2;
	[sflag:s12] =	ssyncset.done $0x0  }
0x2a: {  	s16 =	sadd.s32 s28, s16;
	[sflag:s12] =	ssyncadd.s32 $0xFFFFB000  }
0x2b: {  	[hbm4b:s16+s2] =	stream.linear.scatter [tilespmem:s9], [sflag:$0x2], $0xA000, $0x38;
	[tilespmem:$0x11800] =	vst v63  }
0x2c: {  	_ =	swait.ge [sflag:s3], $0xA000  }
0x2d: {  	s17 =	sshll.u32 s17, $0x1;
	[sflag:s3] =	ssyncset.done $0x0  }
0x2e: {  	s17 =	sadd.s32 s26, s17;
	[sflag:s3] =	ssyncadd.s32 $0xFFFF6000  }
0x2f: {  	[hbm4b:s17+s2] =	stream.linear.scatter [tilespmem:s11], [sflag:$0x2], $0x5000, $0x38;
	[tilespmem:$0x11800] =	vst v63  }
0x30: {  	_ =	swait.ge [sflag:s3], $0x5000  }
0x31: {  	[sflag:s3] =	ssyncset.done $0x0  }
0x32: {  	s18 =	simm.s32 $0xA00;
	[sflag:s3] =	ssyncadd.s32 $0xFFFFB000  }
0x33: {  	[tilespmem:s9], [sflag:$0x1] =	stream.indirect.gather [hbm4b:s7+s8], $0x20, s18, s8, $0xb8;
	[tilespmem:$0x11800] =	vst v63  }
0x34: {  	s19 =	simm.s32 $0x1E00  }
0x35: {  	[tilespmem:s11], [sflag:$0x1] =	stream.indirect.gather [hbm4b:s10+s8], $0x10, s19, s8, $0xb8;
	[tilespmem:$0x11800] =	vst v63  }
0x36: {  	_ =	swait.ge [sflag:s12], $0xA000  }
0x37: {  	[sflag:s12] =	ssyncset.done $0x0  }
0x38: {  	[sflag:s12] =	ssyncadd.s32 $0xFFFF6000  }
0x39: {  	s21 =	sadd.s32 $0xA00, s24;
	_ =	swait.ge [sflag:s12], $0x5000  }
0x3a: {  	s20 =	sshll.u32 s21, $0x2;
	[sflag:s12] =	ssyncset.done $0x0  }
0x3b: {  	s20 =	sadd.s32 s28, s20;
	[sflag:s12] =	ssyncadd.s32 $0xFFFFB000  }
0x3c: {  	[hbm4b:s20+s2] =	stream.linear.scatter [tilespmem:s9], [sflag:$0x2], $0xA000, $0x38;
	[tilespmem:$0x11800] =	vst v63  }
0x3d: {  	_ =	swait.ge [sflag:s3], $0xA000  }
0x3e: {  	s21 =	sshll.u32 s21, $0x1;
	[sflag:s3] =	ssyncset.done $0x0  }
0x3f: {  	s21 =	sadd.s32 s26, s21;
	[sflag:s3] =	ssyncadd.s32 $0xFFFF6000  }
0x40: {  	[hbm4b:s21+s2] =	stream.linear.scatter [tilespmem:s11], [sflag:$0x2], $0x5000, $0x38;
	[tilespmem:$0x11800] =	vst v63  }
0x41: {  	_ =	swait.ge [sflag:s3], $0x5000  }
0x42: {  	[sflag:s3] =	ssyncset.done $0x0  }
0x43: {  	s22 =	simm.s32 $0xF00;
	[sflag:s3] =	ssyncadd.s32 $0xFFFFB000  }
0x44: {  	[tilespmem:s9], [sflag:$0x1] =	stream.indirect.gather [hbm4b:s7+s8], $0x20, s22, s8, $0xb8;
	[tilespmem:$0x11800] =	vst v63  }
0x45: {  	s23 =	simm.s32 $0x2300  }
0x46: {  	[tilespmem:s11], [sflag:$0x1] =	stream.indirect.gather [hbm4b:s10+s8], $0x10, s23, s8, $0xb8;
	[tilespmem:$0x11800] =	vst v63  }
0x47: {  	_ =	swait.ge [sflag:s12], $0xA000  }
0x48: {  	[sflag:s12] =	ssyncset.done $0x0  }
0x49: {  	s25 =	ssub.s32 $0x2, s25;
	s29 =	sadd.s32 $0xF00, s24;
	[sflag:s12] =	ssyncadd.s32 $0xFFFF6000  }
0x4a: {  	s31 =	sshrl.u32 s25, $0x1;
	s24 =	sshll.u32 s29, $0x2;
	_ =	swait.ge [sflag:s12], $0x5000  }
0x4b: {  	s24 =	sadd.s32 s28, s24;
	s28 =	ssub.s32 s25, s31;
	[sflag:s12] =	ssyncset.done $0x0  }
0x4c: {  	s31 =	smax.u32 s28, $0x1;
	[sflag:s12] =	ssyncadd.s32 $0xFFFFB000  }
0x4d: {  	[hbm4b:s24+s2] =	stream.linear.scatter [tilespmem:s9], [sflag:$0x2], $0xA000, $0x38;
	[tilespmem:$0x11800] =	vst v63  }
0x4e: {  	p0 =	sne.s32 s31, $0x1;
	_ =	swait.ge [sflag:s3], $0xA000  }
.Ltmp0:
0x4f: {  	s30 =	sshll.u32 s29, $0x1;
	[sflag:s3] =	ssyncset.done $0x0;
	(pc) =	sbr.rel @!p0 .LBB2_2-.Ltmp0, $4  }
0x50: {  	s25 =	sadd.s32 s26, s30;
	[sflag:s3] =	ssyncadd.s32 $0xFFFF6000  }
0x51: {  	[hbm4b:s25+s2] =	stream.linear.scatter [tilespmem:s11], [sflag:$0x2], $0x5000, $0x38;
	[tilespmem:$0x11800] =	vst v63  }
0x52: {  	_ =	swait.ge [sflag:s3], $0x5000  }
0x53: {  	s26 =	sadd.s32 $0xFFFFFFFF, s31;
	[sflag:s3] =	ssyncset.done $0x0  }
.LBB2_1:
0x54: {  	p0 =	sne.s32 s26, $0x1;
	s26 =	sadd.s32 $0xFFFFFFFF, s26;
	[sflag:s3] =	ssyncadd.s32 $0xFFFFB000  }
0x55: {  	[tilespmem:s2], [sflag:$0x2] =	stream.linear.gather [hbm4b:s4+s2], $0x1400, $0x38;
	[tilespmem:$0x11800] =	vst v63  }
0x56: {  	_ =	swait.ge [sflag:s3], $0x1400  }
0x57: {  	[sflag:s3] =	ssyncset.done $0x0  }
0x58: {  	[sflag:s3] =	ssyncadd.s32 $0xFFFFEC00  }
0x59: {  	[tilespmem:s6], [sflag:$0x2] =	stream.linear.gather [hbm4b:s5+s2], $0x1400, $0x38;
	[tilespmem:$0x11800] =	vst v63  }
0x5a: {  	_ =	swait.ge [sflag:s3], $0x1400  }
0x5b: {  	[sflag:s3] =	ssyncset.done $0x0  }
0x5c: {  	[sflag:s3] =	ssyncadd.s32 $0xFFFFEC00  }
0x5d: {  	[tilespmem:s9], [sflag:$0x1] =	stream.indirect.gather [hbm4b:s7+s8], $0x20, s2, s8, $0xb8;
	[tilespmem:$0x11800] =	vst v63  }
0x5e: {  	_ = 	snop  }
0x5f: {  	[tilespmem:s11], [sflag:$0x1] =	stream.indirect.gather [hbm4b:s10+s8], $0x10, s6, s8, $0xb8;
	[tilespmem:$0x11800] =	vst v63  }
0x60: {  	_ =	swait.ge [sflag:s12], $0xA000  }
0x61: {  	[sflag:s12] =	ssyncset.done $0x0  }
0x62: {  	[sflag:s12] =	ssyncadd.s32 $0xFFFF6000  }
0x63: {  	_ =	swait.ge [sflag:s12], $0x5000  }
0x64: {  	[sflag:s12] =	ssyncset.done $0x0  }
0x65: {  	[sflag:s12] =	ssyncadd.s32 $0xFFFFB000  }
0x66: {  	[hbm4b:s13+s2] =	stream.linear.scatter [tilespmem:s9], [sflag:$0x2], $0xA000, $0x38;
	[tilespmem:$0x11800] =	vst v63  }
0x67: {  	_ =	swait.ge [sflag:s3], $0xA000  }
0x68: {  	[sflag:s3] =	ssyncset.done $0x0  }
0x69: {  	[sflag:s3] =	ssyncadd.s32 $0xFFFF6000  }
0x6a: {  	[hbm4b:s14+s2] =	stream.linear.scatter [tilespmem:s11], [sflag:$0x2], $0x5000, $0x38;
	[tilespmem:$0x11800] =	vst v63  }
0x6b: {  	_ =	swait.ge [sflag:s3], $0x5000  }
0x6c: {  	[sflag:s3] =	ssyncset.done $0x0  }
0x6d: {  	[sflag:s3] =	ssyncadd.s32 $0xFFFFB000  }
0x6e: {  	[tilespmem:s9], [sflag:$0x1] =	stream.indirect.gather [hbm4b:s7+s8], $0x20, s8, s8, $0xb8;
	[tilespmem:$0x11800] =	vst v63  }
0x6f: {  	_ = 	snop  }
0x70: {  	[tilespmem:s11], [sflag:$0x1] =	stream.indirect.gather [hbm4b:s10+s8], $0x10, s15, s8, $0xb8;
	[tilespmem:$0x11800] =	vst v63  }
0x71: {  	_ =	swait.ge [sflag:s12], $0xA000  }
0x72: {  	[sflag:s12] =	ssyncset.done $0x0  }
0x73: {  	[sflag:s12] =	ssyncadd.s32 $0xFFFF6000  }
0x74: {  	_ =	swait.ge [sflag:s12], $0x5000  }
0x75: {  	[sflag:s12] =	ssyncset.done $0x0  }
0x76: {  	[sflag:s12] =	ssyncadd.s32 $0xFFFFB000  }
0x77: {  	[hbm4b:s16+s2] =	stream.linear.scatter [tilespmem:s9], [sflag:$0x2], $0xA000, $0x38;
	[tilespmem:$0x11800] =	vst v63  }
0x78: {  	_ =	swait.ge [sflag:s3], $0xA000  }
0x79: {  	[sflag:s3] =	ssyncset.done $0x0  }
0x7a: {  	[sflag:s3] =	ssyncadd.s32 $0xFFFF6000  }
0x7b: {  	[hbm4b:s17+s2] =	stream.linear.scatter [tilespmem:s11], [sflag:$0x2], $0x5000, $0x38;
	[tilespmem:$0x11800] =	vst v63  }
0x7c: {  	_ =	swait.ge [sflag:s3], $0x5000  }
0x7d: {  	[sflag:s3] =	ssyncset.done $0x0  }
0x7e: {  	[sflag:s3] =	ssyncadd.s32 $0xFFFFB000  }
0x7f: {  	[tilespmem:s9], [sflag:$0x1] =	stream.indirect.gather [hbm4b:s7+s8], $0x20, s18, s8, $0xb8;
	[tilespmem:$0x11800] =	vst v63  }
0x80: {  	_ = 	snop  }
0x81: {  	[tilespmem:s11], [sflag:$0x1] =	stream.indirect.gather [hbm4b:s10+s8], $0x10, s19, s8, $0xb8;
	[tilespmem:$0x11800] =	vst v63  }
0x82: {  	_ =	swait.ge [sflag:s12], $0xA000  }
0x83: {  	[sflag:s12] =	ssyncset.done $0x0  }
0x84: {  	[sflag:s12] =	ssyncadd.s32 $0xFFFF6000  }
0x85: {  	_ =	swait.ge [sflag:s12], $0x5000  }
0x86: {  	[sflag:s12] =	ssyncset.done $0x0  }
0x87: {  	[sflag:s12] =	ssyncadd.s32 $0xFFFFB000  }
0x88: {  	[hbm4b:s20+s2] =	stream.linear.scatter [tilespmem:s9], [sflag:$0x2], $0xA000, $0x38;
	[tilespmem:$0x11800] =	vst v63  }
0x89: {  	_ =	swait.ge [sflag:s3], $0xA000  }
0x8a: {  	[sflag:s3] =	ssyncset.done $0x0  }
0x8b: {  	[sflag:s3] =	ssyncadd.s32 $0xFFFF6000  }
0x8c: {  	[hbm4b:s21+s2] =	stream.linear.scatter [tilespmem:s11], [sflag:$0x2], $0x5000, $0x38;
	[tilespmem:$0x11800] =	vst v63  }
0x8d: {  	_ =	swait.ge [sflag:s3], $0x5000  }
0x8e: {  	[sflag:s3] =	ssyncset.done $0x0  }
0x8f: {  	[sflag:s3] =	ssyncadd.s32 $0xFFFFB000  }
0x90: {  	[tilespmem:s9], [sflag:$0x1] =	stream.indirect.gather [hbm4b:s7+s8], $0x20, s22, s8, $0xb8;
	[tilespmem:$0x11800] =	vst v63  }
0x91: {  	_ = 	snop  }
0x92: {  	[tilespmem:s11], [sflag:$0x1] =	stream.indirect.gather [hbm4b:s10+s8], $0x10, s23, s8, $0xb8;
	[tilespmem:$0x11800] =	vst v63  }
0x93: {  	_ =	swait.ge [sflag:s12], $0xA000  }
0x94: {  	[sflag:s12] =	ssyncset.done $0x0  }
0x95: {  	[sflag:s12] =	ssyncadd.s32 $0xFFFF6000  }
0x96: {  	_ =	swait.ge [sflag:s12], $0x5000  }
0x97: {  	[sflag:s12] =	ssyncset.done $0x0  }
0x98: {  	[sflag:s12] =	ssyncadd.s32 $0xFFFFB000  }
0x99: {  	[hbm4b:s24+s2] =	stream.linear.scatter [tilespmem:s9], [sflag:$0x2], $0xA000, $0x38;
	[tilespmem:$0x11800] =	vst v63  }
0x9a: {  	_ =	swait.ge [sflag:s3], $0xA000  }
.Ltmp1:
0x9b: {  	[sflag:s3] =	ssyncset.done $0x0;
	(pc) =	sbr.rel @p0 .LBB2_1-.Ltmp1, $4  }
0x9c: {  	[sflag:s3] =	ssyncadd.s32 $0xFFFF6000  }
0x9d: {  	[hbm4b:s25+s2] =	stream.linear.scatter [tilespmem:s11], [sflag:$0x2], $0x5000, $0x38;
	[tilespmem:$0x11800] =	vst v63  }
0x9e: {  	_ =	swait.ge [sflag:s3], $0x5000  }
0x9f: {  	[sflag:s3] =	ssyncset.done $0x0  }
.LBB2_2:
0xa0: {  	[sflag:s3] =	ssyncadd.s32 $0xFFFFB000  }
0xa1: {  	_ =	sfence.sel $0x180000  }
0xa2: {  	[bflag:$0x0] =	sbarrier.arrive $0xFFFF  }
0xa3: {  	p0 =	sne.s32 s0, $0x0;
	_ =	strace $0x90000053  }
0xa4: {  	s0 =	sadd.s32 @!p0 $0x100000, s1;
	[bflag:$0x2] =	sbarrier.arrive $0xFFFF  }
0xa5: {  	[sflag:s0] =	ssyncadd.tile.s32 @!p0 $0x1;
	_ =	shalt  }
.Lfunc_end2:
_tile_overlayer_lowered:
.L_overlay_start_2:
0xa6: {  	(tag) =	ssettag $0x2  }
0xa7: {  	s0 =	rddreg [dreg:$0x0];
	s2 =	stileid.u32  }
0xa8: {  	s1 =	rddreg [dreg:$0x1];
	p0 =	sne.s32 s2, $0x0  }
0xa9: {  	s3 =	rddreg [dreg:$0x2];
	[bflag:$0x3] =	sbarrier.arrive $0xFFFF;
	s2 =	simm.s32 @!p0 $0x1C02  }
0xaa: {  	[timem:s3], [sflag:s2] =	dma.local @!p0 [hbm:s0], s1  }
0xab: {  	s0 =	simm.s32 @!p0 $0x2  }
0xac: {  	_ =	swait.ge @!p0 [sflag:s0], s1  }
0xad: {  	s1 =	ssub.s32 @!p0 $0x0, s1;
	[sflag:s0] =	ssyncset.done @!p0 $0x0  }
0xae: {  	[sflag:s0] =	ssyncadd.s32 @!p0 s1  }
0xaf: {  	[bflag:$0x3] =	sbarrier.arrive $0xFFFF  }
0xb0: {  	_ =	shalt  }

// kernel: kernel.35.cloned.1.call-start
scs
__scs_entry_jumppad:
0x0: {  	(pc) =	sbr.rel $0x88, $3  }
0x1: {  	(tag) =	ssettag $0x0;
	lr =	simm.s32 $0x1  }
0x2: {  	[smem:$0x3F8C] =	sst lr;
	_ =	strace $0xD0000000  }
0x3: {  	_ = 	snop  }
0x4: {  	_ = 	snop  }
0x5: {  	_ = 	snop  }
0x6: {  	_ = 	snop  }
0x7: {  	_ = 	snop  }
__scs_overlays_trampoline_lowered:
0x8: {  	[smem:$0x3F9B] =	sst s0  }
0x9: {  	[smem:$0x3F9C] =	sst s1  }
0xa: {  	[smem:$0x3F9D] =	sst s2  }
0xb: {  	[smem:$0x3F9E] =	sst s3  }
0xc: {  	[smem:$0x3F9F] =	sst s4  }
0xd: {  	[smem:$0x3FA0] =	sst s5  }
0xe: {  	[smem:$0x3FA1] =	sst s6  }
0xf: {  	[smem:$0x3FA2] =	sst s7  }
0x10: {  	[smem:$0x3FA3] =	sst s8  }
0x11: {  	[smem:$0x3FA4] =	sst s9;
	s0 =	simm.s32 @!p0 $0x0  }
0x12: {  	s1 =	sld [smem:$0x3F8A];
	s0 =	simm.s32 @p0 $0x1  }
0x13: {  	[smem:$0x3FA5] =	sst s0;
	s0 =	simm.s32 @!p1 $0x0  }
0x14: {  	s2 =	sld [smem:$0x3F89];
	s0 =	simm.s32 @p1 $0x1  }
0x15: {  	[smem:$0x3FA6] =	sst s0;
	s0 =	simm.s32 @!p2 $0x0  }
0x16: {  	s3 =	sld [smem:$0x3FDB];
	s0 =	simm.s32 @p2 $0x1  }
0x17: {  	s4 =	simm.s32 $0x1BF5;
	[smem:$0x3FA8] =	sst s0  }
0x18: {  	s0 =	sld [smem:$0x3F8B];
	_ =	swait.ge [sflag:s4], $0x0  }
0x19: {  	s7 =	sld [smem:$0x3F8C]  }
0x1a: {  	s8 =	sadd.s32 $0xFFFFE003, lr  }
0x1b: {  	s9 =	sadd.s32 $0xFFFFFEF7, lr;
	s5 =	simm.s32 $0xFFFFFFFF;
	p2 =	slt.u32 s8, $0xFFFFF086  }
0x1c: {  	p1 =	slt.u32 s9, $0xF7A;
	s5 =	simm.s32 @!p2 $0x0  }
0x1d: {  	s5 =	simm.s32 @p1 $0x1;
	p0 =	seq.s32 s7, s2  }
0x1e: {  	s7 =	smul.u32 @!p0 $0xF7A, s2;
	p2 =	seq.s32 @!p0 s5, $0x0  }
0x1f: {  	s9 =	smul.u32 $0xF7A, s1;
	s8 =	simm.s32 @!p0 $0x1BF5;
	p2 =	por !p2, p0  }
0x20: {  	[sflag:s8] =	ssyncset.s32 @!p0 $0xFFFFF086;
	s6 =	sadd.s32 @!p0 s3, s7;
	s7 =	simm.s32 @!p0 $0x108  }
0x21: {  	s3 =	sadd.s32 s3, s9;
	s6 =	sadd.s32 @!p0 $0x88, s6;
	s7 =	simm.s32 @p2 $0x1082  }
0x22: {  	[simem:s7], [sflag:s8] =	dma.local @!p0 [hbm:s6], $0xF7A  }
0x23: {  	s9 =	sor.u32 $0xD0000000, s2;
	s6 =	simm.s32 $0x108;
	_ =	swait.ge @!p0 [sflag:s8], $0x0  }
0x24: {  	s3 =	sadd.s32 $0x88, s3;
	s6 =	simm.s32 @!p1 $0x1082;
	[sflag:s4] =	ssyncset.s32 $0xFFFFF086  }
0x25: {  	[simem:s6], [sflag:s4] =	dma.local [hbm:s3], $0xF7A  }
0x26: {  	[smem:$0x3F8C] =	sst s1;
	(tag) =	ssettag s2;
	_ =	strace s9  }
0x27: {  	s1 =	sld [smem:$0x3F9C]  }
0x28: {  	s2 =	sld [smem:$0x3F9D]  }
0x29: {  	s4 =	sld [smem:$0x3F9F]  }
0x2a: {  	p0 =	seq.s32 s5, $0x0;
	s5 =	sld [smem:$0x3FA0]  }
0x2b: {  	s6 =	sld [smem:$0x3FA1]  }
0x2c: {  	s7 =	sld [smem:$0x3FA2]  }
0x2d: {  	s3 =	simm.s32 $0x108;
	s8 =	sld [smem:$0x3FA3]  }
0x2e: {  	s3 =	simm.s32 @!p0 $0x1082;
	s9 =	sld [smem:$0x3FA4]  }
0x2f: {  	lr =	sadd.s32 s0, s3;
	s0 =	sld [smem:$0x3F9B]  }
0x30: {  	s3 =	sld [smem:$0x3F9E]  }
0x31: {  	[smem:$0x3FA7] =	sst s10  }
0x32: {  	s10 =	sld [smem:$0x3FA5];
	_ =	sdelay $0x3  }
0x33: {  	p0 =	seq.s32 s10, $0x1;
	s10 =	sld [smem:$0x3FA7];
	_ =	sdelay $0x3  }
0x34: {  	[smem:$0x3FA7] =	sst s10  }
0x35: {  	s10 =	sld [smem:$0x3FA6];
	_ =	sdelay $0x3  }
0x36: {  	p1 =	seq.s32 s10, $0x1;
	s10 =	sld [smem:$0x3FA7];
	_ =	sdelay $0x3  }
0x37: {  	[smem:$0x3FA7] =	sst s10  }
0x38: {  	s10 =	sld [smem:$0x3FA8]  }
0x39: {  	_ = 	snop;
	(pc) =	sbr.ind lr, $3  }
0x3a: {  	_ = 	snop  }
0x3b: {  	_ = 	snop  }
0x3c: {  	p2 =	seq.s32 s10, $0x1;
	s10 =	sld [smem:$0x3FA7]  }
0x3d: {  	_ =	shalt  }
0x3e: {  	_ =	shalt  }
0x3f: {  	_ =	shalt  }
0x40: {  	_ =	shalt  }
0x41: {  	_ =	shalt  }
0x42: {  	_ =	shalt  }
0x43: {  	_ =	shalt  }
0x44: {  	_ =	shalt  }
0x45: {  	_ =	shalt  }
0x46: {  	_ =	shalt  }
0x47: {  	_ =	shalt  }
0x48: {  	_ =	shalt  }
0x49: {  	_ =	shalt  }
0x4a: {  	_ =	shalt  }
0x4b: {  	_ =	shalt  }
0x4c: {  	_ =	shalt  }
0x4d: {  	_ =	shalt  }
0x4e: {  	_ =	shalt  }
0x4f: {  	_ =	shalt  }
0x50: {  	_ =	shalt  }
0x51: {  	_ =	shalt  }
0x52: {  	_ =	shalt  }
0x53: {  	_ =	shalt  }
0x54: {  	_ =	shalt  }
0x55: {  	_ =	shalt  }
0x56: {  	_ =	shalt  }
0x57: {  	_ =	shalt  }
0x58: {  	_ =	shalt  }
0x59: {  	_ =	shalt  }
0x5a: {  	_ =	shalt  }
0x5b: {  	_ =	shalt  }
0x5c: {  	_ =	shalt  }
0x5d: {  	_ =	shalt  }
0x5e: {  	_ =	shalt  }
0x5f: {  	_ =	shalt  }
0x60: {  	_ =	shalt  }
0x61: {  	_ =	shalt  }
0x62: {  	_ =	shalt  }
0x63: {  	_ =	shalt  }
0x64: {  	_ =	shalt  }
0x65: {  	_ =	shalt  }
0x66: {  	_ =	shalt  }
0x67: {  	_ =	shalt  }
0x68: {  	_ =	shalt  }
0x69: {  	_ =	shalt  }
0x6a: {  	_ =	shalt  }
0x6b: {  	_ =	shalt  }
0x6c: {  	_ =	shalt  }
0x6d: {  	_ =	shalt  }
0x6e: {  	_ =	shalt  }
0x6f: {  	_ =	shalt  }
0x70: {  	_ =	shalt  }
0x71: {  	_ =	shalt  }
0x72: {  	_ =	shalt  }
0x73: {  	_ =	shalt  }
0x74: {  	_ =	shalt  }
0x75: {  	_ =	shalt  }
0x76: {  	_ =	shalt  }
0x77: {  	_ =	shalt  }
0x78: {  	_ =	shalt  }
0x79: {  	_ =	shalt  }
0x7a: {  	_ =	shalt  }
0x7b: {  	_ =	shalt  }
0x7c: {  	_ =	shalt  }
0x7d: {  	_ =	shalt  }
0x7e: {  	_ =	shalt  }
0x7f: {  	_ =	shalt  }
0x80: {  	_ =	shalt  }
0x81: {  	_ =	shalt  }
0x82: {  	_ =	shalt  }
0x83: {  	_ =	shalt  }
0x84: {  	_ =	shalt  }
0x85: {  	_ =	shalt  }
0x86: {  	_ =	shalt  }
0x87: {  	_ =	shalt  }
.Lfunc_end0:
.L_simem_size_0:
called_computation.5_lowered:
.L_overlay_start_0:
0x88: {  	s2 =	sld [smem:$0x3FD9]  }
0x89: {  	s3 =	sld [smem:$0x3FFE];
	_ =	sdelay $0x1  }
0x8a: {  	s1 =	srdreg.scid  }
0x8b: {  	s0 =	sand.u32 $0x1, s1  }
0x8c: {  	s16 =	sshll.u32 s0, $0xA;
	s2 =	sadd.s32 s3, s2  }
0x8d: {  	s2 =	sadd.s32 s2, s16  }
0x8e: {  	[smem:$0x3FB3] =	sst s2  }
0x8f: {  	_ = 	snop  }
0x90: {  	(tm) =	ssettm $0x1  }
0x91: {  	s17 =	sld [smem:$0x3FFB];
	_ =	sdelay $0x3  }
0x92: {  	_ =	strace s17  }
0x93: {  	s2 =	sld [smem:$0x3FFC];
	_ =	sdelay $0x3  }
0x94: {  	_ =	strace s2  }
0x95: {  	s2 =	sld [smem:$0x3FFD];
	_ =	sdelay $0x3  }
0x96: {  	_ =	strace s2  }
0x97: {  	_ =	strace $0x8FFFFFFF  }
0x98: {  	s18 =	sld [smem:$0x3FDB];
	_ =	sdelay $0x1  }
0x99: {  	s19 =	simm.s32 $_scs_section_size  }
0x9a: {  	s4 =	simm.s32 $_size__tile_overlayer_lowered;
	s5 =	simm.s32 $_tile_overlayer_lowered  }
0x9b: {  	s22 =	simm.s32 $0x1BFF;
	s21 =	sshll.u32 s5, $0x1;
	s2 =	sadd.s32 s19, s18  }
0x9c: {  	s6 =	simm.s32 $0x0;
	s20 =	sshll.u32 s4, $0x1;
	s4 =	sadd.s32 s21, s2  }
0x9d: {  	[timem:s6], [sflag:s22] =	dma.local [hbm:s4], s20  }
0x9e: {  	_ =	swait.ge [sflag:s22], s20  }
0x9f: {  	s3 =	ssub.s32 $0x0, s20;
	[sflag:s22] =	ssyncset.done $0x0  }
0xa0: {  	[sflag:s22] =	ssyncadd.s32 s3;
	_ =	sdelay $0x1  }
0xa1: {  	s23 =	simm.s32 $0x1B8B  }
0xa2: {  	_ =	swait.ge [sflag:s23], $0x1  }
0xa3: {  	[sflag:s23] =	ssyncset.done $0x0  }
0xa4: {  	s25 =	simm.s32 $0x1B8E;
	s24 =	sld [smem:$0x3FFE];
	[sflag:s23] =	ssyncadd.s32 $0xFFFFFFFF  }
0xa5: {  	s26 =	simm.s32 $execute0_lowered;
	[smem:$0x3FD2] =	sst s25  }
0xa6: {  	s4 =	sshll.u32 s26, $0x1;
	_ =	strace $0x80000055;
	[dreg:$0x1] =	wrdreg $0xFFFFFFFF  }
0xa7: {  	s28 =	simm.s32 $_size_execute0_lowered;
	s2 =	sadd.s32 s2, s4;
	[dreg:$0x0] =	wrdreg $0x0  }
0xa8: {  	s4 =	sshll.u32 s28, $0x1;
	[dreg:$0x2] =	wrdreg s2  }
0xa9: {  	[dreg:$0x3] =	wrdreg s4  }
0xaa: {  	[dreg:$0x4] =	wrdreg $0xC0  }
0xab: {  	_ =	task [dreg:s6], $0x5FFFF  }
0xac: {  	[dreg:$0x1] =	wrdreg $0xFFFFFFFF  }
0xad: {  	[dreg:$0x0] =	wrdreg $0x60  }
0xae: {  	[dreg:$0x2] =	wrdreg s24  }
0xaf: {  	[dreg:$0x3] =	wrdreg $0x0  }
0xb0: {  	[dreg:$0x4] =	wrdreg $0x9  }
0xb1: {  	_ =	task.clear_ibuf [dreg:s6], $0x5FFFF;
	_ =	strace $0x90000055  }
0xb2: {  	s29 =	simm.s32 $0x9;
	_ =	strace $0x80000057  }
0xb3: {  	_ =	swait.ge [sflag:s29], $0x1  }
0xb4: {  	[sflag:s29] =	ssyncadd.s32 $0xFFFFFFFF  }
0xb5: {  	_ =	strace $0x90000057  }
0xb6: {  	_ =	sfence  }
0xb7: {  	s30 =	sld [smem:$0x0];
	_ =	sdelay $0x2  }
0xb8: {  	s31 =	sshll.u32 s1, $0xD;
	s1 =	sshrl.u32 s1, $0x2  }
0xb9: {  	s3 =	sand.u32 $0x4000, s31;
	s1 =	sadd.s32 s1, s30  }
0xba: {  	s0 =	sor.u32 s3, s0;
	s1 =	sshll.u32 s1, $0x11  }
0xbb: {  	s0 =	sor.u32 s1, s0  }
0xbc: {  	s0 =	sadd.s32 $0x8F2B, s0  }
0xbd: {  	[sflag:s0] =	ssyncadd.remote.s32 $0x1  }
0xbe: {  	_ =	sfence.sel $0xFFFF  }
0xbf: {  	[dreg:$0x0] =	wrdreg $0xFFFFFFFF;
	(pc) =	sbr.abs _section_cstart, $3  }
0xc0: {  	[dreg:$0x1] =	wrdreg $0xFFFFFFFF  }
0xc1: {  	_ =	task.clear_ibuf [dreg:s6], $0x2FFFF;
	_ =	strace $0x9FFFFFFF  }
0xc2: {  	(tm) =	ssettm $0x7FFFFFFF  }
0xc3: {  	_ =	shalt  }
tec
execute0_lowered:
.L_overlay_start_1:
0x0: {  	(tag) =	ssettag $0x1  }
0x1: {  	s20 =	rddreg [dreg:$0x0]  }
0x2: {  	s2 =	rddreg [dreg:$0x1]  }
0x3: {  	s0 =	rddreg [dreg:$0x2]  }
0x4: {  	s1 =	stileid.u32;
	s4 =	srdreg.scid;
	s3 =	simm.s32 $0x0  }
0x5: {  	s21 =	smul.u32 $0x4E40, s1;
	s22 =	sand.u32 $0x1, s4;
	s26 =	sshll.u32 s1, $0x1  }
0x6: {  	[smem:$0x7FF] =	sst s3;
	s5 =	sshll.u32 s1, $0x6;
	s8 =	sor.u32 s22, s26  }
0x7: {  	_ =	strace $0x80000056;
	s5 =	sor.u32 $0x1C02, s5;
	s28 =	sshrl.u32 s21, $0x3  }
0x8: {  	s9 =	smul.u32 $0x280, s8;
	s6 =	sadd.s32 s21, s2;
	s4 =	sadd.s32 s28, s20  }
0x9: {  	s7 =	sshrl.u32 s6, $0x3;
	s6 =	simm.s32 $0x2;
	s4 =	sadd.s32 $0xDB000, s4  }
0xa: {  	[spmem:s7], [sflag:s5] =	dma.local [hbm:s4], $0x9C8  }
0xb: {  	_ =	swait.ge [sflag:s6], $0x9C8  }
0xc: {  	s10 =	smul.u32 $0x5000, s8;
	s29 =	sadd.s32 s9, s20;
	[sflag:s6] =	ssyncset.done $0x0  }
0xd: {  	s9 =	simm.s32 $0x4E40;
	s8 =	sadd.s32 $0x9E00, s29;
	[sflag:s6] =	ssyncadd.s32 $0xFFFFF638  }
0xe: {  	[tilespmem:s9], [sflag:$0x2] =	stream.linear.gather [hbm4b:s8+s3], $0x1400, $0x38;
	[tilespmem:$0x10240] =	vst v63  }
0xf: {  	_ =	swait.ge [sflag:s6], $0x1400  }
0x10: {  	[sflag:s6] =	ssyncset.done $0x0  }
0x11: {  	s11 =	simm.s32 $0x6240;
	s18 =	sadd.s32 s10, s20;
	[sflag:s6] =	ssyncadd.s32 $0xFFFFEC00  }
0x12: {  	s12 =	simm.s32 $0x1;
	s10 =	sadd.s32 $0x13E00, s18;
	[bflag:$0x0] =	sbarrier.arrive $0xFFFF  }
0x13: {  	[tilespmem:s11], [sflag:$0x1] =	stream.linear.gather [hbm4b:s10+s3], $0xA000, $0x38;
	[tilespmem:$0x10240] =	vst v63  }
0x14: {  	_ =	swait.ge [sflag:s12], $0xA000  }
0x15: {  	[sflag:s12] =	ssyncset.done $0x0  }
0x16: {  	s13 =	simm.s32 $0x500;
	[sflag:s12] =	ssyncadd.s32 $0xFFFF6000  }
0x17: {  	[spmem:s2] =	stream.indirect.scatter.add.f32 [tilespmem:s11], [sflag:$0x2], $0x20, s9, s13, $0xb8;
	[tilespmem:$0x10240] =	vst v63  }
0x18: {  	_ =	swait.ge [sflag:s6], $0xA000  }
0x19: {  	[sflag:s6] =	ssyncset.done $0x0  }
0x1a: {  	s14 =	sadd.s32 $0x15200, s18;
	[sflag:s6] =	ssyncadd.s32 $0xFFFF6000  }
0x1b: {  	[tilespmem:s11], [sflag:$0x1] =	stream.linear.gather [hbm4b:s14+s3], $0xA000, $0x38;
	[tilespmem:$0x10240] =	vst v63  }
0x1c: {  	_ =	swait.ge [sflag:s12], $0xA000  }
0x1d: {  	[sflag:s12] =	ssyncset.done $0x0  }
0x1e: {  	s15 =	simm.s32 $0x5340;
	[sflag:s12] =	ssyncadd.s32 $0xFFFF6000  }
0x1f: {  	[spmem:s2] =	stream.indirect.scatter.add.f32 [tilespmem:s11], [sflag:$0x2], $0x20, s15, s13, $0xb8;
	[tilespmem:$0x10240] =	vst v63  }
0x20: {  	_ =	swait.ge [sflag:s6], $0xA000  }
0x21: {  	[sflag:s6] =	ssyncset.done $0x0  }
0x22: {  	s16 =	sadd.s32 $0x16600, s18;
	[sflag:s6] =	ssyncadd.s32 $0xFFFF6000  }
0x23: {  	[tilespmem:s11], [sflag:$0x1] =	stream.linear.gather [hbm4b:s16+s3], $0xA000, $0x38;
	[tilespmem:$0x10240] =	vst v63  }
0x24: {  	_ =	swait.ge [sflag:s12], $0xA000  }
0x25: {  	[sflag:s12] =	ssyncset.done $0x0  }
0x26: {  	s17 =	simm.s32 $0x5840;
	[sflag:s12] =	ssyncadd.s32 $0xFFFF6000  }
0x27: {  	[spmem:s2] =	stream.indirect.scatter.add.f32 [tilespmem:s11], [sflag:$0x2], $0x20, s17, s13, $0xb8;
	[tilespmem:$0x10240] =	vst v63  }
0x28: {  	_ =	swait.ge [sflag:s6], $0xA000  }
0x29: {  	[sflag:s6] =	ssyncset.done $0x0  }
0x2a: {  	s23 =	smul.u32 $0x4E400, s22;
	s18 =	sadd.s32 $0x17A00, s18;
	[sflag:s6] =	ssyncadd.s32 $0xFFFF6000  }
0x2b: {  	[tilespmem:s11], [sflag:$0x1] =	stream.linear.gather [hbm4b:s18+s3], $0xA000, $0x38;
	[tilespmem:$0x10240] =	vst v63  }
0x2c: {  	s19 =	simm.s32 $0x5D40;
	s22 =	ssub.s32 $0x2, s22;
	_ =	swait.ge [sflag:s12], $0xA000  }
0x2d: {  	s30 =	sshrl.u32 s22, $0x1;
	s21 =	sadd.s32 s21, s23;
	[sflag:s12] =	ssyncset.done $0x0  }
0x2e: {  	s31 =	ssub.s32 s22, s30;
	s21 =	sshrl.u32 s21, $0x3;
	[sflag:s12] =	ssyncadd.s32 $0xFFFF6000  }
0x2f: {  	[spmem:s2] =	stream.indirect.scatter.add.f32 [tilespmem:s11], [sflag:$0x2], $0x20, s19, s13, $0xb8;
	[tilespmem:$0x10240] =	vst v63  }
0x30: {  	s20 =	sadd.s32 s21, s20;
	s21 =	smax.u32 s31, $0x1;
	_ =	swait.ge [sflag:s6], $0xA000  }
0x31: {  	p0 =	sne.s32 s21, $0x1;
	[sflag:s6] =	ssyncset.done $0x0  }
.Ltmp0:
0x32: {  	[sflag:s6] =	ssyncadd.s32 $0xFFFF6000;
	(pc) =	sbr.rel @!p0 .LBB2_2-.Ltmp0, $4  }
0x33: {  	s20 =	sadd.s32 $0xE4E00, s20;
	[bflag:$0x0] =	sbarrier.arrive $0xFFFF  }
0x34: {  	[hbm:s20], [sflag:s5] =	dma.local [spmem:s7], $0x9C8  }
0x35: {  	_ =	swait.ge [sflag:s6], $0x9C8  }
0x36: {  	s21 =	sadd.s32 $0xFFFFFFFF, s21;
	[sflag:s6] =	ssyncset.done $0x0  }
.LBB2_1:
0x37: {  	p0 =	sne.s32 s21, $0x1;
	s21 =	sadd.s32 $0xFFFFFFFF, s21;
	[sflag:s6] =	ssyncadd.s32 $0xFFFFF638  }
0x38: {  	[spmem:s7], [sflag:s5] =	dma.local [hbm:s4], $0x9C8  }
0x39: {  	_ =	swait.ge [sflag:s6], $0x9C8  }
0x3a: {  	[sflag:s6] =	ssyncset.done $0x0  }
0x3b: {  	[sflag:s6] =	ssyncadd.s32 $0xFFFFF638  }
0x3c: {  	[tilespmem:s9], [sflag:$0x2] =	stream.linear.gather [hbm4b:s8+s3], $0x1400, $0x38;
	[tilespmem:$0x10240] =	vst v63  }
0x3d: {  	_ =	swait.ge [sflag:s6], $0x1400  }
0x3e: {  	[sflag:s6] =	ssyncset.done $0x0  }
0x3f: {  	[sflag:s6] =	ssyncadd.s32 $0xFFFFEC00  }
0x40: {  	[bflag:$0x0] =	sbarrier.arrive $0xFFFF  }
0x41: {  	[tilespmem:s11], [sflag:$0x1] =	stream.linear.gather [hbm4b:s10+s3], $0xA000, $0x38;
	[tilespmem:$0x10240] =	vst v63  }
0x42: {  	_ =	swait.ge [sflag:s12], $0xA000  }
0x43: {  	[sflag:s12] =	ssyncset.done $0x0  }
0x44: {  	[sflag:s12] =	ssyncadd.s32 $0xFFFF6000  }
0x45: {  	[spmem:s2] =	stream.indirect.scatter.add.f32 [tilespmem:s11], [sflag:$0x2], $0x20, s9, s13, $0xb8;
	[tilespmem:$0x10240] =	vst v63  }
0x46: {  	_ =	swait.ge [sflag:s6], $0xA000  }
0x47: {  	[sflag:s6] =	ssyncset.done $0x0  }
0x48: {  	[sflag:s6] =	ssyncadd.s32 $0xFFFF6000  }
0x49: {  	[tilespmem:s11], [sflag:$0x1] =	stream.linear.gather [hbm4b:s14+s3], $0xA000, $0x38;
	[tilespmem:$0x10240] =	vst v63  }
0x4a: {  	_ =	swait.ge [sflag:s12], $0xA000  }
0x4b: {  	[sflag:s12] =	ssyncset.done $0x0  }
0x4c: {  	[sflag:s12] =	ssyncadd.s32 $0xFFFF6000  }
0x4d: {  	[spmem:s2] =	stream.indirect.scatter.add.f32 [tilespmem:s11], [sflag:$0x2], $0x20, s15, s13, $0xb8;
	[tilespmem:$0x10240] =	vst v63  }
0x4e: {  	_ =	swait.ge [sflag:s6], $0xA000  }
0x4f: {  	[sflag:s6] =	ssyncset.done $0x0  }
0x50: {  	[sflag:s6] =	ssyncadd.s32 $0xFFFF6000  }
0x51: {  	[tilespmem:s11], [sflag:$0x1] =	stream.linear.gather [hbm4b:s16+s3], $0xA000, $0x38;
	[tilespmem:$0x10240] =	vst v63  }
0x52: {  	_ =	swait.ge [sflag:s12], $0xA000  }
0x53: {  	[sflag:s12] =	ssyncset.done $0x0  }
0x54: {  	[sflag:s12] =	ssyncadd.s32 $0xFFFF6000  }
0x55: {  	[spmem:s2] =	stream.indirect.scatter.add.f32 [tilespmem:s11], [sflag:$0x2], $0x20, s17, s13, $0xb8;
	[tilespmem:$0x10240] =	vst v63  }
0x56: {  	_ =	swait.ge [sflag:s6], $0xA000  }
0x57: {  	[sflag:s6] =	ssyncset.done $0x0  }
0x58: {  	[sflag:s6] =	ssyncadd.s32 $0xFFFF6000  }
0x59: {  	[tilespmem:s11], [sflag:$0x1] =	stream.linear.gather [hbm4b:s18+s3], $0xA000, $0x38;
	[tilespmem:$0x10240] =	vst v63  }
0x5a: {  	_ =	swait.ge [sflag:s12], $0xA000  }
0x5b: {  	[sflag:s12] =	ssyncset.done $0x0  }
0x5c: {  	[sflag:s12] =	ssyncadd.s32 $0xFFFF6000  }
0x5d: {  	[spmem:s2] =	stream.indirect.scatter.add.f32 [tilespmem:s11], [sflag:$0x2], $0x20, s19, s13, $0xb8;
	[tilespmem:$0x10240] =	vst v63  }
0x5e: {  	_ =	swait.ge [sflag:s6], $0xA000  }
0x5f: {  	[sflag:s6] =	ssyncset.done $0x0  }
.Ltmp1:
0x60: {  	[sflag:s6] =	ssyncadd.s32 $0xFFFF6000;
	(pc) =	sbr.rel @p0 .LBB2_1-.Ltmp1, $4  }
0x61: {  	[bflag:$0x0] =	sbarrier.arrive $0xFFFF  }
0x62: {  	[hbm:s20], [sflag:s5] =	dma.local [spmem:s7], $0x9C8  }
0x63: {  	_ =	swait.ge [sflag:s6], $0x9C8  }
0x64: {  	[sflag:s6] =	ssyncset.done $0x0  }
.LBB2_2:
0x65: {  	[sflag:s6] =	ssyncadd.s32 $0xFFFFF638  }
0x66: {  	_ =	sfence.sel $0x180000  }
0x67: {  	[bflag:$0x0] =	sbarrier.arrive $0xFFFF  }
0x68: {  	p0 =	sne.s32 s1, $0x0;
	_ =	strace $0x90000056  }
0x69: {  	s0 =	sadd.s32 @!p0 $0x100000, s0;
	[bflag:$0x2] =	sbarrier.arrive $0xFFFF  }
0x6a: {  	[sflag:s0] =	ssyncadd.tile.s32 @!p0 $0x1;
	_ =	shalt  }
.Lfunc_end2:
_tile_overlayer_lowered:
.L_overlay_start_2:
0x6b: {  	(tag) =	ssettag $0x2  }
0x6c: {  	s0 =	rddreg [dreg:$0x0];
	s2 =	stileid.u32  }
0x6d: {  	s1 =	rddreg [dreg:$0x1];
	p0 =	sne.s32 s2, $0x0  }
0x6e: {  	s3 =	rddreg [dreg:$0x2];
	[bflag:$0x3] =	sbarrier.arrive $0xFFFF;
	s2 =	simm.s32 @!p0 $0x1C02  }
0x6f: {  	[timem:s3], [sflag:s2] =	dma.local @!p0 [hbm:s0], s1  }
0x70: {  	s0 =	simm.s32 @!p0 $0x2  }
0x71: {  	_ =	swait.ge @!p0 [sflag:s0], s1  }
0x72: {  	s1 =	ssub.s32 @!p0 $0x0, s1;
	[sflag:s0] =	ssyncset.done @!p0 $0x0  }
0x73: {  	[sflag:s0] =	ssyncadd.s32 @!p0 s1  }
0x74: {  	[bflag:$0x3] =	sbarrier.arrive $0xFFFF  }
0x75: {  	_ =	shalt  }

// kernel: kernel.38.cloned.1.call-start
scs
__scs_entry_jumppad:
0x0: {  	(pc) =	sbr.rel $0x88, $3  }
0x1: {  	(tag) =	ssettag $0x0;
	lr =	simm.s32 $0x1  }
0x2: {  	[smem:$0x3F8C] =	sst lr;
	_ =	strace $0xD0000000  }
0x3: {  	_ = 	snop  }
0x4: {  	_ = 	snop  }
0x5: {  	_ = 	snop  }
0x6: {  	_ = 	snop  }
0x7: {  	_ = 	snop  }
__scs_overlays_trampoline_lowered:
0x8: {  	[smem:$0x3F9B] =	sst s0  }
0x9: {  	[smem:$0x3F9C] =	sst s1  }
0xa: {  	[smem:$0x3F9D] =	sst s2  }
0xb: {  	[smem:$0x3F9E] =	sst s3  }
0xc: {  	[smem:$0x3F9F] =	sst s4  }
0xd: {  	[smem:$0x3FA0] =	sst s5  }
0xe: {  	[smem:$0x3FA1] =	sst s6  }
0xf: {  	[smem:$0x3FA2] =	sst s7  }
0x10: {  	[smem:$0x3FA3] =	sst s8  }
0x11: {  	[smem:$0x3FA4] =	sst s9;
	s0 =	simm.s32 @!p0 $0x0  }
0x12: {  	s1 =	sld [smem:$0x3F8A];
	s0 =	simm.s32 @p0 $0x1  }
0x13: {  	[smem:$0x3FA5] =	sst s0;
	s0 =	simm.s32 @!p1 $0x0  }
0x14: {  	s2 =	sld [smem:$0x3F89];
	s0 =	simm.s32 @p1 $0x1  }
0x15: {  	[smem:$0x3FA6] =	sst s0;
	s0 =	simm.s32 @!p2 $0x0  }
0x16: {  	s3 =	sld [smem:$0x3FDB];
	s0 =	simm.s32 @p2 $0x1  }
0x17: {  	s4 =	simm.s32 $0x1BF5;
	[smem:$0x3FA8] =	sst s0  }
0x18: {  	s0 =	sld [smem:$0x3F8B];
	_ =	swait.ge [sflag:s4], $0x0  }
0x19: {  	s7 =	sld [smem:$0x3F8C]  }
0x1a: {  	s8 =	sadd.s32 $0xFFFFE003, lr  }
0x1b: {  	s9 =	sadd.s32 $0xFFFFFEF7, lr;
	s5 =	simm.s32 $0xFFFFFFFF;
	p2 =	slt.u32 s8, $0xFFFFF086  }
0x1c: {  	p1 =	slt.u32 s9, $0xF7A;
	s5 =	simm.s32 @!p2 $0x0  }
0x1d: {  	s5 =	simm.s32 @p1 $0x1;
	p0 =	seq.s32 s7, s2  }
0x1e: {  	s7 =	smul.u32 @!p0 $0xF7A, s2;
	p2 =	seq.s32 @!p0 s5, $0x0  }
0x1f: {  	s9 =	smul.u32 $0xF7A, s1;
	s8 =	simm.s32 @!p0 $0x1BF5;
	p2 =	por !p2, p0  }
0x20: {  	[sflag:s8] =	ssyncset.s32 @!p0 $0xFFFFF086;
	s6 =	sadd.s32 @!p0 s3, s7;
	s7 =	simm.s32 @!p0 $0x108  }
0x21: {  	s3 =	sadd.s32 s3, s9;
	s6 =	sadd.s32 @!p0 $0x88, s6;
	s7 =	simm.s32 @p2 $0x1082  }
0x22: {  	[simem:s7], [sflag:s8] =	dma.local @!p0 [hbm:s6], $0xF7A  }
0x23: {  	s9 =	sor.u32 $0xD0000000, s2;
	s6 =	simm.s32 $0x108;
	_ =	swait.ge @!p0 [sflag:s8], $0x0  }
0x24: {  	s3 =	sadd.s32 $0x88, s3;
	s6 =	simm.s32 @!p1 $0x1082;
	[sflag:s4] =	ssyncset.s32 $0xFFFFF086  }
0x25: {  	[simem:s6], [sflag:s4] =	dma.local [hbm:s3], $0xF7A  }
0x26: {  	[smem:$0x3F8C] =	sst s1;
	(tag) =	ssettag s2;
	_ =	strace s9  }
0x27: {  	s1 =	sld [smem:$0x3F9C]  }
0x28: {  	s2 =	sld [smem:$0x3F9D]  }
0x29: {  	s4 =	sld [smem:$0x3F9F]  }
0x2a: {  	p0 =	seq.s32 s5, $0x0;
	s5 =	sld [smem:$0x3FA0]  }
0x2b: {  	s6 =	sld [smem:$0x3FA1]  }
0x2c: {  	s7 =	sld [smem:$0x3FA2]  }
0x2d: {  	s3 =	simm.s32 $0x108;
	s8 =	sld [smem:$0x3FA3]  }
0x2e: {  	s3 =	simm.s32 @!p0 $0x1082;
	s9 =	sld [smem:$0x3FA4]  }
0x2f: {  	lr =	sadd.s32 s0, s3;
	s0 =	sld [smem:$0x3F9B]  }
0x30: {  	s3 =	sld [smem:$0x3F9E]  }
0x31: {  	[smem:$0x3FA7] =	sst s10  }
0x32: {  	s10 =	sld [smem:$0x3FA5];
	_ =	sdelay $0x3  }
0x33: {  	p0 =	seq.s32 s10, $0x1;
	s10 =	sld [smem:$0x3FA7];
	_ =	sdelay $0x3  }
0x34: {  	[smem:$0x3FA7] =	sst s10  }
0x35: {  	s10 =	sld [smem:$0x3FA6];
	_ =	sdelay $0x3  }
0x36: {  	p1 =	seq.s32 s10, $0x1;
	s10 =	sld [smem:$0x3FA7];
	_ =	sdelay $0x3  }
0x37: {  	[smem:$0x3FA7] =	sst s10  }
0x38: {  	s10 =	sld [smem:$0x3FA8]  }
0x39: {  	_ = 	snop;
	(pc) =	sbr.ind lr, $3  }
0x3a: {  	_ = 	snop  }
0x3b: {  	_ = 	snop  }
0x3c: {  	p2 =	seq.s32 s10, $0x1;
	s10 =	sld [smem:$0x3FA7]  }
0x3d: {  	_ =	shalt  }
0x3e: {  	_ =	shalt  }
0x3f: {  	_ =	shalt  }
0x40: {  	_ =	shalt  }
0x41: {  	_ =	shalt  }
0x42: {  	_ =	shalt  }
0x43: {  	_ =	shalt  }
0x44: {  	_ =	shalt  }
0x45: {  	_ =	shalt  }
0x46: {  	_ =	shalt  }
0x47: {  	_ =	shalt  }
0x48: {  	_ =	shalt  }
0x49: {  	_ =	shalt  }
0x4a: {  	_ =	shalt  }
0x4b: {  	_ =	shalt  }
0x4c: {  	_ =	shalt  }
0x4d: {  	_ =	shalt  }
0x4e: {  	_ =	shalt  }
0x4f: {  	_ =	shalt  }
0x50: {  	_ =	shalt  }
0x51: {  	_ =	shalt  }
0x52: {  	_ =	shalt  }
0x53: {  	_ =	shalt  }
0x54: {  	_ =	shalt  }
0x55: {  	_ =	shalt  }
0x56: {  	_ =	shalt  }
0x57: {  	_ =	shalt  }
0x58: {  	_ =	shalt  }
0x59: {  	_ =	shalt  }
0x5a: {  	_ =	shalt  }
0x5b: {  	_ =	shalt  }
0x5c: {  	_ =	shalt  }
0x5d: {  	_ =	shalt  }
0x5e: {  	_ =	shalt  }
0x5f: {  	_ =	shalt  }
0x60: {  	_ =	shalt  }
0x61: {  	_ =	shalt  }
0x62: {  	_ =	shalt  }
0x63: {  	_ =	shalt  }
0x64: {  	_ =	shalt  }
0x65: {  	_ =	shalt  }
0x66: {  	_ =	shalt  }
0x67: {  	_ =	shalt  }
0x68: {  	_ =	shalt  }
0x69: {  	_ =	shalt  }
0x6a: {  	_ =	shalt  }
0x6b: {  	_ =	shalt  }
0x6c: {  	_ =	shalt  }
0x6d: {  	_ =	shalt  }
0x6e: {  	_ =	shalt  }
0x6f: {  	_ =	shalt  }
0x70: {  	_ =	shalt  }
0x71: {  	_ =	shalt  }
0x72: {  	_ =	shalt  }
0x73: {  	_ =	shalt  }
0x74: {  	_ =	shalt  }
0x75: {  	_ =	shalt  }
0x76: {  	_ =	shalt  }
0x77: {  	_ =	shalt  }
0x78: {  	_ =	shalt  }
0x79: {  	_ =	shalt  }
0x7a: {  	_ =	shalt  }
0x7b: {  	_ =	shalt  }
0x7c: {  	_ =	shalt  }
0x7d: {  	_ =	shalt  }
0x7e: {  	_ =	shalt  }
0x7f: {  	_ =	shalt  }
0x80: {  	_ =	shalt  }
0x81: {  	_ =	shalt  }
0x82: {  	_ =	shalt  }
0x83: {  	_ =	shalt  }
0x84: {  	_ =	shalt  }
0x85: {  	_ =	shalt  }
0x86: {  	_ =	shalt  }
0x87: {  	_ =	shalt  }
.Lfunc_end0:
.L_simem_size_0:
called_computation.6_lowered:
.L_overlay_start_0:
0x88: {  	s2 =	sld [smem:$0x3FD9]  }
0x89: {  	s3 =	sld [smem:$0x3FFE];
	_ =	sdelay $0x1  }
0x8a: {  	s1 =	srdreg.scid  }
0x8b: {  	s0 =	sand.u32 $0x1, s1  }
0x8c: {  	s16 =	sshll.u32 s0, $0xA;
	s2 =	sadd.s32 s3, s2  }
0x8d: {  	s2 =	sadd.s32 s2, s16  }
0x8e: {  	[smem:$0x3FB3] =	sst s2  }
0x8f: {  	_ = 	snop  }
0x90: {  	(tm) =	ssettm $0x1  }
0x91: {  	s17 =	sld [smem:$0x3FFB];
	_ =	sdelay $0x3  }
0x92: {  	_ =	strace s17  }
0x93: {  	s2 =	sld [smem:$0x3FFC];
	_ =	sdelay $0x3  }
0x94: {  	_ =	strace s2  }
0x95: {  	s2 =	sld [smem:$0x3FFD];
	_ =	sdelay $0x3  }
0x96: {  	_ =	strace s2  }
0x97: {  	_ =	strace $0x8FFFFFFF  }
0x98: {  	s18 =	sld [smem:$0x3FDB];
	_ =	sdelay $0x1  }
0x99: {  	s19 =	simm.s32 $_scs_section_size  }
0x9a: {  	s4 =	simm.s32 $_size__tile_overlayer_lowered;
	s5 =	simm.s32 $_tile_overlayer_lowered  }
0x9b: {  	s22 =	simm.s32 $0x1BFF;
	s21 =	sshll.u32 s5, $0x1;
	s2 =	sadd.s32 s19, s18  }
0x9c: {  	s6 =	simm.s32 $0x0;
	s20 =	sshll.u32 s4, $0x1;
	s4 =	sadd.s32 s21, s2  }
0x9d: {  	[timem:s6], [sflag:s22] =	dma.local [hbm:s4], s20  }
0x9e: {  	_ =	swait.ge [sflag:s22], s20  }
0x9f: {  	s3 =	ssub.s32 $0x0, s20;
	[sflag:s22] =	ssyncset.done $0x0  }
0xa0: {  	[sflag:s22] =	ssyncadd.s32 s3;
	_ =	sdelay $0x1  }
0xa1: {  	s23 =	simm.s32 $0x1B8B  }
0xa2: {  	_ =	swait.ge [sflag:s23], $0x1  }
0xa3: {  	[sflag:s23] =	ssyncset.done $0x0  }
0xa4: {  	s25 =	simm.s32 $0x1B8E;
	s24 =	sld [smem:$0x3FFE];
	[sflag:s23] =	ssyncadd.s32 $0xFFFFFFFF  }
0xa5: {  	s26 =	simm.s32 $execute0_lowered;
	[smem:$0x3FD2] =	sst s25  }
0xa6: {  	s4 =	sshll.u32 s26, $0x1;
	_ =	strace $0x80000058;
	[dreg:$0x1] =	wrdreg $0xFFFFFFFF  }
0xa7: {  	s28 =	simm.s32 $_size_execute0_lowered;
	s2 =	sadd.s32 s2, s4;
	[dreg:$0x0] =	wrdreg $0x0  }
0xa8: {  	s4 =	sshll.u32 s28, $0x1;
	[dreg:$0x2] =	wrdreg s2  }
0xa9: {  	[dreg:$0x3] =	wrdreg s4  }
0xaa: {  	[dreg:$0x4] =	wrdreg $0xC0  }
0xab: {  	_ =	task [dreg:s6], $0x5FFFF  }
0xac: {  	[dreg:$0x1] =	wrdreg $0xFFFFFFFF  }
0xad: {  	[dreg:$0x0] =	wrdreg $0x60  }
0xae: {  	[dreg:$0x2] =	wrdreg s24  }
0xaf: {  	[dreg:$0x3] =	wrdreg $0x9  }
0xb0: {  	_ =	task.clear_ibuf [dreg:s6], $0x4FFFF;
	_ =	strace $0x90000058  }
0xb1: {  	s29 =	simm.s32 $0x9;
	_ =	strace $0x8000005A  }
0xb2: {  	_ =	swait.ge [sflag:s29], $0x1  }
0xb3: {  	[sflag:s29] =	ssyncadd.s32 $0xFFFFFFFF  }
0xb4: {  	_ =	strace $0x9000005A  }
0xb5: {  	_ =	sfence  }
0xb6: {  	s30 =	sld [smem:$0x0];
	_ =	sdelay $0x2  }
0xb7: {  	s31 =	sshll.u32 s1, $0xD;
	s1 =	sshrl.u32 s1, $0x2  }
0xb8: {  	s3 =	sand.u32 $0x4000, s31;
	s1 =	sadd.s32 s1, s30  }
0xb9: {  	s0 =	sor.u32 s3, s0;
	s1 =	sshll.u32 s1, $0x11  }
0xba: {  	s0 =	sor.u32 s1, s0  }
0xbb: {  	s0 =	sadd.s32 $0x8F2B, s0  }
0xbc: {  	[sflag:s0] =	ssyncadd.remote.s32 $0x1  }
0xbd: {  	_ =	sfence.sel $0xFFFF  }
0xbe: {  	[dreg:$0x0] =	wrdreg $0xFFFFFFFF;
	(pc) =	sbr.abs _section_cstart, $3  }
0xbf: {  	[dreg:$0x1] =	wrdreg $0xFFFFFFFF  }
0xc0: {  	_ =	task.clear_ibuf [dreg:s6], $0x2FFFF;
	_ =	strace $0x9FFFFFFF  }
0xc1: {  	(tm) =	ssettm $0x7FFFFFFF  }
tec
execute0_lowered:
.L_overlay_start_1:
0x0: {  	(tag) =	ssettag $0x1  }
0x1: {  	s1 =	srdreg.scid;
	s0 =	stileid.u32  }
0x2: {  	s25 =	sand.u32 $0x1, s1;
	s30 =	sshll.u32 s0, $0x1  }
0x3: {  	s14 =	sor.u32 s25, s30  }
0x4: {  	s24 =	smul.u32 $0x1400, s14  }
0x5: {  	s15 =	rddreg [dreg:$0x0]  }
0x6: {  	s2 =	simm.s32 $0x0;
	s1 =	rddreg [dreg:$0x1];
	s3 =	sshrl.u32 s24, $0x3  }
0x7: {  	[smem:$0x7FF] =	sst s2;
	s5 =	sadd.s32 s3, s15  }
0x8: {  	_ =	strace $0x80000059;
	s3 =	simm.s32 $0x2;
	s4 =	sadd.s32 $0xEE00, s5  }
0x9: {  	[tilespmem:s2], [sflag:$0x2] =	stream.linear.gather [hbm4b:s4+s2], $0x1400, $0x38;
	[tilespmem:$0x11800] =	vst v63  }
0xa: {  	_ =	swait.ge [sflag:s3], $0x1400  }
0xb: {  	[sflag:s3] =	ssyncset.done $0x0  }
0xc: {  	s6 =	simm.s32 $0x1400;
	s5 =	sadd.s32 $0x9E00, s5;
	[sflag:s3] =	ssyncadd.s32 $0xFFFFEC00  }
0xd: {  	[tilespmem:s6], [sflag:$0x2] =	stream.linear.gather [hbm4b:s5+s2], $0x1400, $0x38;
	[tilespmem:$0x11800] =	vst v63  }
0xe: {  	_ =	swait.ge [sflag:s3], $0x1400  }
0xf: {  	s8 =	simm.s32 $0x500;
	[sflag:s3] =	ssyncset.done $0x0  }
0x10: {  	s9 =	simm.s32 $0x2800;
	s7 =	sadd.s32 $0xE4E00, s15;
	[sflag:s3] =	ssyncadd.s32 $0xFFFFEC00  }
0x11: {  	[tilespmem:s9], [sflag:$0x1] =	stream.indirect.gather [hbm4b:s7+s8], $0x20, s2, s8, $0xb8;
	[tilespmem:$0x11800] =	vst v63  }
0x12: {  	s11 =	simm.s32 $0xC800;
	s12 =	simm.s32 $0x1;
	s10 =	sadd.s32 $0xEEC00, s15  }
0x13: {  	[tilespmem:s11], [sflag:$0x1] =	stream.indirect.gather [hbm4b:s10+s8], $0x10, s6, s8, $0xb8;
	[tilespmem:$0x11800] =	vst v63  }
0x14: {  	_ =	swait.ge [sflag:s12], $0xA000  }
0x15: {  	[sflag:s12] =	ssyncset.done $0x0  }
0x16: {  	[sflag:s12] =	ssyncadd.s32 $0xFFFF6000  }
0x17: {  	s13 =	smul.u32 $0x5000, s14;
	_ =	swait.ge [sflag:s12], $0x5000  }
0x18: {  	s28 =	sadd.s32 $0xF9400, s15;
	[sflag:s12] =	ssyncset.done $0x0  }
0x19: {  	s13 =	sadd.s32 s28, s13;
	[sflag:s12] =	ssyncadd.s32 $0xFFFFB000  }
0x1a: {  	[hbm4b:s13+s2] =	stream.linear.scatter [tilespmem:s9], [sflag:$0x2], $0xA000, $0x38;
	[tilespmem:$0x11800] =	vst v63  }
0x1b: {  	s14 =	smul.u32 $0x2800, s14;
	_ =	swait.ge [sflag:s3], $0xA000  }
0x1c: {  	s26 =	sadd.s32 $0x3B000, s15;
	[sflag:s3] =	ssyncset.done $0x0  }
0x1d: {  	s14 =	sadd.s32 s26, s14;
	[sflag:s3] =	ssyncadd.s32 $0xFFFF6000  }
0x1e: {  	[hbm4b:s14+s2] =	stream.linear.scatter [tilespmem:s11], [sflag:$0x2], $0x5000, $0x38;
	[tilespmem:$0x11800] =	vst v63  }
0x1f: {  	_ =	swait.ge [sflag:s3], $0x5000  }
0x20: {  	[sflag:s3] =	ssyncset.done $0x0  }
0x21: {  	[sflag:s3] =	ssyncadd.s32 $0xFFFFB000  }
0x22: {  	[tilespmem:s9], [sflag:$0x1] =	stream.indirect.gather [hbm4b:s7+s8], $0x20, s8, s8, $0xb8;
	[tilespmem:$0x11800] =	vst v63  }
0x23: {  	s15 =	simm.s32 $0x1900  }
0x24: {  	[tilespmem:s11], [sflag:$0x1] =	stream.indirect.gather [hbm4b:s10+s8], $0x10, s15, s8, $0xb8;
	[tilespmem:$0x11800] =	vst v63  }
0x25: {  	_ =	swait.ge [sflag:s12], $0xA000  }
0x26: {  	[sflag:s12] =	ssyncset.done $0x0  }
0x27: {  	[sflag:s12] =	ssyncadd.s32 $0xFFFF6000  }
0x28: {  	s17 =	sadd.s32 $0x500, s24;
	_ =	swait.ge [sflag:s12], $0x5000  }
0x29: {  	s16 =	sshll.u32 s17, $0x2;
	[sflag:s12] =	ssyncset.done $0x0  }
0x2a: {  	s16 =	sadd.s32 s28, s16;
	[sflag:s12] =	ssyncadd.s32 $0xFFFFB000  }
0x2b: {  	[hbm4b:s16+s2] =	stream.linear.scatter [tilespmem:s9], [sflag:$0x2], $0xA000, $0x38;
	[tilespmem:$0x11800] =	vst v63  }
0x2c: {  	_ =	swait.ge [sflag:s3], $0xA000  }
0x2d: {  	s17 =	sshll.u32 s17, $0x1;
	[sflag:s3] =	ssyncset.done $0x0  }
0x2e: {  	s17 =	sadd.s32 s26, s17;
	[sflag:s3] =	ssyncadd.s32 $0xFFFF6000  }
0x2f: {  	[hbm4b:s17+s2] =	stream.linear.scatter [tilespmem:s11], [sflag:$0x2], $0x5000, $0x38;
	[tilespmem:$0x11800] =	vst v63  }
0x30: {  	_ =	swait.ge [sflag:s3], $0x5000  }
0x31: {  	[sflag:s3] =	ssyncset.done $0x0  }
0x32: {  	s18 =	simm.s32 $0xA00;
	[sflag:s3] =	ssyncadd.s32 $0xFFFFB000  }
0x33: {  	[tilespmem:s9], [sflag:$0x1] =	stream.indirect.gather [hbm4b:s7+s8], $0x20, s18, s8, $0xb8;
	[tilespmem:$0x11800] =	vst v63  }
0x34: {  	s19 =	simm.s32 $0x1E00  }
0x35: {  	[tilespmem:s11], [sflag:$0x1] =	stream.indirect.gather [hbm4b:s10+s8], $0x10, s19, s8, $0xb8;
	[tilespmem:$0x11800] =	vst v63  }
0x36: {  	_ =	swait.ge [sflag:s12], $0xA000  }
0x37: {  	[sflag:s12] =	ssyncset.done $0x0  }
0x38: {  	[sflag:s12] =	ssyncadd.s32 $0xFFFF6000  }
0x39: {  	s21 =	sadd.s32 $0xA00, s24;
	_ =	swait.ge [sflag:s12], $0x5000  }
0x3a: {  	s20 =	sshll.u32 s21, $0x2;
	[sflag:s12] =	ssyncset.done $0x0  }
0x3b: {  	s20 =	sadd.s32 s28, s20;
	[sflag:s12] =	ssyncadd.s32 $0xFFFFB000  }
0x3c: {  	[hbm4b:s20+s2] =	stream.linear.scatter [tilespmem:s9], [sflag:$0x2], $0xA000, $0x38;
	[tilespmem:$0x11800] =	vst v63  }
0x3d: {  	_ =	swait.ge [sflag:s3], $0xA000  }
0x3e: {  	s21 =	sshll.u32 s21, $0x1;
	[sflag:s3] =	ssyncset.done $0x0  }
0x3f: {  	s21 =	sadd.s32 s26, s21;
	[sflag:s3] =	ssyncadd.s32 $0xFFFF6000  }
0x40: {  	[hbm4b:s21+s2] =	stream.linear.scatter [tilespmem:s11], [sflag:$0x2], $0x5000, $0x38;
	[tilespmem:$0x11800] =	vst v63  }
0x41: {  	_ =	swait.ge [sflag:s3], $0x5000  }
0x42: {  	[sflag:s3] =	ssyncset.done $0x0  }
0x43: {  	s22 =	simm.s32 $0xF00;
	[sflag:s3] =	ssyncadd.s32 $0xFFFFB000  }
0x44: {  	[tilespmem:s9], [sflag:$0x1] =	stream.indirect.gather [hbm4b:s7+s8], $0x20, s22, s8, $0xb8;
	[tilespmem:$0x11800] =	vst v63  }
0x45: {  	s23 =	simm.s32 $0x2300  }
0x46: {  	[tilespmem:s11], [sflag:$0x1] =	stream.indirect.gather [hbm4b:s10+s8], $0x10, s23, s8, $0xb8;
	[tilespmem:$0x11800] =	vst v63  }
0x47: {  	_ =	swait.ge [sflag:s12], $0xA000  }
0x48: {  	[sflag:s12] =	ssyncset.done $0x0  }
0x49: {  	s25 =	ssub.s32 $0x2, s25;
	s29 =	sadd.s32 $0xF00, s24;
	[sflag:s12] =	ssyncadd.s32 $0xFFFF6000  }
0x4a: {  	s31 =	sshrl.u32 s25, $0x1;
	s24 =	sshll.u32 s29, $0x2;
	_ =	swait.ge [sflag:s12], $0x5000  }
0x4b: {  	s24 =	sadd.s32 s28, s24;
	s28 =	ssub.s32 s25, s31;
	[sflag:s12] =	ssyncset.done $0x0  }
0x4c: {  	s31 =	smax.u32 s28, $0x1;
	[sflag:s12] =	ssyncadd.s32 $0xFFFFB000  }
0x4d: {  	[hbm4b:s24+s2] =	stream.linear.scatter [tilespmem:s9], [sflag:$0x2], $0xA000, $0x38;
	[tilespmem:$0x11800] =	vst v63  }
0x4e: {  	p0 =	sne.s32 s31, $0x1;
	_ =	swait.ge [sflag:s3], $0xA000  }
.Ltmp0:
0x4f: {  	s30 =	sshll.u32 s29, $0x1;
	[sflag:s3] =	ssyncset.done $0x0;
	(pc) =	sbr.rel @!p0 .LBB2_2-.Ltmp0, $4  }
0x50: {  	s25 =	sadd.s32 s26, s30;
	[sflag:s3] =	ssyncadd.s32 $0xFFFF6000  }
0x51: {  	[hbm4b:s25+s2] =	stream.linear.scatter [tilespmem:s11], [sflag:$0x2], $0x5000, $0x38;
	[tilespmem:$0x11800] =	vst v63  }
0x52: {  	_ =	swait.ge [sflag:s3], $0x5000  }
0x53: {  	s26 =	sadd.s32 $0xFFFFFFFF, s31;
	[sflag:s3] =	ssyncset.done $0x0  }
.LBB2_1:
0x54: {  	p0 =	sne.s32 s26, $0x1;
	s26 =	sadd.s32 $0xFFFFFFFF, s26;
	[sflag:s3] =	ssyncadd.s32 $0xFFFFB000  }
0x55: {  	[tilespmem:s2], [sflag:$0x2] =	stream.linear.gather [hbm4b:s4+s2], $0x1400, $0x38;
	[tilespmem:$0x11800] =	vst v63  }
0x56: {  	_ =	swait.ge [sflag:s3], $0x1400  }
0x57: {  	[sflag:s3] =	ssyncset.done $0x0  }
0x58: {  	[sflag:s3] =	ssyncadd.s32 $0xFFFFEC00  }
0x59: {  	[tilespmem:s6], [sflag:$0x2] =	stream.linear.gather [hbm4b:s5+s2], $0x1400, $0x38;
	[tilespmem:$0x11800] =	vst v63  }
0x5a: {  	_ =	swait.ge [sflag:s3], $0x1400  }
0x5b: {  	[sflag:s3] =	ssyncset.done $0x0  }
0x5c: {  	[sflag:s3] =	ssyncadd.s32 $0xFFFFEC00  }
0x5d: {  	[tilespmem:s9], [sflag:$0x1] =	stream.indirect.gather [hbm4b:s7+s8], $0x20, s2, s8, $0xb8;
	[tilespmem:$0x11800] =	vst v63  }
0x5e: {  	_ = 	snop  }
0x5f: {  	[tilespmem:s11], [sflag:$0x1] =	stream.indirect.gather [hbm4b:s10+s8], $0x10, s6, s8, $0xb8;
	[tilespmem:$0x11800] =	vst v63  }
0x60: {  	_ =	swait.ge [sflag:s12], $0xA000  }
0x61: {  	[sflag:s12] =	ssyncset.done $0x0  }
0x62: {  	[sflag:s12] =	ssyncadd.s32 $0xFFFF6000  }
0x63: {  	_ =	swait.ge [sflag:s12], $0x5000  }
0x64: {  	[sflag:s12] =	ssyncset.done $0x0  }
0x65: {  	[sflag:s12] =	ssyncadd.s32 $0xFFFFB000  }
0x66: {  	[hbm4b:s13+s2] =	stream.linear.scatter [tilespmem:s9], [sflag:$0x2], $0xA000, $0x38;
	[tilespmem:$0x11800] =	vst v63  }
0x67: {  	_ =	swait.ge [sflag:s3], $0xA000  }
0x68: {  	[sflag:s3] =	ssyncset.done $0x0  }
0x69: {  	[sflag:s3] =	ssyncadd.s32 $0xFFFF6000  }
0x6a: {  	[hbm4b:s14+s2] =	stream.linear.scatter [tilespmem:s11], [sflag:$0x2], $0x5000, $0x38;
	[tilespmem:$0x11800] =	vst v63  }
0x6b: {  	_ =	swait.ge [sflag:s3], $0x5000  }
0x6c: {  	[sflag:s3] =	ssyncset.done $0x0  }
0x6d: {  	[sflag:s3] =	ssyncadd.s32 $0xFFFFB000  }
0x6e: {  	[tilespmem:s9], [sflag:$0x1] =	stream.indirect.gather [hbm4b:s7+s8], $0x20, s8, s8, $0xb8;
	[tilespmem:$0x11800] =	vst v63  }
0x6f: {  	_ = 	snop  }
0x70: {  	[tilespmem:s11], [sflag:$0x1] =	stream.indirect.gather [hbm4b:s10+s8], $0x10, s15, s8, $0xb8;
	[tilespmem:$0x11800] =	vst v63  }
0x71: {  	_ =	swait.ge [sflag:s12], $0xA000  }
0x72: {  	[sflag:s12] =	ssyncset.done $0x0  }
0x73: {  	[sflag:s12] =	ssyncadd.s32 $0xFFFF6000  }
0x74: {  	_ =	swait.ge [sflag:s12], $0x5000  }
0x75: {  	[sflag:s12] =	ssyncset.done $0x0  }
0x76: {  	[sflag:s12] =	ssyncadd.s32 $0xFFFFB000  }
0x77: {  	[hbm4b:s16+s2] =	stream.linear.scatter [tilespmem:s9], [sflag:$0x2], $0xA000, $0x38;
	[tilespmem:$0x11800] =	vst v63  }
0x78: {  	_ =	swait.ge [sflag:s3], $0xA000  }
0x79: {  	[sflag:s3] =	ssyncset.done $0x0  }
0x7a: {  	[sflag:s3] =	ssyncadd.s32 $0xFFFF6000  }
0x7b: {  	[hbm4b:s17+s2] =	stream.linear.scatter [tilespmem:s11], [sflag:$0x2], $0x5000, $0x38;
	[tilespmem:$0x11800] =	vst v63  }
0x7c: {  	_ =	swait.ge [sflag:s3], $0x5000  }
0x7d: {  	[sflag:s3] =	ssyncset.done $0x0  }
0x7e: {  	[sflag:s3] =	ssyncadd.s32 $0xFFFFB000  }
0x7f: {  	[tilespmem:s9], [sflag:$0x1] =	stream.indirect.gather [hbm4b:s7+s8], $0x20, s18, s8, $0xb8;
	[tilespmem:$0x11800] =	vst v63  }
0x80: {  	_ = 	snop  }
0x81: {  	[tilespmem:s11], [sflag:$0x1] =	stream.indirect.gather [hbm4b:s10+s8], $0x10, s19, s8, $0xb8;
	[tilespmem:$0x11800] =	vst v63  }
0x82: {  	_ =	swait.ge [sflag:s12], $0xA000  }
0x83: {  	[sflag:s12] =	ssyncset.done $0x0  }
0x84: {  	[sflag:s12] =	ssyncadd.s32 $0xFFFF6000  }
0x85: {  	_ =	swait.ge [sflag:s12], $0x5000  }
0x86: {  	[sflag:s12] =	ssyncset.done $0x0  }
0x87: {  	[sflag:s12] =	ssyncadd.s32 $0xFFFFB000  }
0x88: {  	[hbm4b:s20+s2] =	stream.linear.scatter [tilespmem:s9], [sflag:$0x2], $0xA000, $0x38;
	[tilespmem:$0x11800] =	vst v63  }
0x89: {  	_ =	swait.ge [sflag:s3], $0xA000  }
0x8a: {  	[sflag:s3] =	ssyncset.done $0x0  }
0x8b: {  	[sflag:s3] =	ssyncadd.s32 $0xFFFF6000  }
0x8c: {  	[hbm4b:s21+s2] =	stream.linear.scatter [tilespmem:s11], [sflag:$0x2], $0x5000, $0x38;
	[tilespmem:$0x11800] =	vst v63  }
0x8d: {  	_ =	swait.ge [sflag:s3], $0x5000  }
0x8e: {  	[sflag:s3] =	ssyncset.done $0x0  }
0x8f: {  	[sflag:s3] =	ssyncadd.s32 $0xFFFFB000  }
0x90: {  	[tilespmem:s9], [sflag:$0x1] =	stream.indirect.gather [hbm4b:s7+s8], $0x20, s22, s8, $0xb8;
	[tilespmem:$0x11800] =	vst v63  }
0x91: {  	_ = 	snop  }
0x92: {  	[tilespmem:s11], [sflag:$0x1] =	stream.indirect.gather [hbm4b:s10+s8], $0x10, s23, s8, $0xb8;
	[tilespmem:$0x11800] =	vst v63  }
0x93: {  	_ =	swait.ge [sflag:s12], $0xA000  }
0x94: {  	[sflag:s12] =	ssyncset.done $0x0  }
0x95: {  	[sflag:s12] =	ssyncadd.s32 $0xFFFF6000  }
0x96: {  	_ =	swait.ge [sflag:s12], $0x5000  }
0x97: {  	[sflag:s12] =	ssyncset.done $0x0  }
0x98: {  	[sflag:s12] =	ssyncadd.s32 $0xFFFFB000  }
0x99: {  	[hbm4b:s24+s2] =	stream.linear.scatter [tilespmem:s9], [sflag:$0x2], $0xA000, $0x38;
	[tilespmem:$0x11800] =	vst v63  }
0x9a: {  	_ =	swait.ge [sflag:s3], $0xA000  }
.Ltmp1:
0x9b: {  	[sflag:s3] =	ssyncset.done $0x0;
	(pc) =	sbr.rel @p0 .LBB2_1-.Ltmp1, $4  }
0x9c: {  	[sflag:s3] =	ssyncadd.s32 $0xFFFF6000  }
0x9d: {  	[hbm4b:s25+s2] =	stream.linear.scatter [tilespmem:s11], [sflag:$0x2], $0x5000, $0x38;
	[tilespmem:$0x11800] =	vst v63  }
0x9e: {  	_ =	swait.ge [sflag:s3], $0x5000  }
0x9f: {  	[sflag:s3] =	ssyncset.done $0x0  }
.LBB2_2:
0xa0: {  	[sflag:s3] =	ssyncadd.s32 $0xFFFFB000  }
0xa1: {  	_ =	sfence.sel $0x180000  }
0xa2: {  	[bflag:$0x0] =	sbarrier.arrive $0xFFFF  }
0xa3: {  	p0 =	sne.s32 s0, $0x0;
	_ =	strace $0x90000059  }
0xa4: {  	s0 =	sadd.s32 @!p0 $0x100000, s1;
	[bflag:$0x2] =	sbarrier.arrive $0xFFFF  }
0xa5: {  	[sflag:s0] =	ssyncadd.tile.s32 @!p0 $0x1;
	_ =	shalt  }
.Lfunc_end2:
_tile_overlayer_lowered:
.L_overlay_start_2:
0xa6: {  	(tag) =	ssettag $0x2  }
0xa7: {  	s0 =	rddreg [dreg:$0x0];
	s2 =	stileid.u32  }
0xa8: {  	s1 =	rddreg [dreg:$0x1];
	p0 =	sne.s32 s2, $0x0  }
0xa9: {  	s3 =	rddreg [dreg:$0x2];
	[bflag:$0x3] =	sbarrier.arrive $0xFFFF;
	s2 =	simm.s32 @!p0 $0x1C02  }
0xaa: {  	[timem:s3], [sflag:s2] =	dma.local @!p0 [hbm:s0], s1  }
0xab: {  	s0 =	simm.s32 @!p0 $0x2  }
0xac: {  	_ =	swait.ge @!p0 [sflag:s0], s1  }
0xad: {  	s1 =	ssub.s32 @!p0 $0x0, s1;
	[sflag:s0] =	ssyncset.done @!p0 $0x0  }
0xae: {  	[sflag:s0] =	ssyncadd.s32 @!p0 s1  }
0xaf: {  	[bflag:$0x3] =	sbarrier.arrive $0xFFFF  }
0xb0: {  	_ =	shalt  }

// kernel: kernel.41.cloned.1.call-start
scs
__scs_entry_jumppad:
0x0: {  	(pc) =	sbr.rel $0x88, $3  }
0x1: {  	(tag) =	ssettag $0x0;
	lr =	simm.s32 $0x1  }
0x2: {  	[smem:$0x3F8C] =	sst lr;
	_ =	strace $0xD0000000  }
0x3: {  	_ = 	snop  }
0x4: {  	_ = 	snop  }
0x5: {  	_ = 	snop  }
0x6: {  	_ = 	snop  }
0x7: {  	_ = 	snop  }
__scs_overlays_trampoline_lowered:
0x8: {  	[smem:$0x3F9B] =	sst s0  }
0x9: {  	[smem:$0x3F9C] =	sst s1  }
0xa: {  	[smem:$0x3F9D] =	sst s2  }
0xb: {  	[smem:$0x3F9E] =	sst s3  }
0xc: {  	[smem:$0x3F9F] =	sst s4  }
0xd: {  	[smem:$0x3FA0] =	sst s5  }
0xe: {  	[smem:$0x3FA1] =	sst s6  }
0xf: {  	[smem:$0x3FA2] =	sst s7  }
0x10: {  	[smem:$0x3FA3] =	sst s8  }
0x11: {  	[smem:$0x3FA4] =	sst s9;
	s0 =	simm.s32 @!p0 $0x0  }
0x12: {  	s1 =	sld [smem:$0x3F8A];
	s0 =	simm.s32 @p0 $0x1  }
0x13: {  	[smem:$0x3FA5] =	sst s0;
	s0 =	simm.s32 @!p1 $0x0  }
0x14: {  	s2 =	sld [smem:$0x3F89];
	s0 =	simm.s32 @p1 $0x1  }
0x15: {  	[smem:$0x3FA6] =	sst s0;
	s0 =	simm.s32 @!p2 $0x0  }
0x16: {  	s3 =	sld [smem:$0x3FDB];
	s0 =	simm.s32 @p2 $0x1  }
0x17: {  	s4 =	simm.s32 $0x1BF5;
	[smem:$0x3FA8] =	sst s0  }
0x18: {  	s0 =	sld [smem:$0x3F8B];
	_ =	swait.ge [sflag:s4], $0x0  }
0x19: {  	s7 =	sld [smem:$0x3F8C]  }
0x1a: {  	s8 =	sadd.s32 $0xFFFFE003, lr  }
0x1b: {  	s9 =	sadd.s32 $0xFFFFFEF7, lr;
	s5 =	simm.s32 $0xFFFFFFFF;
	p2 =	slt.u32 s8, $0xFFFFF086  }
0x1c: {  	p1 =	slt.u32 s9, $0xF7A;
	s5 =	simm.s32 @!p2 $0x0  }
0x1d: {  	s5 =	simm.s32 @p1 $0x1;
	p0 =	seq.s32 s7, s2  }
0x1e: {  	s7 =	smul.u32 @!p0 $0xF7A, s2;
	p2 =	seq.s32 @!p0 s5, $0x0  }
0x1f: {  	s9 =	smul.u32 $0xF7A, s1;
	s8 =	simm.s32 @!p0 $0x1BF5;
	p2 =	por !p2, p0  }
0x20: {  	[sflag:s8] =	ssyncset.s32 @!p0 $0xFFFFF086;
	s6 =	sadd.s32 @!p0 s3, s7;
	s7 =	simm.s32 @!p0 $0x108  }
0x21: {  	s3 =	sadd.s32 s3, s9;
	s6 =	sadd.s32 @!p0 $0x88, s6;
	s7 =	simm.s32 @p2 $0x1082  }
0x22: {  	[simem:s7], [sflag:s8] =	dma.local @!p0 [hbm:s6], $0xF7A  }
0x23: {  	s9 =	sor.u32 $0xD0000000, s2;
	s6 =	simm.s32 $0x108;
	_ =	swait.ge @!p0 [sflag:s8], $0x0  }
0x24: {  	s3 =	sadd.s32 $0x88, s3;
	s6 =	simm.s32 @!p1 $0x1082;
	[sflag:s4] =	ssyncset.s32 $0xFFFFF086  }
0x25: {  	[simem:s6], [sflag:s4] =	dma.local [hbm:s3], $0xF7A  }
0x26: {  	[smem:$0x3F8C] =	sst s1;
	(tag) =	ssettag s2;
	_ =	strace s9  }
0x27: {  	s1 =	sld [smem:$0x3F9C]  }
0x28: {  	s2 =	sld [smem:$0x3F9D]  }
0x29: {  	s4 =	sld [smem:$0x3F9F]  }
0x2a: {  	p0 =	seq.s32 s5, $0x0;
	s5 =	sld [smem:$0x3FA0]  }
0x2b: {  	s6 =	sld [smem:$0x3FA1]  }
0x2c: {  	s7 =	sld [smem:$0x3FA2]  }
0x2d: {  	s3 =	simm.s32 $0x108;
	s8 =	sld [smem:$0x3FA3]  }
0x2e: {  	s3 =	simm.s32 @!p0 $0x1082;
	s9 =	sld [smem:$0x3FA4]  }
0x2f: {  	lr =	sadd.s32 s0, s3;
	s0 =	sld [smem:$0x3F9B]  }
0x30: {  	s3 =	sld [smem:$0x3F9E]  }
0x31: {  	[smem:$0x3FA7] =	sst s10  }
0x32: {  	s10 =	sld [smem:$0x3FA5];
	_ =	sdelay $0x3  }
0x33: {  	p0 =	seq.s32 s10, $0x1;
	s10 =	sld [smem:$0x3FA7];
	_ =	sdelay $0x3  }
0x34: {  	[smem:$0x3FA7] =	sst s10  }
0x35: {  	s10 =	sld [smem:$0x3FA6];
	_ =	sdelay $0x3  }
0x36: {  	p1 =	seq.s32 s10, $0x1;
	s10 =	sld [smem:$0x3FA7];
	_ =	sdelay $0x3  }
0x37: {  	[smem:$0x3FA7] =	sst s10  }
0x38: {  	s10 =	sld [smem:$0x3FA8]  }
0x39: {  	_ = 	snop;
	(pc) =	sbr.ind lr, $3  }
0x3a: {  	_ = 	snop  }
0x3b: {  	_ = 	snop  }
0x3c: {  	p2 =	seq.s32 s10, $0x1;
	s10 =	sld [smem:$0x3FA7]  }
0x3d: {  	_ =	shalt  }
0x3e: {  	_ =	shalt  }
0x3f: {  	_ =	shalt  }
0x40: {  	_ =	shalt  }
0x41: {  	_ =	shalt  }
0x42: {  	_ =	shalt  }
0x43: {  	_ =	shalt  }
0x44: {  	_ =	shalt  }
0x45: {  	_ =	shalt  }
0x46: {  	_ =	shalt  }
0x47: {  	_ =	shalt  }
0x48: {  	_ =	shalt  }
0x49: {  	_ =	shalt  }
0x4a: {  	_ =	shalt  }
0x4b: {  	_ =	shalt  }
0x4c: {  	_ =	shalt  }
0x4d: {  	_ =	shalt  }
0x4e: {  	_ =	shalt  }
0x4f: {  	_ =	shalt  }
0x50: {  	_ =	shalt  }
0x51: {  	_ =	shalt  }
0x52: {  	_ =	shalt  }
0x53: {  	_ =	shalt  }
0x54: {  	_ =	shalt  }
0x55: {  	_ =	shalt  }
0x56: {  	_ =	shalt  }
0x57: {  	_ =	shalt  }
0x58: {  	_ =	shalt  }
0x59: {  	_ =	shalt  }
0x5a: {  	_ =	shalt  }
0x5b: {  	_ =	shalt  }
0x5c: {  	_ =	shalt  }
0x5d: {  	_ =	shalt  }
0x5e: {  	_ =	shalt  }
0x5f: {  	_ =	shalt  }
0x60: {  	_ =	shalt  }
0x61: {  	_ =	shalt  }
0x62: {  	_ =	shalt  }
0x63: {  	_ =	shalt  }
0x64: {  	_ =	shalt  }
0x65: {  	_ =	shalt  }
0x66: {  	_ =	shalt  }
0x67: {  	_ =	shalt  }
0x68: {  	_ =	shalt  }
0x69: {  	_ =	shalt  }
0x6a: {  	_ =	shalt  }
0x6b: {  	_ =	shalt  }
0x6c: {  	_ =	shalt  }
0x6d: {  	_ =	shalt  }
0x6e: {  	_ =	shalt  }
0x6f: {  	_ =	shalt  }
0x70: {  	_ =	shalt  }
0x71: {  	_ =	shalt  }
0x72: {  	_ =	shalt  }
0x73: {  	_ =	shalt  }
0x74: {  	_ =	shalt  }
0x75: {  	_ =	shalt  }
0x76: {  	_ =	shalt  }
0x77: {  	_ =	shalt  }
0x78: {  	_ =	shalt  }
0x79: {  	_ =	shalt  }
0x7a: {  	_ =	shalt  }
0x7b: {  	_ =	shalt  }
0x7c: {  	_ =	shalt  }
0x7d: {  	_ =	shalt  }
0x7e: {  	_ =	shalt  }
0x7f: {  	_ =	shalt  }
0x80: {  	_ =	shalt  }
0x81: {  	_ =	shalt  }
0x82: {  	_ =	shalt  }
0x83: {  	_ =	shalt  }
0x84: {  	_ =	shalt  }
0x85: {  	_ =	shalt  }
0x86: {  	_ =	shalt  }
0x87: {  	_ =	shalt  }
.Lfunc_end0:
.L_simem_size_0:
called_computation.7_lowered:
.L_overlay_start_0:
0x88: {  	s2 =	sld [smem:$0x3FD9]  }
0x89: {  	s3 =	sld [smem:$0x3FFE];
	_ =	sdelay $0x1  }
0x8a: {  	s1 =	srdreg.scid  }
0x8b: {  	s0 =	sand.u32 $0x1, s1  }
0x8c: {  	s16 =	sshll.u32 s0, $0xA;
	s2 =	sadd.s32 s3, s2  }
0x8d: {  	s2 =	sadd.s32 s2, s16  }
0x8e: {  	[smem:$0x3FB3] =	sst s2  }
0x8f: {  	_ = 	snop  }
0x90: {  	(tm) =	ssettm $0x1  }
0x91: {  	s17 =	sld [smem:$0x3FFB];
	_ =	sdelay $0x3  }
0x92: {  	_ =	strace s17  }
0x93: {  	s2 =	sld [smem:$0x3FFC];
	_ =	sdelay $0x3  }
0x94: {  	_ =	strace s2  }
0x95: {  	s2 =	sld [smem:$0x3FFD];
	_ =	sdelay $0x3  }
0x96: {  	_ =	strace s2  }
0x97: {  	_ =	strace $0x8FFFFFFF  }
0x98: {  	s18 =	sld [smem:$0x3FDB];
	_ =	sdelay $0x1  }
0x99: {  	s19 =	simm.s32 $_scs_section_size  }
0x9a: {  	s4 =	simm.s32 $_size__tile_overlayer_lowered;
	s5 =	simm.s32 $_tile_overlayer_lowered  }
0x9b: {  	s22 =	simm.s32 $0x1BFF;
	s21 =	sshll.u32 s5, $0x1;
	s2 =	sadd.s32 s19, s18  }
0x9c: {  	s6 =	simm.s32 $0x0;
	s20 =	sshll.u32 s4, $0x1;
	s4 =	sadd.s32 s21, s2  }
0x9d: {  	[timem:s6], [sflag:s22] =	dma.local [hbm:s4], s20  }
0x9e: {  	_ =	swait.ge [sflag:s22], s20  }
0x9f: {  	s3 =	ssub.s32 $0x0, s20;
	[sflag:s22] =	ssyncset.done $0x0  }
0xa0: {  	[sflag:s22] =	ssyncadd.s32 s3;
	_ =	sdelay $0x1  }
0xa1: {  	s23 =	simm.s32 $0x1B8B  }
0xa2: {  	_ =	swait.ge [sflag:s23], $0x1  }
0xa3: {  	[sflag:s23] =	ssyncset.done $0x0  }
0xa4: {  	s25 =	simm.s32 $0x1B8E;
	s24 =	sld [smem:$0x3FFE];
	[sflag:s23] =	ssyncadd.s32 $0xFFFFFFFF  }
0xa5: {  	s26 =	simm.s32 $execute0_lowered;
	[smem:$0x3FD2] =	sst s25  }
0xa6: {  	s4 =	sshll.u32 s26, $0x1;
	_ =	strace $0x8000005B;
	[dreg:$0x1] =	wrdreg $0xFFFFFFFF  }
0xa7: {  	s28 =	simm.s32 $_size_execute0_lowered;
	s2 =	sadd.s32 s2, s4;
	[dreg:$0x0] =	wrdreg $0x0  }
0xa8: {  	s4 =	sshll.u32 s28, $0x1;
	[dreg:$0x2] =	wrdreg s2  }
0xa9: {  	[dreg:$0x3] =	wrdreg s4  }
0xaa: {  	[dreg:$0x4] =	wrdreg $0xC0  }
0xab: {  	_ =	task [dreg:s6], $0x5FFFF  }
0xac: {  	[dreg:$0x1] =	wrdreg $0xFFFFFFFF  }
0xad: {  	[dreg:$0x0] =	wrdreg $0x60  }
0xae: {  	[dreg:$0x2] =	wrdreg s24  }
0xaf: {  	[dreg:$0x3] =	wrdreg $0x0  }
0xb0: {  	[dreg:$0x4] =	wrdreg $0x9  }
0xb1: {  	_ =	task.clear_ibuf [dreg:s6], $0x5FFFF;
	_ =	strace $0x9000005B  }
0xb2: {  	s29 =	simm.s32 $0x9;
	_ =	strace $0x8000005D  }
0xb3: {  	_ =	swait.ge [sflag:s29], $0x1  }
0xb4: {  	[sflag:s29] =	ssyncadd.s32 $0xFFFFFFFF  }
0xb5: {  	_ =	strace $0x9000005D  }
0xb6: {  	_ =	sfence  }
0xb7: {  	s30 =	sld [smem:$0x0];
	_ =	sdelay $0x2  }
0xb8: {  	s31 =	sshll.u32 s1, $0xD;
	s1 =	sshrl.u32 s1, $0x2  }
0xb9: {  	s3 =	sand.u32 $0x4000, s31;
	s1 =	sadd.s32 s1, s30  }
0xba: {  	s0 =	sor.u32 s3, s0;
	s1 =	sshll.u32 s1, $0x11  }
0xbb: {  	s0 =	sor.u32 s1, s0  }
0xbc: {  	s0 =	sadd.s32 $0x8F2B, s0  }
0xbd: {  	[sflag:s0] =	ssyncadd.remote.s32 $0x1  }
0xbe: {  	_ =	sfence.sel $0xFFFF  }
0xbf: {  	[dreg:$0x0] =	wrdreg $0xFFFFFFFF;
	(pc) =	sbr.abs _section_cstart, $3  }
0xc0: {  	[dreg:$0x1] =	wrdreg $0xFFFFFFFF  }
0xc1: {  	_ =	task.clear_ibuf [dreg:s6], $0x2FFFF;
	_ =	strace $0x9FFFFFFF  }
0xc2: {  	(tm) =	ssettm $0x7FFFFFFF  }
0xc3: {  	_ =	shalt  }
tec
execute0_lowered:
.L_overlay_start_1:
0x0: {  	(tag) =	ssettag $0x1  }
0x1: {  	s20 =	rddreg [dreg:$0x0]  }
0x2: {  	s2 =	rddreg [dreg:$0x1]  }
0x3: {  	s0 =	rddreg [dreg:$0x2]  }
0x4: {  	s1 =	stileid.u32;
	s4 =	srdreg.scid;
	s3 =	simm.s32 $0x0  }
0x5: {  	s21 =	smul.u32 $0x4E40, s1;
	s22 =	sand.u32 $0x1, s4;
	s26 =	sshll.u32 s1, $0x1  }
0x6: {  	[smem:$0x7FF] =	sst s3;
	s5 =	sshll.u32 s1, $0x6;
	s8 =	sor.u32 s22, s26  }
0x7: {  	_ =	strace $0x8000005C;
	s5 =	sor.u32 $0x1C02, s5;
	s28 =	sshrl.u32 s21, $0x3  }
0x8: {  	s9 =	smul.u32 $0x280, s8;
	s6 =	sadd.s32 s21, s2;
	s4 =	sadd.s32 s28, s20  }
0x9: {  	s7 =	sshrl.u32 s6, $0x3;
	s6 =	simm.s32 $0x2;
	s4 =	sadd.s32 $0xDB000, s4  }
0xa: {  	[spmem:s7], [sflag:s5] =	dma.local [hbm:s4], $0x9C8  }
0xb: {  	_ =	swait.ge [sflag:s6], $0x9C8  }
0xc: {  	s10 =	smul.u32 $0x5000, s8;
	s29 =	sadd.s32 s9, s20;
	[sflag:s6] =	ssyncset.done $0x0  }
0xd: {  	s9 =	simm.s32 $0x4E40;
	s8 =	sadd.s32 $0x9E00, s29;
	[sflag:s6] =	ssyncadd.s32 $0xFFFFF638  }
0xe: {  	[tilespmem:s9], [sflag:$0x2] =	stream.linear.gather [hbm4b:s8+s3], $0x1400, $0x38;
	[tilespmem:$0x10240] =	vst v63  }
0xf: {  	_ =	swait.ge [sflag:s6], $0x1400  }
0x10: {  	[sflag:s6] =	ssyncset.done $0x0  }
0x11: {  	s11 =	simm.s32 $0x6240;
	s18 =	sadd.s32 s10, s20;
	[sflag:s6] =	ssyncadd.s32 $0xFFFFEC00  }
0x12: {  	s12 =	simm.s32 $0x1;
	s10 =	sadd.s32 $0x3B000, s18;
	[bflag:$0x0] =	sbarrier.arrive $0xFFFF  }
0x13: {  	[tilespmem:s11], [sflag:$0x1] =	stream.linear.gather [hbm4b:s10+s3], $0xA000, $0x38;
	[tilespmem:$0x10240] =	vst v63  }
0x14: {  	_ =	swait.ge [sflag:s12], $0xA000  }
0x15: {  	[sflag:s12] =	ssyncset.done $0x0  }
0x16: {  	s13 =	simm.s32 $0x500;
	[sflag:s12] =	ssyncadd.s32 $0xFFFF6000  }
0x17: {  	[spmem:s2] =	stream.indirect.scatter.add.f32 [tilespmem:s11], [sflag:$0x2], $0x20, s9, s13, $0xb8;
	[tilespmem:$0x10240] =	vst v63  }
0x18: {  	_ =	swait.ge [sflag:s6], $0xA000  }
0x19: {  	[sflag:s6] =	ssyncset.done $0x0  }
0x1a: {  	s14 =	sadd.s32 $0x3C400, s18;
	[sflag:s6] =	ssyncadd.s32 $0xFFFF6000  }
0x1b: {  	[tilespmem:s11], [sflag:$0x1] =	stream.linear.gather [hbm4b:s14+s3], $0xA000, $0x38;
	[tilespmem:$0x10240] =	vst v63  }
0x1c: {  	_ =	swait.ge [sflag:s12], $0xA000  }
0x1d: {  	[sflag:s12] =	ssyncset.done $0x0  }
0x1e: {  	s15 =	simm.s32 $0x5340;
	[sflag:s12] =	ssyncadd.s32 $0xFFFF6000  }
0x1f: {  	[spmem:s2] =	stream.indirect.scatter.add.f32 [tilespmem:s11], [sflag:$0x2], $0x20, s15, s13, $0xb8;
	[tilespmem:$0x10240] =	vst v63  }
0x20: {  	_ =	swait.ge [sflag:s6], $0xA000  }
0x21: {  	[sflag:s6] =	ssyncset.done $0x0  }
0x22: {  	s16 =	sadd.s32 $0x3D800, s18;
	[sflag:s6] =	ssyncadd.s32 $0xFFFF6000  }
0x23: {  	[tilespmem:s11], [sflag:$0x1] =	stream.linear.gather [hbm4b:s16+s3], $0xA000, $0x38;
	[tilespmem:$0x10240] =	vst v63  }
0x24: {  	_ =	swait.ge [sflag:s12], $0xA000  }
0x25: {  	[sflag:s12] =	ssyncset.done $0x0  }
0x26: {  	s17 =	simm.s32 $0x5840;
	[sflag:s12] =	ssyncadd.s32 $0xFFFF6000  }
0x27: {  	[spmem:s2] =	stream.indirect.scatter.add.f32 [tilespmem:s11], [sflag:$0x2], $0x20, s17, s13, $0xb8;
	[tilespmem:$0x10240] =	vst v63  }
0x28: {  	_ =	swait.ge [sflag:s6], $0xA000  }
0x29: {  	[sflag:s6] =	ssyncset.done $0x0  }
0x2a: {  	s23 =	smul.u32 $0x4E400, s22;
	s18 =	sadd.s32 $0x3EC00, s18;
	[sflag:s6] =	ssyncadd.s32 $0xFFFF6000  }
0x2b: {  	[tilespmem:s11], [sflag:$0x1] =	stream.linear.gather [hbm4b:s18+s3], $0xA000, $0x38;
	[tilespmem:$0x10240] =	vst v63  }
0x2c: {  	s19 =	simm.s32 $0x5D40;
	s22 =	ssub.s32 $0x2, s22;
	_ =	swait.ge [sflag:s12], $0xA000  }
0x2d: {  	s30 =	sshrl.u32 s22, $0x1;
	s21 =	sadd.s32 s21, s23;
	[sflag:s12] =	ssyncset.done $0x0  }
0x2e: {  	s31 =	ssub.s32 s22, s30;
	s21 =	sshrl.u32 s21, $0x3;
	[sflag:s12] =	ssyncadd.s32 $0xFFFF6000  }
0x2f: {  	[spmem:s2] =	stream.indirect.scatter.add.f32 [tilespmem:s11], [sflag:$0x2], $0x20, s19, s13, $0xb8;
	[tilespmem:$0x10240] =	vst v63  }
0x30: {  	s20 =	sadd.s32 s21, s20;
	s21 =	smax.u32 s31, $0x1;
	_ =	swait.ge [sflag:s6], $0xA000  }
0x31: {  	p0 =	sne.s32 s21, $0x1;
	[sflag:s6] =	ssyncset.done $0x0  }
.Ltmp0:
0x32: {  	[sflag:s6] =	ssyncadd.s32 $0xFFFF6000;
	(pc) =	sbr.rel @!p0 .LBB2_2-.Ltmp0, $4  }
0x33: {  	s20 =	sadd.s32 $0xE4E00, s20;
	[bflag:$0x0] =	sbarrier.arrive $0xFFFF  }
0x34: {  	[hbm:s20], [sflag:s5] =	dma.local [spmem:s7], $0x9C8  }
0x35: {  	_ =	swait.ge [sflag:s6], $0x9C8  }
0x36: {  	s21 =	sadd.s32 $0xFFFFFFFF, s21;
	[sflag:s6] =	ssyncset.done $0x0  }
.LBB2_1:
0x37: {  	p0 =	sne.s32 s21, $0x1;
	s21 =	sadd.s32 $0xFFFFFFFF, s21;
	[sflag:s6] =	ssyncadd.s32 $0xFFFFF638  }
0x38: {  	[spmem:s7], [sflag:s5] =	dma.local [hbm:s4], $0x9C8  }
0x39: {  	_ =	swait.ge [sflag:s6], $0x9C8  }
0x3a: {  	[sflag:s6] =	ssyncset.done $0x0  }
0x3b: {  	[sflag:s6] =	ssyncadd.s32 $0xFFFFF638  }
0x3c: {  	[tilespmem:s9], [sflag:$0x2] =	stream.linear.gather [hbm4b:s8+s3], $0x1400, $0x38;
	[tilespmem:$0x10240] =	vst v63  }
0x3d: {  	_ =	swait.ge [sflag:s6], $0x1400  }
0x3e: {  	[sflag:s6] =	ssyncset.done $0x0  }
0x3f: {  	[sflag:s6] =	ssyncadd.s32 $0xFFFFEC00  }
0x40: {  	[bflag:$0x0] =	sbarrier.arrive $0xFFFF  }
0x41: {  	[tilespmem:s11], [sflag:$0x1] =	stream.linear.gather [hbm4b:s10+s3], $0xA000, $0x38;
	[tilespmem:$0x10240] =	vst v63  }
0x42: {  	_ =	swait.ge [sflag:s12], $0xA000  }
0x43: {  	[sflag:s12] =	ssyncset.done $0x0  }
0x44: {  	[sflag:s12] =	ssyncadd.s32 $0xFFFF6000  }
0x45: {  	[spmem:s2] =	stream.indirect.scatter.add.f32 [tilespmem:s11], [sflag:$0x2], $0x20, s9, s13, $0xb8;
	[tilespmem:$0x10240] =	vst v63  }
0x46: {  	_ =	swait.ge [sflag:s6], $0xA000  }
0x47: {  	[sflag:s6] =	ssyncset.done $0x0  }
0x48: {  	[sflag:s6] =	ssyncadd.s32 $0xFFFF6000  }
0x49: {  	[tilespmem:s11], [sflag:$0x1] =	stream.linear.gather [hbm4b:s14+s3], $0xA000, $0x38;
	[tilespmem:$0x10240] =	vst v63  }
0x4a: {  	_ =	swait.ge [sflag:s12], $0xA000  }
0x4b: {  	[sflag:s12] =	ssyncset.done $0x0  }
0x4c: {  	[sflag:s12] =	ssyncadd.s32 $0xFFFF6000  }
0x4d: {  	[spmem:s2] =	stream.indirect.scatter.add.f32 [tilespmem:s11], [sflag:$0x2], $0x20, s15, s13, $0xb8;
	[tilespmem:$0x10240] =	vst v63  }
0x4e: {  	_ =	swait.ge [sflag:s6], $0xA000  }
0x4f: {  	[sflag:s6] =	ssyncset.done $0x0  }
0x50: {  	[sflag:s6] =	ssyncadd.s32 $0xFFFF6000  }
0x51: {  	[tilespmem:s11], [sflag:$0x1] =	stream.linear.gather [hbm4b:s16+s3], $0xA000, $0x38;
	[tilespmem:$0x10240] =	vst v63  }
0x52: {  	_ =	swait.ge [sflag:s12], $0xA000  }
0x53: {  	[sflag:s12] =	ssyncset.done $0x0  }
0x54: {  	[sflag:s12] =	ssyncadd.s32 $0xFFFF6000  }
0x55: {  	[spmem:s2] =	stream.indirect.scatter.add.f32 [tilespmem:s11], [sflag:$0x2], $0x20, s17, s13, $0xb8;
	[tilespmem:$0x10240] =	vst v63  }
0x56: {  	_ =	swait.ge [sflag:s6], $0xA000  }
0x57: {  	[sflag:s6] =	ssyncset.done $0x0  }
0x58: {  	[sflag:s6] =	ssyncadd.s32 $0xFFFF6000  }
0x59: {  	[tilespmem:s11], [sflag:$0x1] =	stream.linear.gather [hbm4b:s18+s3], $0xA000, $0x38;
	[tilespmem:$0x10240] =	vst v63  }
0x5a: {  	_ =	swait.ge [sflag:s12], $0xA000  }
0x5b: {  	[sflag:s12] =	ssyncset.done $0x0  }
0x5c: {  	[sflag:s12] =	ssyncadd.s32 $0xFFFF6000  }
0x5d: {  	[spmem:s2] =	stream.indirect.scatter.add.f32 [tilespmem:s11], [sflag:$0x2], $0x20, s19, s13, $0xb8;
	[tilespmem:$0x10240] =	vst v63  }
0x5e: {  	_ =	swait.ge [sflag:s6], $0xA000  }
0x5f: {  	[sflag:s6] =	ssyncset.done $0x0  }
.Ltmp1:
0x60: {  	[sflag:s6] =	ssyncadd.s32 $0xFFFF6000;
	(pc) =	sbr.rel @p0 .LBB2_1-.Ltmp1, $4  }
0x61: {  	[bflag:$0x0] =	sbarrier.arrive $0xFFFF  }
0x62: {  	[hbm:s20], [sflag:s5] =	dma.local [spmem:s7], $0x9C8  }
0x63: {  	_ =	swait.ge [sflag:s6], $0x9C8  }
0x64: {  	[sflag:s6] =	ssyncset.done $0x0  }
.LBB2_2:
0x65: {  	[sflag:s6] =	ssyncadd.s32 $0xFFFFF638  }
0x66: {  	_ =	sfence.sel $0x180000  }
0x67: {  	[bflag:$0x0] =	sbarrier.arrive $0xFFFF  }
0x68: {  	p0 =	sne.s32 s1, $0x0;
	_ =	strace $0x9000005C  }
0x69: {  	s0 =	sadd.s32 @!p0 $0x100000, s0;
	[bflag:$0x2] =	sbarrier.arrive $0xFFFF  }
0x6a: {  	[sflag:s0] =	ssyncadd.tile.s32 @!p0 $0x1;
	_ =	shalt  }
.Lfunc_end2:
_tile_overlayer_lowered:
.L_overlay_start_2:
0x6b: {  	(tag) =	ssettag $0x2  }
0x6c: {  	s0 =	rddreg [dreg:$0x0];
	s2 =	stileid.u32  }
0x6d: {  	s1 =	rddreg [dreg:$0x1];
	p0 =	sne.s32 s2, $0x0  }
0x6e: {  	s3 =	rddreg [dreg:$0x2];
	[bflag:$0x3] =	sbarrier.arrive $0xFFFF;
	s2 =	simm.s32 @!p0 $0x1C02  }
0x6f: {  	[timem:s3], [sflag:s2] =	dma.local @!p0 [hbm:s0], s1  }
0x70: {  	s0 =	simm.s32 @!p0 $0x2  }
0x71: {  	_ =	swait.ge @!p0 [sflag:s0], s1  }
0x72: {  	s1 =	ssub.s32 @!p0 $0x0, s1;
	[sflag:s0] =	ssyncset.done @!p0 $0x0  }
0x73: {  	[sflag:s0] =	ssyncadd.s32 @!p0 s1  }
0x74: {  	[bflag:$0x3] =	sbarrier.arrive $0xFFFF  }
0x75: {  	_ =	shalt  }

</sc_bundles>
